<compile_context>
chip_gen: v7x
topology: tpu7x:2x2x1
jax: 0.10.2.dev20260603
libtpu: 0.0.44.dev20260713+nightly
codegen_flags: <defaults>
</compile_context>

<pallas_src>
import jax
import jax.numpy as jnp
from jax import lax
from jax.experimental import pallas as pl
from jax.experimental.pallas import tpu as pltpu
from jax.experimental.pallas import tpu_sc as plsc

D = 768
L = 16
DJ = D // L
NC = 2
NS = 16
NW = NC * NS
K = 16
TG = 16


def _rsqrt16(x):
    i = plsc.bitcast(x, jnp.int32)
    y = plsc.bitcast(jnp.int32(0x5F3759DF) - (i >> 1), jnp.float32)
    half = x * 0.5
    for _ in range(3):
        y = y * (1.5 - half * y * y)
    return y


def _body(tid_hbm, pid_hbm, tok_hbm, pos_hbm, gam_hbm, bet_hbm, out_hbm,
          tidx, pidx, rows, prows, obuf, sm, sq, gam_v, bet_v,
          gsem0, gsem1, psem0, psem1, osem0, osem1, jsem):
    gsem = (gsem0, gsem1)
    psem = (psem0, psem1)
    osem = (osem0, osem1)

    wid = lax.axis_index("s") * NC + lax.axis_index("c")
    n_tok = tid_hbm.shape[0]
    per_w = n_tok // NW
    n_chunks = per_w // K
    base = wid * per_w

    pltpu.sync_copy(tid_hbm.at[pl.ds(base, per_w)], tidx)
    pltpu.sync_copy(pid_hbm.at[pl.ds(base, per_w)], pidx)
    cg = pltpu.async_copy(gam_hbm, gam_v, jsem)
    cb = pltpu.async_copy(bet_hbm, bet_v, jsem)

    def fire_gathers(c, bb):
        pltpu.async_copy(tok_hbm.at[tidx.at[pl.ds(c * K, K)]],
                         rows.at[bb], gsem[bb])
        pltpu.async_copy(pos_hbm.at[pidx.at[pl.ds(c * K, K)]],
                         prows.at[bb], psem[bb])

    fire_gathers(0, 0)
    fire_gathers(1, 1)
    cg.wait()
    cb.wait()

    lane0 = lax.iota(jnp.int32, L) == 0

    def compute_chunk(b):
        @plsc.parallel_loop(0, K)
        def token_stats(t):
            ss = [jnp.zeros((L,), jnp.float32) for _ in range(4)]
            qq = [jnp.zeros((L,), jnp.float32) for _ in range(4)]
            for j in range(DJ):
                sl = pl.ds(j * L, L)
                v = rows[b, t, sl] + prows[b, t, sl]
                rows[b, t, sl] = v
                ss[j % 4] = ss[j % 4] + v
                qq[j % 4] = qq[j % 4] + v * v
            s = (ss[0] + ss[1]) + (ss[2] + ss[3])
            q = (qq[0] + qq[1]) + (qq[2] + qq[3])
            tvec = jnp.full((L,), t, jnp.int32)
            plsc.store_scatter(sm, [tvec],
                               jnp.full((L,), jnp.sum(s), jnp.float32),
                               mask=lane0)
            plsc.store_scatter(sq, [tvec],
                               jnp.full((L,), jnp.sum(q), jnp.float32),
                               mask=lane0)

        m = sm[...] * (1.0 / D)
        var = sq[...] * (1.0 / D) - m * m
        rstd = _rsqrt16(var + 1e-5)
        cvec = m * rstd

        for bb in (0, 1):
            @pl.when(b == bb)
            def _():
                rows_b = rows.at[bb]
                obuf_b = obuf.at[bb]
                for g0 in range(0, K, TG):
                    a_regs = [jnp.full((L,), rstd[t], jnp.float32)
                              for t in range(g0, g0 + TG)]
                    c_regs = [jnp.full((L,), cvec[t], jnp.float32)
                              for t in range(g0, g0 + TG)]

                    @plsc.parallel_loop(0, DJ)
                    def jbody(j, g0=g0, a_regs=a_regs, c_regs=c_regs):
                        sl = pl.ds(j * L, L)
                        g = gam_v[sl]
                        be = bet_v[sl]
                        for u in range(TG):
                            v = rows_b[g0 + u, sl]
                            obuf_b[g0 + u, sl] = \
                                (v * a_regs[u] - c_regs[u]) * g + be

    def loop_body(c, _):
        b = c & 1
        for bb in (0, 1):
            @pl.when(b == bb)
            def _():
                pltpu.make_async_copy(
                    tok_hbm.at[tidx.at[pl.ds(c * K, K)]], rows.at[bb],
                    gsem[bb]).wait()
                pltpu.make_async_copy(
                    pos_hbm.at[pidx.at[pl.ds(c * K, K)]], prows.at[bb],
                    psem[bb]).wait()

                @pl.when(c >= 2)
                def _():
                    pltpu.make_async_copy(
                        obuf.at[bb], out_hbm.at[pl.ds(base, K)],
                        osem[bb]).wait()

        compute_chunk(b)

        for bb in (0, 1):
            @pl.when(b == bb)
            def _():
                pltpu.async_copy(obuf.at[bb],
                                 out_hbm.at[pl.ds(base + c * K, K)],
                                 osem[bb])

                @pl.when(c + 2 < n_chunks)
                def _():
                    fire_gathers(c + 2, bb)
        return 0

    lax.fori_loop(0, n_chunks, loop_body, 0)

    for bb in (0, 1):
        pltpu.make_async_copy(
            obuf.at[bb], out_hbm.at[pl.ds(base, K)], osem[bb]).wait()


@jax.jit
def _emb(tid, pid, tok_table, pos_table, ln_gamma, ln_beta):
    n_tok = tid.shape[0]
    mesh = plsc.VectorSubcoreMesh(
        core_axis_name="c", subcore_axis_name="s",
        num_cores=NC, num_subcores=NS)
    per_w = n_tok // NW
    return pl.kernel(
        _body,
        out_type=jax.ShapeDtypeStruct((n_tok, D), jnp.float32),
        mesh=mesh,
        compiler_params=pltpu.CompilerParams(needs_layout_passes=False),
        scratch_types=[
            pltpu.VMEM((per_w,), jnp.int32),
            pltpu.VMEM((per_w,), jnp.int32),
            pltpu.VMEM((2, K, D), jnp.float32),
            pltpu.VMEM((2, K, D), jnp.float32),
            pltpu.VMEM((2, K, D), jnp.float32),
            pltpu.VMEM((L,), jnp.float32),
            pltpu.VMEM((L,), jnp.float32),
            pltpu.VMEM((D,), jnp.float32),
            pltpu.VMEM((D,), jnp.float32),
            pltpu.SemaphoreType.DMA,
            pltpu.SemaphoreType.DMA,
            pltpu.SemaphoreType.DMA,
            pltpu.SemaphoreType.DMA,
            pltpu.SemaphoreType.DMA,
            pltpu.SemaphoreType.DMA,
            pltpu.SemaphoreType.DMA,
        ],
    )(tid, pid, tok_table, pos_table, ln_gamma, ln_beta)


def kernel(token_ids, position_ids, tok_table, pos_table, ln_gamma, ln_beta):
    b, s = token_ids.shape
    tid = token_ids.reshape(-1).astype(jnp.int32)
    pid = position_ids.reshape(-1).astype(jnp.int32)
    out = _emb(tid, pid, tok_table, pos_table, ln_gamma, ln_beta)
    return out.reshape(b, s, D)

# --- scband reference (transcript-rebuilt; emitter-appended) ---
"""Pipeline reference for scband-roberta-embedding-23433341567269 (READ-ONLY COPY).

The authoritative reference and input builder live on the scoring server;
editing this copy changes nothing except your own understanding.
"""

import jax, jax.numpy as jnp
import numpy as np

VOCAB = 50265
POS = 2052
D = 768
B = 4
S = 2048

def setup_inputs(seed: int = 0) -> dict:
    key = jax.random.key(seed)
    k1, k2, k3, k4 = jax.random.split(key, 4)
    token_ids = jax.random.randint(k1, (B, S), 0, VOCAB, dtype=jnp.int64 if jax.config.jax_enable_x64 else jnp.int32)
    position_ids = jax.random.randint(k2, (B, S), 0, POS, dtype=jnp.int64 if jax.config.jax_enable_x64 else jnp.int32)
    tok_table = jax.random.normal(k3, (VOCAB, D), dtype=jnp.float32) * 0.02
    pos_table = jax.random.normal(k4, (POS, D), dtype=jnp.float32) * 0.02
    ln_gamma = jnp.ones((D,), dtype=jnp.float32)
    ln_beta = jnp.zeros((D,), dtype=jnp.float32)
    return {"token_ids": token_ids, "position_ids": position_ids, "tok_table": tok_table, "pos_table": pos_table, "ln_gamma": ln_gamma, "ln_beta": ln_beta}

def _layernorm(x, gamma, beta, eps=1e-5):
    mean = jnp.mean(x, axis=-1, keepdims=True)
    var = jnp.mean(jnp.square(x - mean), axis=-1, keepdims=True)
    return (x - mean) * jax.lax.rsqrt(var + eps) * gamma + beta

def reference(token_ids, position_ids, tok_table, pos_table, ln_gamma, ln_beta):
    tok_emb = jnp.take(tok_table, token_ids, axis=0)
    pos_emb = jnp.take(pos_table, position_ids, axis=0)
    emb = tok_emb + pos_emb
    emb = _layernorm(emb, ln_gamma, ln_beta)
    # dropout is identity in eval mode
    return emb

if __name__ == "__main__":
    import jax
    _d = setup_inputs()
    print(jax.jit(kernel)(*tuple(_d.values())))

</pallas_src>

<mosaic_0001>
#map = affine_map<(d0, d1) -> (0)>
#map1 = affine_map<(d0, d1) -> (0, 0)>
module attributes {stable_mosaic.version = 14 : i64} {
  func.func @_body(%arg0: i32, %arg1: i32, %arg2: memref<8192xi32, #tpu.memory_space<hbm>>, %arg3: memref<8192xi32, #tpu.memory_space<hbm>>, %arg4: memref<50265x768xf32, #tpu.memory_space<hbm>>, %arg5: memref<2052x768xf32, #tpu.memory_space<hbm>>, %arg6: memref<768xf32, #tpu.memory_space<hbm>>, %arg7: memref<768xf32, #tpu.memory_space<hbm>>, %arg8: memref<8192x768xf32, #tpu.memory_space<hbm>>, %arg9: memref<256xi32, #tpu.memory_space<vmem>>, %arg10: memref<256xi32, #tpu.memory_space<vmem>>, %arg11: memref<2x16x768xf32, #tpu.memory_space<vmem>>, %arg12: memref<2x16x768xf32, #tpu.memory_space<vmem>>, %arg13: memref<2x16x768xf32, #tpu.memory_space<vmem>>, %arg14: memref<16xf32, #tpu.memory_space<vmem>>, %arg15: memref<16xf32, #tpu.memory_space<vmem>>, %arg16: memref<768xf32, #tpu.memory_space<vmem>>, %arg17: memref<768xf32, #tpu.memory_space<vmem>>, %arg18: memref<!tpu.dma_semaphore, #tpu.memory_space<semaphore_mem>>, %arg19: memref<!tpu.dma_semaphore, #tpu.memory_space<semaphore_mem>>, %arg20: memref<!tpu.dma_semaphore, #tpu.memory_space<semaphore_mem>>, %arg21: memref<!tpu.dma_semaphore, #tpu.memory_space<semaphore_mem>>, %arg22: memref<!tpu.dma_semaphore, #tpu.memory_space<semaphore_mem>>, %arg23: memref<!tpu.dma_semaphore, #tpu.memory_space<semaphore_mem>>, %arg24: memref<!tpu.dma_semaphore, #tpu.memory_space<semaphore_mem>>) attributes {dimension_semantics = [#tpu.dimension_semantics<core_parallel>, #tpu.dimension_semantics<subcore_parallel>], iteration_bounds = array<i64: 2, 16>, scalar_prefetch = 0 : i64, scratch_operands = 16 : i64, tpu.core_type = #tpu.core_type<sc_vector_subcore>, window_params = [{transform_indices = #map}, {transform_indices = #map}, {transform_indices = #map1}, {transform_indices = #map1}, {transform_indices = #map}, {transform_indices = #map}, {transform_indices = #map1}]} {
    %mul3A = arith.constant 2 : i32
    %mul3A_0 = arith.muli %arg1, %mul3A : i32
    %add3A = arith.addi %mul3A_0, %arg0 : i32
    %mul3A_1 = arith.constant 256 : i32
    %mul3A_2 = arith.muli %add3A, %mul3A_1 : i32
    "tpu.region"() ({
      %run_scoped3A = tpu.sem_alloc : memref<!tpu.dma_semaphore, #tpu.memory_space<semaphore_mem>>
      %dma_start3A_75 = tpu.memref_slice %arg2[%mul3A_2] : memref<8192xi32, #tpu.memory_space<hbm>> -> memref<256xi32, #tpu.memory_space<hbm>>
      %dma_start3A_76 = tpu.memref_slice %arg2[%mul3A_2] : memref<8192xi32, #tpu.memory_space<hbm>> -> memref<256xi32, #tpu.memory_space<hbm>>
      tpu.enqueue_dma source(%dma_start3A_76 : memref<256xi32, #tpu.memory_space<hbm>>) target(%arg9 : memref<256xi32, #tpu.memory_space<vmem>>) target_semaphore(%run_scoped3A : memref<!tpu.dma_semaphore, #tpu.memory_space<semaphore_mem>>)
      %dma_wait3A_77 = tpu.memref_slice %arg2[%mul3A_2] : memref<8192xi32, #tpu.memory_space<hbm>> -> memref<256xi32, #tpu.memory_space<hbm>>
      %dma_wait3A_78 = tpu.memref_slice %arg2[%mul3A_2] : memref<8192xi32, #tpu.memory_space<hbm>> -> memref<256xi32, #tpu.memory_space<hbm>>
      tpu.wait_dma2 semaphore(%run_scoped3A : memref<!tpu.dma_semaphore, #tpu.memory_space<semaphore_mem>>) src(%dma_wait3A_78 : memref<256xi32, #tpu.memory_space<hbm>>) dst(%arg9 : memref<256xi32, #tpu.memory_space<vmem>>)
      tpu.yield
    }) : () -> ()
    "tpu.region"() ({
      %run_scoped3A = tpu.sem_alloc : memref<!tpu.dma_semaphore, #tpu.memory_space<semaphore_mem>>
      %dma_start3A_75 = tpu.memref_slice %arg3[%mul3A_2] : memref<8192xi32, #tpu.memory_space<hbm>> -> memref<256xi32, #tpu.memory_space<hbm>>
      %dma_start3A_76 = tpu.memref_slice %arg3[%mul3A_2] : memref<8192xi32, #tpu.memory_space<hbm>> -> memref<256xi32, #tpu.memory_space<hbm>>
      tpu.enqueue_dma source(%dma_start3A_76 : memref<256xi32, #tpu.memory_space<hbm>>) target(%arg10 : memref<256xi32, #tpu.memory_space<vmem>>) target_semaphore(%run_scoped3A : memref<!tpu.dma_semaphore, #tpu.memory_space<semaphore_mem>>)
      %dma_wait3A_77 = tpu.memref_slice %arg3[%mul3A_2] : memref<8192xi32, #tpu.memory_space<hbm>> -> memref<256xi32, #tpu.memory_space<hbm>>
      %dma_wait3A_78 = tpu.memref_slice %arg3[%mul3A_2] : memref<8192xi32, #tpu.memory_space<hbm>> -> memref<256xi32, #tpu.memory_space<hbm>>
      tpu.wait_dma2 semaphore(%run_scoped3A : memref<!tpu.dma_semaphore, #tpu.memory_space<semaphore_mem>>) src(%dma_wait3A_78 : memref<256xi32, #tpu.memory_space<hbm>>) dst(%arg10 : memref<256xi32, #tpu.memory_space<vmem>>)
      tpu.yield
    }) : () -> ()
    tpu.enqueue_dma source(%arg6 : memref<768xf32, #tpu.memory_space<hbm>>) target(%arg16 : memref<768xf32, #tpu.memory_space<vmem>>) target_semaphore(%arg24 : memref<!tpu.dma_semaphore, #tpu.memory_space<semaphore_mem>>)
    tpu.enqueue_dma source(%arg7 : memref<768xf32, #tpu.memory_space<hbm>>) target(%arg17 : memref<768xf32, #tpu.memory_space<vmem>>) target_semaphore(%arg24 : memref<!tpu.dma_semaphore, #tpu.memory_space<semaphore_mem>>)
    %dma_start3A = arith.constant 0 : i32
    %dma_start3A_3 = arith.constant 0 : i32
    %dma_start3A_4 = arith.constant 0 : i32
    %dma_start3A_5 = tpu.memref_slice %arg11[%dma_start3A, %dma_start3A_3, %dma_start3A_4] : memref<2x16x768xf32, #tpu.memory_space<vmem>> -> memref<1x16x768xf32, #tpu.memory_space<vmem>>
    %dma_start3A_6 = tpu.memref_squeeze %dma_start3A_5 : memref<1x16x768xf32, #tpu.memory_space<vmem>> -> memref<16x768xf32, #tpu.memory_space<vmem>>
    %dma_start3A_7 = arith.constant 0 : i32
    %dma_start3A_8 = tpu.memref_slice %arg9[%dma_start3A_7] : memref<256xi32, #tpu.memory_space<vmem>> -> memref<16xi32, #tpu.memory_space<vmem>>
    %dma_start3A_9 = arith.constant 0 : i32
    %dma_start3A_10 = arith.constant 0 : i32
    %dma_start3A_11 = tpu.memref_slice %arg4[%dma_start3A_9, %dma_start3A_10] : memref<50265x768xf32, #tpu.memory_space<hbm>> -> memref<50265x768xf32, #tpu.memory_space<hbm>>
    tpu.enqueue_indirect_dma source(%dma_start3A_11 : memref<50265x768xf32, #tpu.memory_space<hbm>>) target(%dma_start3A_6 : memref<16x768xf32, #tpu.memory_space<vmem>>) offsets(%dma_start3A_8 : memref<16xi32, #tpu.memory_space<vmem>>) semaphore(%arg18 : memref<!tpu.dma_semaphore, #tpu.memory_space<semaphore_mem>>)
    %dma_start3A_12 = arith.constant 0 : i32
    %dma_start3A_13 = arith.constant 0 : i32
    %dma_start3A_14 = arith.constant 0 : i32
    %dma_start3A_15 = tpu.memref_slice %arg12[%dma_start3A_12, %dma_start3A_13, %dma_start3A_14] : memref<2x16x768xf32, #tpu.memory_space<vmem>> -> memref<1x16x768xf32, #tpu.memory_space<vmem>>
    %dma_start3A_16 = tpu.memref_squeeze %dma_start3A_15 : memref<1x16x768xf32, #tpu.memory_space<vmem>> -> memref<16x768xf32, #tpu.memory_space<vmem>>
    %dma_start3A_17 = arith.constant 0 : i32
    %dma_start3A_18 = tpu.memref_slice %arg10[%dma_start3A_17] : memref<256xi32, #tpu.memory_space<vmem>> -> memref<16xi32, #tpu.memory_space<vmem>>
    %dma_start3A_19 = arith.constant 0 : i32
    %dma_start3A_20 = arith.constant 0 : i32
    %dma_start3A_21 = tpu.memref_slice %arg5[%dma_start3A_19, %dma_start3A_20] : memref<2052x768xf32, #tpu.memory_space<hbm>> -> memref<2052x768xf32, #tpu.memory_space<hbm>>
    tpu.enqueue_indirect_dma source(%dma_start3A_21 : memref<2052x768xf32, #tpu.memory_space<hbm>>) target(%dma_start3A_16 : memref<16x768xf32, #tpu.memory_space<vmem>>) offsets(%dma_start3A_18 : memref<16xi32, #tpu.memory_space<vmem>>) semaphore(%arg20 : memref<!tpu.dma_semaphore, #tpu.memory_space<semaphore_mem>>)
    %dma_start3A_22 = arith.constant 1 : i32
    %dma_start3A_23 = arith.constant 0 : i32
    %dma_start3A_24 = arith.constant 0 : i32
    %dma_start3A_25 = tpu.memref_slice %arg11[%dma_start3A_22, %dma_start3A_23, %dma_start3A_24] : memref<2x16x768xf32, #tpu.memory_space<vmem>> -> memref<1x16x768xf32, #tpu.memory_space<vmem>>
    %dma_start3A_26 = tpu.memref_squeeze %dma_start3A_25 : memref<1x16x768xf32, #tpu.memory_space<vmem>> -> memref<16x768xf32, #tpu.memory_space<vmem>>
    %dma_start3A_27 = arith.constant 16 : i32
    %dma_start3A_28 = tpu.memref_slice %arg9[%dma_start3A_27] : memref<256xi32, #tpu.memory_space<vmem>> -> memref<16xi32, #tpu.memory_space<vmem>>
    %dma_start3A_29 = arith.constant 0 : i32
    %dma_start3A_30 = arith.constant 0 : i32
    %dma_start3A_31 = tpu.memref_slice %arg4[%dma_start3A_29, %dma_start3A_30] : memref<50265x768xf32, #tpu.memory_space<hbm>> -> memref<50265x768xf32, #tpu.memory_space<hbm>>
    tpu.enqueue_indirect_dma source(%dma_start3A_31 : memref<50265x768xf32, #tpu.memory_space<hbm>>) target(%dma_start3A_26 : memref<16x768xf32, #tpu.memory_space<vmem>>) offsets(%dma_start3A_28 : memref<16xi32, #tpu.memory_space<vmem>>) semaphore(%arg19 : memref<!tpu.dma_semaphore, #tpu.memory_space<semaphore_mem>>)
    %dma_start3A_32 = arith.constant 1 : i32
    %dma_start3A_33 = arith.constant 0 : i32
    %dma_start3A_34 = arith.constant 0 : i32
    %dma_start3A_35 = tpu.memref_slice %arg12[%dma_start3A_32, %dma_start3A_33, %dma_start3A_34] : memref<2x16x768xf32, #tpu.memory_space<vmem>> -> memref<1x16x768xf32, #tpu.memory_space<vmem>>
    %dma_start3A_36 = tpu.memref_squeeze %dma_start3A_35 : memref<1x16x768xf32, #tpu.memory_space<vmem>> -> memref<16x768xf32, #tpu.memory_space<vmem>>
    %dma_start3A_37 = arith.constant 16 : i32
    %dma_start3A_38 = tpu.memref_slice %arg10[%dma_start3A_37] : memref<256xi32, #tpu.memory_space<vmem>> -> memref<16xi32, #tpu.memory_space<vmem>>
    %dma_start3A_39 = arith.constant 0 : i32
    %dma_start3A_40 = arith.constant 0 : i32
    %dma_start3A_41 = tpu.memref_slice %arg5[%dma_start3A_39, %dma_start3A_40] : memref<2052x768xf32, #tpu.memory_space<hbm>> -> memref<2052x768xf32, #tpu.memory_space<hbm>>
    tpu.enqueue_indirect_dma source(%dma_start3A_41 : memref<2052x768xf32, #tpu.memory_space<hbm>>) target(%dma_start3A_36 : memref<16x768xf32, #tpu.memory_space<vmem>>) offsets(%dma_start3A_38 : memref<16xi32, #tpu.memory_space<vmem>>) semaphore(%arg21 : memref<!tpu.dma_semaphore, #tpu.memory_space<semaphore_mem>>)
    tpu.wait_dma2 semaphore(%arg24 : memref<!tpu.dma_semaphore, #tpu.memory_space<semaphore_mem>>) src(%arg6 : memref<768xf32, #tpu.memory_space<hbm>>) dst(%arg16 : memref<768xf32, #tpu.memory_space<vmem>>)
    tpu.wait_dma2 semaphore(%arg24 : memref<!tpu.dma_semaphore, #tpu.memory_space<semaphore_mem>>) src(%arg7 : memref<768xf32, #tpu.memory_space<hbm>>) dst(%arg17 : memref<768xf32, #tpu.memory_space<vmem>>)
    %iota3A = tpu.iota {dimensions = array<i32: 0>} : vector<16xi32>
    %eq3A = arith.constant 0 : i32
    %eq3A_42 = vector.broadcast %eq3A : i32 to vector<16xi32>
    %eq3A_43 = arith.cmpi eq, %iota3A, %eq3A_42 : vector<16xi32>
    %scan3A = arith.constant 0 : i32
    %scan3A_44 = arith.constant 0 : i32
    %scan3A_45 = arith.constant 16 : i32
    %scan3A_46 = arith.addi %scan3A_44, %scan3A_45 : i32
    %scan3A_47 = arith.constant 1 : i32
    %scan3A_48 = scf.for %scan3A_75 = %scan3A_44 to %scan3A_46 step %scan3A_47 iter_args(%scan3A_76 = %scan3A) -> (i32)  : i32 {
      %and3A = arith.constant 1 : i32
      %and3A_77 = arith.andi %scan3A_75, %and3A : i32
      %eq3A_78 = arith.constant 0 : i32
      %eq3A_79 = arith.cmpi eq, %and3A_77, %eq3A_78 : i32
      %convert_element_type3A = arith.extui %eq3A_79 : i1 to i32
      %cond3A = arith.constant 0 : i32
      %cond3A_80 = arith.cmpi ne, %convert_element_type3A, %cond3A : i32
      scf.if %cond3A_80 {
        %mul3A_150 = arith.constant 16 : i32
        %mul3A_151 = arith.muli %scan3A_75, %mul3A_150 : i32
        %dma_wait3A_152 = arith.constant 0 : i32
        %dma_wait3A_153 = arith.constant 0 : i32
        %dma_wait3A_154 = arith.constant 0 : i32
        %dma_wait3A_155 = tpu.memref_slice %arg11[%dma_wait3A_152, %dma_wait3A_153, %dma_wait3A_154] : memref<2x16x768xf32, #tpu.memory_space<vmem>> -> memref<1x16x768xf32, #tpu.memory_space<vmem>>
        %dma_wait3A_156 = tpu.memref_squeeze %dma_wait3A_155 : memref<1x16x768xf32, #tpu.memory_space<vmem>> -> memref<16x768xf32, #tpu.memory_space<vmem>>
        %dma_wait3A_157 = tpu.memref_slice %arg9[%mul3A_151] : memref<256xi32, #tpu.memory_space<vmem>> -> memref<16xi32, #tpu.memory_space<vmem>>
        %dma_wait3A_158 = arith.constant 0 : i32
        %dma_wait3A_159 = arith.constant 0 : i32
        %dma_wait3A_160 = tpu.memref_slice %arg4[%dma_wait3A_158, %dma_wait3A_159] : memref<50265x768xf32, #tpu.memory_space<hbm>> -> memref<50265x768xf32, #tpu.memory_space<hbm>>
        tpu.wait_indirect_dma semaphore(%arg18 : memref<!tpu.dma_semaphore, #tpu.memory_space<semaphore_mem>>) src(%dma_wait3A_160 : memref<50265x768xf32, #tpu.memory_space<hbm>>) dst(%dma_wait3A_156 : memref<16x768xf32, #tpu.memory_space<vmem>>)
        %mul3A_161 = arith.constant 16 : i32
        %mul3A_162 = arith.muli %scan3A_75, %mul3A_161 : i32
        %dma_wait3A_163 = arith.constant 0 : i32
        %dma_wait3A_164 = arith.constant 0 : i32
        %dma_wait3A_165 = arith.constant 0 : i32
        %dma_wait3A_166 = tpu.memref_slice %arg12[%dma_wait3A_163, %dma_wait3A_164, %dma_wait3A_165] : memref<2x16x768xf32, #tpu.memory_space<vmem>> -> memref<1x16x768xf32, #tpu.memory_space<vmem>>
        %dma_wait3A_167 = tpu.memref_squeeze %dma_wait3A_166 : memref<1x16x768xf32, #tpu.memory_space<vmem>> -> memref<16x768xf32, #tpu.memory_space<vmem>>
        %dma_wait3A_168 = tpu.memref_slice %arg10[%mul3A_162] : memref<256xi32, #tpu.memory_space<vmem>> -> memref<16xi32, #tpu.memory_space<vmem>>
        %dma_wait3A_169 = arith.constant 0 : i32
        %dma_wait3A_170 = arith.constant 0 : i32
        %dma_wait3A_171 = tpu.memref_slice %arg5[%dma_wait3A_169, %dma_wait3A_170] : memref<2052x768xf32, #tpu.memory_space<hbm>> -> memref<2052x768xf32, #tpu.memory_space<hbm>>
        tpu.wait_indirect_dma semaphore(%arg20 : memref<!tpu.dma_semaphore, #tpu.memory_space<semaphore_mem>>) src(%dma_wait3A_171 : memref<2052x768xf32, #tpu.memory_space<hbm>>) dst(%dma_wait3A_167 : memref<16x768xf32, #tpu.memory_space<vmem>>)
        %ge3A = arith.constant 2 : i32
        %ge3A_172 = arith.cmpi sge, %scan3A_75, %ge3A : i32
        %convert_element_type3A_173 = arith.extui %ge3A_172 : i1 to i32
        %cond3A_174 = arith.constant 0 : i32
        %cond3A_175 = arith.cmpi ne, %convert_element_type3A_173, %cond3A_174 : i32
        scf.if %cond3A_175 {
          %dma_wait3A_176 = arith.constant 0 : i32
          %dma_wait3A_177 = arith.constant 0 : i32
          %dma_wait3A_178 = arith.constant 0 : i32
          %dma_wait3A_179 = tpu.memref_slice %arg13[%dma_wait3A_176, %dma_wait3A_177, %dma_wait3A_178] : memref<2x16x768xf32, #tpu.memory_space<vmem>> -> memref<1x16x768xf32, #tpu.memory_space<vmem>>
          %dma_wait3A_180 = tpu.memref_squeeze %dma_wait3A_179 : memref<1x16x768xf32, #tpu.memory_space<vmem>> -> memref<16x768xf32, #tpu.memory_space<vmem>>
          %dma_wait3A_181 = arith.constant 0 : i32
          %dma_wait3A_182 = tpu.memref_slice %arg8[%mul3A_2, %dma_wait3A_181] : memref<8192x768xf32, #tpu.memory_space<hbm>> -> memref<16x768xf32, #tpu.memory_space<hbm>>
          %dma_wait3A_183 = arith.constant 0 : i32
          %dma_wait3A_184 = tpu.memref_slice %arg8[%mul3A_2, %dma_wait3A_183] : memref<8192x768xf32, #tpu.memory_space<hbm>> -> memref<16x768xf32, #tpu.memory_space<hbm>>
          %dma_wait3A_185 = arith.constant 0 : i32
          %dma_wait3A_186 = arith.constant 0 : i32
          %dma_wait3A_187 = tpu.memref_slice %arg13[%dma_wait3A_176, %dma_wait3A_185, %dma_wait3A_186] : memref<2x16x768xf32, #tpu.memory_space<vmem>> -> memref<1x16x768xf32, #tpu.memory_space<vmem>>
          %dma_wait3A_188 = tpu.memref_squeeze %dma_wait3A_187 : memref<1x16x768xf32, #tpu.memory_space<vmem>> -> memref<16x768xf32, #tpu.memory_space<vmem>>
          tpu.wait_dma2 semaphore(%arg22 : memref<!tpu.dma_semaphore, #tpu.memory_space<semaphore_mem>>) src(%dma_wait3A_188 : memref<16x768xf32, #tpu.memory_space<vmem>>) dst(%dma_wait3A_184 : memref<16x768xf32, #tpu.memory_space<hbm>>)
        } else {
        }
      } else {
      }
      %eq3A_81 = arith.constant 1 : i32
      %eq3A_82 = arith.cmpi eq, %and3A_77, %eq3A_81 : i32
      %convert_element_type3A_83 = arith.extui %eq3A_82 : i1 to i32
      %cond3A_84 = arith.constant 0 : i32
      %cond3A_85 = arith.cmpi ne, %convert_element_type3A_83, %cond3A_84 : i32
      scf.if %cond3A_85 {
        %mul3A_150 = arith.constant 16 : i32
        %mul3A_151 = arith.muli %scan3A_75, %mul3A_150 : i32
        %dma_wait3A_152 = arith.constant 1 : i32
        %dma_wait3A_153 = arith.constant 0 : i32
        %dma_wait3A_154 = arith.constant 0 : i32
        %dma_wait3A_155 = tpu.memref_slice %arg11[%dma_wait3A_152, %dma_wait3A_153, %dma_wait3A_154] : memref<2x16x768xf32, #tpu.memory_space<vmem>> -> memref<1x16x768xf32, #tpu.memory_space<vmem>>
        %dma_wait3A_156 = tpu.memref_squeeze %dma_wait3A_155 : memref<1x16x768xf32, #tpu.memory_space<vmem>> -> memref<16x768xf32, #tpu.memory_space<vmem>>
        %dma_wait3A_157 = tpu.memref_slice %arg9[%mul3A_151] : memref<256xi32, #tpu.memory_space<vmem>> -> memref<16xi32, #tpu.memory_space<vmem>>
        %dma_wait3A_158 = arith.constant 0 : i32
        %dma_wait3A_159 = arith.constant 0 : i32
        %dma_wait3A_160 = tpu.memref_slice %arg4[%dma_wait3A_158, %dma_wait3A_159] : memref<50265x768xf32, #tpu.memory_space<hbm>> -> memref<50265x768xf32, #tpu.memory_space<hbm>>
        tpu.wait_indirect_dma semaphore(%arg19 : memref<!tpu.dma_semaphore, #tpu.memory_space<semaphore_mem>>) src(%dma_wait3A_160 : memref<50265x768xf32, #tpu.memory_space<hbm>>) dst(%dma_wait3A_156 : memref<16x768xf32, #tpu.memory_space<vmem>>)
        %mul3A_161 = arith.constant 16 : i32
        %mul3A_162 = arith.muli %scan3A_75, %mul3A_161 : i32
        %dma_wait3A_163 = arith.constant 1 : i32
        %dma_wait3A_164 = arith.constant 0 : i32
        %dma_wait3A_165 = arith.constant 0 : i32
        %dma_wait3A_166 = tpu.memref_slice %arg12[%dma_wait3A_163, %dma_wait3A_164, %dma_wait3A_165] : memref<2x16x768xf32, #tpu.memory_space<vmem>> -> memref<1x16x768xf32, #tpu.memory_space<vmem>>
        %dma_wait3A_167 = tpu.memref_squeeze %dma_wait3A_166 : memref<1x16x768xf32, #tpu.memory_space<vmem>> -> memref<16x768xf32, #tpu.memory_space<vmem>>
        %dma_wait3A_168 = tpu.memref_slice %arg10[%mul3A_162] : memref<256xi32, #tpu.memory_space<vmem>> -> memref<16xi32, #tpu.memory_space<vmem>>
        %dma_wait3A_169 = arith.constant 0 : i32
        %dma_wait3A_170 = arith.constant 0 : i32
        %dma_wait3A_171 = tpu.memref_slice %arg5[%dma_wait3A_169, %dma_wait3A_170] : memref<2052x768xf32, #tpu.memory_space<hbm>> -> memref<2052x768xf32, #tpu.memory_space<hbm>>
        tpu.wait_indirect_dma semaphore(%arg21 : memref<!tpu.dma_semaphore, #tpu.memory_space<semaphore_mem>>) src(%dma_wait3A_171 : memref<2052x768xf32, #tpu.memory_space<hbm>>) dst(%dma_wait3A_167 : memref<16x768xf32, #tpu.memory_space<vmem>>)
        %ge3A = arith.constant 2 : i32
        %ge3A_172 = arith.cmpi sge, %scan3A_75, %ge3A : i32
        %convert_element_type3A_173 = arith.extui %ge3A_172 : i1 to i32
        %cond3A_174 = arith.constant 0 : i32
        %cond3A_175 = arith.cmpi ne, %convert_element_type3A_173, %cond3A_174 : i32
        scf.if %cond3A_175 {
          %dma_wait3A_176 = arith.constant 1 : i32
          %dma_wait3A_177 = arith.constant 0 : i32
          %dma_wait3A_178 = arith.constant 0 : i32
          %dma_wait3A_179 = tpu.memref_slice %arg13[%dma_wait3A_176, %dma_wait3A_177, %dma_wait3A_178] : memref<2x16x768xf32, #tpu.memory_space<vmem>> -> memref<1x16x768xf32, #tpu.memory_space<vmem>>
          %dma_wait3A_180 = tpu.memref_squeeze %dma_wait3A_179 : memref<1x16x768xf32, #tpu.memory_space<vmem>> -> memref<16x768xf32, #tpu.memory_space<vmem>>
          %dma_wait3A_181 = arith.constant 0 : i32
          %dma_wait3A_182 = tpu.memref_slice %arg8[%mul3A_2, %dma_wait3A_181] : memref<8192x768xf32, #tpu.memory_space<hbm>> -> memref<16x768xf32, #tpu.memory_space<hbm>>
          %dma_wait3A_183 = arith.constant 0 : i32
          %dma_wait3A_184 = tpu.memref_slice %arg8[%mul3A_2, %dma_wait3A_183] : memref<8192x768xf32, #tpu.memory_space<hbm>> -> memref<16x768xf32, #tpu.memory_space<hbm>>
          %dma_wait3A_185 = arith.constant 0 : i32
          %dma_wait3A_186 = arith.constant 0 : i32
          %dma_wait3A_187 = tpu.memref_slice %arg13[%dma_wait3A_176, %dma_wait3A_185, %dma_wait3A_186] : memref<2x16x768xf32, #tpu.memory_space<vmem>> -> memref<1x16x768xf32, #tpu.memory_space<vmem>>
          %dma_wait3A_188 = tpu.memref_squeeze %dma_wait3A_187 : memref<1x16x768xf32, #tpu.memory_space<vmem>> -> memref<16x768xf32, #tpu.memory_space<vmem>>
          tpu.wait_dma2 semaphore(%arg23 : memref<!tpu.dma_semaphore, #tpu.memory_space<semaphore_mem>>) src(%dma_wait3A_188 : memref<16x768xf32, #tpu.memory_space<vmem>>) dst(%dma_wait3A_184 : memref<16x768xf32, #tpu.memory_space<hbm>>)
        } else {
        }
      } else {
      }
      %parallel_loop3A = arith.constant 0 : i32
      %parallel_loop3A_86 = arith.constant 16 : i32
      %parallel_loop3A_87 = arith.constant 1 : i32
      scf.for %parallel_loop3A_150 = %parallel_loop3A to %parallel_loop3A_86 step %parallel_loop3A_87  : i32 {
        %parallel_loop3A_151 = arith.constant 0.000000e+00 : f32
        %parallel_loop3A_152 = vector.broadcast %parallel_loop3A_151 : f32 to vector<16xf32>
        %parallel_loop3A_153 = arith.constant 0.000000e+00 : f32
        %parallel_loop3A_154 = vector.broadcast %parallel_loop3A_153 : f32 to vector<16xf32>
        %parallel_loop3A_155 = arith.constant 0.000000e+00 : f32
        %parallel_loop3A_156 = vector.broadcast %parallel_loop3A_155 : f32 to vector<16xf32>
        %parallel_loop3A_157 = arith.constant 0.000000e+00 : f32
        %parallel_loop3A_158 = vector.broadcast %parallel_loop3A_157 : f32 to vector<16xf32>
        %parallel_loop3A_159 = arith.constant 0.000000e+00 : f32
        %parallel_loop3A_160 = vector.broadcast %parallel_loop3A_159 : f32 to vector<16xf32>
        %parallel_loop3A_161 = arith.constant 0.000000e+00 : f32
        %parallel_loop3A_162 = vector.broadcast %parallel_loop3A_161 : f32 to vector<16xf32>
        %parallel_loop3A_163 = arith.constant 0.000000e+00 : f32
        %parallel_loop3A_164 = vector.broadcast %parallel_loop3A_163 : f32 to vector<16xf32>
        %parallel_loop3A_165 = arith.constant 0.000000e+00 : f32
        %parallel_loop3A_166 = vector.broadcast %parallel_loop3A_165 : f32 to vector<16xf32>
        %parallel_loop3A_167 = arith.index_cast %and3A_77 : i32 to index
        %parallel_loop3A_168 = arith.index_cast %parallel_loop3A_150 : i32 to index
        %parallel_loop3A_169 = arith.constant 0 : index
        %parallel_loop3A_170 = tpu.vector_load %arg11[%parallel_loop3A_167, %parallel_loop3A_168, %parallel_loop3A_169] {strides = array<i32>} : memref<2x16x768xf32, #tpu.memory_space<vmem>>, vector<16xf32>,
        %parallel_loop3A_171 = arith.index_cast %and3A_77 : i32 to index
        %parallel_loop3A_172 = arith.index_cast %parallel_loop3A_150 : i32 to index
        %parallel_loop3A_173 = arith.constant 0 : index
        %parallel_loop3A_174 = tpu.vector_load %arg12[%parallel_loop3A_171, %parallel_loop3A_172, %parallel_loop3A_173] {strides = array<i32>} : memref<2x16x768xf32, #tpu.memory_space<vmem>>, vector<16xf32>,
        %parallel_loop3A_175 = arith.addf %parallel_loop3A_170, %parallel_loop3A_174 : vector<16xf32>
        %parallel_loop3A_176 = arith.index_cast %and3A_77 : i32 to index
        %parallel_loop3A_177 = arith.index_cast %parallel_loop3A_150 : i32 to index
        %parallel_loop3A_178 = arith.constant 0 : index
        %parallel_loop3A_179 = tpu.vector_load %arg11[%parallel_loop3A_176, %parallel_loop3A_177, %parallel_loop3A_178] {strides = array<i32>} : memref<2x16x768xf32, #tpu.memory_space<vmem>>, vector<16xf32>,
        tpu.vector_store %arg11[%parallel_loop3A_176, %parallel_loop3A_177, %parallel_loop3A_178], %parallel_loop3A_175 {strides = array<i32>} : memref<2x16x768xf32, #tpu.memory_space<vmem>>, vector<16xf32>,
        %parallel_loop3A_180 = arith.addf %parallel_loop3A_152, %parallel_loop3A_175 : vector<16xf32>
        %parallel_loop3A_181 = arith.mulf %parallel_loop3A_175, %parallel_loop3A_175 : vector<16xf32>
        %parallel_loop3A_182 = arith.addf %parallel_loop3A_160, %parallel_loop3A_181 : vector<16xf32>
        %parallel_loop3A_183 = arith.index_cast %and3A_77 : i32 to index
        %parallel_loop3A_184 = arith.index_cast %parallel_loop3A_150 : i32 to index
        %parallel_loop3A_185 = arith.constant 16 : index
        %parallel_loop3A_186 = tpu.vector_load %arg11[%parallel_loop3A_183, %parallel_loop3A_184, %parallel_loop3A_185] {strides = array<i32>} : memref<2x16x768xf32, #tpu.memory_space<vmem>>, vector<16xf32>,
        %parallel_loop3A_187 = arith.index_cast %and3A_77 : i32 to index
        %parallel_loop3A_188 = arith.index_cast %parallel_loop3A_150 : i32 to index
        %parallel_loop3A_189 = arith.constant 16 : index
        %parallel_loop3A_190 = tpu.vector_load %arg12[%parallel_loop3A_187, %parallel_loop3A_188, %parallel_loop3A_189] {strides = array<i32>} : memref<2x16x768xf32, #tpu.memory_space<vmem>>, vector<16xf32>,
        %parallel_loop3A_191 = arith.addf %parallel_loop3A_186, %parallel_loop3A_190 : vector<16xf32>
        %parallel_loop3A_192 = arith.index_cast %and3A_77 : i32 to index
        %parallel_loop3A_193 = arith.index_cast %parallel_loop3A_150 : i32 to index
        %parallel_loop3A_194 = arith.constant 16 : index
        %parallel_loop3A_195 = tpu.vector_load %arg11[%parallel_loop3A_192, %parallel_loop3A_193, %parallel_loop3A_194] {strides = array<i32>} : memref<2x16x768xf32, #tpu.memory_space<vmem>>, vector<16xf32>,
        tpu.vector_store %arg11[%parallel_loop3A_192, %parallel_loop3A_193, %parallel_loop3A_194], %parallel_loop3A_191 {strides = array<i32>} : memref<2x16x768xf32, #tpu.memory_space<vmem>>, vector<16xf32>,
        %parallel_loop3A_196 = arith.addf %parallel_loop3A_154, %parallel_loop3A_191 : vector<16xf32>
        %parallel_loop3A_197 = arith.mulf %parallel_loop3A_191, %parallel_loop3A_191 : vector<16xf32>
        %parallel_loop3A_198 = arith.addf %parallel_loop3A_162, %parallel_loop3A_197 : vector<16xf32>
        %parallel_loop3A_199 = arith.index_cast %and3A_77 : i32 to index
        %parallel_loop3A_200 = arith.index_cast %parallel_loop3A_150 : i32 to index
        %parallel_loop3A_201 = arith.constant 32 : index
        %parallel_loop3A_202 = tpu.vector_load %arg11[%parallel_loop3A_199, %parallel_loop3A_200, %parallel_loop3A_201] {strides = array<i32>} : memref<2x16x768xf32, #tpu.memory_space<vmem>>, vector<16xf32>,
        %parallel_loop3A_203 = arith.index_cast %and3A_77 : i32 to index
        %parallel_loop3A_204 = arith.index_cast %parallel_loop3A_150 : i32 to index
        %parallel_loop3A_205 = arith.constant 32 : index
        %parallel_loop3A_206 = tpu.vector_load %arg12[%parallel_loop3A_203, %parallel_loop3A_204, %parallel_loop3A_205] {strides = array<i32>} : memref<2x16x768xf32, #tpu.memory_space<vmem>>, vector<16xf32>,
        %parallel_loop3A_207 = arith.addf %parallel_loop3A_202, %parallel_loop3A_206 : vector<16xf32>
        %parallel_loop3A_208 = arith.index_cast %and3A_77 : i32 to index
        %parallel_loop3A_209 = arith.index_cast %parallel_loop3A_150 : i32 to index
        %parallel_loop3A_210 = arith.constant 32 : index
        %parallel_loop3A_211 = tpu.vector_load %arg11[%parallel_loop3A_208, %parallel_loop3A_209, %parallel_loop3A_210] {strides = array<i32>} : memref<2x16x768xf32, #tpu.memory_space<vmem>>, vector<16xf32>,
        tpu.vector_store %arg11[%parallel_loop3A_208, %parallel_loop3A_209, %parallel_loop3A_210], %parallel_loop3A_207 {strides = array<i32>} : memref<2x16x768xf32, #tpu.memory_space<vmem>>, vector<16xf32>,
        %parallel_loop3A_212 = arith.addf %parallel_loop3A_156, %parallel_loop3A_207 : vector<16xf32>
        %parallel_loop3A_213 = arith.mulf %parallel_loop3A_207, %parallel_loop3A_207 : vector<16xf32>
        %parallel_loop3A_214 = arith.addf %parallel_loop3A_164, %parallel_loop3A_213 : vector<16xf32>
        %parallel_loop3A_215 = arith.index_cast %and3A_77 : i32 to index
        %parallel_loop3A_216 = arith.index_cast %parallel_loop3A_150 : i32 to index
        %parallel_loop3A_217 = arith.constant 48 : index
        %parallel_loop3A_218 = tpu.vector_load %arg11[%parallel_loop3A_215, %parallel_loop3A_216, %parallel_loop3A_217] {strides = array<i32>} : memref<2x16x768xf32, #tpu.memory_space<vmem>>, vector<16xf32>,
        %parallel_loop3A_219 = arith.index_cast %and3A_77 : i32 to index
        %parallel_loop3A_220 = arith.index_cast %parallel_loop3A_150 : i32 to index
        %parallel_loop3A_221 = arith.constant 48 : index
        %parallel_loop3A_222 = tpu.vector_load %arg12[%parallel_loop3A_219, %parallel_loop3A_220, %parallel_loop3A_221] {strides = array<i32>} : memref<2x16x768xf32, #tpu.memory_space<vmem>>, vector<16xf32>,
        %parallel_loop3A_223 = arith.addf %parallel_loop3A_218, %parallel_loop3A_222 : vector<16xf32>
        %parallel_loop3A_224 = arith.index_cast %and3A_77 : i32 to index
        %parallel_loop3A_225 = arith.index_cast %parallel_loop3A_150 : i32 to index
        %parallel_loop3A_226 = arith.constant 48 : index
        %parallel_loop3A_227 = tpu.vector_load %arg11[%parallel_loop3A_224, %parallel_loop3A_225, %parallel_loop3A_226] {strides = array<i32>} : memref<2x16x768xf32, #tpu.memory_space<vmem>>, vector<16xf32>,
        tpu.vector_store %arg11[%parallel_loop3A_224, %parallel_loop3A_225, %parallel_loop3A_226], %parallel_loop3A_223 {strides = array<i32>} : memref<2x16x768xf32, #tpu.memory_space<vmem>>, vector<16xf32>,
        %parallel_loop3A_228 = arith.addf %parallel_loop3A_158, %parallel_loop3A_223 : vector<16xf32>
        %parallel_loop3A_229 = arith.mulf %parallel_loop3A_223, %parallel_loop3A_223 : vector<16xf32>
        %parallel_loop3A_230 = arith.addf %parallel_loop3A_166, %parallel_loop3A_229 : vector<16xf32>
        %parallel_loop3A_231 = arith.index_cast %and3A_77 : i32 to index
        %parallel_loop3A_232 = arith.index_cast %parallel_loop3A_150 : i32 to index
        %parallel_loop3A_233 = arith.constant 64 : index
        %parallel_loop3A_234 = tpu.vector_load %arg11[%parallel_loop3A_231, %parallel_loop3A_232, %parallel_loop3A_233] {strides = array<i32>} : memref<2x16x768xf32, #tpu.memory_space<vmem>>, vector<16xf32>,
        %parallel_loop3A_235 = arith.index_cast %and3A_77 : i32 to index
        %parallel_loop3A_236 = arith.index_cast %parallel_loop3A_150 : i32 to index
        %parallel_loop3A_237 = arith.constant 64 : index
        %parallel_loop3A_238 = tpu.vector_load %arg12[%parallel_loop3A_235, %parallel_loop3A_236, %parallel_loop3A_237] {strides = array<i32>} : memref<2x16x768xf32, #tpu.memory_space<vmem>>, vector<16xf32>,
        %parallel_loop3A_239 = arith.addf %parallel_loop3A_234, %parallel_loop3A_238 : vector<16xf32>
        %parallel_loop3A_240 = arith.index_cast %and3A_77 : i32 to index
        %parallel_loop3A_241 = arith.index_cast %parallel_loop3A_150 : i32 to index
        %parallel_loop3A_242 = arith.constant 64 : index
        %parallel_loop3A_243 = tpu.vector_load %arg11[%parallel_loop3A_240, %parallel_loop3A_241, %parallel_loop3A_242] {strides = array<i32>} : memref<2x16x768xf32, #tpu.memory_space<vmem>>, vector<16xf32>,
        tpu.vector_store %arg11[%parallel_loop3A_240, %parallel_loop3A_241, %parallel_loop3A_242], %parallel_loop3A_239 {strides = array<i32>} : memref<2x16x768xf32, #tpu.memory_space<vmem>>, vector<16xf32>,
        %parallel_loop3A_244 = arith.addf %parallel_loop3A_180, %parallel_loop3A_239 : vector<16xf32>
        %parallel_loop3A_245 = arith.mulf %parallel_loop3A_239, %parallel_loop3A_239 : vector<16xf32>
        %parallel_loop3A_246 = arith.addf %parallel_loop3A_182, %parallel_loop3A_245 : vector<16xf32>
        %parallel_loop3A_247 = arith.index_cast %and3A_77 : i32 to index
        %parallel_loop3A_248 = arith.index_cast %parallel_loop3A_150 : i32 to index
        %parallel_loop3A_249 = arith.constant 80 : index
        %parallel_loop3A_250 = tpu.vector_load %arg11[%parallel_loop3A_247, %parallel_loop3A_248, %parallel_loop3A_249] {strides = array<i32>} : memref<2x16x768xf32, #tpu.memory_space<vmem>>, vector<16xf32>,
        %parallel_loop3A_251 = arith.index_cast %and3A_77 : i32 to index
        %parallel_loop3A_252 = arith.index_cast %parallel_loop3A_150 : i32 to index
        %parallel_loop3A_253 = arith.constant 80 : index
        %parallel_loop3A_254 = tpu.vector_load %arg12[%parallel_loop3A_251, %parallel_loop3A_252, %parallel_loop3A_253] {strides = array<i32>} : memref<2x16x768xf32, #tpu.memory_space<vmem>>, vector<16xf32>,
        %parallel_loop3A_255 = arith.addf %parallel_loop3A_250, %parallel_loop3A_254 : vector<16xf32>
        %parallel_loop3A_256 = arith.index_cast %and3A_77 : i32 to index
        %parallel_loop3A_257 = arith.index_cast %parallel_loop3A_150 : i32 to index
        %parallel_loop3A_258 = arith.constant 80 : index
        %parallel_loop3A_259 = tpu.vector_load %arg11[%parallel_loop3A_256, %parallel_loop3A_257, %parallel_loop3A_258] {strides = array<i32>} : memref<2x16x768xf32, #tpu.memory_space<vmem>>, vector<16xf32>,
        tpu.vector_store %arg11[%parallel_loop3A_256, %parallel_loop3A_257, %parallel_loop3A_258], %parallel_loop3A_255 {strides = array<i32>} : memref<2x16x768xf32, #tpu.memory_space<vmem>>, vector<16xf32>,
        %parallel_loop3A_260 = arith.addf %parallel_loop3A_196, %parallel_loop3A_255 : vector<16xf32>
        %parallel_loop3A_261 = arith.mulf %parallel_loop3A_255, %parallel_loop3A_255 : vector<16xf32>
        %parallel_loop3A_262 = arith.addf %parallel_loop3A_198, %parallel_loop3A_261 : vector<16xf32>
        %parallel_loop3A_263 = arith.index_cast %and3A_77 : i32 to index
        %parallel_loop3A_264 = arith.index_cast %parallel_loop3A_150 : i32 to index
        %parallel_loop3A_265 = arith.constant 96 : index
        %parallel_loop3A_266 = tpu.vector_load %arg11[%parallel_loop3A_263, %parallel_loop3A_264, %parallel_loop3A_265] {strides = array<i32>} : memref<2x16x768xf32, #tpu.memory_space<vmem>>, vector<16xf32>,
        %parallel_loop3A_267 = arith.index_cast %and3A_77 : i32 to index
        %parallel_loop3A_268 = arith.index_cast %parallel_loop3A_150 : i32 to index
        %parallel_loop3A_269 = arith.constant 96 : index
        %parallel_loop3A_270 = tpu.vector_load %arg12[%parallel_loop3A_267, %parallel_loop3A_268, %parallel_loop3A_269] {strides = array<i32>} : memref<2x16x768xf32, #tpu.memory_space<vmem>>, vector<16xf32>,
        %parallel_loop3A_271 = arith.addf %parallel_loop3A_266, %parallel_loop3A_270 : vector<16xf32>
        %parallel_loop3A_272 = arith.index_cast %and3A_77 : i32 to index
        %parallel_loop3A_273 = arith.index_cast %parallel_loop3A_150 : i32 to index
        %parallel_loop3A_274 = arith.constant 96 : index
        %parallel_loop3A_275 = tpu.vector_load %arg11[%parallel_loop3A_272, %parallel_loop3A_273, %parallel_loop3A_274] {strides = array<i32>} : memref<2x16x768xf32, #tpu.memory_space<vmem>>, vector<16xf32>,
        tpu.vector_store %arg11[%parallel_loop3A_272, %parallel_loop3A_273, %parallel_loop3A_274], %parallel_loop3A_271 {strides = array<i32>} : memref<2x16x768xf32, #tpu.memory_space<vmem>>, vector<16xf32>,
        %parallel_loop3A_276 = arith.addf %parallel_loop3A_212, %parallel_loop3A_271 : vector<16xf32>
        %parallel_loop3A_277 = arith.mulf %parallel_loop3A_271, %parallel_loop3A_271 : vector<16xf32>
        %parallel_loop3A_278 = arith.addf %parallel_loop3A_214, %parallel_loop3A_277 : vector<16xf32>
        %parallel_loop3A_279 = arith.index_cast %and3A_77 : i32 to index
        %parallel_loop3A_280 = arith.index_cast %parallel_loop3A_150 : i32 to index
        %parallel_loop3A_281 = arith.constant 112 : index
        %parallel_loop3A_282 = tpu.vector_load %arg11[%parallel_loop3A_279, %parallel_loop3A_280, %parallel_loop3A_281] {strides = array<i32>} : memref<2x16x768xf32, #tpu.memory_space<vmem>>, vector<16xf32>,
        %parallel_loop3A_283 = arith.index_cast %and3A_77 : i32 to index
        %parallel_loop3A_284 = arith.index_cast %parallel_loop3A_150 : i32 to index
        %parallel_loop3A_285 = arith.constant 112 : index
        %parallel_loop3A_286 = tpu.vector_load %arg12[%parallel_loop3A_283, %parallel_loop3A_284, %parallel_loop3A_285] {strides = array<i32>} : memref<2x16x768xf32, #tpu.memory_space<vmem>>, vector<16xf32>,
        %parallel_loop3A_287 = arith.addf %parallel_loop3A_282, %parallel_loop3A_286 : vector<16xf32>
        %parallel_loop3A_288 = arith.index_cast %and3A_77 : i32 to index
        %parallel_loop3A_289 = arith.index_cast %parallel_loop3A_150 : i32 to index
        %parallel_loop3A_290 = arith.constant 112 : index
        %parallel_loop3A_291 = tpu.vector_load %arg11[%parallel_loop3A_288, %parallel_loop3A_289, %parallel_loop3A_290] {strides = array<i32>} : memref<2x16x768xf32, #tpu.memory_space<vmem>>, vector<16xf32>,
        tpu.vector_store %arg11[%parallel_loop3A_288, %parallel_loop3A_289, %parallel_loop3A_290], %parallel_loop3A_287 {strides = array<i32>} : memref<2x16x768xf32, #tpu.memory_space<vmem>>, vector<16xf32>,
        %parallel_loop3A_292 = arith.addf %parallel_loop3A_228, %parallel_loop3A_287 : vector<16xf32>
        %parallel_loop3A_293 = arith.mulf %parallel_loop3A_287, %parallel_loop3A_287 : vector<16xf32>
        %parallel_loop3A_294 = arith.addf %parallel_loop3A_230, %parallel_loop3A_293 : vector<16xf32>
        %parallel_loop3A_295 = arith.index_cast %and3A_77 : i32 to index
        %parallel_loop3A_296 = arith.index_cast %parallel_loop3A_150 : i32 to index
        %parallel_loop3A_297 = arith.constant 128 : index
        %parallel_loop3A_298 = tpu.vector_load %arg11[%parallel_loop3A_295, %parallel_loop3A_296, %parallel_loop3A_297] {strides = array<i32>} : memref<2x16x768xf32, #tpu.memory_space<vmem>>, vector<16xf32>,
        %parallel_loop3A_299 = arith.index_cast %and3A_77 : i32 to index
        %parallel_loop3A_300 = arith.index_cast %parallel_loop3A_150 : i32 to index
        %parallel_loop3A_301 = arith.constant 128 : index
        %parallel_loop3A_302 = tpu.vector_load %arg12[%parallel_loop3A_299, %parallel_loop3A_300, %parallel_loop3A_301] {strides = array<i32>} : memref<2x16x768xf32, #tpu.memory_space<vmem>>, vector<16xf32>,
        %parallel_loop3A_303 = arith.addf %parallel_loop3A_298, %parallel_loop3A_302 : vector<16xf32>
        %parallel_loop3A_304 = arith.index_cast %and3A_77 : i32 to index
        %parallel_loop3A_305 = arith.index_cast %parallel_loop3A_150 : i32 to index
        %parallel_loop3A_306 = arith.constant 128 : index
        %parallel_loop3A_307 = tpu.vector_load %arg11[%parallel_loop3A_304, %parallel_loop3A_305, %parallel_loop3A_306] {strides = array<i32>} : memref<2x16x768xf32, #tpu.memory_space<vmem>>, vector<16xf32>,
        tpu.vector_store %arg11[%parallel_loop3A_304, %parallel_loop3A_305, %parallel_loop3A_306], %parallel_loop3A_303 {strides = array<i32>} : memref<2x16x768xf32, #tpu.memory_space<vmem>>, vector<16xf32>,
        %parallel_loop3A_308 = arith.addf %parallel_loop3A_244, %parallel_loop3A_303 : vector<16xf32>
        %parallel_loop3A_309 = arith.mulf %parallel_loop3A_303, %parallel_loop3A_303 : vector<16xf32>
        %parallel_loop3A_310 = arith.addf %parallel_loop3A_246, %parallel_loop3A_309 : vector<16xf32>
        %parallel_loop3A_311 = arith.index_cast %and3A_77 : i32 to index
        %parallel_loop3A_312 = arith.index_cast %parallel_loop3A_150 : i32 to index
        %parallel_loop3A_313 = arith.constant 144 : index
        %parallel_loop3A_314 = tpu.vector_load %arg11[%parallel_loop3A_311, %parallel_loop3A_312, %parallel_loop3A_313] {strides = array<i32>} : memref<2x16x768xf32, #tpu.memory_space<vmem>>, vector<16xf32>,
        %parallel_loop3A_315 = arith.index_cast %and3A_77 : i32 to index
        %parallel_loop3A_316 = arith.index_cast %parallel_loop3A_150 : i32 to index
        %parallel_loop3A_317 = arith.constant 144 : index
        %parallel_loop3A_318 = tpu.vector_load %arg12[%parallel_loop3A_315, %parallel_loop3A_316, %parallel_loop3A_317] {strides = array<i32>} : memref<2x16x768xf32, #tpu.memory_space<vmem>>, vector<16xf32>,
        %parallel_loop3A_319 = arith.addf %parallel_loop3A_314, %parallel_loop3A_318 : vector<16xf32>
        %parallel_loop3A_320 = arith.index_cast %and3A_77 : i32 to index
        %parallel_loop3A_321 = arith.index_cast %parallel_loop3A_150 : i32 to index
        %parallel_loop3A_322 = arith.constant 144 : index
        %parallel_loop3A_323 = tpu.vector_load %arg11[%parallel_loop3A_320, %parallel_loop3A_321, %parallel_loop3A_322] {strides = array<i32>} : memref<2x16x768xf32, #tpu.memory_space<vmem>>, vector<16xf32>,
        tpu.vector_store %arg11[%parallel_loop3A_320, %parallel_loop3A_321, %parallel_loop3A_322], %parallel_loop3A_319 {strides = array<i32>} : memref<2x16x768xf32, #tpu.memory_space<vmem>>, vector<16xf32>,
        %parallel_loop3A_324 = arith.addf %parallel_loop3A_260, %parallel_loop3A_319 : vector<16xf32>
        %parallel_loop3A_325 = arith.mulf %parallel_loop3A_319, %parallel_loop3A_319 : vector<16xf32>
        %parallel_loop3A_326 = arith.addf %parallel_loop3A_262, %parallel_loop3A_325 : vector<16xf32>
        %parallel_loop3A_327 = arith.index_cast %and3A_77 : i32 to index
        %parallel_loop3A_328 = arith.index_cast %parallel_loop3A_150 : i32 to index
        %parallel_loop3A_329 = arith.constant 160 : index
        %parallel_loop3A_330 = tpu.vector_load %arg11[%parallel_loop3A_327, %parallel_loop3A_328, %parallel_loop3A_329] {strides = array<i32>} : memref<2x16x768xf32, #tpu.memory_space<vmem>>, vector<16xf32>,
        %parallel_loop3A_331 = arith.index_cast %and3A_77 : i32 to index
        %parallel_loop3A_332 = arith.index_cast %parallel_loop3A_150 : i32 to index
        %parallel_loop3A_333 = arith.constant 160 : index
        %parallel_loop3A_334 = tpu.vector_load %arg12[%parallel_loop3A_331, %parallel_loop3A_332, %parallel_loop3A_333] {strides = array<i32>} : memref<2x16x768xf32, #tpu.memory_space<vmem>>, vector<16xf32>,
        %parallel_loop3A_335 = arith.addf %parallel_loop3A_330, %parallel_loop3A_334 : vector<16xf32>
        %parallel_loop3A_336 = arith.index_cast %and3A_77 : i32 to index
        %parallel_loop3A_337 = arith.index_cast %parallel_loop3A_150 : i32 to index
        %parallel_loop3A_338 = arith.constant 160 : index
        %parallel_loop3A_339 = tpu.vector_load %arg11[%parallel_loop3A_336, %parallel_loop3A_337, %parallel_loop3A_338] {strides = array<i32>} : memref<2x16x768xf32, #tpu.memory_space<vmem>>, vector<16xf32>,
        tpu.vector_store %arg11[%parallel_loop3A_336, %parallel_loop3A_337, %parallel_loop3A_338], %parallel_loop3A_335 {strides = array<i32>} : memref<2x16x768xf32, #tpu.memory_space<vmem>>, vector<16xf32>,
        %parallel_loop3A_340 = arith.addf %parallel_loop3A_276, %parallel_loop3A_335 : vector<16xf32>
        %parallel_loop3A_341 = arith.mulf %parallel_loop3A_335, %parallel_loop3A_335 : vector<16xf32>
        %parallel_loop3A_342 = arith.addf %parallel_loop3A_278, %parallel_loop3A_341 : vector<16xf32>
        %parallel_loop3A_343 = arith.index_cast %and3A_77 : i32 to index
        %parallel_loop3A_344 = arith.index_cast %parallel_loop3A_150 : i32 to index
        %parallel_loop3A_345 = arith.constant 176 : index
        %parallel_loop3A_346 = tpu.vector_load %arg11[%parallel_loop3A_343, %parallel_loop3A_344, %parallel_loop3A_345] {strides = array<i32>} : memref<2x16x768xf32, #tpu.memory_space<vmem>>, vector<16xf32>,
        %parallel_loop3A_347 = arith.index_cast %and3A_77 : i32 to index
        %parallel_loop3A_348 = arith.index_cast %parallel_loop3A_150 : i32 to index
        %parallel_loop3A_349 = arith.constant 176 : index
        %parallel_loop3A_350 = tpu.vector_load %arg12[%parallel_loop3A_347, %parallel_loop3A_348, %parallel_loop3A_349] {strides = array<i32>} : memref<2x16x768xf32, #tpu.memory_space<vmem>>, vector<16xf32>,
        %parallel_loop3A_351 = arith.addf %parallel_loop3A_346, %parallel_loop3A_350 : vector<16xf32>
        %parallel_loop3A_352 = arith.index_cast %and3A_77 : i32 to index
        %parallel_loop3A_353 = arith.index_cast %parallel_loop3A_150 : i32 to index
        %parallel_loop3A_354 = arith.constant 176 : index
        %parallel_loop3A_355 = tpu.vector_load %arg11[%parallel_loop3A_352, %parallel_loop3A_353, %parallel_loop3A_354] {strides = array<i32>} : memref<2x16x768xf32, #tpu.memory_space<vmem>>, vector<16xf32>,
        tpu.vector_store %arg11[%parallel_loop3A_352, %parallel_loop3A_353, %parallel_loop3A_354], %parallel_loop3A_351 {strides = array<i32>} : memref<2x16x768xf32, #tpu.memory_space<vmem>>, vector<16xf32>,
        %parallel_loop3A_356 = arith.addf %parallel_loop3A_292, %parallel_loop3A_351 : vector<16xf32>
        %parallel_loop3A_357 = arith.mulf %parallel_loop3A_351, %parallel_loop3A_351 : vector<16xf32>
        %parallel_loop3A_358 = arith.addf %parallel_loop3A_294, %parallel_loop3A_357 : vector<16xf32>
        %parallel_loop3A_359 = arith.index_cast %and3A_77 : i32 to index
        %parallel_loop3A_360 = arith.index_cast %parallel_loop3A_150 : i32 to index
        %parallel_loop3A_361 = arith.constant 192 : index
        %parallel_loop3A_362 = tpu.vector_load %arg11[%parallel_loop3A_359, %parallel_loop3A_360, %parallel_loop3A_361] {strides = array<i32>} : memref<2x16x768xf32, #tpu.memory_space<vmem>>, vector<16xf32>,
        %parallel_loop3A_363 = arith.index_cast %and3A_77 : i32 to index
        %parallel_loop3A_364 = arith.index_cast %parallel_loop3A_150 : i32 to index
        %parallel_loop3A_365 = arith.constant 192 : index
        %parallel_loop3A_366 = tpu.vector_load %arg12[%parallel_loop3A_363, %parallel_loop3A_364, %parallel_loop3A_365] {strides = array<i32>} : memref<2x16x768xf32, #tpu.memory_space<vmem>>, vector<16xf32>,
        %parallel_loop3A_367 = arith.addf %parallel_loop3A_362, %parallel_loop3A_366 : vector<16xf32>
        %parallel_loop3A_368 = arith.index_cast %and3A_77 : i32 to index
        %parallel_loop3A_369 = arith.index_cast %parallel_loop3A_150 : i32 to index
        %parallel_loop3A_370 = arith.constant 192 : index
        %parallel_loop3A_371 = tpu.vector_load %arg11[%parallel_loop3A_368, %parallel_loop3A_369, %parallel_loop3A_370] {strides = array<i32>} : memref<2x16x768xf32, #tpu.memory_space<vmem>>, vector<16xf32>,
        tpu.vector_store %arg11[%parallel_loop3A_368, %parallel_loop3A_369, %parallel_loop3A_370], %parallel_loop3A_367 {strides = array<i32>} : memref<2x16x768xf32, #tpu.memory_space<vmem>>, vector<16xf32>,
        %parallel_loop3A_372 = arith.addf %parallel_loop3A_308, %parallel_loop3A_367 : vector<16xf32>
        %parallel_loop3A_373 = arith.mulf %parallel_loop3A_367, %parallel_loop3A_367 : vector<16xf32>
        %parallel_loop3A_374 = arith.addf %parallel_loop3A_310, %parallel_loop3A_373 : vector<16xf32>
        %parallel_loop3A_375 = arith.index_cast %and3A_77 : i32 to index
        %parallel_loop3A_376 = arith.index_cast %parallel_loop3A_150 : i32 to index
        %parallel_loop3A_377 = arith.constant 208 : index
        %parallel_loop3A_378 = tpu.vector_load %arg11[%parallel_loop3A_375, %parallel_loop3A_376, %parallel_loop3A_377] {strides = array<i32>} : memref<2x16x768xf32, #tpu.memory_space<vmem>>, vector<16xf32>,
        %parallel_loop3A_379 = arith.index_cast %and3A_77 : i32 to index
        %parallel_loop3A_380 = arith.index_cast %parallel_loop3A_150 : i32 to index
        %parallel_loop3A_381 = arith.constant 208 : index
        %parallel_loop3A_382 = tpu.vector_load %arg12[%parallel_loop3A_379, %parallel_loop3A_380, %parallel_loop3A_381] {strides = array<i32>} : memref<2x16x768xf32, #tpu.memory_space<vmem>>, vector<16xf32>,
        %parallel_loop3A_383 = arith.addf %parallel_loop3A_378, %parallel_loop3A_382 : vector<16xf32>
        %parallel_loop3A_384 = arith.index_cast %and3A_77 : i32 to index
        %parallel_loop3A_385 = arith.index_cast %parallel_loop3A_150 : i32 to index
        %parallel_loop3A_386 = arith.constant 208 : index
        %parallel_loop3A_387 = tpu.vector_load %arg11[%parallel_loop3A_384, %parallel_loop3A_385, %parallel_loop3A_386] {strides = array<i32>} : memref<2x16x768xf32, #tpu.memory_space<vmem>>, vector<16xf32>,
        tpu.vector_store %arg11[%parallel_loop3A_384, %parallel_loop3A_385, %parallel_loop3A_386], %parallel_loop3A_383 {strides = array<i32>} : memref<2x16x768xf32, #tpu.memory_space<vmem>>, vector<16xf32>,
        %parallel_loop3A_388 = arith.addf %parallel_loop3A_324, %parallel_loop3A_383 : vector<16xf32>
        %parallel_loop3A_389 = arith.mulf %parallel_loop3A_383, %parallel_loop3A_383 : vector<16xf32>
        %parallel_loop3A_390 = arith.addf %parallel_loop3A_326, %parallel_loop3A_389 : vector<16xf32>
        %parallel_loop3A_391 = arith.index_cast %and3A_77 : i32 to index
        %parallel_loop3A_392 = arith.index_cast %parallel_loop3A_150 : i32 to index
        %parallel_loop3A_393 = arith.constant 224 : index
        %parallel_loop3A_394 = tpu.vector_load %arg11[%parallel_loop3A_391, %parallel_loop3A_392, %parallel_loop3A_393] {strides = array<i32>} : memref<2x16x768xf32, #tpu.memory_space<vmem>>, vector<16xf32>,
        %parallel_loop3A_395 = arith.index_cast %and3A_77 : i32 to index
        %parallel_loop3A_396 = arith.index_cast %parallel_loop3A_150 : i32 to index
        %parallel_loop3A_397 = arith.constant 224 : index
        %parallel_loop3A_398 = tpu.vector_load %arg12[%parallel_loop3A_395, %parallel_loop3A_396, %parallel_loop3A_397] {strides = array<i32>} : memref<2x16x768xf32, #tpu.memory_space<vmem>>, vector<16xf32>,
        %parallel_loop3A_399 = arith.addf %parallel_loop3A_394, %parallel_loop3A_398 : vector<16xf32>
        %parallel_loop3A_400 = arith.index_cast %and3A_77 : i32 to index
        %parallel_loop3A_401 = arith.index_cast %parallel_loop3A_150 : i32 to index
        %parallel_loop3A_402 = arith.constant 224 : index
        %parallel_loop3A_403 = tpu.vector_load %arg11[%parallel_loop3A_400, %parallel_loop3A_401, %parallel_loop3A_402] {strides = array<i32>} : memref<2x16x768xf32, #tpu.memory_space<vmem>>, vector<16xf32>,
        tpu.vector_store %arg11[%parallel_loop3A_400, %parallel_loop3A_401, %parallel_loop3A_402], %parallel_loop3A_399 {strides = array<i32>} : memref<2x16x768xf32, #tpu.memory_space<vmem>>, vector<16xf32>,
        %parallel_loop3A_404 = arith.addf %parallel_loop3A_340, %parallel_loop3A_399 : vector<16xf32>
        %parallel_loop3A_405 = arith.mulf %parallel_loop3A_399, %parallel_loop3A_399 : vector<16xf32>
        %parallel_loop3A_406 = arith.addf %parallel_loop3A_342, %parallel_loop3A_405 : vector<16xf32>
        %parallel_loop3A_407 = arith.index_cast %and3A_77 : i32 to index
        %parallel_loop3A_408 = arith.index_cast %parallel_loop3A_150 : i32 to index
        %parallel_loop3A_409 = arith.constant 240 : index
        %parallel_loop3A_410 = tpu.vector_load %arg11[%parallel_loop3A_407, %parallel_loop3A_408, %parallel_loop3A_409] {strides = array<i32>} : memref<2x16x768xf32, #tpu.memory_space<vmem>>, vector<16xf32>,
        %parallel_loop3A_411 = arith.index_cast %and3A_77 : i32 to index
        %parallel_loop3A_412 = arith.index_cast %parallel_loop3A_150 : i32 to index
        %parallel_loop3A_413 = arith.constant 240 : index
        %parallel_loop3A_414 = tpu.vector_load %arg12[%parallel_loop3A_411, %parallel_loop3A_412, %parallel_loop3A_413] {strides = array<i32>} : memref<2x16x768xf32, #tpu.memory_space<vmem>>, vector<16xf32>,
        %parallel_loop3A_415 = arith.addf %parallel_loop3A_410, %parallel_loop3A_414 : vector<16xf32>
        %parallel_loop3A_416 = arith.index_cast %and3A_77 : i32 to index
        %parallel_loop3A_417 = arith.index_cast %parallel_loop3A_150 : i32 to index
        %parallel_loop3A_418 = arith.constant 240 : index
        %parallel_loop3A_419 = tpu.vector_load %arg11[%parallel_loop3A_416, %parallel_loop3A_417, %parallel_loop3A_418] {strides = array<i32>} : memref<2x16x768xf32, #tpu.memory_space<vmem>>, vector<16xf32>,
        tpu.vector_store %arg11[%parallel_loop3A_416, %parallel_loop3A_417, %parallel_loop3A_418], %parallel_loop3A_415 {strides = array<i32>} : memref<2x16x768xf32, #tpu.memory_space<vmem>>, vector<16xf32>,
        %parallel_loop3A_420 = arith.addf %parallel_loop3A_356, %parallel_loop3A_415 : vector<16xf32>
        %parallel_loop3A_421 = arith.mulf %parallel_loop3A_415, %parallel_loop3A_415 : vector<16xf32>
        %parallel_loop3A_422 = arith.addf %parallel_loop3A_358, %parallel_loop3A_421 : vector<16xf32>
        %parallel_loop3A_423 = arith.index_cast %and3A_77 : i32 to index
        %parallel_loop3A_424 = arith.index_cast %parallel_loop3A_150 : i32 to index
        %parallel_loop3A_425 = arith.constant 256 : index
        %parallel_loop3A_426 = tpu.vector_load %arg11[%parallel_loop3A_423, %parallel_loop3A_424, %parallel_loop3A_425] {strides = array<i32>} : memref<2x16x768xf32, #tpu.memory_space<vmem>>, vector<16xf32>,
        %parallel_loop3A_427 = arith.index_cast %and3A_77 : i32 to index
        %parallel_loop3A_428 = arith.index_cast %parallel_loop3A_150 : i32 to index
        %parallel_loop3A_429 = arith.constant 256 : index
        %parallel_loop3A_430 = tpu.vector_load %arg12[%parallel_loop3A_427, %parallel_loop3A_428, %parallel_loop3A_429] {strides = array<i32>} : memref<2x16x768xf32, #tpu.memory_space<vmem>>, vector<16xf32>,
        %parallel_loop3A_431 = arith.addf %parallel_loop3A_426, %parallel_loop3A_430 : vector<16xf32>
        %parallel_loop3A_432 = arith.index_cast %and3A_77 : i32 to index
        %parallel_loop3A_433 = arith.index_cast %parallel_loop3A_150 : i32 to index
        %parallel_loop3A_434 = arith.constant 256 : index
        %parallel_loop3A_435 = tpu.vector_load %arg11[%parallel_loop3A_432, %parallel_loop3A_433, %parallel_loop3A_434] {strides = array<i32>} : memref<2x16x768xf32, #tpu.memory_space<vmem>>, vector<16xf32>,
        tpu.vector_store %arg11[%parallel_loop3A_432, %parallel_loop3A_433, %parallel_loop3A_434], %parallel_loop3A_431 {strides = array<i32>} : memref<2x16x768xf32, #tpu.memory_space<vmem>>, vector<16xf32>,
        %parallel_loop3A_436 = arith.addf %parallel_loop3A_372, %parallel_loop3A_431 : vector<16xf32>
        %parallel_loop3A_437 = arith.mulf %parallel_loop3A_431, %parallel_loop3A_431 : vector<16xf32>
        %parallel_loop3A_438 = arith.addf %parallel_loop3A_374, %parallel_loop3A_437 : vector<16xf32>
        %parallel_loop3A_439 = arith.index_cast %and3A_77 : i32 to index
        %parallel_loop3A_440 = arith.index_cast %parallel_loop3A_150 : i32 to index
        %parallel_loop3A_441 = arith.constant 272 : index
        %parallel_loop3A_442 = tpu.vector_load %arg11[%parallel_loop3A_439, %parallel_loop3A_440, %parallel_loop3A_441] {strides = array<i32>} : memref<2x16x768xf32, #tpu.memory_space<vmem>>, vector<16xf32>,
        %parallel_loop3A_443 = arith.index_cast %and3A_77 : i32 to index
        %parallel_loop3A_444 = arith.index_cast %parallel_loop3A_150 : i32 to index
        %parallel_loop3A_445 = arith.constant 272 : index
        %parallel_loop3A_446 = tpu.vector_load %arg12[%parallel_loop3A_443, %parallel_loop3A_444, %parallel_loop3A_445] {strides = array<i32>} : memref<2x16x768xf32, #tpu.memory_space<vmem>>, vector<16xf32>,
        %parallel_loop3A_447 = arith.addf %parallel_loop3A_442, %parallel_loop3A_446 : vector<16xf32>
        %parallel_loop3A_448 = arith.index_cast %and3A_77 : i32 to index
        %parallel_loop3A_449 = arith.index_cast %parallel_loop3A_150 : i32 to index
        %parallel_loop3A_450 = arith.constant 272 : index
        %parallel_loop3A_451 = tpu.vector_load %arg11[%parallel_loop3A_448, %parallel_loop3A_449, %parallel_loop3A_450] {strides = array<i32>} : memref<2x16x768xf32, #tpu.memory_space<vmem>>, vector<16xf32>,
        tpu.vector_store %arg11[%parallel_loop3A_448, %parallel_loop3A_449, %parallel_loop3A_450], %parallel_loop3A_447 {strides = array<i32>} : memref<2x16x768xf32, #tpu.memory_space<vmem>>, vector<16xf32>,
        %parallel_loop3A_452 = arith.addf %parallel_loop3A_388, %parallel_loop3A_447 : vector<16xf32>
        %parallel_loop3A_453 = arith.mulf %parallel_loop3A_447, %parallel_loop3A_447 : vector<16xf32>
        %parallel_loop3A_454 = arith.addf %parallel_loop3A_390, %parallel_loop3A_453 : vector<16xf32>
        %parallel_loop3A_455 = arith.index_cast %and3A_77 : i32 to index
        %parallel_loop3A_456 = arith.index_cast %parallel_loop3A_150 : i32 to index
        %parallel_loop3A_457 = arith.constant 288 : index
        %parallel_loop3A_458 = tpu.vector_load %arg11[%parallel_loop3A_455, %parallel_loop3A_456, %parallel_loop3A_457] {strides = array<i32>} : memref<2x16x768xf32, #tpu.memory_space<vmem>>, vector<16xf32>,
        %parallel_loop3A_459 = arith.index_cast %and3A_77 : i32 to index
        %parallel_loop3A_460 = arith.index_cast %parallel_loop3A_150 : i32 to index
        %parallel_loop3A_461 = arith.constant 288 : index
        %parallel_loop3A_462 = tpu.vector_load %arg12[%parallel_loop3A_459, %parallel_loop3A_460, %parallel_loop3A_461] {strides = array<i32>} : memref<2x16x768xf32, #tpu.memory_space<vmem>>, vector<16xf32>,
        %parallel_loop3A_463 = arith.addf %parallel_loop3A_458, %parallel_loop3A_462 : vector<16xf32>
        %parallel_loop3A_464 = arith.index_cast %and3A_77 : i32 to index
        %parallel_loop3A_465 = arith.index_cast %parallel_loop3A_150 : i32 to index
        %parallel_loop3A_466 = arith.constant 288 : index
        %parallel_loop3A_467 = tpu.vector_load %arg11[%parallel_loop3A_464, %parallel_loop3A_465, %parallel_loop3A_466] {strides = array<i32>} : memref<2x16x768xf32, #tpu.memory_space<vmem>>, vector<16xf32>,
        tpu.vector_store %arg11[%parallel_loop3A_464, %parallel_loop3A_465, %parallel_loop3A_466], %parallel_loop3A_463 {strides = array<i32>} : memref<2x16x768xf32, #tpu.memory_space<vmem>>, vector<16xf32>,
        %parallel_loop3A_468 = arith.addf %parallel_loop3A_404, %parallel_loop3A_463 : vector<16xf32>
        %parallel_loop3A_469 = arith.mulf %parallel_loop3A_463, %parallel_loop3A_463 : vector<16xf32>
        %parallel_loop3A_470 = arith.addf %parallel_loop3A_406, %parallel_loop3A_469 : vector<16xf32>
        %parallel_loop3A_471 = arith.index_cast %and3A_77 : i32 to index
        %parallel_loop3A_472 = arith.index_cast %parallel_loop3A_150 : i32 to index
        %parallel_loop3A_473 = arith.constant 304 : index
        %parallel_loop3A_474 = tpu.vector_load %arg11[%parallel_loop3A_471, %parallel_loop3A_472, %parallel_loop3A_473] {strides = array<i32>} : memref<2x16x768xf32, #tpu.memory_space<vmem>>, vector<16xf32>,
        %parallel_loop3A_475 = arith.index_cast %and3A_77 : i32 to index
        %parallel_loop3A_476 = arith.index_cast %parallel_loop3A_150 : i32 to index
        %parallel_loop3A_477 = arith.constant 304 : index
        %parallel_loop3A_478 = tpu.vector_load %arg12[%parallel_loop3A_475, %parallel_loop3A_476, %parallel_loop3A_477] {strides = array<i32>} : memref<2x16x768xf32, #tpu.memory_space<vmem>>, vector<16xf32>,
        %parallel_loop3A_479 = arith.addf %parallel_loop3A_474, %parallel_loop3A_478 : vector<16xf32>
        %parallel_loop3A_480 = arith.index_cast %and3A_77 : i32 to index
        %parallel_loop3A_481 = arith.index_cast %parallel_loop3A_150 : i32 to index
        %parallel_loop3A_482 = arith.constant 304 : index
        %parallel_loop3A_483 = tpu.vector_load %arg11[%parallel_loop3A_480, %parallel_loop3A_481, %parallel_loop3A_482] {strides = array<i32>} : memref<2x16x768xf32, #tpu.memory_space<vmem>>, vector<16xf32>,
        tpu.vector_store %arg11[%parallel_loop3A_480, %parallel_loop3A_481, %parallel_loop3A_482], %parallel_loop3A_479 {strides = array<i32>} : memref<2x16x768xf32, #tpu.memory_space<vmem>>, vector<16xf32>,
        %parallel_loop3A_484 = arith.addf %parallel_loop3A_420, %parallel_loop3A_479 : vector<16xf32>
        %parallel_loop3A_485 = arith.mulf %parallel_loop3A_479, %parallel_loop3A_479 : vector<16xf32>
        %parallel_loop3A_486 = arith.addf %parallel_loop3A_422, %parallel_loop3A_485 : vector<16xf32>
        %parallel_loop3A_487 = arith.index_cast %and3A_77 : i32 to index
        %parallel_loop3A_488 = arith.index_cast %parallel_loop3A_150 : i32 to index
        %parallel_loop3A_489 = arith.constant 320 : index
        %parallel_loop3A_490 = tpu.vector_load %arg11[%parallel_loop3A_487, %parallel_loop3A_488, %parallel_loop3A_489] {strides = array<i32>} : memref<2x16x768xf32, #tpu.memory_space<vmem>>, vector<16xf32>,
        %parallel_loop3A_491 = arith.index_cast %and3A_77 : i32 to index
        %parallel_loop3A_492 = arith.index_cast %parallel_loop3A_150 : i32 to index
        %parallel_loop3A_493 = arith.constant 320 : index
        %parallel_loop3A_494 = tpu.vector_load %arg12[%parallel_loop3A_491, %parallel_loop3A_492, %parallel_loop3A_493] {strides = array<i32>} : memref<2x16x768xf32, #tpu.memory_space<vmem>>, vector<16xf32>,
        %parallel_loop3A_495 = arith.addf %parallel_loop3A_490, %parallel_loop3A_494 : vector<16xf32>
        %parallel_loop3A_496 = arith.index_cast %and3A_77 : i32 to index
        %parallel_loop3A_497 = arith.index_cast %parallel_loop3A_150 : i32 to index
        %parallel_loop3A_498 = arith.constant 320 : index
        %parallel_loop3A_499 = tpu.vector_load %arg11[%parallel_loop3A_496, %parallel_loop3A_497, %parallel_loop3A_498] {strides = array<i32>} : memref<2x16x768xf32, #tpu.memory_space<vmem>>, vector<16xf32>,
        tpu.vector_store %arg11[%parallel_loop3A_496, %parallel_loop3A_497, %parallel_loop3A_498], %parallel_loop3A_495 {strides = array<i32>} : memref<2x16x768xf32, #tpu.memory_space<vmem>>, vector<16xf32>,
        %parallel_loop3A_500 = arith.addf %parallel_loop3A_436, %parallel_loop3A_495 : vector<16xf32>
        %parallel_loop3A_501 = arith.mulf %parallel_loop3A_495, %parallel_loop3A_495 : vector<16xf32>
        %parallel_loop3A_502 = arith.addf %parallel_loop3A_438, %parallel_loop3A_501 : vector<16xf32>
        %parallel_loop3A_503 = arith.index_cast %and3A_77 : i32 to index
        %parallel_loop3A_504 = arith.index_cast %parallel_loop3A_150 : i32 to index
        %parallel_loop3A_505 = arith.constant 336 : index
        %parallel_loop3A_506 = tpu.vector_load %arg11[%parallel_loop3A_503, %parallel_loop3A_504, %parallel_loop3A_505] {strides = array<i32>} : memref<2x16x768xf32, #tpu.memory_space<vmem>>, vector<16xf32>,
        %parallel_loop3A_507 = arith.index_cast %and3A_77 : i32 to index
        %parallel_loop3A_508 = arith.index_cast %parallel_loop3A_150 : i32 to index
        %parallel_loop3A_509 = arith.constant 336 : index
        %parallel_loop3A_510 = tpu.vector_load %arg12[%parallel_loop3A_507, %parallel_loop3A_508, %parallel_loop3A_509] {strides = array<i32>} : memref<2x16x768xf32, #tpu.memory_space<vmem>>, vector<16xf32>,
        %parallel_loop3A_511 = arith.addf %parallel_loop3A_506, %parallel_loop3A_510 : vector<16xf32>
        %parallel_loop3A_512 = arith.index_cast %and3A_77 : i32 to index
        %parallel_loop3A_513 = arith.index_cast %parallel_loop3A_150 : i32 to index
        %parallel_loop3A_514 = arith.constant 336 : index
        %parallel_loop3A_515 = tpu.vector_load %arg11[%parallel_loop3A_512, %parallel_loop3A_513, %parallel_loop3A_514] {strides = array<i32>} : memref<2x16x768xf32, #tpu.memory_space<vmem>>, vector<16xf32>,
        tpu.vector_store %arg11[%parallel_loop3A_512, %parallel_loop3A_513, %parallel_loop3A_514], %parallel_loop3A_511 {strides = array<i32>} : memref<2x16x768xf32, #tpu.memory_space<vmem>>, vector<16xf32>,
        %parallel_loop3A_516 = arith.addf %parallel_loop3A_452, %parallel_loop3A_511 : vector<16xf32>
        %parallel_loop3A_517 = arith.mulf %parallel_loop3A_511, %parallel_loop3A_511 : vector<16xf32>
        %parallel_loop3A_518 = arith.addf %parallel_loop3A_454, %parallel_loop3A_517 : vector<16xf32>
        %parallel_loop3A_519 = arith.index_cast %and3A_77 : i32 to index
        %parallel_loop3A_520 = arith.index_cast %parallel_loop3A_150 : i32 to index
        %parallel_loop3A_521 = arith.constant 352 : index
        %parallel_loop3A_522 = tpu.vector_load %arg11[%parallel_loop3A_519, %parallel_loop3A_520, %parallel_loop3A_521] {strides = array<i32>} : memref<2x16x768xf32, #tpu.memory_space<vmem>>, vector<16xf32>,
        %parallel_loop3A_523 = arith.index_cast %and3A_77 : i32 to index
        %parallel_loop3A_524 = arith.index_cast %parallel_loop3A_150 : i32 to index
        %parallel_loop3A_525 = arith.constant 352 : index
        %parallel_loop3A_526 = tpu.vector_load %arg12[%parallel_loop3A_523, %parallel_loop3A_524, %parallel_loop3A_525] {strides = array<i32>} : memref<2x16x768xf32, #tpu.memory_space<vmem>>, vector<16xf32>,
        %parallel_loop3A_527 = arith.addf %parallel_loop3A_522, %parallel_loop3A_526 : vector<16xf32>
        %parallel_loop3A_528 = arith.index_cast %and3A_77 : i32 to index
        %parallel_loop3A_529 = arith.index_cast %parallel_loop3A_150 : i32 to index
        %parallel_loop3A_530 = arith.constant 352 : index
        %parallel_loop3A_531 = tpu.vector_load %arg11[%parallel_loop3A_528, %parallel_loop3A_529, %parallel_loop3A_530] {strides = array<i32>} : memref<2x16x768xf32, #tpu.memory_space<vmem>>, vector<16xf32>,
        tpu.vector_store %arg11[%parallel_loop3A_528, %parallel_loop3A_529, %parallel_loop3A_530], %parallel_loop3A_527 {strides = array<i32>} : memref<2x16x768xf32, #tpu.memory_space<vmem>>, vector<16xf32>,
        %parallel_loop3A_532 = arith.addf %parallel_loop3A_468, %parallel_loop3A_527 : vector<16xf32>
        %parallel_loop3A_533 = arith.mulf %parallel_loop3A_527, %parallel_loop3A_527 : vector<16xf32>
        %parallel_loop3A_534 = arith.addf %parallel_loop3A_470, %parallel_loop3A_533 : vector<16xf32>
        %parallel_loop3A_535 = arith.index_cast %and3A_77 : i32 to index
        %parallel_loop3A_536 = arith.index_cast %parallel_loop3A_150 : i32 to index
        %parallel_loop3A_537 = arith.constant 368 : index
        %parallel_loop3A_538 = tpu.vector_load %arg11[%parallel_loop3A_535, %parallel_loop3A_536, %parallel_loop3A_537] {strides = array<i32>} : memref<2x16x768xf32, #tpu.memory_space<vmem>>, vector<16xf32>,
        %parallel_loop3A_539 = arith.index_cast %and3A_77 : i32 to index
        %parallel_loop3A_540 = arith.index_cast %parallel_loop3A_150 : i32 to index
        %parallel_loop3A_541 = arith.constant 368 : index
        %parallel_loop3A_542 = tpu.vector_load %arg12[%parallel_loop3A_539, %parallel_loop3A_540, %parallel_loop3A_541] {strides = array<i32>} : memref<2x16x768xf32, #tpu.memory_space<vmem>>, vector<16xf32>,
        %parallel_loop3A_543 = arith.addf %parallel_loop3A_538, %parallel_loop3A_542 : vector<16xf32>
        %parallel_loop3A_544 = arith.index_cast %and3A_77 : i32 to index
        %parallel_loop3A_545 = arith.index_cast %parallel_loop3A_150 : i32 to index
        %parallel_loop3A_546 = arith.constant 368 : index
        %parallel_loop3A_547 = tpu.vector_load %arg11[%parallel_loop3A_544, %parallel_loop3A_545, %parallel_loop3A_546] {strides = array<i32>} : memref<2x16x768xf32, #tpu.memory_space<vmem>>, vector<16xf32>,
        tpu.vector_store %arg11[%parallel_loop3A_544, %parallel_loop3A_545, %parallel_loop3A_546], %parallel_loop3A_543 {strides = array<i32>} : memref<2x16x768xf32, #tpu.memory_space<vmem>>, vector<16xf32>,
        %parallel_loop3A_548 = arith.addf %parallel_loop3A_484, %parallel_loop3A_543 : vector<16xf32>
        %parallel_loop3A_549 = arith.mulf %parallel_loop3A_543, %parallel_loop3A_543 : vector<16xf32>
        %parallel_loop3A_550 = arith.addf %parallel_loop3A_486, %parallel_loop3A_549 : vector<16xf32>
        %parallel_loop3A_551 = arith.index_cast %and3A_77 : i32 to index
        %parallel_loop3A_552 = arith.index_cast %parallel_loop3A_150 : i32 to index
        %parallel_loop3A_553 = arith.constant 384 : index
        %parallel_loop3A_554 = tpu.vector_load %arg11[%parallel_loop3A_551, %parallel_loop3A_552, %parallel_loop3A_553] {strides = array<i32>} : memref<2x16x768xf32, #tpu.memory_space<vmem>>, vector<16xf32>,
        %parallel_loop3A_555 = arith.index_cast %and3A_77 : i32 to index
        %parallel_loop3A_556 = arith.index_cast %parallel_loop3A_150 : i32 to index
        %parallel_loop3A_557 = arith.constant 384 : index
        %parallel_loop3A_558 = tpu.vector_load %arg12[%parallel_loop3A_555, %parallel_loop3A_556, %parallel_loop3A_557] {strides = array<i32>} : memref<2x16x768xf32, #tpu.memory_space<vmem>>, vector<16xf32>,
        %parallel_loop3A_559 = arith.addf %parallel_loop3A_554, %parallel_loop3A_558 : vector<16xf32>
        %parallel_loop3A_560 = arith.index_cast %and3A_77 : i32 to index
        %parallel_loop3A_561 = arith.index_cast %parallel_loop3A_150 : i32 to index
        %parallel_loop3A_562 = arith.constant 384 : index
        %parallel_loop3A_563 = tpu.vector_load %arg11[%parallel_loop3A_560, %parallel_loop3A_561, %parallel_loop3A_562] {strides = array<i32>} : memref<2x16x768xf32, #tpu.memory_space<vmem>>, vector<16xf32>,
        tpu.vector_store %arg11[%parallel_loop3A_560, %parallel_loop3A_561, %parallel_loop3A_562], %parallel_loop3A_559 {strides = array<i32>} : memref<2x16x768xf32, #tpu.memory_space<vmem>>, vector<16xf32>,
        %parallel_loop3A_564 = arith.addf %parallel_loop3A_500, %parallel_loop3A_559 : vector<16xf32>
        %parallel_loop3A_565 = arith.mulf %parallel_loop3A_559, %parallel_loop3A_559 : vector<16xf32>
        %parallel_loop3A_566 = arith.addf %parallel_loop3A_502, %parallel_loop3A_565 : vector<16xf32>
        %parallel_loop3A_567 = arith.index_cast %and3A_77 : i32 to index
        %parallel_loop3A_568 = arith.index_cast %parallel_loop3A_150 : i32 to index
        %parallel_loop3A_569 = arith.constant 400 : index
        %parallel_loop3A_570 = tpu.vector_load %arg11[%parallel_loop3A_567, %parallel_loop3A_568, %parallel_loop3A_569] {strides = array<i32>} : memref<2x16x768xf32, #tpu.memory_space<vmem>>, vector<16xf32>,
        %parallel_loop3A_571 = arith.index_cast %and3A_77 : i32 to index
        %parallel_loop3A_572 = arith.index_cast %parallel_loop3A_150 : i32 to index
        %parallel_loop3A_573 = arith.constant 400 : index
        %parallel_loop3A_574 = tpu.vector_load %arg12[%parallel_loop3A_571, %parallel_loop3A_572, %parallel_loop3A_573] {strides = array<i32>} : memref<2x16x768xf32, #tpu.memory_space<vmem>>, vector<16xf32>,
        %parallel_loop3A_575 = arith.addf %parallel_loop3A_570, %parallel_loop3A_574 : vector<16xf32>
        %parallel_loop3A_576 = arith.index_cast %and3A_77 : i32 to index
        %parallel_loop3A_577 = arith.index_cast %parallel_loop3A_150 : i32 to index
        %parallel_loop3A_578 = arith.constant 400 : index
        %parallel_loop3A_579 = tpu.vector_load %arg11[%parallel_loop3A_576, %parallel_loop3A_577, %parallel_loop3A_578] {strides = array<i32>} : memref<2x16x768xf32, #tpu.memory_space<vmem>>, vector<16xf32>,
        tpu.vector_store %arg11[%parallel_loop3A_576, %parallel_loop3A_577, %parallel_loop3A_578], %parallel_loop3A_575 {strides = array<i32>} : memref<2x16x768xf32, #tpu.memory_space<vmem>>, vector<16xf32>,
        %parallel_loop3A_580 = arith.addf %parallel_loop3A_516, %parallel_loop3A_575 : vector<16xf32>
        %parallel_loop3A_581 = arith.mulf %parallel_loop3A_575, %parallel_loop3A_575 : vector<16xf32>
        %parallel_loop3A_582 = arith.addf %parallel_loop3A_518, %parallel_loop3A_581 : vector<16xf32>
        %parallel_loop3A_583 = arith.index_cast %and3A_77 : i32 to index
        %parallel_loop3A_584 = arith.index_cast %parallel_loop3A_150 : i32 to index
        %parallel_loop3A_585 = arith.constant 416 : index
        %parallel_loop3A_586 = tpu.vector_load %arg11[%parallel_loop3A_583, %parallel_loop3A_584, %parallel_loop3A_585] {strides = array<i32>} : memref<2x16x768xf32, #tpu.memory_space<vmem>>, vector<16xf32>,
        %parallel_loop3A_587 = arith.index_cast %and3A_77 : i32 to index
        %parallel_loop3A_588 = arith.index_cast %parallel_loop3A_150 : i32 to index
        %parallel_loop3A_589 = arith.constant 416 : index
        %parallel_loop3A_590 = tpu.vector_load %arg12[%parallel_loop3A_587, %parallel_loop3A_588, %parallel_loop3A_589] {strides = array<i32>} : memref<2x16x768xf32, #tpu.memory_space<vmem>>, vector<16xf32>,
        %parallel_loop3A_591 = arith.addf %parallel_loop3A_586, %parallel_loop3A_590 : vector<16xf32>
        %parallel_loop3A_592 = arith.index_cast %and3A_77 : i32 to index
        %parallel_loop3A_593 = arith.index_cast %parallel_loop3A_150 : i32 to index
        %parallel_loop3A_594 = arith.constant 416 : index
        %parallel_loop3A_595 = tpu.vector_load %arg11[%parallel_loop3A_592, %parallel_loop3A_593, %parallel_loop3A_594] {strides = array<i32>} : memref<2x16x768xf32, #tpu.memory_space<vmem>>, vector<16xf32>,
        tpu.vector_store %arg11[%parallel_loop3A_592, %parallel_loop3A_593, %parallel_loop3A_594], %parallel_loop3A_591 {strides = array<i32>} : memref<2x16x768xf32, #tpu.memory_space<vmem>>, vector<16xf32>,
        %parallel_loop3A_596 = arith.addf %parallel_loop3A_532, %parallel_loop3A_591 : vector<16xf32>
        %parallel_loop3A_597 = arith.mulf %parallel_loop3A_591, %parallel_loop3A_591 : vector<16xf32>
        %parallel_loop3A_598 = arith.addf %parallel_loop3A_534, %parallel_loop3A_597 : vector<16xf32>
        %parallel_loop3A_599 = arith.index_cast %and3A_77 : i32 to index
        %parallel_loop3A_600 = arith.index_cast %parallel_loop3A_150 : i32 to index
        %parallel_loop3A_601 = arith.constant 432 : index
        %parallel_loop3A_602 = tpu.vector_load %arg11[%parallel_loop3A_599, %parallel_loop3A_600, %parallel_loop3A_601] {strides = array<i32>} : memref<2x16x768xf32, #tpu.memory_space<vmem>>, vector<16xf32>,
        %parallel_loop3A_603 = arith.index_cast %and3A_77 : i32 to index
        %parallel_loop3A_604 = arith.index_cast %parallel_loop3A_150 : i32 to index
        %parallel_loop3A_605 = arith.constant 432 : index
        %parallel_loop3A_606 = tpu.vector_load %arg12[%parallel_loop3A_603, %parallel_loop3A_604, %parallel_loop3A_605] {strides = array<i32>} : memref<2x16x768xf32, #tpu.memory_space<vmem>>, vector<16xf32>,
        %parallel_loop3A_607 = arith.addf %parallel_loop3A_602, %parallel_loop3A_606 : vector<16xf32>
        %parallel_loop3A_608 = arith.index_cast %and3A_77 : i32 to index
        %parallel_loop3A_609 = arith.index_cast %parallel_loop3A_150 : i32 to index
        %parallel_loop3A_610 = arith.constant 432 : index
        %parallel_loop3A_611 = tpu.vector_load %arg11[%parallel_loop3A_608, %parallel_loop3A_609, %parallel_loop3A_610] {strides = array<i32>} : memref<2x16x768xf32, #tpu.memory_space<vmem>>, vector<16xf32>,
        tpu.vector_store %arg11[%parallel_loop3A_608, %parallel_loop3A_609, %parallel_loop3A_610], %parallel_loop3A_607 {strides = array<i32>} : memref<2x16x768xf32, #tpu.memory_space<vmem>>, vector<16xf32>,
        %parallel_loop3A_612 = arith.addf %parallel_loop3A_548, %parallel_loop3A_607 : vector<16xf32>
        %parallel_loop3A_613 = arith.mulf %parallel_loop3A_607, %parallel_loop3A_607 : vector<16xf32>
        %parallel_loop3A_614 = arith.addf %parallel_loop3A_550, %parallel_loop3A_613 : vector<16xf32>
        %parallel_loop3A_615 = arith.index_cast %and3A_77 : i32 to index
        %parallel_loop3A_616 = arith.index_cast %parallel_loop3A_150 : i32 to index
        %parallel_loop3A_617 = arith.constant 448 : index
        %parallel_loop3A_618 = tpu.vector_load %arg11[%parallel_loop3A_615, %parallel_loop3A_616, %parallel_loop3A_617] {strides = array<i32>} : memref<2x16x768xf32, #tpu.memory_space<vmem>>, vector<16xf32>,
        %parallel_loop3A_619 = arith.index_cast %and3A_77 : i32 to index
        %parallel_loop3A_620 = arith.index_cast %parallel_loop3A_150 : i32 to index
        %parallel_loop3A_621 = arith.constant 448 : index
        %parallel_loop3A_622 = tpu.vector_load %arg12[%parallel_loop3A_619, %parallel_loop3A_620, %parallel_loop3A_621] {strides = array<i32>} : memref<2x16x768xf32, #tpu.memory_space<vmem>>, vector<16xf32>,
        %parallel_loop3A_623 = arith.addf %parallel_loop3A_618, %parallel_loop3A_622 : vector<16xf32>
        %parallel_loop3A_624 = arith.index_cast %and3A_77 : i32 to index
        %parallel_loop3A_625 = arith.index_cast %parallel_loop3A_150 : i32 to index
        %parallel_loop3A_626 = arith.constant 448 : index
        %parallel_loop3A_627 = tpu.vector_load %arg11[%parallel_loop3A_624, %parallel_loop3A_625, %parallel_loop3A_626] {strides = array<i32>} : memref<2x16x768xf32, #tpu.memory_space<vmem>>, vector<16xf32>,
        tpu.vector_store %arg11[%parallel_loop3A_624, %parallel_loop3A_625, %parallel_loop3A_626], %parallel_loop3A_623 {strides = array<i32>} : memref<2x16x768xf32, #tpu.memory_space<vmem>>, vector<16xf32>,
        %parallel_loop3A_628 = arith.addf %parallel_loop3A_564, %parallel_loop3A_623 : vector<16xf32>
        %parallel_loop3A_629 = arith.mulf %parallel_loop3A_623, %parallel_loop3A_623 : vector<16xf32>
        %parallel_loop3A_630 = arith.addf %parallel_loop3A_566, %parallel_loop3A_629 : vector<16xf32>
        %parallel_loop3A_631 = arith.index_cast %and3A_77 : i32 to index
        %parallel_loop3A_632 = arith.index_cast %parallel_loop3A_150 : i32 to index
        %parallel_loop3A_633 = arith.constant 464 : index
        %parallel_loop3A_634 = tpu.vector_load %arg11[%parallel_loop3A_631, %parallel_loop3A_632, %parallel_loop3A_633] {strides = array<i32>} : memref<2x16x768xf32, #tpu.memory_space<vmem>>, vector<16xf32>,
        %parallel_loop3A_635 = arith.index_cast %and3A_77 : i32 to index
        %parallel_loop3A_636 = arith.index_cast %parallel_loop3A_150 : i32 to index
        %parallel_loop3A_637 = arith.constant 464 : index
        %parallel_loop3A_638 = tpu.vector_load %arg12[%parallel_loop3A_635, %parallel_loop3A_636, %parallel_loop3A_637] {strides = array<i32>} : memref<2x16x768xf32, #tpu.memory_space<vmem>>, vector<16xf32>,
        %parallel_loop3A_639 = arith.addf %parallel_loop3A_634, %parallel_loop3A_638 : vector<16xf32>
        %parallel_loop3A_640 = arith.index_cast %and3A_77 : i32 to index
        %parallel_loop3A_641 = arith.index_cast %parallel_loop3A_150 : i32 to index
        %parallel_loop3A_642 = arith.constant 464 : index
        %parallel_loop3A_643 = tpu.vector_load %arg11[%parallel_loop3A_640, %parallel_loop3A_641, %parallel_loop3A_642] {strides = array<i32>} : memref<2x16x768xf32, #tpu.memory_space<vmem>>, vector<16xf32>,
        tpu.vector_store %arg11[%parallel_loop3A_640, %parallel_loop3A_641, %parallel_loop3A_642], %parallel_loop3A_639 {strides = array<i32>} : memref<2x16x768xf32, #tpu.memory_space<vmem>>, vector<16xf32>,
        %parallel_loop3A_644 = arith.addf %parallel_loop3A_580, %parallel_loop3A_639 : vector<16xf32>
        %parallel_loop3A_645 = arith.mulf %parallel_loop3A_639, %parallel_loop3A_639 : vector<16xf32>
        %parallel_loop3A_646 = arith.addf %parallel_loop3A_582, %parallel_loop3A_645 : vector<16xf32>
        %parallel_loop3A_647 = arith.index_cast %and3A_77 : i32 to index
        %parallel_loop3A_648 = arith.index_cast %parallel_loop3A_150 : i32 to index
        %parallel_loop3A_649 = arith.constant 480 : index
        %parallel_loop3A_650 = tpu.vector_load %arg11[%parallel_loop3A_647, %parallel_loop3A_648, %parallel_loop3A_649] {strides = array<i32>} : memref<2x16x768xf32, #tpu.memory_space<vmem>>, vector<16xf32>,
        %parallel_loop3A_651 = arith.index_cast %and3A_77 : i32 to index
        %parallel_loop3A_652 = arith.index_cast %parallel_loop3A_150 : i32 to index
        %parallel_loop3A_653 = arith.constant 480 : index
        %parallel_loop3A_654 = tpu.vector_load %arg12[%parallel_loop3A_651, %parallel_loop3A_652, %parallel_loop3A_653] {strides = array<i32>} : memref<2x16x768xf32, #tpu.memory_space<vmem>>, vector<16xf32>,
        %parallel_loop3A_655 = arith.addf %parallel_loop3A_650, %parallel_loop3A_654 : vector<16xf32>
        %parallel_loop3A_656 = arith.index_cast %and3A_77 : i32 to index
        %parallel_loop3A_657 = arith.index_cast %parallel_loop3A_150 : i32 to index
        %parallel_loop3A_658 = arith.constant 480 : index
        %parallel_loop3A_659 = tpu.vector_load %arg11[%parallel_loop3A_656, %parallel_loop3A_657, %parallel_loop3A_658] {strides = array<i32>} : memref<2x16x768xf32, #tpu.memory_space<vmem>>, vector<16xf32>,
        tpu.vector_store %arg11[%parallel_loop3A_656, %parallel_loop3A_657, %parallel_loop3A_658], %parallel_loop3A_655 {strides = array<i32>} : memref<2x16x768xf32, #tpu.memory_space<vmem>>, vector<16xf32>,
        %parallel_loop3A_660 = arith.addf %parallel_loop3A_596, %parallel_loop3A_655 : vector<16xf32>
        %parallel_loop3A_661 = arith.mulf %parallel_loop3A_655, %parallel_loop3A_655 : vector<16xf32>
        %parallel_loop3A_662 = arith.addf %parallel_loop3A_598, %parallel_loop3A_661 : vector<16xf32>
        %parallel_loop3A_663 = arith.index_cast %and3A_77 : i32 to index
        %parallel_loop3A_664 = arith.index_cast %parallel_loop3A_150 : i32 to index
        %parallel_loop3A_665 = arith.constant 496 : index
        %parallel_loop3A_666 = tpu.vector_load %arg11[%parallel_loop3A_663, %parallel_loop3A_664, %parallel_loop3A_665] {strides = array<i32>} : memref<2x16x768xf32, #tpu.memory_space<vmem>>, vector<16xf32>,
        %parallel_loop3A_667 = arith.index_cast %and3A_77 : i32 to index
        %parallel_loop3A_668 = arith.index_cast %parallel_loop3A_150 : i32 to index
        %parallel_loop3A_669 = arith.constant 496 : index
        %parallel_loop3A_670 = tpu.vector_load %arg12[%parallel_loop3A_667, %parallel_loop3A_668, %parallel_loop3A_669] {strides = array<i32>} : memref<2x16x768xf32, #tpu.memory_space<vmem>>, vector<16xf32>,
        %parallel_loop3A_671 = arith.addf %parallel_loop3A_666, %parallel_loop3A_670 : vector<16xf32>
        %parallel_loop3A_672 = arith.index_cast %and3A_77 : i32 to index
        %parallel_loop3A_673 = arith.index_cast %parallel_loop3A_150 : i32 to index
        %parallel_loop3A_674 = arith.constant 496 : index
        %parallel_loop3A_675 = tpu.vector_load %arg11[%parallel_loop3A_672, %parallel_loop3A_673, %parallel_loop3A_674] {strides = array<i32>} : memref<2x16x768xf32, #tpu.memory_space<vmem>>, vector<16xf32>,
        tpu.vector_store %arg11[%parallel_loop3A_672, %parallel_loop3A_673, %parallel_loop3A_674], %parallel_loop3A_671 {strides = array<i32>} : memref<2x16x768xf32, #tpu.memory_space<vmem>>, vector<16xf32>,
        %parallel_loop3A_676 = arith.addf %parallel_loop3A_612, %parallel_loop3A_671 : vector<16xf32>
        %parallel_loop3A_677 = arith.mulf %parallel_loop3A_671, %parallel_loop3A_671 : vector<16xf32>
        %parallel_loop3A_678 = arith.addf %parallel_loop3A_614, %parallel_loop3A_677 : vector<16xf32>
        %parallel_loop3A_679 = arith.index_cast %and3A_77 : i32 to index
        %parallel_loop3A_680 = arith.index_cast %parallel_loop3A_150 : i32 to index
        %parallel_loop3A_681 = arith.constant 512 : index
        %parallel_loop3A_682 = tpu.vector_load %arg11[%parallel_loop3A_679, %parallel_loop3A_680, %parallel_loop3A_681] {strides = array<i32>} : memref<2x16x768xf32, #tpu.memory_space<vmem>>, vector<16xf32>,
        %parallel_loop3A_683 = arith.index_cast %and3A_77 : i32 to index
        %parallel_loop3A_684 = arith.index_cast %parallel_loop3A_150 : i32 to index
        %parallel_loop3A_685 = arith.constant 512 : index
        %parallel_loop3A_686 = tpu.vector_load %arg12[%parallel_loop3A_683, %parallel_loop3A_684, %parallel_loop3A_685] {strides = array<i32>} : memref<2x16x768xf32, #tpu.memory_space<vmem>>, vector<16xf32>,
        %parallel_loop3A_687 = arith.addf %parallel_loop3A_682, %parallel_loop3A_686 : vector<16xf32>
        %parallel_loop3A_688 = arith.index_cast %and3A_77 : i32 to index
        %parallel_loop3A_689 = arith.index_cast %parallel_loop3A_150 : i32 to index
        %parallel_loop3A_690 = arith.constant 512 : index
        %parallel_loop3A_691 = tpu.vector_load %arg11[%parallel_loop3A_688, %parallel_loop3A_689, %parallel_loop3A_690] {strides = array<i32>} : memref<2x16x768xf32, #tpu.memory_space<vmem>>, vector<16xf32>,
        tpu.vector_store %arg11[%parallel_loop3A_688, %parallel_loop3A_689, %parallel_loop3A_690], %parallel_loop3A_687 {strides = array<i32>} : memref<2x16x768xf32, #tpu.memory_space<vmem>>, vector<16xf32>,
        %parallel_loop3A_692 = arith.addf %parallel_loop3A_628, %parallel_loop3A_687 : vector<16xf32>
        %parallel_loop3A_693 = arith.mulf %parallel_loop3A_687, %parallel_loop3A_687 : vector<16xf32>
        %parallel_loop3A_694 = arith.addf %parallel_loop3A_630, %parallel_loop3A_693 : vector<16xf32>
        %parallel_loop3A_695 = arith.index_cast %and3A_77 : i32 to index
        %parallel_loop3A_696 = arith.index_cast %parallel_loop3A_150 : i32 to index
        %parallel_loop3A_697 = arith.constant 528 : index
        %parallel_loop3A_698 = tpu.vector_load %arg11[%parallel_loop3A_695, %parallel_loop3A_696, %parallel_loop3A_697] {strides = array<i32>} : memref<2x16x768xf32, #tpu.memory_space<vmem>>, vector<16xf32>,
        %parallel_loop3A_699 = arith.index_cast %and3A_77 : i32 to index
        %parallel_loop3A_700 = arith.index_cast %parallel_loop3A_150 : i32 to index
        %parallel_loop3A_701 = arith.constant 528 : index
        %parallel_loop3A_702 = tpu.vector_load %arg12[%parallel_loop3A_699, %parallel_loop3A_700, %parallel_loop3A_701] {strides = array<i32>} : memref<2x16x768xf32, #tpu.memory_space<vmem>>, vector<16xf32>,
        %parallel_loop3A_703 = arith.addf %parallel_loop3A_698, %parallel_loop3A_702 : vector<16xf32>
        %parallel_loop3A_704 = arith.index_cast %and3A_77 : i32 to index
        %parallel_loop3A_705 = arith.index_cast %parallel_loop3A_150 : i32 to index
        %parallel_loop3A_706 = arith.constant 528 : index
        %parallel_loop3A_707 = tpu.vector_load %arg11[%parallel_loop3A_704, %parallel_loop3A_705, %parallel_loop3A_706] {strides = array<i32>} : memref<2x16x768xf32, #tpu.memory_space<vmem>>, vector<16xf32>,
        tpu.vector_store %arg11[%parallel_loop3A_704, %parallel_loop3A_705, %parallel_loop3A_706], %parallel_loop3A_703 {strides = array<i32>} : memref<2x16x768xf32, #tpu.memory_space<vmem>>, vector<16xf32>,
        %parallel_loop3A_708 = arith.addf %parallel_loop3A_644, %parallel_loop3A_703 : vector<16xf32>
        %parallel_loop3A_709 = arith.mulf %parallel_loop3A_703, %parallel_loop3A_703 : vector<16xf32>
        %parallel_loop3A_710 = arith.addf %parallel_loop3A_646, %parallel_loop3A_709 : vector<16xf32>
        %parallel_loop3A_711 = arith.index_cast %and3A_77 : i32 to index
        %parallel_loop3A_712 = arith.index_cast %parallel_loop3A_150 : i32 to index
        %parallel_loop3A_713 = arith.constant 544 : index
        %parallel_loop3A_714 = tpu.vector_load %arg11[%parallel_loop3A_711, %parallel_loop3A_712, %parallel_loop3A_713] {strides = array<i32>} : memref<2x16x768xf32, #tpu.memory_space<vmem>>, vector<16xf32>,
        %parallel_loop3A_715 = arith.index_cast %and3A_77 : i32 to index
        %parallel_loop3A_716 = arith.index_cast %parallel_loop3A_150 : i32 to index
        %parallel_loop3A_717 = arith.constant 544 : index
        %parallel_loop3A_718 = tpu.vector_load %arg12[%parallel_loop3A_715, %parallel_loop3A_716, %parallel_loop3A_717] {strides = array<i32>} : memref<2x16x768xf32, #tpu.memory_space<vmem>>, vector<16xf32>,
        %parallel_loop3A_719 = arith.addf %parallel_loop3A_714, %parallel_loop3A_718 : vector<16xf32>
        %parallel_loop3A_720 = arith.index_cast %and3A_77 : i32 to index
        %parallel_loop3A_721 = arith.index_cast %parallel_loop3A_150 : i32 to index
        %parallel_loop3A_722 = arith.constant 544 : index
        %parallel_loop3A_723 = tpu.vector_load %arg11[%parallel_loop3A_720, %parallel_loop3A_721, %parallel_loop3A_722] {strides = array<i32>} : memref<2x16x768xf32, #tpu.memory_space<vmem>>, vector<16xf32>,
        tpu.vector_store %arg11[%parallel_loop3A_720, %parallel_loop3A_721, %parallel_loop3A_722], %parallel_loop3A_719 {strides = array<i32>} : memref<2x16x768xf32, #tpu.memory_space<vmem>>, vector<16xf32>,
        %parallel_loop3A_724 = arith.addf %parallel_loop3A_660, %parallel_loop3A_719 : vector<16xf32>
        %parallel_loop3A_725 = arith.mulf %parallel_loop3A_719, %parallel_loop3A_719 : vector<16xf32>
        %parallel_loop3A_726 = arith.addf %parallel_loop3A_662, %parallel_loop3A_725 : vector<16xf32>
        %parallel_loop3A_727 = arith.index_cast %and3A_77 : i32 to index
        %parallel_loop3A_728 = arith.index_cast %parallel_loop3A_150 : i32 to index
        %parallel_loop3A_729 = arith.constant 560 : index
        %parallel_loop3A_730 = tpu.vector_load %arg11[%parallel_loop3A_727, %parallel_loop3A_728, %parallel_loop3A_729] {strides = array<i32>} : memref<2x16x768xf32, #tpu.memory_space<vmem>>, vector<16xf32>,
        %parallel_loop3A_731 = arith.index_cast %and3A_77 : i32 to index
        %parallel_loop3A_732 = arith.index_cast %parallel_loop3A_150 : i32 to index
        %parallel_loop3A_733 = arith.constant 560 : index
        %parallel_loop3A_734 = tpu.vector_load %arg12[%parallel_loop3A_731, %parallel_loop3A_732, %parallel_loop3A_733] {strides = array<i32>} : memref<2x16x768xf32, #tpu.memory_space<vmem>>, vector<16xf32>,
        %parallel_loop3A_735 = arith.addf %parallel_loop3A_730, %parallel_loop3A_734 : vector<16xf32>
        %parallel_loop3A_736 = arith.index_cast %and3A_77 : i32 to index
        %parallel_loop3A_737 = arith.index_cast %parallel_loop3A_150 : i32 to index
        %parallel_loop3A_738 = arith.constant 560 : index
        %parallel_loop3A_739 = tpu.vector_load %arg11[%parallel_loop3A_736, %parallel_loop3A_737, %parallel_loop3A_738] {strides = array<i32>} : memref<2x16x768xf32, #tpu.memory_space<vmem>>, vector<16xf32>,
        tpu.vector_store %arg11[%parallel_loop3A_736, %parallel_loop3A_737, %parallel_loop3A_738], %parallel_loop3A_735 {strides = array<i32>} : memref<2x16x768xf32, #tpu.memory_space<vmem>>, vector<16xf32>,
        %parallel_loop3A_740 = arith.addf %parallel_loop3A_676, %parallel_loop3A_735 : vector<16xf32>
        %parallel_loop3A_741 = arith.mulf %parallel_loop3A_735, %parallel_loop3A_735 : vector<16xf32>
        %parallel_loop3A_742 = arith.addf %parallel_loop3A_678, %parallel_loop3A_741 : vector<16xf32>
        %parallel_loop3A_743 = arith.index_cast %and3A_77 : i32 to index
        %parallel_loop3A_744 = arith.index_cast %parallel_loop3A_150 : i32 to index
        %parallel_loop3A_745 = arith.constant 576 : index
        %parallel_loop3A_746 = tpu.vector_load %arg11[%parallel_loop3A_743, %parallel_loop3A_744, %parallel_loop3A_745] {strides = array<i32>} : memref<2x16x768xf32, #tpu.memory_space<vmem>>, vector<16xf32>,
        %parallel_loop3A_747 = arith.index_cast %and3A_77 : i32 to index
        %parallel_loop3A_748 = arith.index_cast %parallel_loop3A_150 : i32 to index
        %parallel_loop3A_749 = arith.constant 576 : index
        %parallel_loop3A_750 = tpu.vector_load %arg12[%parallel_loop3A_747, %parallel_loop3A_748, %parallel_loop3A_749] {strides = array<i32>} : memref<2x16x768xf32, #tpu.memory_space<vmem>>, vector<16xf32>,
        %parallel_loop3A_751 = arith.addf %parallel_loop3A_746, %parallel_loop3A_750 : vector<16xf32>
        %parallel_loop3A_752 = arith.index_cast %and3A_77 : i32 to index
        %parallel_loop3A_753 = arith.index_cast %parallel_loop3A_150 : i32 to index
        %parallel_loop3A_754 = arith.constant 576 : index
        %parallel_loop3A_755 = tpu.vector_load %arg11[%parallel_loop3A_752, %parallel_loop3A_753, %parallel_loop3A_754] {strides = array<i32>} : memref<2x16x768xf32, #tpu.memory_space<vmem>>, vector<16xf32>,
        tpu.vector_store %arg11[%parallel_loop3A_752, %parallel_loop3A_753, %parallel_loop3A_754], %parallel_loop3A_751 {strides = array<i32>} : memref<2x16x768xf32, #tpu.memory_space<vmem>>, vector<16xf32>,
        %parallel_loop3A_756 = arith.addf %parallel_loop3A_692, %parallel_loop3A_751 : vector<16xf32>
        %parallel_loop3A_757 = arith.mulf %parallel_loop3A_751, %parallel_loop3A_751 : vector<16xf32>
        %parallel_loop3A_758 = arith.addf %parallel_loop3A_694, %parallel_loop3A_757 : vector<16xf32>
        %parallel_loop3A_759 = arith.index_cast %and3A_77 : i32 to index
        %parallel_loop3A_760 = arith.index_cast %parallel_loop3A_150 : i32 to index
        %parallel_loop3A_761 = arith.constant 592 : index
        %parallel_loop3A_762 = tpu.vector_load %arg11[%parallel_loop3A_759, %parallel_loop3A_760, %parallel_loop3A_761] {strides = array<i32>} : memref<2x16x768xf32, #tpu.memory_space<vmem>>, vector<16xf32>,
        %parallel_loop3A_763 = arith.index_cast %and3A_77 : i32 to index
        %parallel_loop3A_764 = arith.index_cast %parallel_loop3A_150 : i32 to index
        %parallel_loop3A_765 = arith.constant 592 : index
        %parallel_loop3A_766 = tpu.vector_load %arg12[%parallel_loop3A_763, %parallel_loop3A_764, %parallel_loop3A_765] {strides = array<i32>} : memref<2x16x768xf32, #tpu.memory_space<vmem>>, vector<16xf32>,
        %parallel_loop3A_767 = arith.addf %parallel_loop3A_762, %parallel_loop3A_766 : vector<16xf32>
        %parallel_loop3A_768 = arith.index_cast %and3A_77 : i32 to index
        %parallel_loop3A_769 = arith.index_cast %parallel_loop3A_150 : i32 to index
        %parallel_loop3A_770 = arith.constant 592 : index
        %parallel_loop3A_771 = tpu.vector_load %arg11[%parallel_loop3A_768, %parallel_loop3A_769, %parallel_loop3A_770] {strides = array<i32>} : memref<2x16x768xf32, #tpu.memory_space<vmem>>, vector<16xf32>,
        tpu.vector_store %arg11[%parallel_loop3A_768, %parallel_loop3A_769, %parallel_loop3A_770], %parallel_loop3A_767 {strides = array<i32>} : memref<2x16x768xf32, #tpu.memory_space<vmem>>, vector<16xf32>,
        %parallel_loop3A_772 = arith.addf %parallel_loop3A_708, %parallel_loop3A_767 : vector<16xf32>
        %parallel_loop3A_773 = arith.mulf %parallel_loop3A_767, %parallel_loop3A_767 : vector<16xf32>
        %parallel_loop3A_774 = arith.addf %parallel_loop3A_710, %parallel_loop3A_773 : vector<16xf32>
        %parallel_loop3A_775 = arith.index_cast %and3A_77 : i32 to index
        %parallel_loop3A_776 = arith.index_cast %parallel_loop3A_150 : i32 to index
        %parallel_loop3A_777 = arith.constant 608 : index
        %parallel_loop3A_778 = tpu.vector_load %arg11[%parallel_loop3A_775, %parallel_loop3A_776, %parallel_loop3A_777] {strides = array<i32>} : memref<2x16x768xf32, #tpu.memory_space<vmem>>, vector<16xf32>,
        %parallel_loop3A_779 = arith.index_cast %and3A_77 : i32 to index
        %parallel_loop3A_780 = arith.index_cast %parallel_loop3A_150 : i32 to index
        %parallel_loop3A_781 = arith.constant 608 : index
        %parallel_loop3A_782 = tpu.vector_load %arg12[%parallel_loop3A_779, %parallel_loop3A_780, %parallel_loop3A_781] {strides = array<i32>} : memref<2x16x768xf32, #tpu.memory_space<vmem>>, vector<16xf32>,
        %parallel_loop3A_783 = arith.addf %parallel_loop3A_778, %parallel_loop3A_782 : vector<16xf32>
        %parallel_loop3A_784 = arith.index_cast %and3A_77 : i32 to index
        %parallel_loop3A_785 = arith.index_cast %parallel_loop3A_150 : i32 to index
        %parallel_loop3A_786 = arith.constant 608 : index
        %parallel_loop3A_787 = tpu.vector_load %arg11[%parallel_loop3A_784, %parallel_loop3A_785, %parallel_loop3A_786] {strides = array<i32>} : memref<2x16x768xf32, #tpu.memory_space<vmem>>, vector<16xf32>,
        tpu.vector_store %arg11[%parallel_loop3A_784, %parallel_loop3A_785, %parallel_loop3A_786], %parallel_loop3A_783 {strides = array<i32>} : memref<2x16x768xf32, #tpu.memory_space<vmem>>, vector<16xf32>,
        %parallel_loop3A_788 = arith.addf %parallel_loop3A_724, %parallel_loop3A_783 : vector<16xf32>
        %parallel_loop3A_789 = arith.mulf %parallel_loop3A_783, %parallel_loop3A_783 : vector<16xf32>
        %parallel_loop3A_790 = arith.addf %parallel_loop3A_726, %parallel_loop3A_789 : vector<16xf32>
        %parallel_loop3A_791 = arith.index_cast %and3A_77 : i32 to index
        %parallel_loop3A_792 = arith.index_cast %parallel_loop3A_150 : i32 to index
        %parallel_loop3A_793 = arith.constant 624 : index
        %parallel_loop3A_794 = tpu.vector_load %arg11[%parallel_loop3A_791, %parallel_loop3A_792, %parallel_loop3A_793] {strides = array<i32>} : memref<2x16x768xf32, #tpu.memory_space<vmem>>, vector<16xf32>,
        %parallel_loop3A_795 = arith.index_cast %and3A_77 : i32 to index
        %parallel_loop3A_796 = arith.index_cast %parallel_loop3A_150 : i32 to index
        %parallel_loop3A_797 = arith.constant 624 : index
        %parallel_loop3A_798 = tpu.vector_load %arg12[%parallel_loop3A_795, %parallel_loop3A_796, %parallel_loop3A_797] {strides = array<i32>} : memref<2x16x768xf32, #tpu.memory_space<vmem>>, vector<16xf32>,
        %parallel_loop3A_799 = arith.addf %parallel_loop3A_794, %parallel_loop3A_798 : vector<16xf32>
        %parallel_loop3A_800 = arith.index_cast %and3A_77 : i32 to index
        %parallel_loop3A_801 = arith.index_cast %parallel_loop3A_150 : i32 to index
        %parallel_loop3A_802 = arith.constant 624 : index
        %parallel_loop3A_803 = tpu.vector_load %arg11[%parallel_loop3A_800, %parallel_loop3A_801, %parallel_loop3A_802] {strides = array<i32>} : memref<2x16x768xf32, #tpu.memory_space<vmem>>, vector<16xf32>,
        tpu.vector_store %arg11[%parallel_loop3A_800, %parallel_loop3A_801, %parallel_loop3A_802], %parallel_loop3A_799 {strides = array<i32>} : memref<2x16x768xf32, #tpu.memory_space<vmem>>, vector<16xf32>,
        %parallel_loop3A_804 = arith.addf %parallel_loop3A_740, %parallel_loop3A_799 : vector<16xf32>
        %parallel_loop3A_805 = arith.mulf %parallel_loop3A_799, %parallel_loop3A_799 : vector<16xf32>
        %parallel_loop3A_806 = arith.addf %parallel_loop3A_742, %parallel_loop3A_805 : vector<16xf32>
        %parallel_loop3A_807 = arith.index_cast %and3A_77 : i32 to index
        %parallel_loop3A_808 = arith.index_cast %parallel_loop3A_150 : i32 to index
        %parallel_loop3A_809 = arith.constant 640 : index
        %parallel_loop3A_810 = tpu.vector_load %arg11[%parallel_loop3A_807, %parallel_loop3A_808, %parallel_loop3A_809] {strides = array<i32>} : memref<2x16x768xf32, #tpu.memory_space<vmem>>, vector<16xf32>,
        %parallel_loop3A_811 = arith.index_cast %and3A_77 : i32 to index
        %parallel_loop3A_812 = arith.index_cast %parallel_loop3A_150 : i32 to index
        %parallel_loop3A_813 = arith.constant 640 : index
        %parallel_loop3A_814 = tpu.vector_load %arg12[%parallel_loop3A_811, %parallel_loop3A_812, %parallel_loop3A_813] {strides = array<i32>} : memref<2x16x768xf32, #tpu.memory_space<vmem>>, vector<16xf32>,
        %parallel_loop3A_815 = arith.addf %parallel_loop3A_810, %parallel_loop3A_814 : vector<16xf32>
        %parallel_loop3A_816 = arith.index_cast %and3A_77 : i32 to index
        %parallel_loop3A_817 = arith.index_cast %parallel_loop3A_150 : i32 to index
        %parallel_loop3A_818 = arith.constant 640 : index
        %parallel_loop3A_819 = tpu.vector_load %arg11[%parallel_loop3A_816, %parallel_loop3A_817, %parallel_loop3A_818] {strides = array<i32>} : memref<2x16x768xf32, #tpu.memory_space<vmem>>, vector<16xf32>,
        tpu.vector_store %arg11[%parallel_loop3A_816, %parallel_loop3A_817, %parallel_loop3A_818], %parallel_loop3A_815 {strides = array<i32>} : memref<2x16x768xf32, #tpu.memory_space<vmem>>, vector<16xf32>,
        %parallel_loop3A_820 = arith.addf %parallel_loop3A_756, %parallel_loop3A_815 : vector<16xf32>
        %parallel_loop3A_821 = arith.mulf %parallel_loop3A_815, %parallel_loop3A_815 : vector<16xf32>
        %parallel_loop3A_822 = arith.addf %parallel_loop3A_758, %parallel_loop3A_821 : vector<16xf32>
        %parallel_loop3A_823 = arith.index_cast %and3A_77 : i32 to index
        %parallel_loop3A_824 = arith.index_cast %parallel_loop3A_150 : i32 to index
        %parallel_loop3A_825 = arith.constant 656 : index
        %parallel_loop3A_826 = tpu.vector_load %arg11[%parallel_loop3A_823, %parallel_loop3A_824, %parallel_loop3A_825] {strides = array<i32>} : memref<2x16x768xf32, #tpu.memory_space<vmem>>, vector<16xf32>,
        %parallel_loop3A_827 = arith.index_cast %and3A_77 : i32 to index
        %parallel_loop3A_828 = arith.index_cast %parallel_loop3A_150 : i32 to index
        %parallel_loop3A_829 = arith.constant 656 : index
        %parallel_loop3A_830 = tpu.vector_load %arg12[%parallel_loop3A_827, %parallel_loop3A_828, %parallel_loop3A_829] {strides = array<i32>} : memref<2x16x768xf32, #tpu.memory_space<vmem>>, vector<16xf32>,
        %parallel_loop3A_831 = arith.addf %parallel_loop3A_826, %parallel_loop3A_830 : vector<16xf32>
        %parallel_loop3A_832 = arith.index_cast %and3A_77 : i32 to index
        %parallel_loop3A_833 = arith.index_cast %parallel_loop3A_150 : i32 to index
        %parallel_loop3A_834 = arith.constant 656 : index
        %parallel_loop3A_835 = tpu.vector_load %arg11[%parallel_loop3A_832, %parallel_loop3A_833, %parallel_loop3A_834] {strides = array<i32>} : memref<2x16x768xf32, #tpu.memory_space<vmem>>, vector<16xf32>,
        tpu.vector_store %arg11[%parallel_loop3A_832, %parallel_loop3A_833, %parallel_loop3A_834], %parallel_loop3A_831 {strides = array<i32>} : memref<2x16x768xf32, #tpu.memory_space<vmem>>, vector<16xf32>,
        %parallel_loop3A_836 = arith.addf %parallel_loop3A_772, %parallel_loop3A_831 : vector<16xf32>
        %parallel_loop3A_837 = arith.mulf %parallel_loop3A_831, %parallel_loop3A_831 : vector<16xf32>
        %parallel_loop3A_838 = arith.addf %parallel_loop3A_774, %parallel_loop3A_837 : vector<16xf32>
        %parallel_loop3A_839 = arith.index_cast %and3A_77 : i32 to index
        %parallel_loop3A_840 = arith.index_cast %parallel_loop3A_150 : i32 to index
        %parallel_loop3A_841 = arith.constant 672 : index
        %parallel_loop3A_842 = tpu.vector_load %arg11[%parallel_loop3A_839, %parallel_loop3A_840, %parallel_loop3A_841] {strides = array<i32>} : memref<2x16x768xf32, #tpu.memory_space<vmem>>, vector<16xf32>,
        %parallel_loop3A_843 = arith.index_cast %and3A_77 : i32 to index
        %parallel_loop3A_844 = arith.index_cast %parallel_loop3A_150 : i32 to index
        %parallel_loop3A_845 = arith.constant 672 : index
        %parallel_loop3A_846 = tpu.vector_load %arg12[%parallel_loop3A_843, %parallel_loop3A_844, %parallel_loop3A_845] {strides = array<i32>} : memref<2x16x768xf32, #tpu.memory_space<vmem>>, vector<16xf32>,
        %parallel_loop3A_847 = arith.addf %parallel_loop3A_842, %parallel_loop3A_846 : vector<16xf32>
        %parallel_loop3A_848 = arith.index_cast %and3A_77 : i32 to index
        %parallel_loop3A_849 = arith.index_cast %parallel_loop3A_150 : i32 to index
        %parallel_loop3A_850 = arith.constant 672 : index
        %parallel_loop3A_851 = tpu.vector_load %arg11[%parallel_loop3A_848, %parallel_loop3A_849, %parallel_loop3A_850] {strides = array<i32>} : memref<2x16x768xf32, #tpu.memory_space<vmem>>, vector<16xf32>,
        tpu.vector_store %arg11[%parallel_loop3A_848, %parallel_loop3A_849, %parallel_loop3A_850], %parallel_loop3A_847 {strides = array<i32>} : memref<2x16x768xf32, #tpu.memory_space<vmem>>, vector<16xf32>,
        %parallel_loop3A_852 = arith.addf %parallel_loop3A_788, %parallel_loop3A_847 : vector<16xf32>
        %parallel_loop3A_853 = arith.mulf %parallel_loop3A_847, %parallel_loop3A_847 : vector<16xf32>
        %parallel_loop3A_854 = arith.addf %parallel_loop3A_790, %parallel_loop3A_853 : vector<16xf32>
        %parallel_loop3A_855 = arith.index_cast %and3A_77 : i32 to index
        %parallel_loop3A_856 = arith.index_cast %parallel_loop3A_150 : i32 to index
        %parallel_loop3A_857 = arith.constant 688 : index
        %parallel_loop3A_858 = tpu.vector_load %arg11[%parallel_loop3A_855, %parallel_loop3A_856, %parallel_loop3A_857] {strides = array<i32>} : memref<2x16x768xf32, #tpu.memory_space<vmem>>, vector<16xf32>,
        %parallel_loop3A_859 = arith.index_cast %and3A_77 : i32 to index
        %parallel_loop3A_860 = arith.index_cast %parallel_loop3A_150 : i32 to index
        %parallel_loop3A_861 = arith.constant 688 : index
        %parallel_loop3A_862 = tpu.vector_load %arg12[%parallel_loop3A_859, %parallel_loop3A_860, %parallel_loop3A_861] {strides = array<i32>} : memref<2x16x768xf32, #tpu.memory_space<vmem>>, vector<16xf32>,
        %parallel_loop3A_863 = arith.addf %parallel_loop3A_858, %parallel_loop3A_862 : vector<16xf32>
        %parallel_loop3A_864 = arith.index_cast %and3A_77 : i32 to index
        %parallel_loop3A_865 = arith.index_cast %parallel_loop3A_150 : i32 to index
        %parallel_loop3A_866 = arith.constant 688 : index
        %parallel_loop3A_867 = tpu.vector_load %arg11[%parallel_loop3A_864, %parallel_loop3A_865, %parallel_loop3A_866] {strides = array<i32>} : memref<2x16x768xf32, #tpu.memory_space<vmem>>, vector<16xf32>,
        tpu.vector_store %arg11[%parallel_loop3A_864, %parallel_loop3A_865, %parallel_loop3A_866], %parallel_loop3A_863 {strides = array<i32>} : memref<2x16x768xf32, #tpu.memory_space<vmem>>, vector<16xf32>,
        %parallel_loop3A_868 = arith.addf %parallel_loop3A_804, %parallel_loop3A_863 : vector<16xf32>
        %parallel_loop3A_869 = arith.mulf %parallel_loop3A_863, %parallel_loop3A_863 : vector<16xf32>
        %parallel_loop3A_870 = arith.addf %parallel_loop3A_806, %parallel_loop3A_869 : vector<16xf32>
        %parallel_loop3A_871 = arith.index_cast %and3A_77 : i32 to index
        %parallel_loop3A_872 = arith.index_cast %parallel_loop3A_150 : i32 to index
        %parallel_loop3A_873 = arith.constant 704 : index
        %parallel_loop3A_874 = tpu.vector_load %arg11[%parallel_loop3A_871, %parallel_loop3A_872, %parallel_loop3A_873] {strides = array<i32>} : memref<2x16x768xf32, #tpu.memory_space<vmem>>, vector<16xf32>,
        %parallel_loop3A_875 = arith.index_cast %and3A_77 : i32 to index
        %parallel_loop3A_876 = arith.index_cast %parallel_loop3A_150 : i32 to index
        %parallel_loop3A_877 = arith.constant 704 : index
        %parallel_loop3A_878 = tpu.vector_load %arg12[%parallel_loop3A_875, %parallel_loop3A_876, %parallel_loop3A_877] {strides = array<i32>} : memref<2x16x768xf32, #tpu.memory_space<vmem>>, vector<16xf32>,
        %parallel_loop3A_879 = arith.addf %parallel_loop3A_874, %parallel_loop3A_878 : vector<16xf32>
        %parallel_loop3A_880 = arith.index_cast %and3A_77 : i32 to index
        %parallel_loop3A_881 = arith.index_cast %parallel_loop3A_150 : i32 to index
        %parallel_loop3A_882 = arith.constant 704 : index
        %parallel_loop3A_883 = tpu.vector_load %arg11[%parallel_loop3A_880, %parallel_loop3A_881, %parallel_loop3A_882] {strides = array<i32>} : memref<2x16x768xf32, #tpu.memory_space<vmem>>, vector<16xf32>,
        tpu.vector_store %arg11[%parallel_loop3A_880, %parallel_loop3A_881, %parallel_loop3A_882], %parallel_loop3A_879 {strides = array<i32>} : memref<2x16x768xf32, #tpu.memory_space<vmem>>, vector<16xf32>,
        %parallel_loop3A_884 = arith.addf %parallel_loop3A_820, %parallel_loop3A_879 : vector<16xf32>
        %parallel_loop3A_885 = arith.mulf %parallel_loop3A_879, %parallel_loop3A_879 : vector<16xf32>
        %parallel_loop3A_886 = arith.addf %parallel_loop3A_822, %parallel_loop3A_885 : vector<16xf32>
        %parallel_loop3A_887 = arith.index_cast %and3A_77 : i32 to index
        %parallel_loop3A_888 = arith.index_cast %parallel_loop3A_150 : i32 to index
        %parallel_loop3A_889 = arith.constant 720 : index
        %parallel_loop3A_890 = tpu.vector_load %arg11[%parallel_loop3A_887, %parallel_loop3A_888, %parallel_loop3A_889] {strides = array<i32>} : memref<2x16x768xf32, #tpu.memory_space<vmem>>, vector<16xf32>,
        %parallel_loop3A_891 = arith.index_cast %and3A_77 : i32 to index
        %parallel_loop3A_892 = arith.index_cast %parallel_loop3A_150 : i32 to index
        %parallel_loop3A_893 = arith.constant 720 : index
        %parallel_loop3A_894 = tpu.vector_load %arg12[%parallel_loop3A_891, %parallel_loop3A_892, %parallel_loop3A_893] {strides = array<i32>} : memref<2x16x768xf32, #tpu.memory_space<vmem>>, vector<16xf32>,
        %parallel_loop3A_895 = arith.addf %parallel_loop3A_890, %parallel_loop3A_894 : vector<16xf32>
        %parallel_loop3A_896 = arith.index_cast %and3A_77 : i32 to index
        %parallel_loop3A_897 = arith.index_cast %parallel_loop3A_150 : i32 to index
        %parallel_loop3A_898 = arith.constant 720 : index
        %parallel_loop3A_899 = tpu.vector_load %arg11[%parallel_loop3A_896, %parallel_loop3A_897, %parallel_loop3A_898] {strides = array<i32>} : memref<2x16x768xf32, #tpu.memory_space<vmem>>, vector<16xf32>,
        tpu.vector_store %arg11[%parallel_loop3A_896, %parallel_loop3A_897, %parallel_loop3A_898], %parallel_loop3A_895 {strides = array<i32>} : memref<2x16x768xf32, #tpu.memory_space<vmem>>, vector<16xf32>,
        %parallel_loop3A_900 = arith.addf %parallel_loop3A_836, %parallel_loop3A_895 : vector<16xf32>
        %parallel_loop3A_901 = arith.mulf %parallel_loop3A_895, %parallel_loop3A_895 : vector<16xf32>
        %parallel_loop3A_902 = arith.addf %parallel_loop3A_838, %parallel_loop3A_901 : vector<16xf32>
        %parallel_loop3A_903 = arith.index_cast %and3A_77 : i32 to index
        %parallel_loop3A_904 = arith.index_cast %parallel_loop3A_150 : i32 to index
        %parallel_loop3A_905 = arith.constant 736 : index
        %parallel_loop3A_906 = tpu.vector_load %arg11[%parallel_loop3A_903, %parallel_loop3A_904, %parallel_loop3A_905] {strides = array<i32>} : memref<2x16x768xf32, #tpu.memory_space<vmem>>, vector<16xf32>,
        %parallel_loop3A_907 = arith.index_cast %and3A_77 : i32 to index
        %parallel_loop3A_908 = arith.index_cast %parallel_loop3A_150 : i32 to index
        %parallel_loop3A_909 = arith.constant 736 : index
        %parallel_loop3A_910 = tpu.vector_load %arg12[%parallel_loop3A_907, %parallel_loop3A_908, %parallel_loop3A_909] {strides = array<i32>} : memref<2x16x768xf32, #tpu.memory_space<vmem>>, vector<16xf32>,
        %parallel_loop3A_911 = arith.addf %parallel_loop3A_906, %parallel_loop3A_910 : vector<16xf32>
        %parallel_loop3A_912 = arith.index_cast %and3A_77 : i32 to index
        %parallel_loop3A_913 = arith.index_cast %parallel_loop3A_150 : i32 to index
        %parallel_loop3A_914 = arith.constant 736 : index
        %parallel_loop3A_915 = tpu.vector_load %arg11[%parallel_loop3A_912, %parallel_loop3A_913, %parallel_loop3A_914] {strides = array<i32>} : memref<2x16x768xf32, #tpu.memory_space<vmem>>, vector<16xf32>,
        tpu.vector_store %arg11[%parallel_loop3A_912, %parallel_loop3A_913, %parallel_loop3A_914], %parallel_loop3A_911 {strides = array<i32>} : memref<2x16x768xf32, #tpu.memory_space<vmem>>, vector<16xf32>,
        %parallel_loop3A_916 = arith.addf %parallel_loop3A_852, %parallel_loop3A_911 : vector<16xf32>
        %parallel_loop3A_917 = arith.mulf %parallel_loop3A_911, %parallel_loop3A_911 : vector<16xf32>
        %parallel_loop3A_918 = arith.addf %parallel_loop3A_854, %parallel_loop3A_917 : vector<16xf32>
        %parallel_loop3A_919 = arith.index_cast %and3A_77 : i32 to index
        %parallel_loop3A_920 = arith.index_cast %parallel_loop3A_150 : i32 to index
        %parallel_loop3A_921 = arith.constant 752 : index
        %parallel_loop3A_922 = tpu.vector_load %arg11[%parallel_loop3A_919, %parallel_loop3A_920, %parallel_loop3A_921] {strides = array<i32>} : memref<2x16x768xf32, #tpu.memory_space<vmem>>, vector<16xf32>,
        %parallel_loop3A_923 = arith.index_cast %and3A_77 : i32 to index
        %parallel_loop3A_924 = arith.index_cast %parallel_loop3A_150 : i32 to index
        %parallel_loop3A_925 = arith.constant 752 : index
        %parallel_loop3A_926 = tpu.vector_load %arg12[%parallel_loop3A_923, %parallel_loop3A_924, %parallel_loop3A_925] {strides = array<i32>} : memref<2x16x768xf32, #tpu.memory_space<vmem>>, vector<16xf32>,
        %parallel_loop3A_927 = arith.addf %parallel_loop3A_922, %parallel_loop3A_926 : vector<16xf32>
        %parallel_loop3A_928 = arith.index_cast %and3A_77 : i32 to index
        %parallel_loop3A_929 = arith.index_cast %parallel_loop3A_150 : i32 to index
        %parallel_loop3A_930 = arith.constant 752 : index
        %parallel_loop3A_931 = tpu.vector_load %arg11[%parallel_loop3A_928, %parallel_loop3A_929, %parallel_loop3A_930] {strides = array<i32>} : memref<2x16x768xf32, #tpu.memory_space<vmem>>, vector<16xf32>,
        tpu.vector_store %arg11[%parallel_loop3A_928, %parallel_loop3A_929, %parallel_loop3A_930], %parallel_loop3A_927 {strides = array<i32>} : memref<2x16x768xf32, #tpu.memory_space<vmem>>, vector<16xf32>,
        %parallel_loop3A_932 = arith.addf %parallel_loop3A_868, %parallel_loop3A_927 : vector<16xf32>
        %parallel_loop3A_933 = arith.mulf %parallel_loop3A_927, %parallel_loop3A_927 : vector<16xf32>
        %parallel_loop3A_934 = arith.addf %parallel_loop3A_870, %parallel_loop3A_933 : vector<16xf32>
        %parallel_loop3A_935 = arith.addf %parallel_loop3A_884, %parallel_loop3A_900 : vector<16xf32>
        %parallel_loop3A_936 = arith.addf %parallel_loop3A_916, %parallel_loop3A_932 : vector<16xf32>
        %parallel_loop3A_937 = arith.addf %parallel_loop3A_935, %parallel_loop3A_936 : vector<16xf32>
        %parallel_loop3A_938 = arith.addf %parallel_loop3A_886, %parallel_loop3A_902 : vector<16xf32>
        %parallel_loop3A_939 = arith.addf %parallel_loop3A_918, %parallel_loop3A_934 : vector<16xf32>
        %parallel_loop3A_940 = arith.addf %parallel_loop3A_938, %parallel_loop3A_939 : vector<16xf32>
        %parallel_loop3A_941 = vector.broadcast %parallel_loop3A_150 : i32 to vector<16xi32>
        %parallel_loop3A_942 = arith.constant true
        %parallel_loop3A_943 = vector.broadcast %parallel_loop3A_942 : i1 to vector<16xi1>
        %parallel_loop3A_944 = tpu.scan <sum>, %parallel_loop3A_937 masked %parallel_loop3A_943 : vector<16xf32>, vector<16xi1> -> vector<16xf32>
        %parallel_loop3A_945 = vector.extract %parallel_loop3A_944[15] : f32 from vector<16xf32>
        %parallel_loop3A_946 = vector.broadcast %parallel_loop3A_945 : f32 to vector<16xf32>
        tpu.vector_store_idx %arg14[%parallel_loop3A_941], %parallel_loop3A_946 masked %eq3A_43 : memref<16xf32, #tpu.memory_space<vmem>>[vector<16xi32>], vector<16xf32>, vector<16xi1>
        %parallel_loop3A_947 = arith.constant true
        %parallel_loop3A_948 = vector.broadcast %parallel_loop3A_947 : i1 to vector<16xi1>
        %parallel_loop3A_949 = tpu.scan <sum>, %parallel_loop3A_940 masked %parallel_loop3A_948 : vector<16xf32>, vector<16xi1> -> vector<16xf32>
        %parallel_loop3A_950 = vector.extract %parallel_loop3A_949[15] : f32 from vector<16xf32>
        %parallel_loop3A_951 = vector.broadcast %parallel_loop3A_950 : f32 to vector<16xf32>
        tpu.vector_store_idx %arg15[%parallel_loop3A_941], %parallel_loop3A_951 masked %eq3A_43 : memref<16xf32, #tpu.memory_space<vmem>>[vector<16xi32>], vector<16xf32>, vector<16xi1>
      } {sc.loop_unroll_factor = 1 : i64, sc.parallel_access}
      %get3A = arith.constant 0 : index
      %get3A_88 = tpu.vector_load %arg14[%get3A] {strides = array<i32>} : memref<16xf32, #tpu.memory_space<vmem>>, vector<16xf32>,
      %mul3A_89 = arith.constant 0.00130208337 : f32
      %mul3A_90 = vector.broadcast %mul3A_89 : f32 to vector<16xf32>
      %mul3A_91 = arith.mulf %get3A_88, %mul3A_90 : vector<16xf32>
      %get3A_92 = arith.constant 0 : index
      %get3A_93 = tpu.vector_load %arg15[%get3A_92] {strides = array<i32>} : memref<16xf32, #tpu.memory_space<vmem>>, vector<16xf32>,
      %mul3A_94 = arith.constant 0.00130208337 : f32
      %mul3A_95 = vector.broadcast %mul3A_94 : f32 to vector<16xf32>
      %mul3A_96 = arith.mulf %get3A_93, %mul3A_95 : vector<16xf32>
      %mul3A_97 = arith.mulf %mul3A_91, %mul3A_91 : vector<16xf32>
      %sub3A = arith.subf %mul3A_96, %mul3A_97 : vector<16xf32>
      %add3A_98 = arith.constant 9.99999974E-6 : f32
      %add3A_99 = vector.broadcast %add3A_98 : f32 to vector<16xf32>
      %add3A_100 = arith.addf %sub3A, %add3A_99 : vector<16xf32>
      %bitcast3A = vector.bitcast %add3A_100 : vector<16xf32> to vector<16xi32>
      %shift_right_arithmetic3A = arith.constant 1 : i32
      %shift_right_arithmetic3A_101 = vector.broadcast %shift_right_arithmetic3A : i32 to vector<16xi32>
      %shift_right_arithmetic3A_102 = arith.shrsi %bitcast3A, %shift_right_arithmetic3A_101 : vector<16xi32>
      %sub3A_103 = arith.constant 1597463007 : i32
      %sub3A_104 = vector.broadcast %sub3A_103 : i32 to vector<16xi32>
      %sub3A_105 = arith.subi %sub3A_104, %shift_right_arithmetic3A_102 : vector<16xi32>
      %bitcast3A_106 = vector.bitcast %sub3A_105 : vector<16xi32> to vector<16xf32>
      %mul3A_107 = arith.constant 5.000000e-01 : f32
      %mul3A_108 = vector.broadcast %mul3A_107 : f32 to vector<16xf32>
      %mul3A_109 = arith.mulf %add3A_100, %mul3A_108 : vector<16xf32>
      %mul3A_110 = arith.mulf %mul3A_109, %bitcast3A_106 : vector<16xf32>
      %mul3A_111 = arith.mulf %mul3A_110, %bitcast3A_106 : vector<16xf32>
      %sub3A_112 = arith.constant 1.500000e+00 : f32
      %sub3A_113 = vector.broadcast %sub3A_112 : f32 to vector<16xf32>
      %sub3A_114 = arith.subf %sub3A_113, %mul3A_111 : vector<16xf32>
      %mul3A_115 = arith.mulf %bitcast3A_106, %sub3A_114 : vector<16xf32>
      %mul3A_116 = arith.mulf %mul3A_109, %mul3A_115 : vector<16xf32>
      %mul3A_117 = arith.mulf %mul3A_116, %mul3A_115 : vector<16xf32>
      %sub3A_118 = arith.constant 1.500000e+00 : f32
      %sub3A_119 = vector.broadcast %sub3A_118 : f32 to vector<16xf32>
      %sub3A_120 = arith.subf %sub3A_119, %mul3A_117 : vector<16xf32>
      %mul3A_121 = arith.mulf %mul3A_115, %sub3A_120 : vector<16xf32>
      %mul3A_122 = arith.mulf %mul3A_109, %mul3A_121 : vector<16xf32>
      %mul3A_123 = arith.mulf %mul3A_122, %mul3A_121 : vector<16xf32>
      %sub3A_124 = arith.constant 1.500000e+00 : f32
      %sub3A_125 = vector.broadcast %sub3A_124 : f32 to vector<16xf32>
      %sub3A_126 = arith.subf %sub3A_125, %mul3A_123 : vector<16xf32>
      %mul3A_127 = arith.mulf %mul3A_121, %sub3A_126 : vector<16xf32>
      %mul3A_128 = arith.mulf %mul3A_91, %mul3A_127 : vector<16xf32>
      %eq3A_129 = arith.constant 0 : i32
      %eq3A_130 = arith.cmpi eq, %and3A_77, %eq3A_129 : i32
      %convert_element_type3A_131 = arith.extui %eq3A_130 : i1 to i32
      %cond3A_132 = arith.constant 0 : i32
      %cond3A_133 = arith.cmpi ne, %convert_element_type3A_131, %cond3A_132 : i32
      scf.if %cond3A_133 {
        %slice3A = vector.extract_strided_slice %mul3A_127 {offsets = [0], sizes = [1], strides = [1]} : vector<16xf32> to vector<1xf32>
        %squeeze3A = vector.extract %slice3A[0] : f32 from vector<1xf32>
        %broadcast_in_dim3A = vector.broadcast %squeeze3A : f32 to vector<16xf32>
        %slice3A_150 = vector.extract_strided_slice %mul3A_127 {offsets = [1], sizes = [1], strides = [1]} : vector<16xf32> to vector<1xf32>
        %squeeze3A_151 = vector.extract %slice3A_150[0] : f32 from vector<1xf32>
        %broadcast_in_dim3A_152 = vector.broadcast %squeeze3A_151 : f32 to vector<16xf32>
        %slice3A_153 = vector.extract_strided_slice %mul3A_127 {offsets = [2], sizes = [1], strides = [1]} : vector<16xf32> to vector<1xf32>
        %squeeze3A_154 = vector.extract %slice3A_153[0] : f32 from vector<1xf32>
        %broadcast_in_dim3A_155 = vector.broadcast %squeeze3A_154 : f32 to vector<16xf32>
        %slice3A_156 = vector.extract_strided_slice %mul3A_127 {offsets = [3], sizes = [1], strides = [1]} : vector<16xf32> to vector<1xf32>
        %squeeze3A_157 = vector.extract %slice3A_156[0] : f32 from vector<1xf32>
        %broadcast_in_dim3A_158 = vector.broadcast %squeeze3A_157 : f32 to vector<16xf32>
        %slice3A_159 = vector.extract_strided_slice %mul3A_127 {offsets = [4], sizes = [1], strides = [1]} : vector<16xf32> to vector<1xf32>
        %squeeze3A_160 = vector.extract %slice3A_159[0] : f32 from vector<1xf32>
        %broadcast_in_dim3A_161 = vector.broadcast %squeeze3A_160 : f32 to vector<16xf32>
        %slice3A_162 = vector.extract_strided_slice %mul3A_127 {offsets = [5], sizes = [1], strides = [1]} : vector<16xf32> to vector<1xf32>
        %squeeze3A_163 = vector.extract %slice3A_162[0] : f32 from vector<1xf32>
        %broadcast_in_dim3A_164 = vector.broadcast %squeeze3A_163 : f32 to vector<16xf32>
        %slice3A_165 = vector.extract_strided_slice %mul3A_127 {offsets = [6], sizes = [1], strides = [1]} : vector<16xf32> to vector<1xf32>
        %squeeze3A_166 = vector.extract %slice3A_165[0] : f32 from vector<1xf32>
        %broadcast_in_dim3A_167 = vector.broadcast %squeeze3A_166 : f32 to vector<16xf32>
        %slice3A_168 = vector.extract_strided_slice %mul3A_127 {offsets = [7], sizes = [1], strides = [1]} : vector<16xf32> to vector<1xf32>
        %squeeze3A_169 = vector.extract %slice3A_168[0] : f32 from vector<1xf32>
        %broadcast_in_dim3A_170 = vector.broadcast %squeeze3A_169 : f32 to vector<16xf32>
        %slice3A_171 = vector.extract_strided_slice %mul3A_127 {offsets = [8], sizes = [1], strides = [1]} : vector<16xf32> to vector<1xf32>
        %squeeze3A_172 = vector.extract %slice3A_171[0] : f32 from vector<1xf32>
        %broadcast_in_dim3A_173 = vector.broadcast %squeeze3A_172 : f32 to vector<16xf32>
        %slice3A_174 = vector.extract_strided_slice %mul3A_127 {offsets = [9], sizes = [1], strides = [1]} : vector<16xf32> to vector<1xf32>
        %squeeze3A_175 = vector.extract %slice3A_174[0] : f32 from vector<1xf32>
        %broadcast_in_dim3A_176 = vector.broadcast %squeeze3A_175 : f32 to vector<16xf32>
        %slice3A_177 = vector.extract_strided_slice %mul3A_127 {offsets = [10], sizes = [1], strides = [1]} : vector<16xf32> to vector<1xf32>
        %squeeze3A_178 = vector.extract %slice3A_177[0] : f32 from vector<1xf32>
        %broadcast_in_dim3A_179 = vector.broadcast %squeeze3A_178 : f32 to vector<16xf32>
        %slice3A_180 = vector.extract_strided_slice %mul3A_127 {offsets = [11], sizes = [1], strides = [1]} : vector<16xf32> to vector<1xf32>
        %squeeze3A_181 = vector.extract %slice3A_180[0] : f32 from vector<1xf32>
        %broadcast_in_dim3A_182 = vector.broadcast %squeeze3A_181 : f32 to vector<16xf32>
        %slice3A_183 = vector.extract_strided_slice %mul3A_127 {offsets = [12], sizes = [1], strides = [1]} : vector<16xf32> to vector<1xf32>
        %squeeze3A_184 = vector.extract %slice3A_183[0] : f32 from vector<1xf32>
        %broadcast_in_dim3A_185 = vector.broadcast %squeeze3A_184 : f32 to vector<16xf32>
        %slice3A_186 = vector.extract_strided_slice %mul3A_127 {offsets = [13], sizes = [1], strides = [1]} : vector<16xf32> to vector<1xf32>
        %squeeze3A_187 = vector.extract %slice3A_186[0] : f32 from vector<1xf32>
        %broadcast_in_dim3A_188 = vector.broadcast %squeeze3A_187 : f32 to vector<16xf32>
        %slice3A_189 = vector.extract_strided_slice %mul3A_127 {offsets = [14], sizes = [1], strides = [1]} : vector<16xf32> to vector<1xf32>
        %squeeze3A_190 = vector.extract %slice3A_189[0] : f32 from vector<1xf32>
        %broadcast_in_dim3A_191 = vector.broadcast %squeeze3A_190 : f32 to vector<16xf32>
        %slice3A_192 = vector.extract_strided_slice %mul3A_127 {offsets = [15], sizes = [1], strides = [1]} : vector<16xf32> to vector<1xf32>
        %squeeze3A_193 = vector.extract %slice3A_192[0] : f32 from vector<1xf32>
        %broadcast_in_dim3A_194 = vector.broadcast %squeeze3A_193 : f32 to vector<16xf32>
        %slice3A_195 = vector.extract_strided_slice %mul3A_128 {offsets = [0], sizes = [1], strides = [1]} : vector<16xf32> to vector<1xf32>
        %squeeze3A_196 = vector.extract %slice3A_195[0] : f32 from vector<1xf32>
        %broadcast_in_dim3A_197 = vector.broadcast %squeeze3A_196 : f32 to vector<16xf32>
        %slice3A_198 = vector.extract_strided_slice %mul3A_128 {offsets = [1], sizes = [1], strides = [1]} : vector<16xf32> to vector<1xf32>
        %squeeze3A_199 = vector.extract %slice3A_198[0] : f32 from vector<1xf32>
        %broadcast_in_dim3A_200 = vector.broadcast %squeeze3A_199 : f32 to vector<16xf32>
        %slice3A_201 = vector.extract_strided_slice %mul3A_128 {offsets = [2], sizes = [1], strides = [1]} : vector<16xf32> to vector<1xf32>
        %squeeze3A_202 = vector.extract %slice3A_201[0] : f32 from vector<1xf32>
        %broadcast_in_dim3A_203 = vector.broadcast %squeeze3A_202 : f32 to vector<16xf32>
        %slice3A_204 = vector.extract_strided_slice %mul3A_128 {offsets = [3], sizes = [1], strides = [1]} : vector<16xf32> to vector<1xf32>
        %squeeze3A_205 = vector.extract %slice3A_204[0] : f32 from vector<1xf32>
        %broadcast_in_dim3A_206 = vector.broadcast %squeeze3A_205 : f32 to vector<16xf32>
        %slice3A_207 = vector.extract_strided_slice %mul3A_128 {offsets = [4], sizes = [1], strides = [1]} : vector<16xf32> to vector<1xf32>
        %squeeze3A_208 = vector.extract %slice3A_207[0] : f32 from vector<1xf32>
        %broadcast_in_dim3A_209 = vector.broadcast %squeeze3A_208 : f32 to vector<16xf32>
        %slice3A_210 = vector.extract_strided_slice %mul3A_128 {offsets = [5], sizes = [1], strides = [1]} : vector<16xf32> to vector<1xf32>
        %squeeze3A_211 = vector.extract %slice3A_210[0] : f32 from vector<1xf32>
        %broadcast_in_dim3A_212 = vector.broadcast %squeeze3A_211 : f32 to vector<16xf32>
        %slice3A_213 = vector.extract_strided_slice %mul3A_128 {offsets = [6], sizes = [1], strides = [1]} : vector<16xf32> to vector<1xf32>
        %squeeze3A_214 = vector.extract %slice3A_213[0] : f32 from vector<1xf32>
        %broadcast_in_dim3A_215 = vector.broadcast %squeeze3A_214 : f32 to vector<16xf32>
        %slice3A_216 = vector.extract_strided_slice %mul3A_128 {offsets = [7], sizes = [1], strides = [1]} : vector<16xf32> to vector<1xf32>
        %squeeze3A_217 = vector.extract %slice3A_216[0] : f32 from vector<1xf32>
        %broadcast_in_dim3A_218 = vector.broadcast %squeeze3A_217 : f32 to vector<16xf32>
        %slice3A_219 = vector.extract_strided_slice %mul3A_128 {offsets = [8], sizes = [1], strides = [1]} : vector<16xf32> to vector<1xf32>
        %squeeze3A_220 = vector.extract %slice3A_219[0] : f32 from vector<1xf32>
        %broadcast_in_dim3A_221 = vector.broadcast %squeeze3A_220 : f32 to vector<16xf32>
        %slice3A_222 = vector.extract_strided_slice %mul3A_128 {offsets = [9], sizes = [1], strides = [1]} : vector<16xf32> to vector<1xf32>
        %squeeze3A_223 = vector.extract %slice3A_222[0] : f32 from vector<1xf32>
        %broadcast_in_dim3A_224 = vector.broadcast %squeeze3A_223 : f32 to vector<16xf32>
        %slice3A_225 = vector.extract_strided_slice %mul3A_128 {offsets = [10], sizes = [1], strides = [1]} : vector<16xf32> to vector<1xf32>
        %squeeze3A_226 = vector.extract %slice3A_225[0] : f32 from vector<1xf32>
        %broadcast_in_dim3A_227 = vector.broadcast %squeeze3A_226 : f32 to vector<16xf32>
        %slice3A_228 = vector.extract_strided_slice %mul3A_128 {offsets = [11], sizes = [1], strides = [1]} : vector<16xf32> to vector<1xf32>
        %squeeze3A_229 = vector.extract %slice3A_228[0] : f32 from vector<1xf32>
        %broadcast_in_dim3A_230 = vector.broadcast %squeeze3A_229 : f32 to vector<16xf32>
        %slice3A_231 = vector.extract_strided_slice %mul3A_128 {offsets = [12], sizes = [1], strides = [1]} : vector<16xf32> to vector<1xf32>
        %squeeze3A_232 = vector.extract %slice3A_231[0] : f32 from vector<1xf32>
        %broadcast_in_dim3A_233 = vector.broadcast %squeeze3A_232 : f32 to vector<16xf32>
        %slice3A_234 = vector.extract_strided_slice %mul3A_128 {offsets = [13], sizes = [1], strides = [1]} : vector<16xf32> to vector<1xf32>
        %squeeze3A_235 = vector.extract %slice3A_234[0] : f32 from vector<1xf32>
        %broadcast_in_dim3A_236 = vector.broadcast %squeeze3A_235 : f32 to vector<16xf32>
        %slice3A_237 = vector.extract_strided_slice %mul3A_128 {offsets = [14], sizes = [1], strides = [1]} : vector<16xf32> to vector<1xf32>
        %squeeze3A_238 = vector.extract %slice3A_237[0] : f32 from vector<1xf32>
        %broadcast_in_dim3A_239 = vector.broadcast %squeeze3A_238 : f32 to vector<16xf32>
        %slice3A_240 = vector.extract_strided_slice %mul3A_128 {offsets = [15], sizes = [1], strides = [1]} : vector<16xf32> to vector<1xf32>
        %squeeze3A_241 = vector.extract %slice3A_240[0] : f32 from vector<1xf32>
        %broadcast_in_dim3A_242 = vector.broadcast %squeeze3A_241 : f32 to vector<16xf32>
        %parallel_loop3A_243 = arith.constant 0 : i32
        %parallel_loop3A_244 = arith.constant 48 : i32
        %parallel_loop3A_245 = arith.constant 1 : i32
        %parallel_loop3A_246 = arith.constant 0 : i32
        %parallel_loop3A_247 = arith.constant 0 : i32
        scf.for %parallel_loop3A_248 = %parallel_loop3A_243 to %parallel_loop3A_244 step %parallel_loop3A_245  : i32 {
          %parallel_loop3A_249 = arith.constant 16 : i32
          %parallel_loop3A_250 = arith.muli %parallel_loop3A_248, %parallel_loop3A_249 : i32
          %parallel_loop3A_251 = arith.index_cast %parallel_loop3A_250 : i32 to index
          %parallel_loop3A_252 = tpu.vector_load %arg16[%parallel_loop3A_251] {strides = array<i32>} : memref<768xf32, #tpu.memory_space<vmem>>, vector<16xf32>,
          %parallel_loop3A_253 = arith.index_cast %parallel_loop3A_250 : i32 to index
          %parallel_loop3A_254 = tpu.vector_load %arg17[%parallel_loop3A_253] {strides = array<i32>} : memref<768xf32, #tpu.memory_space<vmem>>, vector<16xf32>,
          %parallel_loop3A_255 = arith.constant 0 : i32
          %parallel_loop3A_256 = arith.constant 0 : i32
          %parallel_loop3A_257 = arith.constant 0 : i32
          %parallel_loop3A_258 = tpu.memref_slice %arg11[%parallel_loop3A_246, %parallel_loop3A_256, %parallel_loop3A_257] : memref<2x16x768xf32, #tpu.memory_space<vmem>> -> memref<1x16x768xf32, #tpu.memory_space<vmem>>
          %parallel_loop3A_259 = tpu.memref_squeeze %parallel_loop3A_258 : memref<1x16x768xf32, #tpu.memory_space<vmem>> -> memref<16x768xf32, #tpu.memory_space<vmem>>
          %parallel_loop3A_260 = arith.index_cast %parallel_loop3A_255 : i32 to index
          %parallel_loop3A_261 = arith.index_cast %parallel_loop3A_250 : i32 to index
          %parallel_loop3A_262 = tpu.vector_load %parallel_loop3A_259[%parallel_loop3A_260, %parallel_loop3A_261] {strides = array<i32>} : memref<16x768xf32, #tpu.memory_space<vmem>>, vector<16xf32>,
          %parallel_loop3A_263 = arith.mulf %parallel_loop3A_262, %broadcast_in_dim3A : vector<16xf32>
          %parallel_loop3A_264 = arith.subf %parallel_loop3A_263, %broadcast_in_dim3A_197 : vector<16xf32>
          %parallel_loop3A_265 = arith.mulf %parallel_loop3A_264, %parallel_loop3A_252 : vector<16xf32>
          %parallel_loop3A_266 = arith.addf %parallel_loop3A_265, %parallel_loop3A_254 : vector<16xf32>
          %parallel_loop3A_267 = arith.constant 0 : i32
          %parallel_loop3A_268 = arith.constant 0 : i32
          %parallel_loop3A_269 = arith.constant 0 : i32
          %parallel_loop3A_270 = tpu.memref_slice %arg13[%parallel_loop3A_247, %parallel_loop3A_268, %parallel_loop3A_269] : memref<2x16x768xf32, #tpu.memory_space<vmem>> -> memref<1x16x768xf32, #tpu.memory_space<vmem>>
          %parallel_loop3A_271 = tpu.memref_squeeze %parallel_loop3A_270 : memref<1x16x768xf32, #tpu.memory_space<vmem>> -> memref<16x768xf32, #tpu.memory_space<vmem>>
          %parallel_loop3A_272 = arith.index_cast %parallel_loop3A_267 : i32 to index
          %parallel_loop3A_273 = arith.index_cast %parallel_loop3A_250 : i32 to index
          %parallel_loop3A_274 = tpu.vector_load %parallel_loop3A_271[%parallel_loop3A_272, %parallel_loop3A_273] {strides = array<i32>} : memref<16x768xf32, #tpu.memory_space<vmem>>, vector<16xf32>,
          tpu.vector_store %parallel_loop3A_271[%parallel_loop3A_272, %parallel_loop3A_273], %parallel_loop3A_266 {strides = array<i32>} : memref<16x768xf32, #tpu.memory_space<vmem>>, vector<16xf32>,
          %parallel_loop3A_275 = arith.constant 1 : i32
          %parallel_loop3A_276 = arith.constant 0 : i32
          %parallel_loop3A_277 = arith.constant 0 : i32
          %parallel_loop3A_278 = tpu.memref_slice %arg11[%parallel_loop3A_246, %parallel_loop3A_276, %parallel_loop3A_277] : memref<2x16x768xf32, #tpu.memory_space<vmem>> -> memref<1x16x768xf32, #tpu.memory_space<vmem>>
          %parallel_loop3A_279 = tpu.memref_squeeze %parallel_loop3A_278 : memref<1x16x768xf32, #tpu.memory_space<vmem>> -> memref<16x768xf32, #tpu.memory_space<vmem>>
          %parallel_loop3A_280 = arith.index_cast %parallel_loop3A_275 : i32 to index
          %parallel_loop3A_281 = arith.index_cast %parallel_loop3A_250 : i32 to index
          %parallel_loop3A_282 = tpu.vector_load %parallel_loop3A_279[%parallel_loop3A_280, %parallel_loop3A_281] {strides = array<i32>} : memref<16x768xf32, #tpu.memory_space<vmem>>, vector<16xf32>,
          %parallel_loop3A_283 = arith.mulf %parallel_loop3A_282, %broadcast_in_dim3A_152 : vector<16xf32>
          %parallel_loop3A_284 = arith.subf %parallel_loop3A_283, %broadcast_in_dim3A_200 : vector<16xf32>
          %parallel_loop3A_285 = arith.mulf %parallel_loop3A_284, %parallel_loop3A_252 : vector<16xf32>
          %parallel_loop3A_286 = arith.addf %parallel_loop3A_285, %parallel_loop3A_254 : vector<16xf32>
          %parallel_loop3A_287 = arith.constant 1 : i32
          %parallel_loop3A_288 = arith.constant 0 : i32
          %parallel_loop3A_289 = arith.constant 0 : i32
          %parallel_loop3A_290 = tpu.memref_slice %arg13[%parallel_loop3A_247, %parallel_loop3A_288, %parallel_loop3A_289] : memref<2x16x768xf32, #tpu.memory_space<vmem>> -> memref<1x16x768xf32, #tpu.memory_space<vmem>>
          %parallel_loop3A_291 = tpu.memref_squeeze %parallel_loop3A_290 : memref<1x16x768xf32, #tpu.memory_space<vmem>> -> memref<16x768xf32, #tpu.memory_space<vmem>>
          %parallel_loop3A_292 = arith.index_cast %parallel_loop3A_287 : i32 to index
          %parallel_loop3A_293 = arith.index_cast %parallel_loop3A_250 : i32 to index
          %parallel_loop3A_294 = tpu.vector_load %parallel_loop3A_291[%parallel_loop3A_292, %parallel_loop3A_293] {strides = array<i32>} : memref<16x768xf32, #tpu.memory_space<vmem>>, vector<16xf32>,
          tpu.vector_store %parallel_loop3A_291[%parallel_loop3A_292, %parallel_loop3A_293], %parallel_loop3A_286 {strides = array<i32>} : memref<16x768xf32, #tpu.memory_space<vmem>>, vector<16xf32>,
          %parallel_loop3A_295 = arith.constant 2 : i32
          %parallel_loop3A_296 = arith.constant 0 : i32
          %parallel_loop3A_297 = arith.constant 0 : i32
          %parallel_loop3A_298 = tpu.memref_slice %arg11[%parallel_loop3A_246, %parallel_loop3A_296, %parallel_loop3A_297] : memref<2x16x768xf32, #tpu.memory_space<vmem>> -> memref<1x16x768xf32, #tpu.memory_space<vmem>>
          %parallel_loop3A_299 = tpu.memref_squeeze %parallel_loop3A_298 : memref<1x16x768xf32, #tpu.memory_space<vmem>> -> memref<16x768xf32, #tpu.memory_space<vmem>>
          %parallel_loop3A_300 = arith.index_cast %parallel_loop3A_295 : i32 to index
          %parallel_loop3A_301 = arith.index_cast %parallel_loop3A_250 : i32 to index
          %parallel_loop3A_302 = tpu.vector_load %parallel_loop3A_299[%parallel_loop3A_300, %parallel_loop3A_301] {strides = array<i32>} : memref<16x768xf32, #tpu.memory_space<vmem>>, vector<16xf32>,
          %parallel_loop3A_303 = arith.mulf %parallel_loop3A_302, %broadcast_in_dim3A_155 : vector<16xf32>
          %parallel_loop3A_304 = arith.subf %parallel_loop3A_303, %broadcast_in_dim3A_203 : vector<16xf32>
          %parallel_loop3A_305 = arith.mulf %parallel_loop3A_304, %parallel_loop3A_252 : vector<16xf32>
          %parallel_loop3A_306 = arith.addf %parallel_loop3A_305, %parallel_loop3A_254 : vector<16xf32>
          %parallel_loop3A_307 = arith.constant 2 : i32
          %parallel_loop3A_308 = arith.constant 0 : i32
          %parallel_loop3A_309 = arith.constant 0 : i32
          %parallel_loop3A_310 = tpu.memref_slice %arg13[%parallel_loop3A_247, %parallel_loop3A_308, %parallel_loop3A_309] : memref<2x16x768xf32, #tpu.memory_space<vmem>> -> memref<1x16x768xf32, #tpu.memory_space<vmem>>
          %parallel_loop3A_311 = tpu.memref_squeeze %parallel_loop3A_310 : memref<1x16x768xf32, #tpu.memory_space<vmem>> -> memref<16x768xf32, #tpu.memory_space<vmem>>
          %parallel_loop3A_312 = arith.index_cast %parallel_loop3A_307 : i32 to index
          %parallel_loop3A_313 = arith.index_cast %parallel_loop3A_250 : i32 to index
          %parallel_loop3A_314 = tpu.vector_load %parallel_loop3A_311[%parallel_loop3A_312, %parallel_loop3A_313] {strides = array<i32>} : memref<16x768xf32, #tpu.memory_space<vmem>>, vector<16xf32>,
          tpu.vector_store %parallel_loop3A_311[%parallel_loop3A_312, %parallel_loop3A_313], %parallel_loop3A_306 {strides = array<i32>} : memref<16x768xf32, #tpu.memory_space<vmem>>, vector<16xf32>,
          %parallel_loop3A_315 = arith.constant 3 : i32
          %parallel_loop3A_316 = arith.constant 0 : i32
          %parallel_loop3A_317 = arith.constant 0 : i32
          %parallel_loop3A_318 = tpu.memref_slice %arg11[%parallel_loop3A_246, %parallel_loop3A_316, %parallel_loop3A_317] : memref<2x16x768xf32, #tpu.memory_space<vmem>> -> memref<1x16x768xf32, #tpu.memory_space<vmem>>
          %parallel_loop3A_319 = tpu.memref_squeeze %parallel_loop3A_318 : memref<1x16x768xf32, #tpu.memory_space<vmem>> -> memref<16x768xf32, #tpu.memory_space<vmem>>
          %parallel_loop3A_320 = arith.index_cast %parallel_loop3A_315 : i32 to index
          %parallel_loop3A_321 = arith.index_cast %parallel_loop3A_250 : i32 to index
          %parallel_loop3A_322 = tpu.vector_load %parallel_loop3A_319[%parallel_loop3A_320, %parallel_loop3A_321] {strides = array<i32>} : memref<16x768xf32, #tpu.memory_space<vmem>>, vector<16xf32>,
          %parallel_loop3A_323 = arith.mulf %parallel_loop3A_322, %broadcast_in_dim3A_158 : vector<16xf32>
          %parallel_loop3A_324 = arith.subf %parallel_loop3A_323, %broadcast_in_dim3A_206 : vector<16xf32>
          %parallel_loop3A_325 = arith.mulf %parallel_loop3A_324, %parallel_loop3A_252 : vector<16xf32>
          %parallel_loop3A_326 = arith.addf %parallel_loop3A_325, %parallel_loop3A_254 : vector<16xf32>
          %parallel_loop3A_327 = arith.constant 3 : i32
          %parallel_loop3A_328 = arith.constant 0 : i32
          %parallel_loop3A_329 = arith.constant 0 : i32
          %parallel_loop3A_330 = tpu.memref_slice %arg13[%parallel_loop3A_247, %parallel_loop3A_328, %parallel_loop3A_329] : memref<2x16x768xf32, #tpu.memory_space<vmem>> -> memref<1x16x768xf32, #tpu.memory_space<vmem>>
          %parallel_loop3A_331 = tpu.memref_squeeze %parallel_loop3A_330 : memref<1x16x768xf32, #tpu.memory_space<vmem>> -> memref<16x768xf32, #tpu.memory_space<vmem>>
          %parallel_loop3A_332 = arith.index_cast %parallel_loop3A_327 : i32 to index
          %parallel_loop3A_333 = arith.index_cast %parallel_loop3A_250 : i32 to index
          %parallel_loop3A_334 = tpu.vector_load %parallel_loop3A_331[%parallel_loop3A_332, %parallel_loop3A_333] {strides = array<i32>} : memref<16x768xf32, #tpu.memory_space<vmem>>, vector<16xf32>,
          tpu.vector_store %parallel_loop3A_331[%parallel_loop3A_332, %parallel_loop3A_333], %parallel_loop3A_326 {strides = array<i32>} : memref<16x768xf32, #tpu.memory_space<vmem>>, vector<16xf32>,
          %parallel_loop3A_335 = arith.constant 4 : i32
          %parallel_loop3A_336 = arith.constant 0 : i32
          %parallel_loop3A_337 = arith.constant 0 : i32
          %parallel_loop3A_338 = tpu.memref_slice %arg11[%parallel_loop3A_246, %parallel_loop3A_336, %parallel_loop3A_337] : memref<2x16x768xf32, #tpu.memory_space<vmem>> -> memref<1x16x768xf32, #tpu.memory_space<vmem>>
          %parallel_loop3A_339 = tpu.memref_squeeze %parallel_loop3A_338 : memref<1x16x768xf32, #tpu.memory_space<vmem>> -> memref<16x768xf32, #tpu.memory_space<vmem>>
          %parallel_loop3A_340 = arith.index_cast %parallel_loop3A_335 : i32 to index
          %parallel_loop3A_341 = arith.index_cast %parallel_loop3A_250 : i32 to index
          %parallel_loop3A_342 = tpu.vector_load %parallel_loop3A_339[%parallel_loop3A_340, %parallel_loop3A_341] {strides = array<i32>} : memref<16x768xf32, #tpu.memory_space<vmem>>, vector<16xf32>,
          %parallel_loop3A_343 = arith.mulf %parallel_loop3A_342, %broadcast_in_dim3A_161 : vector<16xf32>
          %parallel_loop3A_344 = arith.subf %parallel_loop3A_343, %broadcast_in_dim3A_209 : vector<16xf32>
          %parallel_loop3A_345 = arith.mulf %parallel_loop3A_344, %parallel_loop3A_252 : vector<16xf32>
          %parallel_loop3A_346 = arith.addf %parallel_loop3A_345, %parallel_loop3A_254 : vector<16xf32>
          %parallel_loop3A_347 = arith.constant 4 : i32
          %parallel_loop3A_348 = arith.constant 0 : i32
          %parallel_loop3A_349 = arith.constant 0 : i32
          %parallel_loop3A_350 = tpu.memref_slice %arg13[%parallel_loop3A_247, %parallel_loop3A_348, %parallel_loop3A_349] : memref<2x16x768xf32, #tpu.memory_space<vmem>> -> memref<1x16x768xf32, #tpu.memory_space<vmem>>
          %parallel_loop3A_351 = tpu.memref_squeeze %parallel_loop3A_350 : memref<1x16x768xf32, #tpu.memory_space<vmem>> -> memref<16x768xf32, #tpu.memory_space<vmem>>
          %parallel_loop3A_352 = arith.index_cast %parallel_loop3A_347 : i32 to index
          %parallel_loop3A_353 = arith.index_cast %parallel_loop3A_250 : i32 to index
          %parallel_loop3A_354 = tpu.vector_load %parallel_loop3A_351[%parallel_loop3A_352, %parallel_loop3A_353] {strides = array<i32>} : memref<16x768xf32, #tpu.memory_space<vmem>>, vector<16xf32>,
          tpu.vector_store %parallel_loop3A_351[%parallel_loop3A_352, %parallel_loop3A_353], %parallel_loop3A_346 {strides = array<i32>} : memref<16x768xf32, #tpu.memory_space<vmem>>, vector<16xf32>,
          %parallel_loop3A_355 = arith.constant 5 : i32
          %parallel_loop3A_356 = arith.constant 0 : i32
          %parallel_loop3A_357 = arith.constant 0 : i32
          %parallel_loop3A_358 = tpu.memref_slice %arg11[%parallel_loop3A_246, %parallel_loop3A_356, %parallel_loop3A_357] : memref<2x16x768xf32, #tpu.memory_space<vmem>> -> memref<1x16x768xf32, #tpu.memory_space<vmem>>
          %parallel_loop3A_359 = tpu.memref_squeeze %parallel_loop3A_358 : memref<1x16x768xf32, #tpu.memory_space<vmem>> -> memref<16x768xf32, #tpu.memory_space<vmem>>
          %parallel_loop3A_360 = arith.index_cast %parallel_loop3A_355 : i32 to index
          %parallel_loop3A_361 = arith.index_cast %parallel_loop3A_250 : i32 to index
          %parallel_loop3A_362 = tpu.vector_load %parallel_loop3A_359[%parallel_loop3A_360, %parallel_loop3A_361] {strides = array<i32>} : memref<16x768xf32, #tpu.memory_space<vmem>>, vector<16xf32>,
          %parallel_loop3A_363 = arith.mulf %parallel_loop3A_362, %broadcast_in_dim3A_164 : vector<16xf32>
          %parallel_loop3A_364 = arith.subf %parallel_loop3A_363, %broadcast_in_dim3A_212 : vector<16xf32>
          %parallel_loop3A_365 = arith.mulf %parallel_loop3A_364, %parallel_loop3A_252 : vector<16xf32>
          %parallel_loop3A_366 = arith.addf %parallel_loop3A_365, %parallel_loop3A_254 : vector<16xf32>
          %parallel_loop3A_367 = arith.constant 5 : i32
          %parallel_loop3A_368 = arith.constant 0 : i32
          %parallel_loop3A_369 = arith.constant 0 : i32
          %parallel_loop3A_370 = tpu.memref_slice %arg13[%parallel_loop3A_247, %parallel_loop3A_368, %parallel_loop3A_369] : memref<2x16x768xf32, #tpu.memory_space<vmem>> -> memref<1x16x768xf32, #tpu.memory_space<vmem>>
          %parallel_loop3A_371 = tpu.memref_squeeze %parallel_loop3A_370 : memref<1x16x768xf32, #tpu.memory_space<vmem>> -> memref<16x768xf32, #tpu.memory_space<vmem>>
          %parallel_loop3A_372 = arith.index_cast %parallel_loop3A_367 : i32 to index
          %parallel_loop3A_373 = arith.index_cast %parallel_loop3A_250 : i32 to index
          %parallel_loop3A_374 = tpu.vector_load %parallel_loop3A_371[%parallel_loop3A_372, %parallel_loop3A_373] {strides = array<i32>} : memref<16x768xf32, #tpu.memory_space<vmem>>, vector<16xf32>,
          tpu.vector_store %parallel_loop3A_371[%parallel_loop3A_372, %parallel_loop3A_373], %parallel_loop3A_366 {strides = array<i32>} : memref<16x768xf32, #tpu.memory_space<vmem>>, vector<16xf32>,
          %parallel_loop3A_375 = arith.constant 6 : i32
          %parallel_loop3A_376 = arith.constant 0 : i32
          %parallel_loop3A_377 = arith.constant 0 : i32
          %parallel_loop3A_378 = tpu.memref_slice %arg11[%parallel_loop3A_246, %parallel_loop3A_376, %parallel_loop3A_377] : memref<2x16x768xf32, #tpu.memory_space<vmem>> -> memref<1x16x768xf32, #tpu.memory_space<vmem>>
          %parallel_loop3A_379 = tpu.memref_squeeze %parallel_loop3A_378 : memref<1x16x768xf32, #tpu.memory_space<vmem>> -> memref<16x768xf32, #tpu.memory_space<vmem>>
          %parallel_loop3A_380 = arith.index_cast %parallel_loop3A_375 : i32 to index
          %parallel_loop3A_381 = arith.index_cast %parallel_loop3A_250 : i32 to index
          %parallel_loop3A_382 = tpu.vector_load %parallel_loop3A_379[%parallel_loop3A_380, %parallel_loop3A_381] {strides = array<i32>} : memref<16x768xf32, #tpu.memory_space<vmem>>, vector<16xf32>,
          %parallel_loop3A_383 = arith.mulf %parallel_loop3A_382, %broadcast_in_dim3A_167 : vector<16xf32>
          %parallel_loop3A_384 = arith.subf %parallel_loop3A_383, %broadcast_in_dim3A_215 : vector<16xf32>
          %parallel_loop3A_385 = arith.mulf %parallel_loop3A_384, %parallel_loop3A_252 : vector<16xf32>
          %parallel_loop3A_386 = arith.addf %parallel_loop3A_385, %parallel_loop3A_254 : vector<16xf32>
          %parallel_loop3A_387 = arith.constant 6 : i32
          %parallel_loop3A_388 = arith.constant 0 : i32
          %parallel_loop3A_389 = arith.constant 0 : i32
          %parallel_loop3A_390 = tpu.memref_slice %arg13[%parallel_loop3A_247, %parallel_loop3A_388, %parallel_loop3A_389] : memref<2x16x768xf32, #tpu.memory_space<vmem>> -> memref<1x16x768xf32, #tpu.memory_space<vmem>>
          %parallel_loop3A_391 = tpu.memref_squeeze %parallel_loop3A_390 : memref<1x16x768xf32, #tpu.memory_space<vmem>> -> memref<16x768xf32, #tpu.memory_space<vmem>>
          %parallel_loop3A_392 = arith.index_cast %parallel_loop3A_387 : i32 to index
          %parallel_loop3A_393 = arith.index_cast %parallel_loop3A_250 : i32 to index
          %parallel_loop3A_394 = tpu.vector_load %parallel_loop3A_391[%parallel_loop3A_392, %parallel_loop3A_393] {strides = array<i32>} : memref<16x768xf32, #tpu.memory_space<vmem>>, vector<16xf32>,
          tpu.vector_store %parallel_loop3A_391[%parallel_loop3A_392, %parallel_loop3A_393], %parallel_loop3A_386 {strides = array<i32>} : memref<16x768xf32, #tpu.memory_space<vmem>>, vector<16xf32>,
          %parallel_loop3A_395 = arith.constant 7 : i32
          %parallel_loop3A_396 = arith.constant 0 : i32
          %parallel_loop3A_397 = arith.constant 0 : i32
          %parallel_loop3A_398 = tpu.memref_slice %arg11[%parallel_loop3A_246, %parallel_loop3A_396, %parallel_loop3A_397] : memref<2x16x768xf32, #tpu.memory_space<vmem>> -> memref<1x16x768xf32, #tpu.memory_space<vmem>>
          %parallel_loop3A_399 = tpu.memref_squeeze %parallel_loop3A_398 : memref<1x16x768xf32, #tpu.memory_space<vmem>> -> memref<16x768xf32, #tpu.memory_space<vmem>>
          %parallel_loop3A_400 = arith.index_cast %parallel_loop3A_395 : i32 to index
          %parallel_loop3A_401 = arith.index_cast %parallel_loop3A_250 : i32 to index
          %parallel_loop3A_402 = tpu.vector_load %parallel_loop3A_399[%parallel_loop3A_400, %parallel_loop3A_401] {strides = array<i32>} : memref<16x768xf32, #tpu.memory_space<vmem>>, vector<16xf32>,
          %parallel_loop3A_403 = arith.mulf %parallel_loop3A_402, %broadcast_in_dim3A_170 : vector<16xf32>
          %parallel_loop3A_404 = arith.subf %parallel_loop3A_403, %broadcast_in_dim3A_218 : vector<16xf32>
          %parallel_loop3A_405 = arith.mulf %parallel_loop3A_404, %parallel_loop3A_252 : vector<16xf32>
          %parallel_loop3A_406 = arith.addf %parallel_loop3A_405, %parallel_loop3A_254 : vector<16xf32>
          %parallel_loop3A_407 = arith.constant 7 : i32
          %parallel_loop3A_408 = arith.constant 0 : i32
          %parallel_loop3A_409 = arith.constant 0 : i32
          %parallel_loop3A_410 = tpu.memref_slice %arg13[%parallel_loop3A_247, %parallel_loop3A_408, %parallel_loop3A_409] : memref<2x16x768xf32, #tpu.memory_space<vmem>> -> memref<1x16x768xf32, #tpu.memory_space<vmem>>
          %parallel_loop3A_411 = tpu.memref_squeeze %parallel_loop3A_410 : memref<1x16x768xf32, #tpu.memory_space<vmem>> -> memref<16x768xf32, #tpu.memory_space<vmem>>
          %parallel_loop3A_412 = arith.index_cast %parallel_loop3A_407 : i32 to index
          %parallel_loop3A_413 = arith.index_cast %parallel_loop3A_250 : i32 to index
          %parallel_loop3A_414 = tpu.vector_load %parallel_loop3A_411[%parallel_loop3A_412, %parallel_loop3A_413] {strides = array<i32>} : memref<16x768xf32, #tpu.memory_space<vmem>>, vector<16xf32>,
          tpu.vector_store %parallel_loop3A_411[%parallel_loop3A_412, %parallel_loop3A_413], %parallel_loop3A_406 {strides = array<i32>} : memref<16x768xf32, #tpu.memory_space<vmem>>, vector<16xf32>,
          %parallel_loop3A_415 = arith.constant 8 : i32
          %parallel_loop3A_416 = arith.constant 0 : i32
          %parallel_loop3A_417 = arith.constant 0 : i32
          %parallel_loop3A_418 = tpu.memref_slice %arg11[%parallel_loop3A_246, %parallel_loop3A_416, %parallel_loop3A_417] : memref<2x16x768xf32, #tpu.memory_space<vmem>> -> memref<1x16x768xf32, #tpu.memory_space<vmem>>
          %parallel_loop3A_419 = tpu.memref_squeeze %parallel_loop3A_418 : memref<1x16x768xf32, #tpu.memory_space<vmem>> -> memref<16x768xf32, #tpu.memory_space<vmem>>
          %parallel_loop3A_420 = arith.index_cast %parallel_loop3A_415 : i32 to index
          %parallel_loop3A_421 = arith.index_cast %parallel_loop3A_250 : i32 to index
          %parallel_loop3A_422 = tpu.vector_load %parallel_loop3A_419[%parallel_loop3A_420, %parallel_loop3A_421] {strides = array<i32>} : memref<16x768xf32, #tpu.memory_space<vmem>>, vector<16xf32>,
          %parallel_loop3A_423 = arith.mulf %parallel_loop3A_422, %broadcast_in_dim3A_173 : vector<16xf32>
          %parallel_loop3A_424 = arith.subf %parallel_loop3A_423, %broadcast_in_dim3A_221 : vector<16xf32>
          %parallel_loop3A_425 = arith.mulf %parallel_loop3A_424, %parallel_loop3A_252 : vector<16xf32>
          %parallel_loop3A_426 = arith.addf %parallel_loop3A_425, %parallel_loop3A_254 : vector<16xf32>
          %parallel_loop3A_427 = arith.constant 8 : i32
          %parallel_loop3A_428 = arith.constant 0 : i32
          %parallel_loop3A_429 = arith.constant 0 : i32
          %parallel_loop3A_430 = tpu.memref_slice %arg13[%parallel_loop3A_247, %parallel_loop3A_428, %parallel_loop3A_429] : memref<2x16x768xf32, #tpu.memory_space<vmem>> -> memref<1x16x768xf32, #tpu.memory_space<vmem>>
          %parallel_loop3A_431 = tpu.memref_squeeze %parallel_loop3A_430 : memref<1x16x768xf32, #tpu.memory_space<vmem>> -> memref<16x768xf32, #tpu.memory_space<vmem>>
          %parallel_loop3A_432 = arith.index_cast %parallel_loop3A_427 : i32 to index
          %parallel_loop3A_433 = arith.index_cast %parallel_loop3A_250 : i32 to index
          %parallel_loop3A_434 = tpu.vector_load %parallel_loop3A_431[%parallel_loop3A_432, %parallel_loop3A_433] {strides = array<i32>} : memref<16x768xf32, #tpu.memory_space<vmem>>, vector<16xf32>,
          tpu.vector_store %parallel_loop3A_431[%parallel_loop3A_432, %parallel_loop3A_433], %parallel_loop3A_426 {strides = array<i32>} : memref<16x768xf32, #tpu.memory_space<vmem>>, vector<16xf32>,
          %parallel_loop3A_435 = arith.constant 9 : i32
          %parallel_loop3A_436 = arith.constant 0 : i32
          %parallel_loop3A_437 = arith.constant 0 : i32
          %parallel_loop3A_438 = tpu.memref_slice %arg11[%parallel_loop3A_246, %parallel_loop3A_436, %parallel_loop3A_437] : memref<2x16x768xf32, #tpu.memory_space<vmem>> -> memref<1x16x768xf32, #tpu.memory_space<vmem>>
          %parallel_loop3A_439 = tpu.memref_squeeze %parallel_loop3A_438 : memref<1x16x768xf32, #tpu.memory_space<vmem>> -> memref<16x768xf32, #tpu.memory_space<vmem>>
          %parallel_loop3A_440 = arith.index_cast %parallel_loop3A_435 : i32 to index
          %parallel_loop3A_441 = arith.index_cast %parallel_loop3A_250 : i32 to index
          %parallel_loop3A_442 = tpu.vector_load %parallel_loop3A_439[%parallel_loop3A_440, %parallel_loop3A_441] {strides = array<i32>} : memref<16x768xf32, #tpu.memory_space<vmem>>, vector<16xf32>,
          %parallel_loop3A_443 = arith.mulf %parallel_loop3A_442, %broadcast_in_dim3A_176 : vector<16xf32>
          %parallel_loop3A_444 = arith.subf %parallel_loop3A_443, %broadcast_in_dim3A_224 : vector<16xf32>
          %parallel_loop3A_445 = arith.mulf %parallel_loop3A_444, %parallel_loop3A_252 : vector<16xf32>
          %parallel_loop3A_446 = arith.addf %parallel_loop3A_445, %parallel_loop3A_254 : vector<16xf32>
          %parallel_loop3A_447 = arith.constant 9 : i32
          %parallel_loop3A_448 = arith.constant 0 : i32
          %parallel_loop3A_449 = arith.constant 0 : i32
          %parallel_loop3A_450 = tpu.memref_slice %arg13[%parallel_loop3A_247, %parallel_loop3A_448, %parallel_loop3A_449] : memref<2x16x768xf32, #tpu.memory_space<vmem>> -> memref<1x16x768xf32, #tpu.memory_space<vmem>>
          %parallel_loop3A_451 = tpu.memref_squeeze %parallel_loop3A_450 : memref<1x16x768xf32, #tpu.memory_space<vmem>> -> memref<16x768xf32, #tpu.memory_space<vmem>>
          %parallel_loop3A_452 = arith.index_cast %parallel_loop3A_447 : i32 to index
          %parallel_loop3A_453 = arith.index_cast %parallel_loop3A_250 : i32 to index
          %parallel_loop3A_454 = tpu.vector_load %parallel_loop3A_451[%parallel_loop3A_452, %parallel_loop3A_453] {strides = array<i32>} : memref<16x768xf32, #tpu.memory_space<vmem>>, vector<16xf32>,
          tpu.vector_store %parallel_loop3A_451[%parallel_loop3A_452, %parallel_loop3A_453], %parallel_loop3A_446 {strides = array<i32>} : memref<16x768xf32, #tpu.memory_space<vmem>>, vector<16xf32>,
          %parallel_loop3A_455 = arith.constant 10 : i32
          %parallel_loop3A_456 = arith.constant 0 : i32
          %parallel_loop3A_457 = arith.constant 0 : i32
          %parallel_loop3A_458 = tpu.memref_slice %arg11[%parallel_loop3A_246, %parallel_loop3A_456, %parallel_loop3A_457] : memref<2x16x768xf32, #tpu.memory_space<vmem>> -> memref<1x16x768xf32, #tpu.memory_space<vmem>>
          %parallel_loop3A_459 = tpu.memref_squeeze %parallel_loop3A_458 : memref<1x16x768xf32, #tpu.memory_space<vmem>> -> memref<16x768xf32, #tpu.memory_space<vmem>>
          %parallel_loop3A_460 = arith.index_cast %parallel_loop3A_455 : i32 to index
          %parallel_loop3A_461 = arith.index_cast %parallel_loop3A_250 : i32 to index
          %parallel_loop3A_462 = tpu.vector_load %parallel_loop3A_459[%parallel_loop3A_460, %parallel_loop3A_461] {strides = array<i32>} : memref<16x768xf32, #tpu.memory_space<vmem>>, vector<16xf32>,
          %parallel_loop3A_463 = arith.mulf %parallel_loop3A_462, %broadcast_in_dim3A_179 : vector<16xf32>
          %parallel_loop3A_464 = arith.subf %parallel_loop3A_463, %broadcast_in_dim3A_227 : vector<16xf32>
          %parallel_loop3A_465 = arith.mulf %parallel_loop3A_464, %parallel_loop3A_252 : vector<16xf32>
          %parallel_loop3A_466 = arith.addf %parallel_loop3A_465, %parallel_loop3A_254 : vector<16xf32>
          %parallel_loop3A_467 = arith.constant 10 : i32
          %parallel_loop3A_468 = arith.constant 0 : i32
          %parallel_loop3A_469 = arith.constant 0 : i32
          %parallel_loop3A_470 = tpu.memref_slice %arg13[%parallel_loop3A_247, %parallel_loop3A_468, %parallel_loop3A_469] : memref<2x16x768xf32, #tpu.memory_space<vmem>> -> memref<1x16x768xf32, #tpu.memory_space<vmem>>
          %parallel_loop3A_471 = tpu.memref_squeeze %parallel_loop3A_470 : memref<1x16x768xf32, #tpu.memory_space<vmem>> -> memref<16x768xf32, #tpu.memory_space<vmem>>
          %parallel_loop3A_472 = arith.index_cast %parallel_loop3A_467 : i32 to index
          %parallel_loop3A_473 = arith.index_cast %parallel_loop3A_250 : i32 to index
          %parallel_loop3A_474 = tpu.vector_load %parallel_loop3A_471[%parallel_loop3A_472, %parallel_loop3A_473] {strides = array<i32>} : memref<16x768xf32, #tpu.memory_space<vmem>>, vector<16xf32>,
          tpu.vector_store %parallel_loop3A_471[%parallel_loop3A_472, %parallel_loop3A_473], %parallel_loop3A_466 {strides = array<i32>} : memref<16x768xf32, #tpu.memory_space<vmem>>, vector<16xf32>,
          %parallel_loop3A_475 = arith.constant 11 : i32
          %parallel_loop3A_476 = arith.constant 0 : i32
          %parallel_loop3A_477 = arith.constant 0 : i32
          %parallel_loop3A_478 = tpu.memref_slice %arg11[%parallel_loop3A_246, %parallel_loop3A_476, %parallel_loop3A_477] : memref<2x16x768xf32, #tpu.memory_space<vmem>> -> memref<1x16x768xf32, #tpu.memory_space<vmem>>
          %parallel_loop3A_479 = tpu.memref_squeeze %parallel_loop3A_478 : memref<1x16x768xf32, #tpu.memory_space<vmem>> -> memref<16x768xf32, #tpu.memory_space<vmem>>
          %parallel_loop3A_480 = arith.index_cast %parallel_loop3A_475 : i32 to index
          %parallel_loop3A_481 = arith.index_cast %parallel_loop3A_250 : i32 to index
          %parallel_loop3A_482 = tpu.vector_load %parallel_loop3A_479[%parallel_loop3A_480, %parallel_loop3A_481] {strides = array<i32>} : memref<16x768xf32, #tpu.memory_space<vmem>>, vector<16xf32>,
          %parallel_loop3A_483 = arith.mulf %parallel_loop3A_482, %broadcast_in_dim3A_182 : vector<16xf32>
          %parallel_loop3A_484 = arith.subf %parallel_loop3A_483, %broadcast_in_dim3A_230 : vector<16xf32>
          %parallel_loop3A_485 = arith.mulf %parallel_loop3A_484, %parallel_loop3A_252 : vector<16xf32>
          %parallel_loop3A_486 = arith.addf %parallel_loop3A_485, %parallel_loop3A_254 : vector<16xf32>
          %parallel_loop3A_487 = arith.constant 11 : i32
          %parallel_loop3A_488 = arith.constant 0 : i32
          %parallel_loop3A_489 = arith.constant 0 : i32
          %parallel_loop3A_490 = tpu.memref_slice %arg13[%parallel_loop3A_247, %parallel_loop3A_488, %parallel_loop3A_489] : memref<2x16x768xf32, #tpu.memory_space<vmem>> -> memref<1x16x768xf32, #tpu.memory_space<vmem>>
          %parallel_loop3A_491 = tpu.memref_squeeze %parallel_loop3A_490 : memref<1x16x768xf32, #tpu.memory_space<vmem>> -> memref<16x768xf32, #tpu.memory_space<vmem>>
          %parallel_loop3A_492 = arith.index_cast %parallel_loop3A_487 : i32 to index
          %parallel_loop3A_493 = arith.index_cast %parallel_loop3A_250 : i32 to index
          %parallel_loop3A_494 = tpu.vector_load %parallel_loop3A_491[%parallel_loop3A_492, %parallel_loop3A_493] {strides = array<i32>} : memref<16x768xf32, #tpu.memory_space<vmem>>, vector<16xf32>,
          tpu.vector_store %parallel_loop3A_491[%parallel_loop3A_492, %parallel_loop3A_493], %parallel_loop3A_486 {strides = array<i32>} : memref<16x768xf32, #tpu.memory_space<vmem>>, vector<16xf32>,
          %parallel_loop3A_495 = arith.constant 12 : i32
          %parallel_loop3A_496 = arith.constant 0 : i32
          %parallel_loop3A_497 = arith.constant 0 : i32
          %parallel_loop3A_498 = tpu.memref_slice %arg11[%parallel_loop3A_246, %parallel_loop3A_496, %parallel_loop3A_497] : memref<2x16x768xf32, #tpu.memory_space<vmem>> -> memref<1x16x768xf32, #tpu.memory_space<vmem>>
          %parallel_loop3A_499 = tpu.memref_squeeze %parallel_loop3A_498 : memref<1x16x768xf32, #tpu.memory_space<vmem>> -> memref<16x768xf32, #tpu.memory_space<vmem>>
          %parallel_loop3A_500 = arith.index_cast %parallel_loop3A_495 : i32 to index
          %parallel_loop3A_501 = arith.index_cast %parallel_loop3A_250 : i32 to index
          %parallel_loop3A_502 = tpu.vector_load %parallel_loop3A_499[%parallel_loop3A_500, %parallel_loop3A_501] {strides = array<i32>} : memref<16x768xf32, #tpu.memory_space<vmem>>, vector<16xf32>,
          %parallel_loop3A_503 = arith.mulf %parallel_loop3A_502, %broadcast_in_dim3A_185 : vector<16xf32>
          %parallel_loop3A_504 = arith.subf %parallel_loop3A_503, %broadcast_in_dim3A_233 : vector<16xf32>
          %parallel_loop3A_505 = arith.mulf %parallel_loop3A_504, %parallel_loop3A_252 : vector<16xf32>
          %parallel_loop3A_506 = arith.addf %parallel_loop3A_505, %parallel_loop3A_254 : vector<16xf32>
          %parallel_loop3A_507 = arith.constant 12 : i32
          %parallel_loop3A_508 = arith.constant 0 : i32
          %parallel_loop3A_509 = arith.constant 0 : i32
          %parallel_loop3A_510 = tpu.memref_slice %arg13[%parallel_loop3A_247, %parallel_loop3A_508, %parallel_loop3A_509] : memref<2x16x768xf32, #tpu.memory_space<vmem>> -> memref<1x16x768xf32, #tpu.memory_space<vmem>>
          %parallel_loop3A_511 = tpu.memref_squeeze %parallel_loop3A_510 : memref<1x16x768xf32, #tpu.memory_space<vmem>> -> memref<16x768xf32, #tpu.memory_space<vmem>>
          %parallel_loop3A_512 = arith.index_cast %parallel_loop3A_507 : i32 to index
          %parallel_loop3A_513 = arith.index_cast %parallel_loop3A_250 : i32 to index
          %parallel_loop3A_514 = tpu.vector_load %parallel_loop3A_511[%parallel_loop3A_512, %parallel_loop3A_513] {strides = array<i32>} : memref<16x768xf32, #tpu.memory_space<vmem>>, vector<16xf32>,
          tpu.vector_store %parallel_loop3A_511[%parallel_loop3A_512, %parallel_loop3A_513], %parallel_loop3A_506 {strides = array<i32>} : memref<16x768xf32, #tpu.memory_space<vmem>>, vector<16xf32>,
          %parallel_loop3A_515 = arith.constant 13 : i32
          %parallel_loop3A_516 = arith.constant 0 : i32
          %parallel_loop3A_517 = arith.constant 0 : i32
          %parallel_loop3A_518 = tpu.memref_slice %arg11[%parallel_loop3A_246, %parallel_loop3A_516, %parallel_loop3A_517] : memref<2x16x768xf32, #tpu.memory_space<vmem>> -> memref<1x16x768xf32, #tpu.memory_space<vmem>>
          %parallel_loop3A_519 = tpu.memref_squeeze %parallel_loop3A_518 : memref<1x16x768xf32, #tpu.memory_space<vmem>> -> memref<16x768xf32, #tpu.memory_space<vmem>>
          %parallel_loop3A_520 = arith.index_cast %parallel_loop3A_515 : i32 to index
          %parallel_loop3A_521 = arith.index_cast %parallel_loop3A_250 : i32 to index
          %parallel_loop3A_522 = tpu.vector_load %parallel_loop3A_519[%parallel_loop3A_520, %parallel_loop3A_521] {strides = array<i32>} : memref<16x768xf32, #tpu.memory_space<vmem>>, vector<16xf32>,
          %parallel_loop3A_523 = arith.mulf %parallel_loop3A_522, %broadcast_in_dim3A_188 : vector<16xf32>
          %parallel_loop3A_524 = arith.subf %parallel_loop3A_523, %broadcast_in_dim3A_236 : vector<16xf32>
          %parallel_loop3A_525 = arith.mulf %parallel_loop3A_524, %parallel_loop3A_252 : vector<16xf32>
          %parallel_loop3A_526 = arith.addf %parallel_loop3A_525, %parallel_loop3A_254 : vector<16xf32>
          %parallel_loop3A_527 = arith.constant 13 : i32
          %parallel_loop3A_528 = arith.constant 0 : i32
          %parallel_loop3A_529 = arith.constant 0 : i32
          %parallel_loop3A_530 = tpu.memref_slice %arg13[%parallel_loop3A_247, %parallel_loop3A_528, %parallel_loop3A_529] : memref<2x16x768xf32, #tpu.memory_space<vmem>> -> memref<1x16x768xf32, #tpu.memory_space<vmem>>
          %parallel_loop3A_531 = tpu.memref_squeeze %parallel_loop3A_530 : memref<1x16x768xf32, #tpu.memory_space<vmem>> -> memref<16x768xf32, #tpu.memory_space<vmem>>
          %parallel_loop3A_532 = arith.index_cast %parallel_loop3A_527 : i32 to index
          %parallel_loop3A_533 = arith.index_cast %parallel_loop3A_250 : i32 to index
          %parallel_loop3A_534 = tpu.vector_load %parallel_loop3A_531[%parallel_loop3A_532, %parallel_loop3A_533] {strides = array<i32>} : memref<16x768xf32, #tpu.memory_space<vmem>>, vector<16xf32>,
          tpu.vector_store %parallel_loop3A_531[%parallel_loop3A_532, %parallel_loop3A_533], %parallel_loop3A_526 {strides = array<i32>} : memref<16x768xf32, #tpu.memory_space<vmem>>, vector<16xf32>,
          %parallel_loop3A_535 = arith.constant 14 : i32
          %parallel_loop3A_536 = arith.constant 0 : i32
          %parallel_loop3A_537 = arith.constant 0 : i32
          %parallel_loop3A_538 = tpu.memref_slice %arg11[%parallel_loop3A_246, %parallel_loop3A_536, %parallel_loop3A_537] : memref<2x16x768xf32, #tpu.memory_space<vmem>> -> memref<1x16x768xf32, #tpu.memory_space<vmem>>
          %parallel_loop3A_539 = tpu.memref_squeeze %parallel_loop3A_538 : memref<1x16x768xf32, #tpu.memory_space<vmem>> -> memref<16x768xf32, #tpu.memory_space<vmem>>
          %parallel_loop3A_540 = arith.index_cast %parallel_loop3A_535 : i32 to index
          %parallel_loop3A_541 = arith.index_cast %parallel_loop3A_250 : i32 to index
          %parallel_loop3A_542 = tpu.vector_load %parallel_loop3A_539[%parallel_loop3A_540, %parallel_loop3A_541] {strides = array<i32>} : memref<16x768xf32, #tpu.memory_space<vmem>>, vector<16xf32>,
          %parallel_loop3A_543 = arith.mulf %parallel_loop3A_542, %broadcast_in_dim3A_191 : vector<16xf32>
          %parallel_loop3A_544 = arith.subf %parallel_loop3A_543, %broadcast_in_dim3A_239 : vector<16xf32>
          %parallel_loop3A_545 = arith.mulf %parallel_loop3A_544, %parallel_loop3A_252 : vector<16xf32>
          %parallel_loop3A_546 = arith.addf %parallel_loop3A_545, %parallel_loop3A_254 : vector<16xf32>
          %parallel_loop3A_547 = arith.constant 14 : i32
          %parallel_loop3A_548 = arith.constant 0 : i32
          %parallel_loop3A_549 = arith.constant 0 : i32
          %parallel_loop3A_550 = tpu.memref_slice %arg13[%parallel_loop3A_247, %parallel_loop3A_548, %parallel_loop3A_549] : memref<2x16x768xf32, #tpu.memory_space<vmem>> -> memref<1x16x768xf32, #tpu.memory_space<vmem>>
          %parallel_loop3A_551 = tpu.memref_squeeze %parallel_loop3A_550 : memref<1x16x768xf32, #tpu.memory_space<vmem>> -> memref<16x768xf32, #tpu.memory_space<vmem>>
          %parallel_loop3A_552 = arith.index_cast %parallel_loop3A_547 : i32 to index
          %parallel_loop3A_553 = arith.index_cast %parallel_loop3A_250 : i32 to index
          %parallel_loop3A_554 = tpu.vector_load %parallel_loop3A_551[%parallel_loop3A_552, %parallel_loop3A_553] {strides = array<i32>} : memref<16x768xf32, #tpu.memory_space<vmem>>, vector<16xf32>,
          tpu.vector_store %parallel_loop3A_551[%parallel_loop3A_552, %parallel_loop3A_553], %parallel_loop3A_546 {strides = array<i32>} : memref<16x768xf32, #tpu.memory_space<vmem>>, vector<16xf32>,
          %parallel_loop3A_555 = arith.constant 15 : i32
          %parallel_loop3A_556 = arith.constant 0 : i32
          %parallel_loop3A_557 = arith.constant 0 : i32
          %parallel_loop3A_558 = tpu.memref_slice %arg11[%parallel_loop3A_246, %parallel_loop3A_556, %parallel_loop3A_557] : memref<2x16x768xf32, #tpu.memory_space<vmem>> -> memref<1x16x768xf32, #tpu.memory_space<vmem>>
          %parallel_loop3A_559 = tpu.memref_squeeze %parallel_loop3A_558 : memref<1x16x768xf32, #tpu.memory_space<vmem>> -> memref<16x768xf32, #tpu.memory_space<vmem>>
          %parallel_loop3A_560 = arith.index_cast %parallel_loop3A_555 : i32 to index
          %parallel_loop3A_561 = arith.index_cast %parallel_loop3A_250 : i32 to index
          %parallel_loop3A_562 = tpu.vector_load %parallel_loop3A_559[%parallel_loop3A_560, %parallel_loop3A_561] {strides = array<i32>} : memref<16x768xf32, #tpu.memory_space<vmem>>, vector<16xf32>,
          %parallel_loop3A_563 = arith.mulf %parallel_loop3A_562, %broadcast_in_dim3A_194 : vector<16xf32>
          %parallel_loop3A_564 = arith.subf %parallel_loop3A_563, %broadcast_in_dim3A_242 : vector<16xf32>
          %parallel_loop3A_565 = arith.mulf %parallel_loop3A_564, %parallel_loop3A_252 : vector<16xf32>
          %parallel_loop3A_566 = arith.addf %parallel_loop3A_565, %parallel_loop3A_254 : vector<16xf32>
          %parallel_loop3A_567 = arith.constant 15 : i32
          %parallel_loop3A_568 = arith.constant 0 : i32
          %parallel_loop3A_569 = arith.constant 0 : i32
          %parallel_loop3A_570 = tpu.memref_slice %arg13[%parallel_loop3A_247, %parallel_loop3A_568, %parallel_loop3A_569] : memref<2x16x768xf32, #tpu.memory_space<vmem>> -> memref<1x16x768xf32, #tpu.memory_space<vmem>>
          %parallel_loop3A_571 = tpu.memref_squeeze %parallel_loop3A_570 : memref<1x16x768xf32, #tpu.memory_space<vmem>> -> memref<16x768xf32, #tpu.memory_space<vmem>>
          %parallel_loop3A_572 = arith.index_cast %parallel_loop3A_567 : i32 to index
          %parallel_loop3A_573 = arith.index_cast %parallel_loop3A_250 : i32 to index
          %parallel_loop3A_574 = tpu.vector_load %parallel_loop3A_571[%parallel_loop3A_572, %parallel_loop3A_573] {strides = array<i32>} : memref<16x768xf32, #tpu.memory_space<vmem>>, vector<16xf32>,
          tpu.vector_store %parallel_loop3A_571[%parallel_loop3A_572, %parallel_loop3A_573], %parallel_loop3A_566 {strides = array<i32>} : memref<16x768xf32, #tpu.memory_space<vmem>>, vector<16xf32>,
        } {sc.loop_unroll_factor = 1 : i64, sc.parallel_access}
      } else {
      }
      %eq3A_134 = arith.constant 1 : i32
      %eq3A_135 = arith.cmpi eq, %and3A_77, %eq3A_134 : i32
      %convert_element_type3A_136 = arith.extui %eq3A_135 : i1 to i32
      %cond3A_137 = arith.constant 0 : i32
      %cond3A_138 = arith.cmpi ne, %convert_element_type3A_136, %cond3A_137 : i32
      scf.if %cond3A_138 {
        %slice3A = vector.extract_strided_slice %mul3A_127 {offsets = [0], sizes = [1], strides = [1]} : vector<16xf32> to vector<1xf32>
        %squeeze3A = vector.extract %slice3A[0] : f32 from vector<1xf32>
        %broadcast_in_dim3A = vector.broadcast %squeeze3A : f32 to vector<16xf32>
        %slice3A_150 = vector.extract_strided_slice %mul3A_127 {offsets = [1], sizes = [1], strides = [1]} : vector<16xf32> to vector<1xf32>
        %squeeze3A_151 = vector.extract %slice3A_150[0] : f32 from vector<1xf32>
        %broadcast_in_dim3A_152 = vector.broadcast %squeeze3A_151 : f32 to vector<16xf32>
        %slice3A_153 = vector.extract_strided_slice %mul3A_127 {offsets = [2], sizes = [1], strides = [1]} : vector<16xf32> to vector<1xf32>
        %squeeze3A_154 = vector.extract %slice3A_153[0] : f32 from vector<1xf32>
        %broadcast_in_dim3A_155 = vector.broadcast %squeeze3A_154 : f32 to vector<16xf32>
        %slice3A_156 = vector.extract_strided_slice %mul3A_127 {offsets = [3], sizes = [1], strides = [1]} : vector<16xf32> to vector<1xf32>
        %squeeze3A_157 = vector.extract %slice3A_156[0] : f32 from vector<1xf32>
        %broadcast_in_dim3A_158 = vector.broadcast %squeeze3A_157 : f32 to vector<16xf32>
        %slice3A_159 = vector.extract_strided_slice %mul3A_127 {offsets = [4], sizes = [1], strides = [1]} : vector<16xf32> to vector<1xf32>
        %squeeze3A_160 = vector.extract %slice3A_159[0] : f32 from vector<1xf32>
        %broadcast_in_dim3A_161 = vector.broadcast %squeeze3A_160 : f32 to vector<16xf32>
        %slice3A_162 = vector.extract_strided_slice %mul3A_127 {offsets = [5], sizes = [1], strides = [1]} : vector<16xf32> to vector<1xf32>
        %squeeze3A_163 = vector.extract %slice3A_162[0] : f32 from vector<1xf32>
        %broadcast_in_dim3A_164 = vector.broadcast %squeeze3A_163 : f32 to vector<16xf32>
        %slice3A_165 = vector.extract_strided_slice %mul3A_127 {offsets = [6], sizes = [1], strides = [1]} : vector<16xf32> to vector<1xf32>
        %squeeze3A_166 = vector.extract %slice3A_165[0] : f32 from vector<1xf32>
        %broadcast_in_dim3A_167 = vector.broadcast %squeeze3A_166 : f32 to vector<16xf32>
        %slice3A_168 = vector.extract_strided_slice %mul3A_127 {offsets = [7], sizes = [1], strides = [1]} : vector<16xf32> to vector<1xf32>
        %squeeze3A_169 = vector.extract %slice3A_168[0] : f32 from vector<1xf32>
        %broadcast_in_dim3A_170 = vector.broadcast %squeeze3A_169 : f32 to vector<16xf32>
        %slice3A_171 = vector.extract_strided_slice %mul3A_127 {offsets = [8], sizes = [1], strides = [1]} : vector<16xf32> to vector<1xf32>
        %squeeze3A_172 = vector.extract %slice3A_171[0] : f32 from vector<1xf32>
        %broadcast_in_dim3A_173 = vector.broadcast %squeeze3A_172 : f32 to vector<16xf32>
        %slice3A_174 = vector.extract_strided_slice %mul3A_127 {offsets = [9], sizes = [1], strides = [1]} : vector<16xf32> to vector<1xf32>
        %squeeze3A_175 = vector.extract %slice3A_174[0] : f32 from vector<1xf32>
        %broadcast_in_dim3A_176 = vector.broadcast %squeeze3A_175 : f32 to vector<16xf32>
        %slice3A_177 = vector.extract_strided_slice %mul3A_127 {offsets = [10], sizes = [1], strides = [1]} : vector<16xf32> to vector<1xf32>
        %squeeze3A_178 = vector.extract %slice3A_177[0] : f32 from vector<1xf32>
        %broadcast_in_dim3A_179 = vector.broadcast %squeeze3A_178 : f32 to vector<16xf32>
        %slice3A_180 = vector.extract_strided_slice %mul3A_127 {offsets = [11], sizes = [1], strides = [1]} : vector<16xf32> to vector<1xf32>
        %squeeze3A_181 = vector.extract %slice3A_180[0] : f32 from vector<1xf32>
        %broadcast_in_dim3A_182 = vector.broadcast %squeeze3A_181 : f32 to vector<16xf32>
        %slice3A_183 = vector.extract_strided_slice %mul3A_127 {offsets = [12], sizes = [1], strides = [1]} : vector<16xf32> to vector<1xf32>
        %squeeze3A_184 = vector.extract %slice3A_183[0] : f32 from vector<1xf32>
        %broadcast_in_dim3A_185 = vector.broadcast %squeeze3A_184 : f32 to vector<16xf32>
        %slice3A_186 = vector.extract_strided_slice %mul3A_127 {offsets = [13], sizes = [1], strides = [1]} : vector<16xf32> to vector<1xf32>
        %squeeze3A_187 = vector.extract %slice3A_186[0] : f32 from vector<1xf32>
        %broadcast_in_dim3A_188 = vector.broadcast %squeeze3A_187 : f32 to vector<16xf32>
        %slice3A_189 = vector.extract_strided_slice %mul3A_127 {offsets = [14], sizes = [1], strides = [1]} : vector<16xf32> to vector<1xf32>
        %squeeze3A_190 = vector.extract %slice3A_189[0] : f32 from vector<1xf32>
        %broadcast_in_dim3A_191 = vector.broadcast %squeeze3A_190 : f32 to vector<16xf32>
        %slice3A_192 = vector.extract_strided_slice %mul3A_127 {offsets = [15], sizes = [1], strides = [1]} : vector<16xf32> to vector<1xf32>
        %squeeze3A_193 = vector.extract %slice3A_192[0] : f32 from vector<1xf32>
        %broadcast_in_dim3A_194 = vector.broadcast %squeeze3A_193 : f32 to vector<16xf32>
        %slice3A_195 = vector.extract_strided_slice %mul3A_128 {offsets = [0], sizes = [1], strides = [1]} : vector<16xf32> to vector<1xf32>
        %squeeze3A_196 = vector.extract %slice3A_195[0] : f32 from vector<1xf32>
        %broadcast_in_dim3A_197 = vector.broadcast %squeeze3A_196 : f32 to vector<16xf32>
        %slice3A_198 = vector.extract_strided_slice %mul3A_128 {offsets = [1], sizes = [1], strides = [1]} : vector<16xf32> to vector<1xf32>
        %squeeze3A_199 = vector.extract %slice3A_198[0] : f32 from vector<1xf32>
        %broadcast_in_dim3A_200 = vector.broadcast %squeeze3A_199 : f32 to vector<16xf32>
        %slice3A_201 = vector.extract_strided_slice %mul3A_128 {offsets = [2], sizes = [1], strides = [1]} : vector<16xf32> to vector<1xf32>
        %squeeze3A_202 = vector.extract %slice3A_201[0] : f32 from vector<1xf32>
        %broadcast_in_dim3A_203 = vector.broadcast %squeeze3A_202 : f32 to vector<16xf32>
        %slice3A_204 = vector.extract_strided_slice %mul3A_128 {offsets = [3], sizes = [1], strides = [1]} : vector<16xf32> to vector<1xf32>
        %squeeze3A_205 = vector.extract %slice3A_204[0] : f32 from vector<1xf32>
        %broadcast_in_dim3A_206 = vector.broadcast %squeeze3A_205 : f32 to vector<16xf32>
        %slice3A_207 = vector.extract_strided_slice %mul3A_128 {offsets = [4], sizes = [1], strides = [1]} : vector<16xf32> to vector<1xf32>
        %squeeze3A_208 = vector.extract %slice3A_207[0] : f32 from vector<1xf32>
        %broadcast_in_dim3A_209 = vector.broadcast %squeeze3A_208 : f32 to vector<16xf32>
        %slice3A_210 = vector.extract_strided_slice %mul3A_128 {offsets = [5], sizes = [1], strides = [1]} : vector<16xf32> to vector<1xf32>
        %squeeze3A_211 = vector.extract %slice3A_210[0] : f32 from vector<1xf32>
        %broadcast_in_dim3A_212 = vector.broadcast %squeeze3A_211 : f32 to vector<16xf32>
        %slice3A_213 = vector.extract_strided_slice %mul3A_128 {offsets = [6], sizes = [1], strides = [1]} : vector<16xf32> to vector<1xf32>
        %squeeze3A_214 = vector.extract %slice3A_213[0] : f32 from vector<1xf32>
        %broadcast_in_dim3A_215 = vector.broadcast %squeeze3A_214 : f32 to vector<16xf32>
        %slice3A_216 = vector.extract_strided_slice %mul3A_128 {offsets = [7], sizes = [1], strides = [1]} : vector<16xf32> to vector<1xf32>
        %squeeze3A_217 = vector.extract %slice3A_216[0] : f32 from vector<1xf32>
        %broadcast_in_dim3A_218 = vector.broadcast %squeeze3A_217 : f32 to vector<16xf32>
        %slice3A_219 = vector.extract_strided_slice %mul3A_128 {offsets = [8], sizes = [1], strides = [1]} : vector<16xf32> to vector<1xf32>
        %squeeze3A_220 = vector.extract %slice3A_219[0] : f32 from vector<1xf32>
        %broadcast_in_dim3A_221 = vector.broadcast %squeeze3A_220 : f32 to vector<16xf32>
        %slice3A_222 = vector.extract_strided_slice %mul3A_128 {offsets = [9], sizes = [1], strides = [1]} : vector<16xf32> to vector<1xf32>
        %squeeze3A_223 = vector.extract %slice3A_222[0] : f32 from vector<1xf32>
        %broadcast_in_dim3A_224 = vector.broadcast %squeeze3A_223 : f32 to vector<16xf32>
        %slice3A_225 = vector.extract_strided_slice %mul3A_128 {offsets = [10], sizes = [1], strides = [1]} : vector<16xf32> to vector<1xf32>
        %squeeze3A_226 = vector.extract %slice3A_225[0] : f32 from vector<1xf32>
        %broadcast_in_dim3A_227 = vector.broadcast %squeeze3A_226 : f32 to vector<16xf32>
        %slice3A_228 = vector.extract_strided_slice %mul3A_128 {offsets = [11], sizes = [1], strides = [1]} : vector<16xf32> to vector<1xf32>
        %squeeze3A_229 = vector.extract %slice3A_228[0] : f32 from vector<1xf32>
        %broadcast_in_dim3A_230 = vector.broadcast %squeeze3A_229 : f32 to vector<16xf32>
        %slice3A_231 = vector.extract_strided_slice %mul3A_128 {offsets = [12], sizes = [1], strides = [1]} : vector<16xf32> to vector<1xf32>
        %squeeze3A_232 = vector.extract %slice3A_231[0] : f32 from vector<1xf32>
        %broadcast_in_dim3A_233 = vector.broadcast %squeeze3A_232 : f32 to vector<16xf32>
        %slice3A_234 = vector.extract_strided_slice %mul3A_128 {offsets = [13], sizes = [1], strides = [1]} : vector<16xf32> to vector<1xf32>
        %squeeze3A_235 = vector.extract %slice3A_234[0] : f32 from vector<1xf32>
        %broadcast_in_dim3A_236 = vector.broadcast %squeeze3A_235 : f32 to vector<16xf32>
        %slice3A_237 = vector.extract_strided_slice %mul3A_128 {offsets = [14], sizes = [1], strides = [1]} : vector<16xf32> to vector<1xf32>
        %squeeze3A_238 = vector.extract %slice3A_237[0] : f32 from vector<1xf32>
        %broadcast_in_dim3A_239 = vector.broadcast %squeeze3A_238 : f32 to vector<16xf32>
        %slice3A_240 = vector.extract_strided_slice %mul3A_128 {offsets = [15], sizes = [1], strides = [1]} : vector<16xf32> to vector<1xf32>
        %squeeze3A_241 = vector.extract %slice3A_240[0] : f32 from vector<1xf32>
        %broadcast_in_dim3A_242 = vector.broadcast %squeeze3A_241 : f32 to vector<16xf32>
        %parallel_loop3A_243 = arith.constant 0 : i32
        %parallel_loop3A_244 = arith.constant 48 : i32
        %parallel_loop3A_245 = arith.constant 1 : i32
        %parallel_loop3A_246 = arith.constant 1 : i32
        %parallel_loop3A_247 = arith.constant 1 : i32
        scf.for %parallel_loop3A_248 = %parallel_loop3A_243 to %parallel_loop3A_244 step %parallel_loop3A_245  : i32 {
          %parallel_loop3A_249 = arith.constant 16 : i32
          %parallel_loop3A_250 = arith.muli %parallel_loop3A_248, %parallel_loop3A_249 : i32
          %parallel_loop3A_251 = arith.index_cast %parallel_loop3A_250 : i32 to index
          %parallel_loop3A_252 = tpu.vector_load %arg16[%parallel_loop3A_251] {strides = array<i32>} : memref<768xf32, #tpu.memory_space<vmem>>, vector<16xf32>,
          %parallel_loop3A_253 = arith.index_cast %parallel_loop3A_250 : i32 to index
          %parallel_loop3A_254 = tpu.vector_load %arg17[%parallel_loop3A_253] {strides = array<i32>} : memref<768xf32, #tpu.memory_space<vmem>>, vector<16xf32>,
          %parallel_loop3A_255 = arith.constant 0 : i32
          %parallel_loop3A_256 = arith.constant 0 : i32
          %parallel_loop3A_257 = arith.constant 0 : i32
          %parallel_loop3A_258 = tpu.memref_slice %arg11[%parallel_loop3A_246, %parallel_loop3A_256, %parallel_loop3A_257] : memref<2x16x768xf32, #tpu.memory_space<vmem>> -> memref<1x16x768xf32, #tpu.memory_space<vmem>>
          %parallel_loop3A_259 = tpu.memref_squeeze %parallel_loop3A_258 : memref<1x16x768xf32, #tpu.memory_space<vmem>> -> memref<16x768xf32, #tpu.memory_space<vmem>>
          %parallel_loop3A_260 = arith.index_cast %parallel_loop3A_255 : i32 to index
          %parallel_loop3A_261 = arith.index_cast %parallel_loop3A_250 : i32 to index
          %parallel_loop3A_262 = tpu.vector_load %parallel_loop3A_259[%parallel_loop3A_260, %parallel_loop3A_261] {strides = array<i32>} : memref<16x768xf32, #tpu.memory_space<vmem>>, vector<16xf32>,
          %parallel_loop3A_263 = arith.mulf %parallel_loop3A_262, %broadcast_in_dim3A : vector<16xf32>
          %parallel_loop3A_264 = arith.subf %parallel_loop3A_263, %broadcast_in_dim3A_197 : vector<16xf32>
          %parallel_loop3A_265 = arith.mulf %parallel_loop3A_264, %parallel_loop3A_252 : vector<16xf32>
          %parallel_loop3A_266 = arith.addf %parallel_loop3A_265, %parallel_loop3A_254 : vector<16xf32>
          %parallel_loop3A_267 = arith.constant 0 : i32
          %parallel_loop3A_268 = arith.constant 0 : i32
          %parallel_loop3A_269 = arith.constant 0 : i32
          %parallel_loop3A_270 = tpu.memref_slice %arg13[%parallel_loop3A_247, %parallel_loop3A_268, %parallel_loop3A_269] : memref<2x16x768xf32, #tpu.memory_space<vmem>> -> memref<1x16x768xf32, #tpu.memory_space<vmem>>
          %parallel_loop3A_271 = tpu.memref_squeeze %parallel_loop3A_270 : memref<1x16x768xf32, #tpu.memory_space<vmem>> -> memref<16x768xf32, #tpu.memory_space<vmem>>
          %parallel_loop3A_272 = arith.index_cast %parallel_loop3A_267 : i32 to index
          %parallel_loop3A_273 = arith.index_cast %parallel_loop3A_250 : i32 to index
          %parallel_loop3A_274 = tpu.vector_load %parallel_loop3A_271[%parallel_loop3A_272, %parallel_loop3A_273] {strides = array<i32>} : memref<16x768xf32, #tpu.memory_space<vmem>>, vector<16xf32>,
          tpu.vector_store %parallel_loop3A_271[%parallel_loop3A_272, %parallel_loop3A_273], %parallel_loop3A_266 {strides = array<i32>} : memref<16x768xf32, #tpu.memory_space<vmem>>, vector<16xf32>,
          %parallel_loop3A_275 = arith.constant 1 : i32
          %parallel_loop3A_276 = arith.constant 0 : i32
          %parallel_loop3A_277 = arith.constant 0 : i32
          %parallel_loop3A_278 = tpu.memref_slice %arg11[%parallel_loop3A_246, %parallel_loop3A_276, %parallel_loop3A_277] : memref<2x16x768xf32, #tpu.memory_space<vmem>> -> memref<1x16x768xf32, #tpu.memory_space<vmem>>
          %parallel_loop3A_279 = tpu.memref_squeeze %parallel_loop3A_278 : memref<1x16x768xf32, #tpu.memory_space<vmem>> -> memref<16x768xf32, #tpu.memory_space<vmem>>
          %parallel_loop3A_280 = arith.index_cast %parallel_loop3A_275 : i32 to index
          %parallel_loop3A_281 = arith.index_cast %parallel_loop3A_250 : i32 to index
          %parallel_loop3A_282 = tpu.vector_load %parallel_loop3A_279[%parallel_loop3A_280, %parallel_loop3A_281] {strides = array<i32>} : memref<16x768xf32, #tpu.memory_space<vmem>>, vector<16xf32>,
          %parallel_loop3A_283 = arith.mulf %parallel_loop3A_282, %broadcast_in_dim3A_152 : vector<16xf32>
          %parallel_loop3A_284 = arith.subf %parallel_loop3A_283, %broadcast_in_dim3A_200 : vector<16xf32>
          %parallel_loop3A_285 = arith.mulf %parallel_loop3A_284, %parallel_loop3A_252 : vector<16xf32>
          %parallel_loop3A_286 = arith.addf %parallel_loop3A_285, %parallel_loop3A_254 : vector<16xf32>
          %parallel_loop3A_287 = arith.constant 1 : i32
          %parallel_loop3A_288 = arith.constant 0 : i32
          %parallel_loop3A_289 = arith.constant 0 : i32
          %parallel_loop3A_290 = tpu.memref_slice %arg13[%parallel_loop3A_247, %parallel_loop3A_288, %parallel_loop3A_289] : memref<2x16x768xf32, #tpu.memory_space<vmem>> -> memref<1x16x768xf32, #tpu.memory_space<vmem>>
          %parallel_loop3A_291 = tpu.memref_squeeze %parallel_loop3A_290 : memref<1x16x768xf32, #tpu.memory_space<vmem>> -> memref<16x768xf32, #tpu.memory_space<vmem>>
          %parallel_loop3A_292 = arith.index_cast %parallel_loop3A_287 : i32 to index
          %parallel_loop3A_293 = arith.index_cast %parallel_loop3A_250 : i32 to index
          %parallel_loop3A_294 = tpu.vector_load %parallel_loop3A_291[%parallel_loop3A_292, %parallel_loop3A_293] {strides = array<i32>} : memref<16x768xf32, #tpu.memory_space<vmem>>, vector<16xf32>,
          tpu.vector_store %parallel_loop3A_291[%parallel_loop3A_292, %parallel_loop3A_293], %parallel_loop3A_286 {strides = array<i32>} : memref<16x768xf32, #tpu.memory_space<vmem>>, vector<16xf32>,
          %parallel_loop3A_295 = arith.constant 2 : i32
          %parallel_loop3A_296 = arith.constant 0 : i32
          %parallel_loop3A_297 = arith.constant 0 : i32
          %parallel_loop3A_298 = tpu.memref_slice %arg11[%parallel_loop3A_246, %parallel_loop3A_296, %parallel_loop3A_297] : memref<2x16x768xf32, #tpu.memory_space<vmem>> -> memref<1x16x768xf32, #tpu.memory_space<vmem>>
          %parallel_loop3A_299 = tpu.memref_squeeze %parallel_loop3A_298 : memref<1x16x768xf32, #tpu.memory_space<vmem>> -> memref<16x768xf32, #tpu.memory_space<vmem>>
          %parallel_loop3A_300 = arith.index_cast %parallel_loop3A_295 : i32 to index
          %parallel_loop3A_301 = arith.index_cast %parallel_loop3A_250 : i32 to index
          %parallel_loop3A_302 = tpu.vector_load %parallel_loop3A_299[%parallel_loop3A_300, %parallel_loop3A_301] {strides = array<i32>} : memref<16x768xf32, #tpu.memory_space<vmem>>, vector<16xf32>,
          %parallel_loop3A_303 = arith.mulf %parallel_loop3A_302, %broadcast_in_dim3A_155 : vector<16xf32>
          %parallel_loop3A_304 = arith.subf %parallel_loop3A_303, %broadcast_in_dim3A_203 : vector<16xf32>
          %parallel_loop3A_305 = arith.mulf %parallel_loop3A_304, %parallel_loop3A_252 : vector<16xf32>
          %parallel_loop3A_306 = arith.addf %parallel_loop3A_305, %parallel_loop3A_254 : vector<16xf32>
          %parallel_loop3A_307 = arith.constant 2 : i32
          %parallel_loop3A_308 = arith.constant 0 : i32
          %parallel_loop3A_309 = arith.constant 0 : i32
          %parallel_loop3A_310 = tpu.memref_slice %arg13[%parallel_loop3A_247, %parallel_loop3A_308, %parallel_loop3A_309] : memref<2x16x768xf32, #tpu.memory_space<vmem>> -> memref<1x16x768xf32, #tpu.memory_space<vmem>>
          %parallel_loop3A_311 = tpu.memref_squeeze %parallel_loop3A_310 : memref<1x16x768xf32, #tpu.memory_space<vmem>> -> memref<16x768xf32, #tpu.memory_space<vmem>>
          %parallel_loop3A_312 = arith.index_cast %parallel_loop3A_307 : i32 to index
          %parallel_loop3A_313 = arith.index_cast %parallel_loop3A_250 : i32 to index
          %parallel_loop3A_314 = tpu.vector_load %parallel_loop3A_311[%parallel_loop3A_312, %parallel_loop3A_313] {strides = array<i32>} : memref<16x768xf32, #tpu.memory_space<vmem>>, vector<16xf32>,
          tpu.vector_store %parallel_loop3A_311[%parallel_loop3A_312, %parallel_loop3A_313], %parallel_loop3A_306 {strides = array<i32>} : memref<16x768xf32, #tpu.memory_space<vmem>>, vector<16xf32>,
          %parallel_loop3A_315 = arith.constant 3 : i32
          %parallel_loop3A_316 = arith.constant 0 : i32
          %parallel_loop3A_317 = arith.constant 0 : i32
          %parallel_loop3A_318 = tpu.memref_slice %arg11[%parallel_loop3A_246, %parallel_loop3A_316, %parallel_loop3A_317] : memref<2x16x768xf32, #tpu.memory_space<vmem>> -> memref<1x16x768xf32, #tpu.memory_space<vmem>>
          %parallel_loop3A_319 = tpu.memref_squeeze %parallel_loop3A_318 : memref<1x16x768xf32, #tpu.memory_space<vmem>> -> memref<16x768xf32, #tpu.memory_space<vmem>>
          %parallel_loop3A_320 = arith.index_cast %parallel_loop3A_315 : i32 to index
          %parallel_loop3A_321 = arith.index_cast %parallel_loop3A_250 : i32 to index
          %parallel_loop3A_322 = tpu.vector_load %parallel_loop3A_319[%parallel_loop3A_320, %parallel_loop3A_321] {strides = array<i32>} : memref<16x768xf32, #tpu.memory_space<vmem>>, vector<16xf32>,
          %parallel_loop3A_323 = arith.mulf %parallel_loop3A_322, %broadcast_in_dim3A_158 : vector<16xf32>
          %parallel_loop3A_324 = arith.subf %parallel_loop3A_323, %broadcast_in_dim3A_206 : vector<16xf32>
          %parallel_loop3A_325 = arith.mulf %parallel_loop3A_324, %parallel_loop3A_252 : vector<16xf32>
          %parallel_loop3A_326 = arith.addf %parallel_loop3A_325, %parallel_loop3A_254 : vector<16xf32>
          %parallel_loop3A_327 = arith.constant 3 : i32
          %parallel_loop3A_328 = arith.constant 0 : i32
          %parallel_loop3A_329 = arith.constant 0 : i32
          %parallel_loop3A_330 = tpu.memref_slice %arg13[%parallel_loop3A_247, %parallel_loop3A_328, %parallel_loop3A_329] : memref<2x16x768xf32, #tpu.memory_space<vmem>> -> memref<1x16x768xf32, #tpu.memory_space<vmem>>
          %parallel_loop3A_331 = tpu.memref_squeeze %parallel_loop3A_330 : memref<1x16x768xf32, #tpu.memory_space<vmem>> -> memref<16x768xf32, #tpu.memory_space<vmem>>
          %parallel_loop3A_332 = arith.index_cast %parallel_loop3A_327 : i32 to index
          %parallel_loop3A_333 = arith.index_cast %parallel_loop3A_250 : i32 to index
          %parallel_loop3A_334 = tpu.vector_load %parallel_loop3A_331[%parallel_loop3A_332, %parallel_loop3A_333] {strides = array<i32>} : memref<16x768xf32, #tpu.memory_space<vmem>>, vector<16xf32>,
          tpu.vector_store %parallel_loop3A_331[%parallel_loop3A_332, %parallel_loop3A_333], %parallel_loop3A_326 {strides = array<i32>} : memref<16x768xf32, #tpu.memory_space<vmem>>, vector<16xf32>,
          %parallel_loop3A_335 = arith.constant 4 : i32
          %parallel_loop3A_336 = arith.constant 0 : i32
          %parallel_loop3A_337 = arith.constant 0 : i32
          %parallel_loop3A_338 = tpu.memref_slice %arg11[%parallel_loop3A_246, %parallel_loop3A_336, %parallel_loop3A_337] : memref<2x16x768xf32, #tpu.memory_space<vmem>> -> memref<1x16x768xf32, #tpu.memory_space<vmem>>
          %parallel_loop3A_339 = tpu.memref_squeeze %parallel_loop3A_338 : memref<1x16x768xf32, #tpu.memory_space<vmem>> -> memref<16x768xf32, #tpu.memory_space<vmem>>
          %parallel_loop3A_340 = arith.index_cast %parallel_loop3A_335 : i32 to index
          %parallel_loop3A_341 = arith.index_cast %parallel_loop3A_250 : i32 to index
          %parallel_loop3A_342 = tpu.vector_load %parallel_loop3A_339[%parallel_loop3A_340, %parallel_loop3A_341] {strides = array<i32>} : memref<16x768xf32, #tpu.memory_space<vmem>>, vector<16xf32>,
          %parallel_loop3A_343 = arith.mulf %parallel_loop3A_342, %broadcast_in_dim3A_161 : vector<16xf32>
          %parallel_loop3A_344 = arith.subf %parallel_loop3A_343, %broadcast_in_dim3A_209 : vector<16xf32>
          %parallel_loop3A_345 = arith.mulf %parallel_loop3A_344, %parallel_loop3A_252 : vector<16xf32>
          %parallel_loop3A_346 = arith.addf %parallel_loop3A_345, %parallel_loop3A_254 : vector<16xf32>
          %parallel_loop3A_347 = arith.constant 4 : i32
          %parallel_loop3A_348 = arith.constant 0 : i32
          %parallel_loop3A_349 = arith.constant 0 : i32
          %parallel_loop3A_350 = tpu.memref_slice %arg13[%parallel_loop3A_247, %parallel_loop3A_348, %parallel_loop3A_349] : memref<2x16x768xf32, #tpu.memory_space<vmem>> -> memref<1x16x768xf32, #tpu.memory_space<vmem>>
          %parallel_loop3A_351 = tpu.memref_squeeze %parallel_loop3A_350 : memref<1x16x768xf32, #tpu.memory_space<vmem>> -> memref<16x768xf32, #tpu.memory_space<vmem>>
          %parallel_loop3A_352 = arith.index_cast %parallel_loop3A_347 : i32 to index
          %parallel_loop3A_353 = arith.index_cast %parallel_loop3A_250 : i32 to index
          %parallel_loop3A_354 = tpu.vector_load %parallel_loop3A_351[%parallel_loop3A_352, %parallel_loop3A_353] {strides = array<i32>} : memref<16x768xf32, #tpu.memory_space<vmem>>, vector<16xf32>,
          tpu.vector_store %parallel_loop3A_351[%parallel_loop3A_352, %parallel_loop3A_353], %parallel_loop3A_346 {strides = array<i32>} : memref<16x768xf32, #tpu.memory_space<vmem>>, vector<16xf32>,
          %parallel_loop3A_355 = arith.constant 5 : i32
          %parallel_loop3A_356 = arith.constant 0 : i32
          %parallel_loop3A_357 = arith.constant 0 : i32
          %parallel_loop3A_358 = tpu.memref_slice %arg11[%parallel_loop3A_246, %parallel_loop3A_356, %parallel_loop3A_357] : memref<2x16x768xf32, #tpu.memory_space<vmem>> -> memref<1x16x768xf32, #tpu.memory_space<vmem>>
          %parallel_loop3A_359 = tpu.memref_squeeze %parallel_loop3A_358 : memref<1x16x768xf32, #tpu.memory_space<vmem>> -> memref<16x768xf32, #tpu.memory_space<vmem>>
          %parallel_loop3A_360 = arith.index_cast %parallel_loop3A_355 : i32 to index
          %parallel_loop3A_361 = arith.index_cast %parallel_loop3A_250 : i32 to index
          %parallel_loop3A_362 = tpu.vector_load %parallel_loop3A_359[%parallel_loop3A_360, %parallel_loop3A_361] {strides = array<i32>} : memref<16x768xf32, #tpu.memory_space<vmem>>, vector<16xf32>,
          %parallel_loop3A_363 = arith.mulf %parallel_loop3A_362, %broadcast_in_dim3A_164 : vector<16xf32>
          %parallel_loop3A_364 = arith.subf %parallel_loop3A_363, %broadcast_in_dim3A_212 : vector<16xf32>
          %parallel_loop3A_365 = arith.mulf %parallel_loop3A_364, %parallel_loop3A_252 : vector<16xf32>
          %parallel_loop3A_366 = arith.addf %parallel_loop3A_365, %parallel_loop3A_254 : vector<16xf32>
          %parallel_loop3A_367 = arith.constant 5 : i32
          %parallel_loop3A_368 = arith.constant 0 : i32
          %parallel_loop3A_369 = arith.constant 0 : i32
          %parallel_loop3A_370 = tpu.memref_slice %arg13[%parallel_loop3A_247, %parallel_loop3A_368, %parallel_loop3A_369] : memref<2x16x768xf32, #tpu.memory_space<vmem>> -> memref<1x16x768xf32, #tpu.memory_space<vmem>>
          %parallel_loop3A_371 = tpu.memref_squeeze %parallel_loop3A_370 : memref<1x16x768xf32, #tpu.memory_space<vmem>> -> memref<16x768xf32, #tpu.memory_space<vmem>>
          %parallel_loop3A_372 = arith.index_cast %parallel_loop3A_367 : i32 to index
          %parallel_loop3A_373 = arith.index_cast %parallel_loop3A_250 : i32 to index
          %parallel_loop3A_374 = tpu.vector_load %parallel_loop3A_371[%parallel_loop3A_372, %parallel_loop3A_373] {strides = array<i32>} : memref<16x768xf32, #tpu.memory_space<vmem>>, vector<16xf32>,
          tpu.vector_store %parallel_loop3A_371[%parallel_loop3A_372, %parallel_loop3A_373], %parallel_loop3A_366 {strides = array<i32>} : memref<16x768xf32, #tpu.memory_space<vmem>>, vector<16xf32>,
          %parallel_loop3A_375 = arith.constant 6 : i32
          %parallel_loop3A_376 = arith.constant 0 : i32
          %parallel_loop3A_377 = arith.constant 0 : i32
          %parallel_loop3A_378 = tpu.memref_slice %arg11[%parallel_loop3A_246, %parallel_loop3A_376, %parallel_loop3A_377] : memref<2x16x768xf32, #tpu.memory_space<vmem>> -> memref<1x16x768xf32, #tpu.memory_space<vmem>>
          %parallel_loop3A_379 = tpu.memref_squeeze %parallel_loop3A_378 : memref<1x16x768xf32, #tpu.memory_space<vmem>> -> memref<16x768xf32, #tpu.memory_space<vmem>>
          %parallel_loop3A_380 = arith.index_cast %parallel_loop3A_375 : i32 to index
          %parallel_loop3A_381 = arith.index_cast %parallel_loop3A_250 : i32 to index
          %parallel_loop3A_382 = tpu.vector_load %parallel_loop3A_379[%parallel_loop3A_380, %parallel_loop3A_381] {strides = array<i32>} : memref<16x768xf32, #tpu.memory_space<vmem>>, vector<16xf32>,
          %parallel_loop3A_383 = arith.mulf %parallel_loop3A_382, %broadcast_in_dim3A_167 : vector<16xf32>
          %parallel_loop3A_384 = arith.subf %parallel_loop3A_383, %broadcast_in_dim3A_215 : vector<16xf32>
          %parallel_loop3A_385 = arith.mulf %parallel_loop3A_384, %parallel_loop3A_252 : vector<16xf32>
          %parallel_loop3A_386 = arith.addf %parallel_loop3A_385, %parallel_loop3A_254 : vector<16xf32>
          %parallel_loop3A_387 = arith.constant 6 : i32
          %parallel_loop3A_388 = arith.constant 0 : i32
          %parallel_loop3A_389 = arith.constant 0 : i32
          %parallel_loop3A_390 = tpu.memref_slice %arg13[%parallel_loop3A_247, %parallel_loop3A_388, %parallel_loop3A_389] : memref<2x16x768xf32, #tpu.memory_space<vmem>> -> memref<1x16x768xf32, #tpu.memory_space<vmem>>
          %parallel_loop3A_391 = tpu.memref_squeeze %parallel_loop3A_390 : memref<1x16x768xf32, #tpu.memory_space<vmem>> -> memref<16x768xf32, #tpu.memory_space<vmem>>
          %parallel_loop3A_392 = arith.index_cast %parallel_loop3A_387 : i32 to index
          %parallel_loop3A_393 = arith.index_cast %parallel_loop3A_250 : i32 to index
          %parallel_loop3A_394 = tpu.vector_load %parallel_loop3A_391[%parallel_loop3A_392, %parallel_loop3A_393] {strides = array<i32>} : memref<16x768xf32, #tpu.memory_space<vmem>>, vector<16xf32>,
          tpu.vector_store %parallel_loop3A_391[%parallel_loop3A_392, %parallel_loop3A_393], %parallel_loop3A_386 {strides = array<i32>} : memref<16x768xf32, #tpu.memory_space<vmem>>, vector<16xf32>,
          %parallel_loop3A_395 = arith.constant 7 : i32
          %parallel_loop3A_396 = arith.constant 0 : i32
          %parallel_loop3A_397 = arith.constant 0 : i32
          %parallel_loop3A_398 = tpu.memref_slice %arg11[%parallel_loop3A_246, %parallel_loop3A_396, %parallel_loop3A_397] : memref<2x16x768xf32, #tpu.memory_space<vmem>> -> memref<1x16x768xf32, #tpu.memory_space<vmem>>
          %parallel_loop3A_399 = tpu.memref_squeeze %parallel_loop3A_398 : memref<1x16x768xf32, #tpu.memory_space<vmem>> -> memref<16x768xf32, #tpu.memory_space<vmem>>
          %parallel_loop3A_400 = arith.index_cast %parallel_loop3A_395 : i32 to index
          %parallel_loop3A_401 = arith.index_cast %parallel_loop3A_250 : i32 to index
          %parallel_loop3A_402 = tpu.vector_load %parallel_loop3A_399[%parallel_loop3A_400, %parallel_loop3A_401] {strides = array<i32>} : memref<16x768xf32, #tpu.memory_space<vmem>>, vector<16xf32>,
          %parallel_loop3A_403 = arith.mulf %parallel_loop3A_402, %broadcast_in_dim3A_170 : vector<16xf32>
          %parallel_loop3A_404 = arith.subf %parallel_loop3A_403, %broadcast_in_dim3A_218 : vector<16xf32>
          %parallel_loop3A_405 = arith.mulf %parallel_loop3A_404, %parallel_loop3A_252 : vector<16xf32>
          %parallel_loop3A_406 = arith.addf %parallel_loop3A_405, %parallel_loop3A_254 : vector<16xf32>
          %parallel_loop3A_407 = arith.constant 7 : i32
          %parallel_loop3A_408 = arith.constant 0 : i32
          %parallel_loop3A_409 = arith.constant 0 : i32
          %parallel_loop3A_410 = tpu.memref_slice %arg13[%parallel_loop3A_247, %parallel_loop3A_408, %parallel_loop3A_409] : memref<2x16x768xf32, #tpu.memory_space<vmem>> -> memref<1x16x768xf32, #tpu.memory_space<vmem>>
          %parallel_loop3A_411 = tpu.memref_squeeze %parallel_loop3A_410 : memref<1x16x768xf32, #tpu.memory_space<vmem>> -> memref<16x768xf32, #tpu.memory_space<vmem>>
          %parallel_loop3A_412 = arith.index_cast %parallel_loop3A_407 : i32 to index
          %parallel_loop3A_413 = arith.index_cast %parallel_loop3A_250 : i32 to index
          %parallel_loop3A_414 = tpu.vector_load %parallel_loop3A_411[%parallel_loop3A_412, %parallel_loop3A_413] {strides = array<i32>} : memref<16x768xf32, #tpu.memory_space<vmem>>, vector<16xf32>,
          tpu.vector_store %parallel_loop3A_411[%parallel_loop3A_412, %parallel_loop3A_413], %parallel_loop3A_406 {strides = array<i32>} : memref<16x768xf32, #tpu.memory_space<vmem>>, vector<16xf32>,
          %parallel_loop3A_415 = arith.constant 8 : i32
          %parallel_loop3A_416 = arith.constant 0 : i32
          %parallel_loop3A_417 = arith.constant 0 : i32
          %parallel_loop3A_418 = tpu.memref_slice %arg11[%parallel_loop3A_246, %parallel_loop3A_416, %parallel_loop3A_417] : memref<2x16x768xf32, #tpu.memory_space<vmem>> -> memref<1x16x768xf32, #tpu.memory_space<vmem>>
          %parallel_loop3A_419 = tpu.memref_squeeze %parallel_loop3A_418 : memref<1x16x768xf32, #tpu.memory_space<vmem>> -> memref<16x768xf32, #tpu.memory_space<vmem>>
          %parallel_loop3A_420 = arith.index_cast %parallel_loop3A_415 : i32 to index
          %parallel_loop3A_421 = arith.index_cast %parallel_loop3A_250 : i32 to index
          %parallel_loop3A_422 = tpu.vector_load %parallel_loop3A_419[%parallel_loop3A_420, %parallel_loop3A_421] {strides = array<i32>} : memref<16x768xf32, #tpu.memory_space<vmem>>, vector<16xf32>,
          %parallel_loop3A_423 = arith.mulf %parallel_loop3A_422, %broadcast_in_dim3A_173 : vector<16xf32>
          %parallel_loop3A_424 = arith.subf %parallel_loop3A_423, %broadcast_in_dim3A_221 : vector<16xf32>
          %parallel_loop3A_425 = arith.mulf %parallel_loop3A_424, %parallel_loop3A_252 : vector<16xf32>
          %parallel_loop3A_426 = arith.addf %parallel_loop3A_425, %parallel_loop3A_254 : vector<16xf32>
          %parallel_loop3A_427 = arith.constant 8 : i32
          %parallel_loop3A_428 = arith.constant 0 : i32
          %parallel_loop3A_429 = arith.constant 0 : i32
          %parallel_loop3A_430 = tpu.memref_slice %arg13[%parallel_loop3A_247, %parallel_loop3A_428, %parallel_loop3A_429] : memref<2x16x768xf32, #tpu.memory_space<vmem>> -> memref<1x16x768xf32, #tpu.memory_space<vmem>>
          %parallel_loop3A_431 = tpu.memref_squeeze %parallel_loop3A_430 : memref<1x16x768xf32, #tpu.memory_space<vmem>> -> memref<16x768xf32, #tpu.memory_space<vmem>>
          %parallel_loop3A_432 = arith.index_cast %parallel_loop3A_427 : i32 to index
          %parallel_loop3A_433 = arith.index_cast %parallel_loop3A_250 : i32 to index
          %parallel_loop3A_434 = tpu.vector_load %parallel_loop3A_431[%parallel_loop3A_432, %parallel_loop3A_433] {strides = array<i32>} : memref<16x768xf32, #tpu.memory_space<vmem>>, vector<16xf32>,
          tpu.vector_store %parallel_loop3A_431[%parallel_loop3A_432, %parallel_loop3A_433], %parallel_loop3A_426 {strides = array<i32>} : memref<16x768xf32, #tpu.memory_space<vmem>>, vector<16xf32>,
          %parallel_loop3A_435 = arith.constant 9 : i32
          %parallel_loop3A_436 = arith.constant 0 : i32
          %parallel_loop3A_437 = arith.constant 0 : i32
          %parallel_loop3A_438 = tpu.memref_slice %arg11[%parallel_loop3A_246, %parallel_loop3A_436, %parallel_loop3A_437] : memref<2x16x768xf32, #tpu.memory_space<vmem>> -> memref<1x16x768xf32, #tpu.memory_space<vmem>>
          %parallel_loop3A_439 = tpu.memref_squeeze %parallel_loop3A_438 : memref<1x16x768xf32, #tpu.memory_space<vmem>> -> memref<16x768xf32, #tpu.memory_space<vmem>>
          %parallel_loop3A_440 = arith.index_cast %parallel_loop3A_435 : i32 to index
          %parallel_loop3A_441 = arith.index_cast %parallel_loop3A_250 : i32 to index
          %parallel_loop3A_442 = tpu.vector_load %parallel_loop3A_439[%parallel_loop3A_440, %parallel_loop3A_441] {strides = array<i32>} : memref<16x768xf32, #tpu.memory_space<vmem>>, vector<16xf32>,
          %parallel_loop3A_443 = arith.mulf %parallel_loop3A_442, %broadcast_in_dim3A_176 : vector<16xf32>
          %parallel_loop3A_444 = arith.subf %parallel_loop3A_443, %broadcast_in_dim3A_224 : vector<16xf32>
          %parallel_loop3A_445 = arith.mulf %parallel_loop3A_444, %parallel_loop3A_252 : vector<16xf32>
          %parallel_loop3A_446 = arith.addf %parallel_loop3A_445, %parallel_loop3A_254 : vector<16xf32>
          %parallel_loop3A_447 = arith.constant 9 : i32
          %parallel_loop3A_448 = arith.constant 0 : i32
          %parallel_loop3A_449 = arith.constant 0 : i32
          %parallel_loop3A_450 = tpu.memref_slice %arg13[%parallel_loop3A_247, %parallel_loop3A_448, %parallel_loop3A_449] : memref<2x16x768xf32, #tpu.memory_space<vmem>> -> memref<1x16x768xf32, #tpu.memory_space<vmem>>
          %parallel_loop3A_451 = tpu.memref_squeeze %parallel_loop3A_450 : memref<1x16x768xf32, #tpu.memory_space<vmem>> -> memref<16x768xf32, #tpu.memory_space<vmem>>
          %parallel_loop3A_452 = arith.index_cast %parallel_loop3A_447 : i32 to index
          %parallel_loop3A_453 = arith.index_cast %parallel_loop3A_250 : i32 to index
          %parallel_loop3A_454 = tpu.vector_load %parallel_loop3A_451[%parallel_loop3A_452, %parallel_loop3A_453] {strides = array<i32>} : memref<16x768xf32, #tpu.memory_space<vmem>>, vector<16xf32>,
          tpu.vector_store %parallel_loop3A_451[%parallel_loop3A_452, %parallel_loop3A_453], %parallel_loop3A_446 {strides = array<i32>} : memref<16x768xf32, #tpu.memory_space<vmem>>, vector<16xf32>,
          %parallel_loop3A_455 = arith.constant 10 : i32
          %parallel_loop3A_456 = arith.constant 0 : i32
          %parallel_loop3A_457 = arith.constant 0 : i32
          %parallel_loop3A_458 = tpu.memref_slice %arg11[%parallel_loop3A_246, %parallel_loop3A_456, %parallel_loop3A_457] : memref<2x16x768xf32, #tpu.memory_space<vmem>> -> memref<1x16x768xf32, #tpu.memory_space<vmem>>
          %parallel_loop3A_459 = tpu.memref_squeeze %parallel_loop3A_458 : memref<1x16x768xf32, #tpu.memory_space<vmem>> -> memref<16x768xf32, #tpu.memory_space<vmem>>
          %parallel_loop3A_460 = arith.index_cast %parallel_loop3A_455 : i32 to index
          %parallel_loop3A_461 = arith.index_cast %parallel_loop3A_250 : i32 to index
          %parallel_loop3A_462 = tpu.vector_load %parallel_loop3A_459[%parallel_loop3A_460, %parallel_loop3A_461] {strides = array<i32>} : memref<16x768xf32, #tpu.memory_space<vmem>>, vector<16xf32>,
          %parallel_loop3A_463 = arith.mulf %parallel_loop3A_462, %broadcast_in_dim3A_179 : vector<16xf32>
          %parallel_loop3A_464 = arith.subf %parallel_loop3A_463, %broadcast_in_dim3A_227 : vector<16xf32>
          %parallel_loop3A_465 = arith.mulf %parallel_loop3A_464, %parallel_loop3A_252 : vector<16xf32>
          %parallel_loop3A_466 = arith.addf %parallel_loop3A_465, %parallel_loop3A_254 : vector<16xf32>
          %parallel_loop3A_467 = arith.constant 10 : i32
          %parallel_loop3A_468 = arith.constant 0 : i32
          %parallel_loop3A_469 = arith.constant 0 : i32
          %parallel_loop3A_470 = tpu.memref_slice %arg13[%parallel_loop3A_247, %parallel_loop3A_468, %parallel_loop3A_469] : memref<2x16x768xf32, #tpu.memory_space<vmem>> -> memref<1x16x768xf32, #tpu.memory_space<vmem>>
          %parallel_loop3A_471 = tpu.memref_squeeze %parallel_loop3A_470 : memref<1x16x768xf32, #tpu.memory_space<vmem>> -> memref<16x768xf32, #tpu.memory_space<vmem>>
          %parallel_loop3A_472 = arith.index_cast %parallel_loop3A_467 : i32 to index
          %parallel_loop3A_473 = arith.index_cast %parallel_loop3A_250 : i32 to index
          %parallel_loop3A_474 = tpu.vector_load %parallel_loop3A_471[%parallel_loop3A_472, %parallel_loop3A_473] {strides = array<i32>} : memref<16x768xf32, #tpu.memory_space<vmem>>, vector<16xf32>,
          tpu.vector_store %parallel_loop3A_471[%parallel_loop3A_472, %parallel_loop3A_473], %parallel_loop3A_466 {strides = array<i32>} : memref<16x768xf32, #tpu.memory_space<vmem>>, vector<16xf32>,
          %parallel_loop3A_475 = arith.constant 11 : i32
          %parallel_loop3A_476 = arith.constant 0 : i32
          %parallel_loop3A_477 = arith.constant 0 : i32
          %parallel_loop3A_478 = tpu.memref_slice %arg11[%parallel_loop3A_246, %parallel_loop3A_476, %parallel_loop3A_477] : memref<2x16x768xf32, #tpu.memory_space<vmem>> -> memref<1x16x768xf32, #tpu.memory_space<vmem>>
          %parallel_loop3A_479 = tpu.memref_squeeze %parallel_loop3A_478 : memref<1x16x768xf32, #tpu.memory_space<vmem>> -> memref<16x768xf32, #tpu.memory_space<vmem>>
          %parallel_loop3A_480 = arith.index_cast %parallel_loop3A_475 : i32 to index
          %parallel_loop3A_481 = arith.index_cast %parallel_loop3A_250 : i32 to index
          %parallel_loop3A_482 = tpu.vector_load %parallel_loop3A_479[%parallel_loop3A_480, %parallel_loop3A_481] {strides = array<i32>} : memref<16x768xf32, #tpu.memory_space<vmem>>, vector<16xf32>,
          %parallel_loop3A_483 = arith.mulf %parallel_loop3A_482, %broadcast_in_dim3A_182 : vector<16xf32>
          %parallel_loop3A_484 = arith.subf %parallel_loop3A_483, %broadcast_in_dim3A_230 : vector<16xf32>
          %parallel_loop3A_485 = arith.mulf %parallel_loop3A_484, %parallel_loop3A_252 : vector<16xf32>
          %parallel_loop3A_486 = arith.addf %parallel_loop3A_485, %parallel_loop3A_254 : vector<16xf32>
          %parallel_loop3A_487 = arith.constant 11 : i32
          %parallel_loop3A_488 = arith.constant 0 : i32
          %parallel_loop3A_489 = arith.constant 0 : i32
          %parallel_loop3A_490 = tpu.memref_slice %arg13[%parallel_loop3A_247, %parallel_loop3A_488, %parallel_loop3A_489] : memref<2x16x768xf32, #tpu.memory_space<vmem>> -> memref<1x16x768xf32, #tpu.memory_space<vmem>>
          %parallel_loop3A_491 = tpu.memref_squeeze %parallel_loop3A_490 : memref<1x16x768xf32, #tpu.memory_space<vmem>> -> memref<16x768xf32, #tpu.memory_space<vmem>>
          %parallel_loop3A_492 = arith.index_cast %parallel_loop3A_487 : i32 to index
          %parallel_loop3A_493 = arith.index_cast %parallel_loop3A_250 : i32 to index
          %parallel_loop3A_494 = tpu.vector_load %parallel_loop3A_491[%parallel_loop3A_492, %parallel_loop3A_493] {strides = array<i32>} : memref<16x768xf32, #tpu.memory_space<vmem>>, vector<16xf32>,
          tpu.vector_store %parallel_loop3A_491[%parallel_loop3A_492, %parallel_loop3A_493], %parallel_loop3A_486 {strides = array<i32>} : memref<16x768xf32, #tpu.memory_space<vmem>>, vector<16xf32>,
          %parallel_loop3A_495 = arith.constant 12 : i32
          %parallel_loop3A_496 = arith.constant 0 : i32
          %parallel_loop3A_497 = arith.constant 0 : i32
          %parallel_loop3A_498 = tpu.memref_slice %arg11[%parallel_loop3A_246, %parallel_loop3A_496, %parallel_loop3A_497] : memref<2x16x768xf32, #tpu.memory_space<vmem>> -> memref<1x16x768xf32, #tpu.memory_space<vmem>>
          %parallel_loop3A_499 = tpu.memref_squeeze %parallel_loop3A_498 : memref<1x16x768xf32, #tpu.memory_space<vmem>> -> memref<16x768xf32, #tpu.memory_space<vmem>>
          %parallel_loop3A_500 = arith.index_cast %parallel_loop3A_495 : i32 to index
          %parallel_loop3A_501 = arith.index_cast %parallel_loop3A_250 : i32 to index
          %parallel_loop3A_502 = tpu.vector_load %parallel_loop3A_499[%parallel_loop3A_500, %parallel_loop3A_501] {strides = array<i32>} : memref<16x768xf32, #tpu.memory_space<vmem>>, vector<16xf32>,
          %parallel_loop3A_503 = arith.mulf %parallel_loop3A_502, %broadcast_in_dim3A_185 : vector<16xf32>
          %parallel_loop3A_504 = arith.subf %parallel_loop3A_503, %broadcast_in_dim3A_233 : vector<16xf32>
          %parallel_loop3A_505 = arith.mulf %parallel_loop3A_504, %parallel_loop3A_252 : vector<16xf32>
          %parallel_loop3A_506 = arith.addf %parallel_loop3A_505, %parallel_loop3A_254 : vector<16xf32>
          %parallel_loop3A_507 = arith.constant 12 : i32
          %parallel_loop3A_508 = arith.constant 0 : i32
          %parallel_loop3A_509 = arith.constant 0 : i32
          %parallel_loop3A_510 = tpu.memref_slice %arg13[%parallel_loop3A_247, %parallel_loop3A_508, %parallel_loop3A_509] : memref<2x16x768xf32, #tpu.memory_space<vmem>> -> memref<1x16x768xf32, #tpu.memory_space<vmem>>
          %parallel_loop3A_511 = tpu.memref_squeeze %parallel_loop3A_510 : memref<1x16x768xf32, #tpu.memory_space<vmem>> -> memref<16x768xf32, #tpu.memory_space<vmem>>
          %parallel_loop3A_512 = arith.index_cast %parallel_loop3A_507 : i32 to index
          %parallel_loop3A_513 = arith.index_cast %parallel_loop3A_250 : i32 to index
          %parallel_loop3A_514 = tpu.vector_load %parallel_loop3A_511[%parallel_loop3A_512, %parallel_loop3A_513] {strides = array<i32>} : memref<16x768xf32, #tpu.memory_space<vmem>>, vector<16xf32>,
          tpu.vector_store %parallel_loop3A_511[%parallel_loop3A_512, %parallel_loop3A_513], %parallel_loop3A_506 {strides = array<i32>} : memref<16x768xf32, #tpu.memory_space<vmem>>, vector<16xf32>,
          %parallel_loop3A_515 = arith.constant 13 : i32
          %parallel_loop3A_516 = arith.constant 0 : i32
          %parallel_loop3A_517 = arith.constant 0 : i32
          %parallel_loop3A_518 = tpu.memref_slice %arg11[%parallel_loop3A_246, %parallel_loop3A_516, %parallel_loop3A_517] : memref<2x16x768xf32, #tpu.memory_space<vmem>> -> memref<1x16x768xf32, #tpu.memory_space<vmem>>
          %parallel_loop3A_519 = tpu.memref_squeeze %parallel_loop3A_518 : memref<1x16x768xf32, #tpu.memory_space<vmem>> -> memref<16x768xf32, #tpu.memory_space<vmem>>
          %parallel_loop3A_520 = arith.index_cast %parallel_loop3A_515 : i32 to index
          %parallel_loop3A_521 = arith.index_cast %parallel_loop3A_250 : i32 to index
          %parallel_loop3A_522 = tpu.vector_load %parallel_loop3A_519[%parallel_loop3A_520, %parallel_loop3A_521] {strides = array<i32>} : memref<16x768xf32, #tpu.memory_space<vmem>>, vector<16xf32>,
          %parallel_loop3A_523 = arith.mulf %parallel_loop3A_522, %broadcast_in_dim3A_188 : vector<16xf32>
          %parallel_loop3A_524 = arith.subf %parallel_loop3A_523, %broadcast_in_dim3A_236 : vector<16xf32>
          %parallel_loop3A_525 = arith.mulf %parallel_loop3A_524, %parallel_loop3A_252 : vector<16xf32>
          %parallel_loop3A_526 = arith.addf %parallel_loop3A_525, %parallel_loop3A_254 : vector<16xf32>
          %parallel_loop3A_527 = arith.constant 13 : i32
          %parallel_loop3A_528 = arith.constant 0 : i32
          %parallel_loop3A_529 = arith.constant 0 : i32
          %parallel_loop3A_530 = tpu.memref_slice %arg13[%parallel_loop3A_247, %parallel_loop3A_528, %parallel_loop3A_529] : memref<2x16x768xf32, #tpu.memory_space<vmem>> -> memref<1x16x768xf32, #tpu.memory_space<vmem>>
          %parallel_loop3A_531 = tpu.memref_squeeze %parallel_loop3A_530 : memref<1x16x768xf32, #tpu.memory_space<vmem>> -> memref<16x768xf32, #tpu.memory_space<vmem>>
          %parallel_loop3A_532 = arith.index_cast %parallel_loop3A_527 : i32 to index
          %parallel_loop3A_533 = arith.index_cast %parallel_loop3A_250 : i32 to index
          %parallel_loop3A_534 = tpu.vector_load %parallel_loop3A_531[%parallel_loop3A_532, %parallel_loop3A_533] {strides = array<i32>} : memref<16x768xf32, #tpu.memory_space<vmem>>, vector<16xf32>,
          tpu.vector_store %parallel_loop3A_531[%parallel_loop3A_532, %parallel_loop3A_533], %parallel_loop3A_526 {strides = array<i32>} : memref<16x768xf32, #tpu.memory_space<vmem>>, vector<16xf32>,
          %parallel_loop3A_535 = arith.constant 14 : i32
          %parallel_loop3A_536 = arith.constant 0 : i32
          %parallel_loop3A_537 = arith.constant 0 : i32
          %parallel_loop3A_538 = tpu.memref_slice %arg11[%parallel_loop3A_246, %parallel_loop3A_536, %parallel_loop3A_537] : memref<2x16x768xf32, #tpu.memory_space<vmem>> -> memref<1x16x768xf32, #tpu.memory_space<vmem>>
          %parallel_loop3A_539 = tpu.memref_squeeze %parallel_loop3A_538 : memref<1x16x768xf32, #tpu.memory_space<vmem>> -> memref<16x768xf32, #tpu.memory_space<vmem>>
          %parallel_loop3A_540 = arith.index_cast %parallel_loop3A_535 : i32 to index
          %parallel_loop3A_541 = arith.index_cast %parallel_loop3A_250 : i32 to index
          %parallel_loop3A_542 = tpu.vector_load %parallel_loop3A_539[%parallel_loop3A_540, %parallel_loop3A_541] {strides = array<i32>} : memref<16x768xf32, #tpu.memory_space<vmem>>, vector<16xf32>,
          %parallel_loop3A_543 = arith.mulf %parallel_loop3A_542, %broadcast_in_dim3A_191 : vector<16xf32>
          %parallel_loop3A_544 = arith.subf %parallel_loop3A_543, %broadcast_in_dim3A_239 : vector<16xf32>
          %parallel_loop3A_545 = arith.mulf %parallel_loop3A_544, %parallel_loop3A_252 : vector<16xf32>
          %parallel_loop3A_546 = arith.addf %parallel_loop3A_545, %parallel_loop3A_254 : vector<16xf32>
          %parallel_loop3A_547 = arith.constant 14 : i32
          %parallel_loop3A_548 = arith.constant 0 : i32
          %parallel_loop3A_549 = arith.constant 0 : i32
          %parallel_loop3A_550 = tpu.memref_slice %arg13[%parallel_loop3A_247, %parallel_loop3A_548, %parallel_loop3A_549] : memref<2x16x768xf32, #tpu.memory_space<vmem>> -> memref<1x16x768xf32, #tpu.memory_space<vmem>>
          %parallel_loop3A_551 = tpu.memref_squeeze %parallel_loop3A_550 : memref<1x16x768xf32, #tpu.memory_space<vmem>> -> memref<16x768xf32, #tpu.memory_space<vmem>>
          %parallel_loop3A_552 = arith.index_cast %parallel_loop3A_547 : i32 to index
          %parallel_loop3A_553 = arith.index_cast %parallel_loop3A_250 : i32 to index
          %parallel_loop3A_554 = tpu.vector_load %parallel_loop3A_551[%parallel_loop3A_552, %parallel_loop3A_553] {strides = array<i32>} : memref<16x768xf32, #tpu.memory_space<vmem>>, vector<16xf32>,
          tpu.vector_store %parallel_loop3A_551[%parallel_loop3A_552, %parallel_loop3A_553], %parallel_loop3A_546 {strides = array<i32>} : memref<16x768xf32, #tpu.memory_space<vmem>>, vector<16xf32>,
          %parallel_loop3A_555 = arith.constant 15 : i32
          %parallel_loop3A_556 = arith.constant 0 : i32
          %parallel_loop3A_557 = arith.constant 0 : i32
          %parallel_loop3A_558 = tpu.memref_slice %arg11[%parallel_loop3A_246, %parallel_loop3A_556, %parallel_loop3A_557] : memref<2x16x768xf32, #tpu.memory_space<vmem>> -> memref<1x16x768xf32, #tpu.memory_space<vmem>>
          %parallel_loop3A_559 = tpu.memref_squeeze %parallel_loop3A_558 : memref<1x16x768xf32, #tpu.memory_space<vmem>> -> memref<16x768xf32, #tpu.memory_space<vmem>>
          %parallel_loop3A_560 = arith.index_cast %parallel_loop3A_555 : i32 to index
          %parallel_loop3A_561 = arith.index_cast %parallel_loop3A_250 : i32 to index
          %parallel_loop3A_562 = tpu.vector_load %parallel_loop3A_559[%parallel_loop3A_560, %parallel_loop3A_561] {strides = array<i32>} : memref<16x768xf32, #tpu.memory_space<vmem>>, vector<16xf32>,
          %parallel_loop3A_563 = arith.mulf %parallel_loop3A_562, %broadcast_in_dim3A_194 : vector<16xf32>
          %parallel_loop3A_564 = arith.subf %parallel_loop3A_563, %broadcast_in_dim3A_242 : vector<16xf32>
          %parallel_loop3A_565 = arith.mulf %parallel_loop3A_564, %parallel_loop3A_252 : vector<16xf32>
          %parallel_loop3A_566 = arith.addf %parallel_loop3A_565, %parallel_loop3A_254 : vector<16xf32>
          %parallel_loop3A_567 = arith.constant 15 : i32
          %parallel_loop3A_568 = arith.constant 0 : i32
          %parallel_loop3A_569 = arith.constant 0 : i32
          %parallel_loop3A_570 = tpu.memref_slice %arg13[%parallel_loop3A_247, %parallel_loop3A_568, %parallel_loop3A_569] : memref<2x16x768xf32, #tpu.memory_space<vmem>> -> memref<1x16x768xf32, #tpu.memory_space<vmem>>
          %parallel_loop3A_571 = tpu.memref_squeeze %parallel_loop3A_570 : memref<1x16x768xf32, #tpu.memory_space<vmem>> -> memref<16x768xf32, #tpu.memory_space<vmem>>
          %parallel_loop3A_572 = arith.index_cast %parallel_loop3A_567 : i32 to index
          %parallel_loop3A_573 = arith.index_cast %parallel_loop3A_250 : i32 to index
          %parallel_loop3A_574 = tpu.vector_load %parallel_loop3A_571[%parallel_loop3A_572, %parallel_loop3A_573] {strides = array<i32>} : memref<16x768xf32, #tpu.memory_space<vmem>>, vector<16xf32>,
          tpu.vector_store %parallel_loop3A_571[%parallel_loop3A_572, %parallel_loop3A_573], %parallel_loop3A_566 {strides = array<i32>} : memref<16x768xf32, #tpu.memory_space<vmem>>, vector<16xf32>,
        } {sc.loop_unroll_factor = 1 : i64, sc.parallel_access}
      } else {
      }
      %eq3A_139 = arith.constant 0 : i32
      %eq3A_140 = arith.cmpi eq, %and3A_77, %eq3A_139 : i32
      %convert_element_type3A_141 = arith.extui %eq3A_140 : i1 to i32
      %cond3A_142 = arith.constant 0 : i32
      %cond3A_143 = arith.cmpi ne, %convert_element_type3A_141, %cond3A_142 : i32
      scf.if %cond3A_143 {
        %mul3A_150 = arith.constant 16 : i32
        %mul3A_151 = arith.muli %scan3A_75, %mul3A_150 : i32
        %add3A_152 = arith.addi %mul3A_2, %mul3A_151 : i32
        %dma_start3A_153 = arith.constant 0 : i32
        %dma_start3A_154 = arith.constant 0 : i32
        %dma_start3A_155 = arith.constant 0 : i32
        %dma_start3A_156 = tpu.memref_slice %arg13[%dma_start3A_153, %dma_start3A_154, %dma_start3A_155] : memref<2x16x768xf32, #tpu.memory_space<vmem>> -> memref<1x16x768xf32, #tpu.memory_space<vmem>>
        %dma_start3A_157 = tpu.memref_squeeze %dma_start3A_156 : memref<1x16x768xf32, #tpu.memory_space<vmem>> -> memref<16x768xf32, #tpu.memory_space<vmem>>
        %dma_start3A_158 = arith.constant 0 : i32
        %dma_start3A_159 = tpu.memref_slice %arg8[%add3A_152, %dma_start3A_158] : memref<8192x768xf32, #tpu.memory_space<hbm>> -> memref<16x768xf32, #tpu.memory_space<hbm>>
        %dma_start3A_160 = arith.constant 0 : i32
        %dma_start3A_161 = tpu.memref_slice %arg8[%add3A_152, %dma_start3A_160] : memref<8192x768xf32, #tpu.memory_space<hbm>> -> memref<16x768xf32, #tpu.memory_space<hbm>>
        %dma_start3A_162 = arith.constant 0 : i32
        %dma_start3A_163 = arith.constant 0 : i32
        %dma_start3A_164 = tpu.memref_slice %arg13[%dma_start3A_153, %dma_start3A_162, %dma_start3A_163] : memref<2x16x768xf32, #tpu.memory_space<vmem>> -> memref<1x16x768xf32, #tpu.memory_space<vmem>>
        %dma_start3A_165 = tpu.memref_squeeze %dma_start3A_164 : memref<1x16x768xf32, #tpu.memory_space<vmem>> -> memref<16x768xf32, #tpu.memory_space<vmem>>
        tpu.enqueue_dma source(%dma_start3A_165 : memref<16x768xf32, #tpu.memory_space<vmem>>) target(%dma_start3A_161 : memref<16x768xf32, #tpu.memory_space<hbm>>) target_semaphore(%arg22 : memref<!tpu.dma_semaphore, #tpu.memory_space<semaphore_mem>>)
        %add3A_166 = arith.constant 2 : i32
        %add3A_167 = arith.addi %scan3A_75, %add3A_166 : i32
        %lt3A = arith.constant 16 : i32
        %lt3A_168 = arith.cmpi slt, %add3A_167, %lt3A : i32
        %convert_element_type3A_169 = arith.extui %lt3A_168 : i1 to i32
        %cond3A_170 = arith.constant 0 : i32
        %cond3A_171 = arith.cmpi ne, %convert_element_type3A_169, %cond3A_170 : i32
        scf.if %cond3A_171 {
          %add3A_172 = arith.constant 2 : i32
          %add3A_173 = arith.addi %scan3A_75, %add3A_172 : i32
          %mul3A_174 = arith.constant 16 : i32
          %mul3A_175 = arith.muli %add3A_173, %mul3A_174 : i32
          %dma_start3A_176 = arith.constant 0 : i32
          %dma_start3A_177 = arith.constant 0 : i32
          %dma_start3A_178 = arith.constant 0 : i32
          %dma_start3A_179 = tpu.memref_slice %arg11[%dma_start3A_176, %dma_start3A_177, %dma_start3A_178] : memref<2x16x768xf32, #tpu.memory_space<vmem>> -> memref<1x16x768xf32, #tpu.memory_space<vmem>>
          %dma_start3A_180 = tpu.memref_squeeze %dma_start3A_179 : memref<1x16x768xf32, #tpu.memory_space<vmem>> -> memref<16x768xf32, #tpu.memory_space<vmem>>
          %dma_start3A_181 = tpu.memref_slice %arg9[%mul3A_175] : memref<256xi32, #tpu.memory_space<vmem>> -> memref<16xi32, #tpu.memory_space<vmem>>
          %dma_start3A_182 = arith.constant 0 : i32
          %dma_start3A_183 = arith.constant 0 : i32
          %dma_start3A_184 = tpu.memref_slice %arg4[%dma_start3A_182, %dma_start3A_183] : memref<50265x768xf32, #tpu.memory_space<hbm>> -> memref<50265x768xf32, #tpu.memory_space<hbm>>
          tpu.enqueue_indirect_dma source(%dma_start3A_184 : memref<50265x768xf32, #tpu.memory_space<hbm>>) target(%dma_start3A_180 : memref<16x768xf32, #tpu.memory_space<vmem>>) offsets(%dma_start3A_181 : memref<16xi32, #tpu.memory_space<vmem>>) semaphore(%arg18 : memref<!tpu.dma_semaphore, #tpu.memory_space<semaphore_mem>>)
          %mul3A_185 = arith.constant 16 : i32
          %mul3A_186 = arith.muli %add3A_173, %mul3A_185 : i32
          %dma_start3A_187 = arith.constant 0 : i32
          %dma_start3A_188 = arith.constant 0 : i32
          %dma_start3A_189 = arith.constant 0 : i32
          %dma_start3A_190 = tpu.memref_slice %arg12[%dma_start3A_187, %dma_start3A_188, %dma_start3A_189] : memref<2x16x768xf32, #tpu.memory_space<vmem>> -> memref<1x16x768xf32, #tpu.memory_space<vmem>>
          %dma_start3A_191 = tpu.memref_squeeze %dma_start3A_190 : memref<1x16x768xf32, #tpu.memory_space<vmem>> -> memref<16x768xf32, #tpu.memory_space<vmem>>
          %dma_start3A_192 = tpu.memref_slice %arg10[%mul3A_186] : memref<256xi32, #tpu.memory_space<vmem>> -> memref<16xi32, #tpu.memory_space<vmem>>
          %dma_start3A_193 = arith.constant 0 : i32
          %dma_start3A_194 = arith.constant 0 : i32
          %dma_start3A_195 = tpu.memref_slice %arg5[%dma_start3A_193, %dma_start3A_194] : memref<2052x768xf32, #tpu.memory_space<hbm>> -> memref<2052x768xf32, #tpu.memory_space<hbm>>
          tpu.enqueue_indirect_dma source(%dma_start3A_195 : memref<2052x768xf32, #tpu.memory_space<hbm>>) target(%dma_start3A_191 : memref<16x768xf32, #tpu.memory_space<vmem>>) offsets(%dma_start3A_192 : memref<16xi32, #tpu.memory_space<vmem>>) semaphore(%arg20 : memref<!tpu.dma_semaphore, #tpu.memory_space<semaphore_mem>>)
        } else {
        }
      } else {
      }
      %eq3A_144 = arith.constant 1 : i32
      %eq3A_145 = arith.cmpi eq, %and3A_77, %eq3A_144 : i32
      %convert_element_type3A_146 = arith.extui %eq3A_145 : i1 to i32
      %cond3A_147 = arith.constant 0 : i32
      %cond3A_148 = arith.cmpi ne, %convert_element_type3A_146, %cond3A_147 : i32
      scf.if %cond3A_148 {
        %mul3A_150 = arith.constant 16 : i32
        %mul3A_151 = arith.muli %scan3A_75, %mul3A_150 : i32
        %add3A_152 = arith.addi %mul3A_2, %mul3A_151 : i32
        %dma_start3A_153 = arith.constant 1 : i32
        %dma_start3A_154 = arith.constant 0 : i32
        %dma_start3A_155 = arith.constant 0 : i32
        %dma_start3A_156 = tpu.memref_slice %arg13[%dma_start3A_153, %dma_start3A_154, %dma_start3A_155] : memref<2x16x768xf32, #tpu.memory_space<vmem>> -> memref<1x16x768xf32, #tpu.memory_space<vmem>>
        %dma_start3A_157 = tpu.memref_squeeze %dma_start3A_156 : memref<1x16x768xf32, #tpu.memory_space<vmem>> -> memref<16x768xf32, #tpu.memory_space<vmem>>
        %dma_start3A_158 = arith.constant 0 : i32
        %dma_start3A_159 = tpu.memref_slice %arg8[%add3A_152, %dma_start3A_158] : memref<8192x768xf32, #tpu.memory_space<hbm>> -> memref<16x768xf32, #tpu.memory_space<hbm>>
        %dma_start3A_160 = arith.constant 0 : i32
        %dma_start3A_161 = tpu.memref_slice %arg8[%add3A_152, %dma_start3A_160] : memref<8192x768xf32, #tpu.memory_space<hbm>> -> memref<16x768xf32, #tpu.memory_space<hbm>>
        %dma_start3A_162 = arith.constant 0 : i32
        %dma_start3A_163 = arith.constant 0 : i32
        %dma_start3A_164 = tpu.memref_slice %arg13[%dma_start3A_153, %dma_start3A_162, %dma_start3A_163] : memref<2x16x768xf32, #tpu.memory_space<vmem>> -> memref<1x16x768xf32, #tpu.memory_space<vmem>>
        %dma_start3A_165 = tpu.memref_squeeze %dma_start3A_164 : memref<1x16x768xf32, #tpu.memory_space<vmem>> -> memref<16x768xf32, #tpu.memory_space<vmem>>
        tpu.enqueue_dma source(%dma_start3A_165 : memref<16x768xf32, #tpu.memory_space<vmem>>) target(%dma_start3A_161 : memref<16x768xf32, #tpu.memory_space<hbm>>) target_semaphore(%arg23 : memref<!tpu.dma_semaphore, #tpu.memory_space<semaphore_mem>>)
        %add3A_166 = arith.constant 2 : i32
        %add3A_167 = arith.addi %scan3A_75, %add3A_166 : i32
        %lt3A = arith.constant 16 : i32
        %lt3A_168 = arith.cmpi slt, %add3A_167, %lt3A : i32
        %convert_element_type3A_169 = arith.extui %lt3A_168 : i1 to i32
        %cond3A_170 = arith.constant 0 : i32
        %cond3A_171 = arith.cmpi ne, %convert_element_type3A_169, %cond3A_170 : i32
        scf.if %cond3A_171 {
          %add3A_172 = arith.constant 2 : i32
          %add3A_173 = arith.addi %scan3A_75, %add3A_172 : i32
          %mul3A_174 = arith.constant 16 : i32
          %mul3A_175 = arith.muli %add3A_173, %mul3A_174 : i32
          %dma_start3A_176 = arith.constant 1 : i32
          %dma_start3A_177 = arith.constant 0 : i32
          %dma_start3A_178 = arith.constant 0 : i32
          %dma_start3A_179 = tpu.memref_slice %arg11[%dma_start3A_176, %dma_start3A_177, %dma_start3A_178] : memref<2x16x768xf32, #tpu.memory_space<vmem>> -> memref<1x16x768xf32, #tpu.memory_space<vmem>>
          %dma_start3A_180 = tpu.memref_squeeze %dma_start3A_179 : memref<1x16x768xf32, #tpu.memory_space<vmem>> -> memref<16x768xf32, #tpu.memory_space<vmem>>
          %dma_start3A_181 = tpu.memref_slice %arg9[%mul3A_175] : memref<256xi32, #tpu.memory_space<vmem>> -> memref<16xi32, #tpu.memory_space<vmem>>
          %dma_start3A_182 = arith.constant 0 : i32
          %dma_start3A_183 = arith.constant 0 : i32
          %dma_start3A_184 = tpu.memref_slice %arg4[%dma_start3A_182, %dma_start3A_183] : memref<50265x768xf32, #tpu.memory_space<hbm>> -> memref<50265x768xf32, #tpu.memory_space<hbm>>
          tpu.enqueue_indirect_dma source(%dma_start3A_184 : memref<50265x768xf32, #tpu.memory_space<hbm>>) target(%dma_start3A_180 : memref<16x768xf32, #tpu.memory_space<vmem>>) offsets(%dma_start3A_181 : memref<16xi32, #tpu.memory_space<vmem>>) semaphore(%arg19 : memref<!tpu.dma_semaphore, #tpu.memory_space<semaphore_mem>>)
          %mul3A_185 = arith.constant 16 : i32
          %mul3A_186 = arith.muli %add3A_173, %mul3A_185 : i32
          %dma_start3A_187 = arith.constant 1 : i32
          %dma_start3A_188 = arith.constant 0 : i32
          %dma_start3A_189 = arith.constant 0 : i32
          %dma_start3A_190 = tpu.memref_slice %arg12[%dma_start3A_187, %dma_start3A_188, %dma_start3A_189] : memref<2x16x768xf32, #tpu.memory_space<vmem>> -> memref<1x16x768xf32, #tpu.memory_space<vmem>>
          %dma_start3A_191 = tpu.memref_squeeze %dma_start3A_190 : memref<1x16x768xf32, #tpu.memory_space<vmem>> -> memref<16x768xf32, #tpu.memory_space<vmem>>
          %dma_start3A_192 = tpu.memref_slice %arg10[%mul3A_186] : memref<256xi32, #tpu.memory_space<vmem>> -> memref<16xi32, #tpu.memory_space<vmem>>
          %dma_start3A_193 = arith.constant 0 : i32
          %dma_start3A_194 = arith.constant 0 : i32
          %dma_start3A_195 = tpu.memref_slice %arg5[%dma_start3A_193, %dma_start3A_194] : memref<2052x768xf32, #tpu.memory_space<hbm>> -> memref<2052x768xf32, #tpu.memory_space<hbm>>
          tpu.enqueue_indirect_dma source(%dma_start3A_195 : memref<2052x768xf32, #tpu.memory_space<hbm>>) target(%dma_start3A_191 : memref<16x768xf32, #tpu.memory_space<vmem>>) offsets(%dma_start3A_192 : memref<16xi32, #tpu.memory_space<vmem>>) semaphore(%arg21 : memref<!tpu.dma_semaphore, #tpu.memory_space<semaphore_mem>>)
        } else {
        }
      } else {
      }
      %scan3A_149 = arith.constant 0 : i32
      scf.yield %scan3A_149 : i32
    }
    %scan3A_49 = arith.constant 16 : i32
    %dma_wait3A = arith.constant 0 : i32
    %dma_wait3A_50 = arith.constant 0 : i32
    %dma_wait3A_51 = arith.constant 0 : i32
    %dma_wait3A_52 = tpu.memref_slice %arg13[%dma_wait3A, %dma_wait3A_50, %dma_wait3A_51] : memref<2x16x768xf32, #tpu.memory_space<vmem>> -> memref<1x16x768xf32, #tpu.memory_space<vmem>>
    %dma_wait3A_53 = tpu.memref_squeeze %dma_wait3A_52 : memref<1x16x768xf32, #tpu.memory_space<vmem>> -> memref<16x768xf32, #tpu.memory_space<vmem>>
    %dma_wait3A_54 = arith.constant 0 : i32
    %dma_wait3A_55 = tpu.memref_slice %arg8[%mul3A_2, %dma_wait3A_54] : memref<8192x768xf32, #tpu.memory_space<hbm>> -> memref<16x768xf32, #tpu.memory_space<hbm>>
    %dma_wait3A_56 = arith.constant 0 : i32
    %dma_wait3A_57 = tpu.memref_slice %arg8[%mul3A_2, %dma_wait3A_56] : memref<8192x768xf32, #tpu.memory_space<hbm>> -> memref<16x768xf32, #tpu.memory_space<hbm>>
    %dma_wait3A_58 = arith.constant 0 : i32
    %dma_wait3A_59 = arith.constant 0 : i32
    %dma_wait3A_60 = tpu.memref_slice %arg13[%dma_wait3A, %dma_wait3A_58, %dma_wait3A_59] : memref<2x16x768xf32, #tpu.memory_space<vmem>> -> memref<1x16x768xf32, #tpu.memory_space<vmem>>
    %dma_wait3A_61 = tpu.memref_squeeze %dma_wait3A_60 : memref<1x16x768xf32, #tpu.memory_space<vmem>> -> memref<16x768xf32, #tpu.memory_space<vmem>>
    tpu.wait_dma2 semaphore(%arg22 : memref<!tpu.dma_semaphore, #tpu.memory_space<semaphore_mem>>) src(%dma_wait3A_61 : memref<16x768xf32, #tpu.memory_space<vmem>>) dst(%dma_wait3A_57 : memref<16x768xf32, #tpu.memory_space<hbm>>)
    %dma_wait3A_62 = arith.constant 1 : i32
    %dma_wait3A_63 = arith.constant 0 : i32
    %dma_wait3A_64 = arith.constant 0 : i32
    %dma_wait3A_65 = tpu.memref_slice %arg13[%dma_wait3A_62, %dma_wait3A_63, %dma_wait3A_64] : memref<2x16x768xf32, #tpu.memory_space<vmem>> -> memref<1x16x768xf32, #tpu.memory_space<vmem>>
    %dma_wait3A_66 = tpu.memref_squeeze %dma_wait3A_65 : memref<1x16x768xf32, #tpu.memory_space<vmem>> -> memref<16x768xf32, #tpu.memory_space<vmem>>
    %dma_wait3A_67 = arith.constant 0 : i32
    %dma_wait3A_68 = tpu.memref_slice %arg8[%mul3A_2, %dma_wait3A_67] : memref<8192x768xf32, #tpu.memory_space<hbm>> -> memref<16x768xf32, #tpu.memory_space<hbm>>
    %dma_wait3A_69 = arith.constant 0 : i32
    %dma_wait3A_70 = tpu.memref_slice %arg8[%mul3A_2, %dma_wait3A_69] : memref<8192x768xf32, #tpu.memory_space<hbm>> -> memref<16x768xf32, #tpu.memory_space<hbm>>
    %dma_wait3A_71 = arith.constant 0 : i32
    %dma_wait3A_72 = arith.constant 0 : i32
    %dma_wait3A_73 = tpu.memref_slice %arg13[%dma_wait3A_62, %dma_wait3A_71, %dma_wait3A_72] : memref<2x16x768xf32, #tpu.memory_space<vmem>> -> memref<1x16x768xf32, #tpu.memory_space<vmem>>
    %dma_wait3A_74 = tpu.memref_squeeze %dma_wait3A_73 : memref<1x16x768xf32, #tpu.memory_space<vmem>> -> memref<16x768xf32, #tpu.memory_space<vmem>>
    tpu.wait_dma2 semaphore(%arg23 : memref<!tpu.dma_semaphore, #tpu.memory_space<semaphore_mem>>) src(%dma_wait3A_74 : memref<16x768xf32, #tpu.memory_space<vmem>>) dst(%dma_wait3A_70 : memref<16x768xf32, #tpu.memory_space<hbm>>)
    return
  }
}

</mosaic_0001>

<sc_bundles>
// kernel: _emb.3.cloned.1.call-start
scs
__scs_entry_jumppad:
0x0: {  	(pc) =	sbr.rel $0x88, $3  }
0x1: {  	(tag) =	ssettag $0x0;
	lr =	simm.s32 $0x1  }
0x2: {  	[smem:$0x3F9B] =	sst lr;
	_ =	strace $0xD0000000  }
0x3: {  	_ = 	snop  }
0x4: {  	_ = 	snop  }
0x5: {  	_ = 	snop  }
0x6: {  	_ = 	snop  }
0x7: {  	_ = 	snop  }
__scs_overlays_trampoline_lowered:
0x8: {  	[smem:$0x3FAA] =	sst s0  }
0x9: {  	[smem:$0x3FAB] =	sst s1  }
0xa: {  	[smem:$0x3FAC] =	sst s2  }
0xb: {  	[smem:$0x3FAD] =	sst s3  }
0xc: {  	[smem:$0x3FAE] =	sst s4  }
0xd: {  	[smem:$0x3FAF] =	sst s5  }
0xe: {  	[smem:$0x3FB0] =	sst s6  }
0xf: {  	[smem:$0x3FB1] =	sst s7  }
0x10: {  	[smem:$0x3FB2] =	sst s8  }
0x11: {  	[smem:$0x3FB3] =	sst s9;
	s0 =	simm.s32 @!p0 $0x0  }
0x12: {  	s1 =	sld [smem:$0x3F99];
	s0 =	simm.s32 @p0 $0x1  }
0x13: {  	[smem:$0x3FB4] =	sst s0;
	s0 =	simm.s32 @!p1 $0x0  }
0x14: {  	s2 =	sld [smem:$0x3F98];
	s0 =	simm.s32 @p1 $0x1  }
0x15: {  	[smem:$0x3FB5] =	sst s0;
	s0 =	simm.s32 @!p2 $0x0  }
0x16: {  	s3 =	sld [smem:$0x3FDB];
	s0 =	simm.s32 @p2 $0x1  }
0x17: {  	s4 =	simm.s32 $0x1BF5;
	[smem:$0x3FB7] =	sst s0  }
0x18: {  	s0 =	sld [smem:$0x3F9A];
	_ =	swait.ge [sflag:s4], $0x0  }
0x19: {  	s7 =	sld [smem:$0x3F9B]  }
0x1a: {  	s8 =	sadd.s32 $0xFFFFE003, lr  }
0x1b: {  	s9 =	sadd.s32 $0xFFFFFEF7, lr;
	s5 =	simm.s32 $0xFFFFFFFF;
	p2 =	slt.u32 s8, $0xFFFFF086  }
0x1c: {  	p1 =	slt.u32 s9, $0xF7A;
	s5 =	simm.s32 @!p2 $0x0  }
0x1d: {  	s5 =	simm.s32 @p1 $0x1;
	p0 =	seq.s32 s7, s2  }
0x1e: {  	s7 =	smul.u32 @!p0 $0xF7A, s2;
	p2 =	seq.s32 @!p0 s5, $0x0  }
0x1f: {  	s9 =	smul.u32 $0xF7A, s1;
	s8 =	simm.s32 @!p0 $0x1BF5;
	p2 =	por !p2, p0  }
0x20: {  	[sflag:s8] =	ssyncset.s32 @!p0 $0xFFFFF086;
	s6 =	sadd.s32 @!p0 s3, s7;
	s7 =	simm.s32 @!p0 $0x108  }
0x21: {  	s3 =	sadd.s32 s3, s9;
	s6 =	sadd.s32 @!p0 $0x88, s6;
	s7 =	simm.s32 @p2 $0x1082  }
0x22: {  	[simem:s7], [sflag:s8] =	dma.local @!p0 [hbm:s6], $0xF7A  }
0x23: {  	s9 =	sor.u32 $0xD0000000, s2;
	s6 =	simm.s32 $0x108;
	_ =	swait.ge @!p0 [sflag:s8], $0x0  }
0x24: {  	s3 =	sadd.s32 $0x88, s3;
	s6 =	simm.s32 @!p1 $0x1082;
	[sflag:s4] =	ssyncset.s32 $0xFFFFF086  }
0x25: {  	[simem:s6], [sflag:s4] =	dma.local [hbm:s3], $0xF7A  }
0x26: {  	[smem:$0x3F9B] =	sst s1;
	(tag) =	ssettag s2;
	_ =	strace s9  }
0x27: {  	s1 =	sld [smem:$0x3FAB]  }
0x28: {  	s2 =	sld [smem:$0x3FAC]  }
0x29: {  	s4 =	sld [smem:$0x3FAE]  }
0x2a: {  	p0 =	seq.s32 s5, $0x0;
	s5 =	sld [smem:$0x3FAF]  }
0x2b: {  	s6 =	sld [smem:$0x3FB0]  }
0x2c: {  	s7 =	sld [smem:$0x3FB1]  }
0x2d: {  	s3 =	simm.s32 $0x108;
	s8 =	sld [smem:$0x3FB2]  }
0x2e: {  	s3 =	simm.s32 @!p0 $0x1082;
	s9 =	sld [smem:$0x3FB3]  }
0x2f: {  	lr =	sadd.s32 s0, s3;
	s0 =	sld [smem:$0x3FAA]  }
0x30: {  	s3 =	sld [smem:$0x3FAD]  }
0x31: {  	[smem:$0x3FB6] =	sst s10  }
0x32: {  	s10 =	sld [smem:$0x3FB4];
	_ =	sdelay $0x3  }
0x33: {  	p0 =	seq.s32 s10, $0x1;
	s10 =	sld [smem:$0x3FB6];
	_ =	sdelay $0x3  }
0x34: {  	[smem:$0x3FB6] =	sst s10  }
0x35: {  	s10 =	sld [smem:$0x3FB5];
	_ =	sdelay $0x3  }
0x36: {  	p1 =	seq.s32 s10, $0x1;
	s10 =	sld [smem:$0x3FB6];
	_ =	sdelay $0x3  }
0x37: {  	[smem:$0x3FB6] =	sst s10  }
0x38: {  	s10 =	sld [smem:$0x3FB7]  }
0x39: {  	_ = 	snop;
	(pc) =	sbr.ind lr, $3  }
0x3a: {  	_ = 	snop  }
0x3b: {  	_ = 	snop  }
0x3c: {  	p2 =	seq.s32 s10, $0x1;
	s10 =	sld [smem:$0x3FB6]  }
0x3d: {  	_ =	shalt  }
0x3e: {  	_ =	shalt  }
0x3f: {  	_ =	shalt  }
0x40: {  	_ =	shalt  }
0x41: {  	_ =	shalt  }
0x42: {  	_ =	shalt  }
0x43: {  	_ =	shalt  }
0x44: {  	_ =	shalt  }
0x45: {  	_ =	shalt  }
0x46: {  	_ =	shalt  }
0x47: {  	_ =	shalt  }
0x48: {  	_ =	shalt  }
0x49: {  	_ =	shalt  }
0x4a: {  	_ =	shalt  }
0x4b: {  	_ =	shalt  }
0x4c: {  	_ =	shalt  }
0x4d: {  	_ =	shalt  }
0x4e: {  	_ =	shalt  }
0x4f: {  	_ =	shalt  }
0x50: {  	_ =	shalt  }
0x51: {  	_ =	shalt  }
0x52: {  	_ =	shalt  }
0x53: {  	_ =	shalt  }
0x54: {  	_ =	shalt  }
0x55: {  	_ =	shalt  }
0x56: {  	_ =	shalt  }
0x57: {  	_ =	shalt  }
0x58: {  	_ =	shalt  }
0x59: {  	_ =	shalt  }
0x5a: {  	_ =	shalt  }
0x5b: {  	_ =	shalt  }
0x5c: {  	_ =	shalt  }
0x5d: {  	_ =	shalt  }
0x5e: {  	_ =	shalt  }
0x5f: {  	_ =	shalt  }
0x60: {  	_ =	shalt  }
0x61: {  	_ =	shalt  }
0x62: {  	_ =	shalt  }
0x63: {  	_ =	shalt  }
0x64: {  	_ =	shalt  }
0x65: {  	_ =	shalt  }
0x66: {  	_ =	shalt  }
0x67: {  	_ =	shalt  }
0x68: {  	_ =	shalt  }
0x69: {  	_ =	shalt  }
0x6a: {  	_ =	shalt  }
0x6b: {  	_ =	shalt  }
0x6c: {  	_ =	shalt  }
0x6d: {  	_ =	shalt  }
0x6e: {  	_ =	shalt  }
0x6f: {  	_ =	shalt  }
0x70: {  	_ =	shalt  }
0x71: {  	_ =	shalt  }
0x72: {  	_ =	shalt  }
0x73: {  	_ =	shalt  }
0x74: {  	_ =	shalt  }
0x75: {  	_ =	shalt  }
0x76: {  	_ =	shalt  }
0x77: {  	_ =	shalt  }
0x78: {  	_ =	shalt  }
0x79: {  	_ =	shalt  }
0x7a: {  	_ =	shalt  }
0x7b: {  	_ =	shalt  }
0x7c: {  	_ =	shalt  }
0x7d: {  	_ =	shalt  }
0x7e: {  	_ =	shalt  }
0x7f: {  	_ =	shalt  }
0x80: {  	_ =	shalt  }
0x81: {  	_ =	shalt  }
0x82: {  	_ =	shalt  }
0x83: {  	_ =	shalt  }
0x84: {  	_ =	shalt  }
0x85: {  	_ =	shalt  }
0x86: {  	_ =	shalt  }
0x87: {  	_ =	shalt  }
.Lfunc_end0:
.L_simem_size_0:
called_computation_lowered:
.L_overlay_start_0:
0x88: {  	s2 =	sld [smem:$0x3FD9]  }
0x89: {  	s3 =	sld [smem:$0x3FFE];
	_ =	sdelay $0x1  }
0x8a: {  	s1 =	srdreg.scid  }
0x8b: {  	s0 =	sand.u32 $0x1, s1  }
0x8c: {  	s18 =	sshll.u32 s0, $0xA;
	s2 =	sadd.s32 s3, s2  }
0x8d: {  	s2 =	sadd.s32 s2, s18  }
0x8e: {  	[smem:$0x3FC2] =	sst s2  }
0x8f: {  	_ = 	snop  }
0x90: {  	s2 =	sld [smem:$0x3FC9]  }
0x91: {  	s19 =	sld [smem:$0x3FC8]  }
0x92: {  	s4 =	sld [smem:$0x3FC7]  }
0x93: {  	s5 =	sld [smem:$0x3FC6]  }
0x94: {  	s6 =	sld [smem:$0x3FC5]  }
0x95: {  	s7 =	sld [smem:$0x3FC4]  }
0x96: {  	s8 =	sld [smem:$0x3FD0];
	(tm) =	ssettm $0x1  }
0x97: {  	s9 =	sld [smem:$0x3FFB];
	_ =	sdelay $0x3  }
0x98: {  	_ =	strace s9  }
0x99: {  	s9 =	sld [smem:$0x3FFC];
	_ =	sdelay $0x3  }
0x9a: {  	_ =	strace s9  }
0x9b: {  	s9 =	sld [smem:$0x3FFD];
	_ =	sdelay $0x3  }
0x9c: {  	_ =	strace s9  }
0x9d: {  	_ =	strace $0x8FFFFFFF  }
0x9e: {  	s20 =	sld [smem:$0x3FDB];
	_ =	sdelay $0x1  }
0x9f: {  	s10 =	simm.s32 $_scs_section_size  }
0xa0: {  	s11 =	simm.s32 $_size__tile_overlayer_lowered;
	s12 =	simm.s32 $_tile_overlayer_lowered  }
0xa1: {  	s23 =	simm.s32 $0x1BFF;
	s22 =	sshll.u32 s12, $0x1;
	s9 =	sadd.s32 s10, s20  }
0xa2: {  	s13 =	simm.s32 $0x0;
	s21 =	sshll.u32 s11, $0x1;
	s11 =	sadd.s32 s22, s9  }
0xa3: {  	[timem:s13], [sflag:s23] =	dma.local [hbm:s11], s21  }
0xa4: {  	_ =	swait.ge [sflag:s23], s21  }
0xa5: {  	s10 =	ssub.s32 $0x0, s21;
	[sflag:s23] =	ssyncset.done $0x0  }
0xa6: {  	[sflag:s23] =	ssyncadd.s32 s10;
	_ =	sdelay $0x1  }
0xa7: {  	s24 =	simm.s32 $0x1B8B  }
0xa8: {  	_ =	swait.ge [sflag:s24], $0x1  }
0xa9: {  	[sflag:s24] =	ssyncset.done $0x0  }
0xaa: {  	s25 =	simm.s32 $0x1B8E;
	[sflag:s24] =	ssyncadd.s32 $0xFFFFFFFF  }
0xab: {  	s26 =	simm.s32 $execute0_lowered;
	[smem:$0x3FD2] =	sst s25  }
0xac: {  	s10 =	sshll.u32 s26, $0x1;
	_ =	strace $0x80000046;
	[dreg:$0x1] =	wrdreg $0xFFFFFFFF  }
0xad: {  	s28 =	simm.s32 $_size_execute0_lowered;
	s9 =	sadd.s32 s9, s10;
	[dreg:$0x0] =	wrdreg $0x0  }
0xae: {  	s10 =	sshll.u32 s28, $0x1;
	[dreg:$0x2] =	wrdreg s9  }
0xaf: {  	[dreg:$0x3] =	wrdreg s10  }
0xb0: {  	[dreg:$0x4] =	wrdreg $0xC0  }
0xb1: {  	_ =	task [dreg:s13], $0x5FFFF  }
0xb2: {  	[dreg:$0x1] =	wrdreg $0xFFFFFFFF  }
0xb3: {  	[dreg:$0x0] =	wrdreg $0x60  }
0xb4: {  	[dreg:$0x2] =	wrdreg s2  }
0xb5: {  	[dreg:$0x3] =	wrdreg s19  }
0xb6: {  	[dreg:$0x4] =	wrdreg s4  }
0xb7: {  	[dreg:$0x5] =	wrdreg s5  }
0xb8: {  	[dreg:$0x6] =	wrdreg s6  }
0xb9: {  	[dreg:$0x7] =	wrdreg s7  }
0xba: {  	[dreg:$0x8] =	wrdreg s8  }
0xbb: {  	[dreg:$0x9] =	wrdreg $0x9  }
0xbc: {  	_ =	task.clear_ibuf [dreg:s13], $0xAFFFF;
	_ =	strace $0x90000046  }
0xbd: {  	s29 =	simm.s32 $0x9;
	_ =	strace $0x80000048  }
0xbe: {  	_ =	swait.ge [sflag:s29], $0x1  }
0xbf: {  	[sflag:s29] =	ssyncadd.s32 $0xFFFFFFFF  }
0xc0: {  	_ =	strace $0x90000048  }
0xc1: {  	_ =	sfence  }
0xc2: {  	s30 =	sld [smem:$0x0];
	_ =	sdelay $0x2  }
0xc3: {  	s31 =	sshll.u32 s1, $0xD;
	s1 =	sshrl.u32 s1, $0x2  }
0xc4: {  	s3 =	sand.u32 $0x4000, s31;
	s1 =	sadd.s32 s1, s30  }
0xc5: {  	s0 =	sor.u32 s3, s0;
	s1 =	sshll.u32 s1, $0x11  }
0xc6: {  	s0 =	sor.u32 s1, s0  }
0xc7: {  	s0 =	sadd.s32 $0x8F2B, s0  }
0xc8: {  	[sflag:s0] =	ssyncadd.remote.s32 $0x1  }
0xc9: {  	_ =	sfence.sel $0xFFFF  }
0xca: {  	[dreg:$0x0] =	wrdreg $0xFFFFFFFF;
	(pc) =	sbr.abs _section_cstart, $3  }
0xcb: {  	[dreg:$0x1] =	wrdreg $0xFFFFFFFF  }
0xcc: {  	_ =	task.clear_ibuf [dreg:s13], $0x2FFFF;
	_ =	strace $0x9FFFFFFF  }
0xcd: {  	(tm) =	ssettm $0x7FFFFFFF  }
tec
execute0_lowered:
.L_overlay_start_1:
0x0: {  	(tag) =	ssettag $0x1  }
0x1: {  	s0 =	rddreg [dreg:$0x0]  }
0x2: {  	s3 =	rddreg [dreg:$0x1]  }
0x3: {  	s1 =	rddreg [dreg:$0x2]  }
0x4: {  	s2 =	rddreg [dreg:$0x3]  }
0x5: {  	s6 =	rddreg [dreg:$0x6];
	s4 =	srdreg.scid  }
0x6: {  	s5 =	stileid.u32;
	s7 =	simm.s32 $0x0;
	s28 =	simm.s32 $0x1  }
0x7: {  	s29 =	simm.s32 $0x3;
	s30 =	simm.s32 $0x12200;
	s31 =	simm.s32 $0x12280  }
0x8: {  	s17 =	simm.s32 $0x2;
	s18 =	simm.s32 $0x4;
	s19 =	simm.s32 $0x0  }
0x9: {  	s4 =	sand.u32 $0x1, s4;
	s5 =	sshll.u32 s5, $0x9;
	[smem:$0x7FF] =	sst s7  }
0xa: {  	s11 =	sadd.s32 $0x100, s1;
	s12 =	sadd.s32 $0x200, s1;
	s8 =	sshll.u32 s4, $0x8  }
0xb: {  	s13 =	sadd.s32 $0x100, s2;
	s14 =	sadd.s32 $0x200, s2;
	s8 =	sor.u32 s8, s5  }
.Ltmp0:
0xc: {  	v2 =	vlaneseq.u32;
	s4 =	ssub.s32 $0x2, s4;
	s9 =	sshrl.u32 s8, $0x3;
	(pc) =	sbr.rel .LBB2_1-.Ltmp0, $4  }
0xd: {  	v0 =	vand.u32 $0x7, v2;
	v1 =	vshrl.u32 v2, $0x3;
	_ =	strace $0x80000047;
	s24 =	sshrl.u32 s4, $0x1;
	s0 =	sadd.s32 s0, s9  }
0xe: {  	v63 =	vor.u32 $0x8, v2;
	[tilespmem:$0x1FFD0] =	vst v0;
	v62 =	vmul.u32 $0x8, v1;
	s4 =	ssub.s32 s4, s24;
	s25 =	sadd.s32 s3, s9;
	[dreg:$0x8] =	wrdreg s0  }
0xf: {  	[tilespmem:$0x1FFF0] =	vst v63;
	s5 =	simm.s32 $0xF200;
	s26 =	smax.u32 s4, $0x1;
	[dreg:$0x9] =	wrdreg s25  }
0x10: {  	vm0 =	vmmov $0xffff;
	[tilespmem:$0x1FFE0] =	vst v62;
	[dreg:$0xa] =	wrdreg s26;
	s26 =	simm.s32 $0x7;
	s0 =	simm.s32 $0xC200  }
.LBB2_16:
0x11: {  	s3 =	simm.s32 $0x5  }
0x12: {  	_ =	swait.ge [sflag:s3], $0x3000  }
0x13: {  	[sflag:s3] =	ssyncset.done $0x0  }
0x14: {  	s4 =	simm.s32 $0x6;
	[sflag:s3] =	ssyncadd.s32 $0xFFFFD000  }
0x15: {  	_ =	swait.ge [sflag:s4], $0x3000  }
0x16: {  	s19 =	sadd.s32 $0x1, s19;
	s25 =	rddreg [dreg:$0xa]  }
0x17: {  	p0 =	sne.s32 s19, s25  }
.Ltmp1:
0x18: {  	_ = 	snop;
	(pc) =	sbr.rel @!p0 .LBB2_17-.Ltmp1, $3  }
0x19: {  	_ =	sdelay $0x1  }
0x1a: {  	[sflag:s4] =	ssyncset.done $0x0  }
0x1b: {  	[sflag:s4] =	ssyncadd.s32 $0xFFFFD000  }
.LBB2_1:
0x1c: {  	s3 =	rddreg [dreg:$0x8];
	s4 =	simm.s32 $0x8  }
0x1d: {  	[tilespmem:s7], [sflag:$0x8] =	stream.linear.gather [hbm4b:s3+s7], $0x100, $0x38;
	[tilespmem:$0x12900] =	vst v63  }
0x1e: {  	_ =	swait.ge [sflag:s4], $0x100  }
0x1f: {  	[sflag:s4] =	ssyncset.done $0x0  }
0x20: {  	s9 =	simm.s32 $0x100;
	s16 =	rddreg [dreg:$0x9];
	[sflag:s4] =	ssyncadd.s32 $0xFFFFFF00  }
0x21: {  	[tilespmem:s9], [sflag:$0x8] =	stream.linear.gather [hbm4b:s16+s7], $0x100, $0x38;
	[tilespmem:$0x12900] =	vst v63  }
0x22: {  	_ =	swait.ge [sflag:s4], $0x100  }
0x23: {  	[sflag:s4] =	ssyncset.done $0x0  }
0x24: {  	[sflag:s4] =	ssyncadd.s32 $0xFFFFFF00  }
0x25: {  	s21 =	simm.s32 $0x12300;
	s20 =	rddreg [dreg:$0x4]  }
0x26: {  	[tilespmem:s21], [sflag:$0x7] =	stream.linear.gather [hbm4b:s20+s7], $0x300, $0x38;
	[tilespmem:$0x12900] =	vst v63  }
0x27: {  	s23 =	simm.s32 $0x12600;
	s22 =	rddreg [dreg:$0x5]  }
0x28: {  	[tilespmem:s23], [sflag:$0x7] =	stream.linear.gather [hbm4b:s22+s7], $0x300, $0x38;
	[tilespmem:$0x12900] =	vst v63  }
0x29: {  	v3 =	vld [tilespmem:$0x0];
	_ =	sdelay $0x3  }
0x2a: {  	v0 =	vld [tilespmem:$0x1FFD0]  }
0x2b: {  	v4 =	vshrl.u32 v3, $0x3  }
0x2c: {  	v1 =	vld [tilespmem:$0x1FFE0];
	v4 =	vmul.u32 $0x30, v4  }
0x2d: {  	v3 =	vand.u32 $0x7, v3  }
0x2e: {  	v3 =	vor.u32 v3, v4  }
0x2f: {  	v4 =	vperm.xlane v3, v0  }
0x30: {  	v2 =	vld [tilespmem:$0x1FFF0]  }
0x31: {  	v4 =	vadd.s32 v1, v4;
	_ =	sdelay $0x3  }
0x32: {  	s24 =	simm.s32 $0x200;
	v3 =	vperm.xlane v3, v2  }
0x33: {  	[tilespmem:s24], [sflag:$0x1] =	stream.indirect_vreg.gather [hbm4b:s1+s7], $0x80, v4, vm0, $0xb8;
	[tilespmem:$0x12900] =	vst v63  }
0x34: {  	s25 =	simm.s32 $0xA00;
	v3 =	vadd.s32 v1, v3  }
0x35: {  	[tilespmem:s25], [sflag:$0x1] =	stream.indirect_vreg.gather [hbm4b:s11+s7], $0x80, v4, vm0, $0xb8;
	[tilespmem:$0x12900] =	vst v63  }
0x36: {  	s4 =	simm.s32 $0x1200  }
0x37: {  	[tilespmem:s4], [sflag:$0x1] =	stream.indirect_vreg.gather [hbm4b:s12+s7], $0x80, v4, vm0, $0xb8;
	[tilespmem:$0x12900] =	vst v63  }
0x38: {  	s9 =	simm.s32 $0x1A00  }
0x39: {  	[tilespmem:s9], [sflag:$0x1] =	stream.indirect_vreg.gather [hbm4b:s1+s7], $0x80, v3, vm0, $0xb8;
	[tilespmem:$0x12900] =	vst v63  }
0x3a: {  	s10 =	simm.s32 $0x2200  }
0x3b: {  	[tilespmem:s10], [sflag:$0x1] =	stream.indirect_vreg.gather [hbm4b:s11+s7], $0x80, v3, vm0, $0xb8;
	[tilespmem:$0x12900] =	vst v63  }
0x3c: {  	s15 =	simm.s32 $0x2A00  }
0x3d: {  	[tilespmem:s15], [sflag:$0x1] =	stream.indirect_vreg.gather [hbm4b:s12+s7], $0x80, v3, vm0, $0xb8;
	[tilespmem:$0x12900] =	vst v63  }
0x3e: {  	v3 =	vld [tilespmem:$0x100];
	_ =	sdelay $0x4  }
0x3f: {  	v61 =	vshrl.u32 v3, $0x3  }
0x40: {  	v4 =	vmul.u32 $0x30, v61  }
0x41: {  	v3 =	vand.u32 $0x7, v3  }
0x42: {  	v3 =	vor.u32 v3, v4  }
0x43: {  	v4 =	vperm.xlane v3, v0;
	_ =	sdelay $0x1  }
0x44: {  	v4 =	vadd.s32 v1, v4;
	_ =	sdelay $0x3  }
0x45: {  	s16 =	simm.s32 $0x6200;
	v3 =	vperm.xlane v3, v2  }
0x46: {  	[tilespmem:s16], [sflag:$0x3] =	stream.indirect_vreg.gather [hbm4b:s2+s7], $0x80, v4, vm0, $0xb8;
	[tilespmem:$0x12900] =	vst v63  }
0x47: {  	s20 =	simm.s32 $0x6A00;
	v3 =	vadd.s32 v1, v3  }
0x48: {  	[tilespmem:s20], [sflag:$0x3] =	stream.indirect_vreg.gather [hbm4b:s13+s7], $0x80, v4, vm0, $0xb8;
	[tilespmem:$0x12900] =	vst v63  }
0x49: {  	s21 =	simm.s32 $0x7200  }
0x4a: {  	[tilespmem:s21], [sflag:$0x3] =	stream.indirect_vreg.gather [hbm4b:s14+s7], $0x80, v4, vm0, $0xb8;
	[tilespmem:$0x12900] =	vst v63  }
0x4b: {  	s22 =	simm.s32 $0x7A00  }
0x4c: {  	[tilespmem:s22], [sflag:$0x3] =	stream.indirect_vreg.gather [hbm4b:s2+s7], $0x80, v3, vm0, $0xb8;
	[tilespmem:$0x12900] =	vst v63  }
0x4d: {  	s23 =	simm.s32 $0x8200  }
0x4e: {  	[tilespmem:s23], [sflag:$0x3] =	stream.indirect_vreg.gather [hbm4b:s13+s7], $0x80, v3, vm0, $0xb8;
	[tilespmem:$0x12900] =	vst v63  }
0x4f: {  	s24 =	simm.s32 $0x8A00  }
0x50: {  	[tilespmem:s24], [sflag:$0x3] =	stream.indirect_vreg.gather [hbm4b:s14+s7], $0x80, v3, vm0, $0xb8;
	[tilespmem:$0x12900] =	vst v63  }
0x51: {  	v3 =	vld [tilespmem:$0x10];
	_ =	sdelay $0x4  }
0x52: {  	v62 =	vshrl.u32 v3, $0x3  }
0x53: {  	v4 =	vmul.u32 $0x30, v62  }
0x54: {  	v3 =	vand.u32 $0x7, v3  }
0x55: {  	v3 =	vor.u32 v3, v4  }
0x56: {  	v4 =	vperm.xlane v3, v0;
	_ =	sdelay $0x1  }
0x57: {  	v4 =	vadd.s32 v1, v4;
	_ =	sdelay $0x3  }
0x58: {  	s25 =	simm.s32 $0x3200;
	v3 =	vperm.xlane v3, v2  }
0x59: {  	[tilespmem:s25], [sflag:$0x2] =	stream.indirect_vreg.gather [hbm4b:s1+s7], $0x80, v4, vm0, $0xb8;
	[tilespmem:$0x12900] =	vst v63  }
0x5a: {  	s4 =	simm.s32 $0x3A00;
	v3 =	vadd.s32 v1, v3  }
0x5b: {  	[tilespmem:s4], [sflag:$0x2] =	stream.indirect_vreg.gather [hbm4b:s11+s7], $0x80, v4, vm0, $0xb8;
	[tilespmem:$0x12900] =	vst v63  }
0x5c: {  	s9 =	simm.s32 $0x4200  }
0x5d: {  	[tilespmem:s9], [sflag:$0x2] =	stream.indirect_vreg.gather [hbm4b:s12+s7], $0x80, v4, vm0, $0xb8;
	[tilespmem:$0x12900] =	vst v63  }
0x5e: {  	s10 =	simm.s32 $0x4A00  }
0x5f: {  	[tilespmem:s10], [sflag:$0x2] =	stream.indirect_vreg.gather [hbm4b:s1+s7], $0x80, v3, vm0, $0xb8;
	[tilespmem:$0x12900] =	vst v63  }
0x60: {  	s15 =	simm.s32 $0x5200  }
0x61: {  	[tilespmem:s15], [sflag:$0x2] =	stream.indirect_vreg.gather [hbm4b:s11+s7], $0x80, v3, vm0, $0xb8;
	[tilespmem:$0x12900] =	vst v63  }
0x62: {  	s16 =	simm.s32 $0x5A00  }
0x63: {  	[tilespmem:s16], [sflag:$0x2] =	stream.indirect_vreg.gather [hbm4b:s12+s7], $0x80, v3, vm0, $0xb8;
	[tilespmem:$0x12900] =	vst v63  }
0x64: {  	v3 =	vld [tilespmem:$0x110];
	_ =	sdelay $0x4  }
0x65: {  	v63 =	vshrl.u32 v3, $0x3  }
0x66: {  	v4 =	vmul.u32 $0x30, v63  }
0x67: {  	v3 =	vand.u32 $0x7, v3  }
0x68: {  	v3 =	vor.u32 v3, v4  }
0x69: {  	v4 =	vperm.xlane v3, v0;
	_ =	sdelay $0x1  }
0x6a: {  	v4 =	vadd.s32 v1, v4;
	_ =	sdelay $0x3  }
0x6b: {  	s20 =	simm.s32 $0x9200;
	v3 =	vperm.xlane v3, v2  }
0x6c: {  	[tilespmem:s20], [sflag:$0x4] =	stream.indirect_vreg.gather [hbm4b:s2+s7], $0x80, v4, vm0, $0xb8;
	[tilespmem:$0x12900] =	vst v63  }
0x6d: {  	s21 =	simm.s32 $0x9A00;
	v3 =	vadd.s32 v1, v3  }
0x6e: {  	[tilespmem:s21], [sflag:$0x4] =	stream.indirect_vreg.gather [hbm4b:s13+s7], $0x80, v4, vm0, $0xb8;
	[tilespmem:$0x12900] =	vst v63  }
0x6f: {  	s22 =	simm.s32 $0xA200  }
0x70: {  	[tilespmem:s22], [sflag:$0x4] =	stream.indirect_vreg.gather [hbm4b:s14+s7], $0x80, v4, vm0, $0xb8;
	[tilespmem:$0x12900] =	vst v63  }
0x71: {  	s23 =	simm.s32 $0xAA00  }
0x72: {  	[tilespmem:s23], [sflag:$0x4] =	stream.indirect_vreg.gather [hbm4b:s2+s7], $0x80, v3, vm0, $0xb8;
	[tilespmem:$0x12900] =	vst v63  }
0x73: {  	s24 =	simm.s32 $0xB200  }
0x74: {  	[tilespmem:s24], [sflag:$0x4] =	stream.indirect_vreg.gather [hbm4b:s13+s7], $0x80, v3, vm0, $0xb8;
	[tilespmem:$0x12900] =	vst v63  }
0x75: {  	s25 =	simm.s32 $0xBA00  }
0x76: {  	[tilespmem:s25], [sflag:$0x4] =	stream.indirect_vreg.gather [hbm4b:s14+s7], $0x80, v3, vm0, $0xb8;
	[tilespmem:$0x12900] =	vst v63  }
0x77: {  	_ =	swait.ge [sflag:s26], $0x300  }
.Ltmp2:
0x78: {  	[sflag:s26] =	ssyncset.done $0x0;
	(pc) =	sbr.rel .LBB2_2-.Ltmp2, $4  }
0x79: {  	[sflag:s26] =	ssyncadd.s32 $0xFFFFFD00  }
0x7a: {  	_ =	swait.ge [sflag:s26], $0x300  }
0x7b: {  	[sflag:s26] =	ssyncset.done $0x0  }
0x7c: {  	s20 =	simm.s32 $0x0;
	[sflag:s26] =	ssyncadd.s32 $0xFFFFFD00  }
.LBB2_15:
0x7d: {  	s20 =	sadd.s32 $0x1, s20  }
0x7e: {  	p0 =	sne.s32 s20, $0x10  }
.Ltmp3:
0x7f: {  	_ = 	snop;
	(pc) =	sbr.rel @!p0 .LBB2_16-.Ltmp3, $1  }
0x80: {  	_ =	sdelay $0x3  }
.LBB2_2:
0x81: {  	s21 =	sand.u32 $0x1, s20  }
0x82: {  	p0 =	seq.s32 s21, $0x1  }
.Ltmp4:
0x83: {  	_ = 	snop;
	(pc) =	sbr.rel @p0 .LBB2_4-.Ltmp4, $1  }
0x84: {  	_ =	sdelay $0x3  }
0x85: {  	_ =	swait.ge [sflag:s28], $0x3000;
	p0 =	sgt.u32 s20, $0x1  }
.Ltmp5:
0x86: {  	[sflag:s28] =	ssyncset.done $0x0;
	(pc) =	sbr.rel @p0 .LBB2_5-.Ltmp5, $4  }
.Ltmp6:
0x87: {  	[sflag:s28] =	ssyncadd.s32 $0xFFFFD000;
	(pc) =	sbr.rel @!p0 .LBB2_6-.Ltmp6, $4  }
0x88: {  	_ =	swait.ge [sflag:s29], $0x3000  }
0x89: {  	[sflag:s29] =	ssyncset.done $0x0  }
0x8a: {  	s3 =	simm.s32 $0x5;
	[sflag:s29] =	ssyncadd.s32 $0xFFFFD000  }
0x8b: {  	_ = 	snop  }
.LBB2_4:
0x8c: {  	_ =	swait.ge [sflag:s17], $0x3000;
	p0 =	slt.u32 s20, $0x2  }
.Ltmp7:
0x8d: {  	[sflag:s17] =	ssyncset.done $0x0;
	(pc) =	sbr.rel @p0 .LBB2_6-.Ltmp7, $4  }
0x8e: {  	[sflag:s17] =	ssyncadd.s32 $0xFFFFD000  }
0x8f: {  	_ =	swait.ge [sflag:s18], $0x3000  }
0x90: {  	[sflag:s18] =	ssyncset.done $0x0  }
0x91: {  	s3 =	simm.s32 $0x6;
	[sflag:s18] =	ssyncadd.s32 $0xFFFFD000  }
.LBB2_5:
0x92: {  	_ =	swait.ge [sflag:s3], $0x3000  }
0x93: {  	[sflag:s3] =	ssyncset.done $0x0  }
0x94: {  	[sflag:s3] =	ssyncadd.s32 $0xFFFFD000  }
.LBB2_6:
0x95: {  	s23 =	smul.u32 $0x3000, s21;
	s3 =	simm.s32 $0x0  }
0x96: {  	s3 =	smul.u32 $0x1800, s3  }
0x97: {  	s24 =	simm.s32 $0x0  }
0x98: {  	s4 =	sand.u32 $0x380, s24;
	s3 =	sadd.s32 s23, s3  }
0x99: {  	s9 =	sor.u32 s4, s3  }
0x9a: {  	v3 =	vld [tilespmem:s9+$0x200]  }
0x9b: {  	v4 =	vld [tilespmem:s9+$0x6200]  }
0x9c: {  	v5 =	vld [tilespmem:s9+$0x210]  }
0x9d: {  	v6 =	vld [tilespmem:s9+$0x6210]  }
0x9e: {  	v7 =	vld [tilespmem:s9+$0x220]  }
0x9f: {  	v8 =	vld [tilespmem:s9+$0x6220]  }
0xa0: {  	v9 =	vld [tilespmem:s9+$0x230]  }
0xa1: {  	v10 =	vld [tilespmem:s9+$0x6230]  }
0xa2: {  	v11 =	vld [tilespmem:s9+$0x240]  }
0xa3: {  	v12 =	vld [tilespmem:s9+$0x6240]  }
0xa4: {  	v13 =	vld [tilespmem:s9+$0x250]  }
0xa5: {  	v14 =	vld [tilespmem:s9+$0x6250]  }
0xa6: {  	v15 =	vld [tilespmem:s9+$0x260]  }
0xa7: {  	v16 =	vld [tilespmem:s9+$0x6260]  }
0xa8: {  	v17 =	vld [tilespmem:s9+$0x270]  }
0xa9: {  	v18 =	vld [tilespmem:s9+$0x6270]  }
0xaa: {  	v19 =	vld [tilespmem:s9+$0x600]  }
0xab: {  	v20 =	vld [tilespmem:s9+$0x610]  }
0xac: {  	v21 =	vld [tilespmem:s9+$0x6610]  }
0xad: {  	v22 =	vld [tilespmem:s9+$0x620]  }
0xae: {  	v23 =	vld [tilespmem:s9+$0x6620]  }
0xaf: {  	v39 =	vld [tilespmem:s9+$0x630];
	v3 =	vadd.f32 v4, v3  }
0xb0: {  	v40 =	vld [tilespmem:s9+$0x6630];
	v5 =	vadd.f32 v6, v5  }
0xb1: {  	v41 =	vld [tilespmem:s9+$0x640];
	v7 =	vadd.f32 v8, v7;
	[tilespmem:s9+$0x200] =	vst v3  }
0xb2: {  	v42 =	vld [tilespmem:s9+$0x6640];
	v9 =	vadd.f32 v10, v9;
	[tilespmem:s9+$0x210] =	vst v5  }
0xb3: {  	v24 =	vld [tilespmem:s9+$0x6600];
	v11 =	vadd.f32 v12, v11;
	[tilespmem:s9+$0x220] =	vst v7  }
0xb4: {  	v12 =	vld [tilespmem:s9+$0x650];
	v13 =	vadd.f32 v14, v13;
	[tilespmem:s9+$0x230] =	vst v9  }
0xb5: {  	v14 =	vld [tilespmem:s9+$0x6650];
	v15 =	vadd.f32 v16, v15;
	[tilespmem:s9+$0x240] =	vst v11  }
0xb6: {  	v16 =	vld [tilespmem:s9+$0x660];
	v17 =	vadd.f32 v18, v17;
	[tilespmem:s9+$0x250] =	vst v13  }
0xb7: {  	v18 =	vld [tilespmem:s9+$0x6660];
	v20 =	vadd.f32 v21, v20;
	[tilespmem:s9+$0x260] =	vst v15  }
0xb8: {  	v21 =	vld [tilespmem:s9+$0x670];
	v22 =	vadd.f32 v23, v22;
	[tilespmem:s9+$0x270] =	vst v17  }
0xb9: {  	v23 =	vld [tilespmem:s9+$0x6670];
	v4 =	vadd.f32 v40, v39;
	[tilespmem:s9+$0x610] =	vst v20  }
0xba: {  	v32 =	vadd.f32 v42, v41;
	[tilespmem:s9+$0x620] =	vst v22  }
0xbb: {  	v6 =	vadd.f32 v24, v19;
	[tilespmem:s9+$0x630] =	vst v4  }
0xbc: {  	[tilespmem:s9+$0x640] =	vst v32;
	v42 =	vadd.f32 v14, v12  }
0xbd: {  	[tilespmem:s9+$0x600] =	vst v6;
	v44 =	vadd.f32 v18, v16  }
0xbe: {  	v46 =	vadd.f32 v23, v21;
	[tilespmem:s9+$0x650] =	vst v42  }
0xbf: {  	[tilespmem:s9+$0x660] =	vst v44  }
0xc0: {  	s22 =	sadd.s32 s4, s3;
	[tilespmem:s9+$0x670] =	vst v46  }
0xc1: {  	v0 =	vld [tilespmem:s22+$0x7650];
	_ =	sdelay $0x2  }
0xc2: {  	v1 =	vld [tilespmem:s22+$0x1640]  }
0xc3: {  	v47 =	vld [tilespmem:s22+$0x7640]  }
0xc4: {  	v16 =	vld [tilespmem:s22+$0x1650];
	[tilespmem:$0x1FED0] =	vst v0  }
0xc5: {  	v0 =	vld [tilespmem:s22+$0x1660];
	_ =	sdelay $0x4  }
0xc6: {  	[tilespmem:$0x1FEF0] =	vst v0  }
0xc7: {  	v0 =	vld [tilespmem:s22+$0x7660];
	_ =	sdelay $0x4  }
0xc8: {  	[tilespmem:$0x1FF00] =	vst v0  }
0xc9: {  	v0 =	vld [tilespmem:s22+$0x7670]  }
0xca: {  	v55 =	vadd.f32 $0.0e+00, v3;
	v3 =	vmul.f32 v3, v3  }
0xcb: {  	v57 =	vadd.f32 $0.0e+00, v5;
	v60 =	vadd.f32 $0.0e+00, v9;
	v61 =	vmul.f32 v11, v11  }
0xcc: {  	v9 =	vmul.f32 v9, v9;
	v35 =	vmul.f32 v17, v17;
	v11 =	vadd.f32 v11, v55  }
0xcd: {  	v37 =	vmul.f32 v6, v6;
	v3 =	vadd.f32 v61, v3;
	v17 =	vadd.f32 v17, v60  }
0xce: {  	v9 =	vadd.f32 v35, v9;
	v55 =	vadd.f32 v6, v11;
	v11 =	vmul.f32 v4, v4;
	v29 =	vld [tilespmem:s22+$0x1670];
	[tilespmem:$0x1FF30] =	vst v0  }
0xcf: {  	v43 =	vmul.f32 v13, v13;
	v13 =	vadd.f32 v13, v57;
	v57 =	vadd.f32 v37, v3;
	v0 =	vld [tilespmem:s22+$0x1610]  }
0xd0: {  	v37 =	vadd.f32 v4, v17;
	v4 =	vadd.f32 v11, v9;
	v11 =	vld [tilespmem:$0x1FED0]  }
0xd1: {  	v41 =	vadd.f32 v20, v13;
	v13 =	vadd.f32 v47, v1;
	v47 =	vld [tilespmem:$0x1FEF0]  }
0xd2: {  	v9 =	vld [tilespmem:$0x1FF00]  }
0xd3: {  	v12 =	vld [tilespmem:s22+$0x1600]  }
0xd4: {  	v8 =	vld [tilespmem:s22+$0x7600];
	[tilespmem:$0x1FF50] =	vst v0  }
0xd5: {  	v0 =	vld [tilespmem:s22+$0x1630]  }
0xd6: {  	v58 =	vadd.f32 $0.0e+00, v7;
	v7 =	vmul.f32 v7, v7;
	v33 =	vmul.f32 v15, v15;
	v6 =	vld [tilespmem:$0x1FF30]  }
0xd7: {  	v27 =	vld [tilespmem:s22+$0x7610]  }
0xd8: {  	v7 =	vadd.f32 v33, v7;
	v3 =	vmul.f32 v22, v22;
	v28 =	vld [tilespmem:s22+$0x1620]  }
0xd9: {  	v31 =	vld [tilespmem:s22+$0x7620]  }
0xda: {  	v35 =	vadd.f32 v3, v7;
	v7 =	vld [tilespmem:$0x1FF50];
	[tilespmem:$0x1FF80] =	vst v0  }
0xdb: {  	v34 =	vld [tilespmem:s22+$0x7630]  }
0xdc: {  	v10 =	vld [tilespmem:s22+$0x1240]  }
0xdd: {  	v36 =	vld [tilespmem:s22+$0x7240]  }
0xde: {  	v18 =	vld [tilespmem:s22+$0x1250]  }
0xdf: {  	v0 =	vld [tilespmem:s22+$0x7250]  }
0xe0: {  	v39 =	vld [tilespmem:s22+$0x1260]  }
0xe1: {  	v2 =	vld [tilespmem:s22+$0x7260]  }
0xe2: {  	v25 =	vld [tilespmem:s22+$0x1270]  }
0xe3: {  	v26 =	vld [tilespmem:s22+$0x7270]  }
0xe4: {  	v48 =	vld [tilespmem:s22+$0x1200]  }
0xe5: {  	v14 =	vld [tilespmem:s22+$0x7200]  }
0xe6: {  	v45 =	vld [tilespmem:s22+$0x1210]  }
0xe7: {  	v21 =	vld [tilespmem:s22+$0x7210]  }
0xe8: {  	v19 =	vld [tilespmem:s22+$0x1220]  }
0xe9: {  	v30 =	vld [tilespmem:s22+$0x7220]  }
0xea: {  	v49 =	vld [tilespmem:s22+$0x1230]  }
0xeb: {  	v50 =	vld [tilespmem:s22+$0x7230]  }
0xec: {  	v51 =	vld [tilespmem:s22+$0xE40]  }
0xed: {  	v52 =	vld [tilespmem:s22+$0x6E40]  }
0xee: {  	v53 =	vld [tilespmem:s22+$0xE50]  }
0xef: {  	v54 =	vld [tilespmem:s22+$0x6E50]  }
0xf0: {  	v56 =	vld [tilespmem:s22+$0xE60]  }
0xf1: {  	v59 =	vld [tilespmem:s22+$0x6E60]  }
0xf2: {  	v62 =	vld [tilespmem:s22+$0xE70]  }
0xf3: {  	v63 =	vld [tilespmem:s22+$0x6E70]  }
0xf4: {  	v61 =	vld [tilespmem:s22+$0xE00]  }
0xf5: {  	v5 =	vmul.f32 v5, v5;
	v15 =	vadd.f32 v15, v58;
	v58 =	vld [tilespmem:s22+$0x6E00]  }
0xf6: {  	v60 =	vld [tilespmem:s22+$0xE10]  }
0xf7: {  	v38 =	vmul.f32 v20, v20;
	v5 =	vadd.f32 v43, v5;
	v24 =	vld [tilespmem:s22+$0x6E10]  }
0xf8: {  	v23 =	vld [tilespmem:s22+$0xE20]  }
0xf9: {  	v33 =	vadd.f32 v38, v5;
	v3 =	vadd.f32 v11, v16;
	v38 =	vld [tilespmem:s22+$0x6E20]  }
0xfa: {  	v40 =	vld [tilespmem:s22+$0xE30]  }
0xfb: {  	v1 =	vld [tilespmem:s22+$0x6E30];
	[tilespmem:$0x1FEE0] =	vst v3;
	v3 =	vadd.f32 v9, v47  }
0xfc: {  	v9 =	vld [tilespmem:$0x1FF80]  }
0xfd: {  	[tilespmem:$0x1FF10] =	vst v3;
	v3 =	vadd.f32 v6, v29  }
0xfe: {  	v11 =	vadd.f32 v8, v12  }
0xff: {  	v47 =	vld [tilespmem:s22+$0xA40];
	[tilespmem:$0x1FF40] =	vst v3;
	v3 =	vadd.f32 v27, v7  }
0x100: {  	v8 =	vadd.f32 v31, v28;
	[tilespmem:$0x1FF20] =	vst v11  }
0x101: {  	v29 =	vld [tilespmem:s22+$0x6A40];
	[tilespmem:$0x1FF60] =	vst v3;
	v3 =	vadd.f32 v34, v9  }
0x102: {  	[tilespmem:$0x1FF70] =	vst v8;
	v0 =	vadd.f32 v0, v18  }
0x103: {  	v16 =	vadd.f32 v36, v10;
	v10 =	vadd.f32 v2, v39;
	v28 =	vld [tilespmem:s22+$0xA50];
	[tilespmem:$0x1FF90] =	vst v3  }
0x104: {  	v17 =	vadd.f32 v14, v48;
	v48 =	vadd.f32 v26, v25;
	v27 =	vld [tilespmem:s22+$0x6A50];
	[tilespmem:$0x1FFA0] =	vst v0  }
0x105: {  	v43 =	vadd.f32 v22, v15;
	[tilespmem:$0x1FFB0] =	vst v10  }
0x106: {  	v41 =	vadd.f32 v42, v41;
	v11 =	vld [tilespmem:s22+$0xA60];
	[tilespmem:$0x1FFC0] =	vst v48  }
0x107: {  	v43 =	vadd.f32 v44, v43;
	v15 =	vadd.f32 v21, v45;
	v0 =	vld [tilespmem:s22+$0x6A60]  }
0x108: {  	v18 =	vadd.f32 v30, v19;
	v22 =	vadd.f32 v52, v51;
	v30 =	vld [tilespmem:s22+$0xA70]  }
0x109: {  	v21 =	vadd.f32 v54, v53;
	v20 =	vadd.f32 v59, v56;
	v31 =	vld [tilespmem:s22+$0x6A70]  }
0x10a: {  	v26 =	vadd.f32 v58, v61;
	v19 =	vadd.f32 v63, v62;
	v34 =	vld [tilespmem:s22+$0xA00]  }
0x10b: {  	v59 =	vmul.f32 v32, v32;
	v25 =	vadd.f32 v24, v60;
	v24 =	vadd.f32 v38, v23;
	v36 =	vld [tilespmem:s22+$0x6A00]  }
0x10c: {  	v39 =	vadd.f32 v32, v55;
	v61 =	vmul.f32 v42, v42;
	v23 =	vadd.f32 v1, v40;
	v38 =	vld [tilespmem:s22+$0xA10]  }
0x10d: {  	v62 =	vmul.f32 v44, v44;
	v63 =	vmul.f32 v46, v46;
	v44 =	vadd.f32 v46, v37;
	v40 =	vld [tilespmem:s22+$0x6A10]  }
0x10e: {  	v32 =	vadd.f32 v59, v57;
	v33 =	vadd.f32 v61, v33;
	v42 =	vld [tilespmem:s22+$0xA20]  }
0x10f: {  	v35 =	vadd.f32 v62, v35;
	v37 =	vadd.f32 v63, v4;
	v45 =	vld [tilespmem:s22+$0x6A20]  }
0x110: {  	v48 =	vadd.f32 v50, v49;
	v29 =	vadd.f32 v29, v47;
	v46 =	vld [tilespmem:s22+$0xA30]  }
0x111: {  	s25 =	simm.s32 $0x0;
	s9 =	simm.s32 $0x1;
	v47 =	vld [tilespmem:s22+$0x6A30];
	v28 =	vadd.f32 v27, v28;
	v27 =	vadd.f32 v0, v11  }
.LBB2_7:
0x112: {  	_ =	sdelay $0x2  }
0x113: {  	v0 =	vadd.f32 v36, v34;
	v1 =	vadd.f32 v31, v30  }
0x114: {  	v2 =	vadd.f32 v40, v38;
	v31 =	vadd.f32 v45, v42  }
0x115: {  	v36 =	vadd.f32 v47, v46;
	v34 =	vadd.f32 v0, v39  }
0x116: {  	v38 =	vadd.f32 v2, v41;
	v63 =	vadd.f32 v31, v43  }
0x117: {  	v3 =	vmul.f32 v0, v0;
	v4 =	vmul.f32 v2, v2;
	v5 =	vadd.f32 v36, v44  }
0x118: {  	v6 =	vmul.f32 v31, v31;
	v34 =	vadd.f32 v29, v34;
	v38 =	vadd.f32 v28, v38  }
0x119: {  	v7 =	vmul.f32 v36, v36;
	v39 =	vadd.f32 v27, v63;
	v42 =	vadd.f32 v1, v5  }
0x11a: {  	v8 =	vmul.f32 v29, v29;
	v32 =	vadd.f32 v3, v32;
	v33 =	vadd.f32 v4, v33  }
0x11b: {  	v9 =	vmul.f32 v28, v28;
	v35 =	vadd.f32 v6, v35;
	v37 =	vadd.f32 v7, v37  }
0x11c: {  	v10 =	vmul.f32 v27, v27;
	v34 =	vadd.f32 v26, v34;
	v38 =	vadd.f32 v25, v38  }
0x11d: {  	v11 =	vmul.f32 v1, v1;
	v39 =	vadd.f32 v24, v39;
	v42 =	vadd.f32 v23, v42  }
0x11e: {  	v49 =	vmul.f32 v26, v26;
	v32 =	vadd.f32 v8, v32;
	v33 =	vadd.f32 v9, v33  }
0x11f: {  	v51 =	vmul.f32 v24, v24;
	v35 =	vadd.f32 v10, v35;
	v37 =	vadd.f32 v11, v37  }
0x120: {  	v50 =	vmul.f32 v25, v25;
	v34 =	vadd.f32 v22, v34;
	v38 =	vadd.f32 v21, v38  }
0x121: {  	v52 =	vmul.f32 v23, v23;
	v39 =	vadd.f32 v20, v39;
	v42 =	vadd.f32 v19, v42  }
0x122: {  	v56 =	vmul.f32 v19, v19;
	v14 =	vld [tilespmem:$0x1FFC0];
	v32 =	vadd.f32 v49, v32;
	v33 =	vadd.f32 v50, v33  }
0x123: {  	v53 =	vmul.f32 v22, v22;
	v11 =	vld [tilespmem:$0x1FFA0];
	v35 =	vadd.f32 v51, v35;
	v37 =	vadd.f32 v52, v37  }
0x124: {  	v54 =	vmul.f32 v21, v21;
	v9 =	vld [tilespmem:$0x1FFB0];
	v34 =	vadd.f32 v17, v34;
	v38 =	vadd.f32 v15, v38  }
0x125: {  	v55 =	vmul.f32 v20, v20;
	v5 =	vld [tilespmem:$0x1FF20];
	v39 =	vadd.f32 v18, v39;
	v42 =	vadd.f32 v48, v42  }
0x126: {  	v57 =	vmul.f32 v17, v17;
	v7 =	vld [tilespmem:$0x1FF70];
	v32 =	vadd.f32 v53, v32;
	v33 =	vadd.f32 v54, v33  }
0x127: {  	v58 =	vmul.f32 v15, v15;
	v8 =	vld [tilespmem:$0x1FF60];
	v35 =	vadd.f32 v55, v35;
	v37 =	vadd.f32 v56, v37  }
0x128: {  	v59 =	vmul.f32 v18, v18;
	[tilespmem:s22+$0xA50] =	vst v28;
	v10 =	vld [tilespmem:$0x1FF90];
	v34 =	vadd.f32 v16, v34;
	v38 =	vadd.f32 v11, v38  }
0x129: {  	v60 =	vmul.f32 v48, v48;
	[tilespmem:s22+$0xA00] =	vst v0;
	v39 =	vadd.f32 v9, v39;
	v42 =	vadd.f32 v14, v42  }
0x12a: {  	v62 =	vmul.f32 v16, v16;
	[tilespmem:s22+$0xA20] =	vst v31;
	v6 =	vld [tilespmem:$0x1FEE0];
	v31 =	vadd.f32 v57, v32;
	v61 =	vadd.f32 v58, v33  }
0x12b: {  	[tilespmem:s22+$0xA10] =	vst v2;
	v28 =	vmul.f32 v14, v14;
	v4 =	vld [tilespmem:$0x1FF10];
	v0 =	vadd.f32 v59, v35;
	v2 =	vadd.f32 v60, v37  }
0x12c: {  	[tilespmem:s22+$0xE00] =	vst v26;
	v3 =	vld [tilespmem:$0x1FF40];
	v63 =	vmul.f32 v11, v11;
	v34 =	vadd.f32 v5, v34;
	v40 =	vadd.f32 v8, v38  }
0x12d: {  	[tilespmem:s22+$0xA40] =	vst v29;
	v29 =	vmul.f32 v9, v9;
	v41 =	vadd.f32 v7, v39;
	v43 =	vadd.f32 v10, v42  }
0x12e: {  	s3 =	sshrl.u32 s9, $0x3;
	[tilespmem:s22+$0xA60] =	vst v27;
	v44 =	vmul.f32 v5, v5;
	v27 =	vadd.f32 v62, v31;
	v31 =	vadd.f32 v63, v61  }
0x12f: {  	[tilespmem:s22+$0xE20] =	vst v24;
	s3 =	smul.u32 $0x1800, s3;
	v26 =	vmul.f32 v7, v7;
	v0 =	vadd.f32 v29, v0;
	v45 =	vadd.f32 v28, v2  }
0x130: {  	s24 =	sadd.s32 $0x80, s24;
	[tilespmem:s22+$0xE10] =	vst v25;
	v46 =	vmul.f32 v8, v8;
	v28 =	vadd.f32 v13, v34;
	v29 =	vadd.f32 v6, v40  }
0x131: {  	s15 =	sand.u32 $0x380, s24;
	s10 =	sadd.s32 s23, s3;
	[tilespmem:s22+$0xA30] =	vst v36;
	v25 =	vmul.f32 v10, v10;
	v47 =	vadd.f32 v4, v41;
	v49 =	vadd.f32 v3, v43  }
0x132: {  	v30 =	vmul.f32 v13, v13;
	s4 =	sor.u32 s15, s10;
	[tilespmem:s22+$0xA70] =	vst v1;
	v24 =	vadd.f32 v44, v27;
	v2 =	vadd.f32 v46, v31  }
0x133: {  	v27 =	vmul.f32 v6, v6;
	v31 =	vld [tilespmem:s4+$0x200];
	[tilespmem:s22+$0xE30] =	vst v23;
	v0 =	vadd.f32 v26, v0;
	v1 =	vadd.f32 v25, v45  }
0x134: {  	v23 =	vmul.f32 v4, v4;
	v25 =	vld [tilespmem:s4+$0x6200];
	[tilespmem:s22+$0xE40] =	vst v22;
	v22 =	vmul.f32 v3, v3;
	v26 =	vadd.f32 v29, v28  }
0x135: {  	[tilespmem:s22+$0xE50] =	vst v21;
	v29 =	vld [tilespmem:s4+$0x210];
	v21 =	vadd.f32 v30, v24;
	v2 =	vadd.f32 v27, v2  }
0x136: {  	v24 =	vld [tilespmem:s4+$0x6210];
	[tilespmem:s22+$0xE60] =	vst v20;
	v0 =	vadd.f32 v23, v0;
	v1 =	vadd.f32 v22, v1  }
0x137: {  	v28 =	vadd.f32 v49, v47;
	v20 =	vld [tilespmem:s4+$0x220];
	[tilespmem:s22+$0xE70] =	vst v19  }
0x138: {  	v22 =	vld [tilespmem:s4+$0x6220];
	[tilespmem:s22+$0x1200] =	vst v17;
	v2 =	vadd.f32 v2, v21;
	v0 =	vadd.f32 v1, v0  }
0x139: {  	v19 =	vadd.f32 v28, v26;
	v50 =	vld [tilespmem:s4+$0x230];
	[tilespmem:s22+$0x1210] =	vst v15  }
0x13a: {  	v17 =	vld [tilespmem:s4+$0x6230];
	[tilespmem:s22+$0x1220] =	vst v18;
	v0 =	vadd.f32 v0, v2  }
0x13b: {  	(xrf2) =	vadd.scan.msk.f32 $0xffff, v19;
	v51 =	vld [tilespmem:s4+$0x240];
	[tilespmem:s22+$0x1230] =	vst v48  }
0x13c: {  	v15 =	vld [tilespmem:s4+$0x6240];
	[tilespmem:s22+$0x1240] =	vst v16;
	(xrf2) =	vadd.scan.msk.f32 $0xffff, v0  }
0x13d: {  	v52 =	vld [tilespmem:s4+$0x250];
	[tilespmem:s22+$0x1250] =	vst v11  }
0x13e: {  	v12 =	vld [tilespmem:s4+$0x6250];
	[tilespmem:s22+$0x1260] =	vst v9  }
0x13f: {  	v11 =	vld [tilespmem:s4+$0x260];
	[tilespmem:s22+$0x1270] =	vst v14  }
0x140: {  	v14 =	vld [tilespmem:s4+$0x6260];
	[tilespmem:s22+$0x1600] =	vst v5  }
0x141: {  	v16 =	vld [tilespmem:s4+$0x270];
	[tilespmem:s22+$0x1610] =	vst v8  }
0x142: {  	v9 =	vld [tilespmem:s4+$0x6270];
	[tilespmem:s22+$0x1620] =	vst v7  }
0x143: {  	v53 =	vmov s25;
	v18 =	vld [tilespmem:s4+$0x600];
	[tilespmem:s22+$0x1630] =	vst v10  }
0x144: {  	v19 =	vld [tilespmem:s4+$0x610];
	[tilespmem:s22+$0x1640] =	vst v13  }
0x145: {  	v54, _, _ =	vpop (xrf2);
	v5 =	vld [tilespmem:s4+$0x6610];
	[tilespmem:s22+$0x1650] =	vst v6  }
0x146: {  	[tilespmem:s22+$0x1660] =	vst v4;
	v21 =	vld [tilespmem:s4+$0x620];
	v55 =	vbroadcast v54, $0xF;
	v56, _, _ =	vpop (xrf2)  }
0x147: {  	v23 =	vld [tilespmem:s4+$0x6620];
	[tilespmem:s22+$0x1670] =	vst v3;
	v57 =	vbroadcast v56, $0xF  }
0x148: {  	v58 =	vadd.f32 v25, v31;
	v25 =	vld [tilespmem:s4+$0x630];
	[tilespmem:v53+s30+$0x0] =	vst.idx.msk $0x1, v55  }
0x149: {  	v59 =	vadd.f32 v24, v29;
	v4 =	vld [tilespmem:s4+$0x6630];
	[tilespmem:v53+s31+$0x0] =	vst.idx.msk $0x1, v57  }
0x14a: {  	v63 =	vadd.f32 v22, v20;
	[tilespmem:s4+$0x200] =	vst v58;
	v20 =	vld [tilespmem:s4+$0x640]  }
0x14b: {  	v8 =	vadd.f32 v17, v50;
	[tilespmem:s4+$0x210] =	vst v59;
	v60 =	vld [tilespmem:s4+$0x6640]  }
0x14c: {  	v13 =	vadd.f32 v15, v51;
	[tilespmem:s4+$0x220] =	vst v63;
	v61 =	vld [tilespmem:s4+$0x650]  }
0x14d: {  	v12 =	vadd.f32 v12, v52;
	[tilespmem:s4+$0x230] =	vst v8;
	v62 =	vld [tilespmem:s4+$0x6650]  }
0x14e: {  	v11 =	vadd.f32 v14, v11;
	[tilespmem:s4+$0x240] =	vst v13;
	v14 =	vld [tilespmem:s4+$0x660]  }
0x14f: {  	v9 =	vadd.f32 v9, v16;
	[tilespmem:s4+$0x250] =	vst v12;
	v15 =	vld [tilespmem:s4+$0x6660]  }
0x150: {  	v5 =	vadd.f32 v5, v19;
	[tilespmem:s4+$0x260] =	vst v11;
	v16 =	vld [tilespmem:s4+$0x670]  }
0x151: {  	v3 =	vadd.f32 v23, v21;
	[tilespmem:s4+$0x270] =	vst v9;
	v17 =	vld [tilespmem:s4+$0x6670]  }
0x152: {  	v19 =	vld [tilespmem:s4+$0x6600];
	[tilespmem:s4+$0x610] =	vst v5;
	v4 =	vadd.f32 v4, v25  }
0x153: {  	[tilespmem:s4+$0x620] =	vst v3;
	v23 =	vadd.f32 v60, v20  }
0x154: {  	[tilespmem:s4+$0x630] =	vst v4;
	v29 =	vadd.f32 v62, v61  }
0x155: {  	v28 =	vadd.f32 v15, v14;
	[tilespmem:s4+$0x640] =	vst v23  }
0x156: {  	v27 =	vadd.f32 v17, v16;
	[tilespmem:s4+$0x650] =	vst v29  }
0x157: {  	v0 =	vadd.f32 v19, v18;
	[tilespmem:s4+$0x660] =	vst v28  }
0x158: {  	s22 =	sadd.s32 s15, s10;
	[tilespmem:s4+$0x670] =	vst v27  }
0x159: {  	[tilespmem:s4+$0x600] =	vst v0;
	v14 =	vld [tilespmem:s22+$0x1640]  }
0x15a: {  	v1 =	vld [tilespmem:s22+$0x7640]  }
0x15b: {  	v2 =	vld [tilespmem:s22+$0x1650]  }
0x15c: {  	v15 =	vld [tilespmem:s22+$0x7650]  }
0x15d: {  	v16 =	vld [tilespmem:s22+$0x1660]  }
0x15e: {  	v17 =	vld [tilespmem:s22+$0x7660]  }
0x15f: {  	v18 =	vld [tilespmem:s22+$0x1670]  }
0x160: {  	v19 =	vld [tilespmem:s22+$0x7670]  }
0x161: {  	v20 =	vld [tilespmem:s22+$0x1600]  }
0x162: {  	v21 =	vld [tilespmem:s22+$0x7600]  }
0x163: {  	v22 =	vld [tilespmem:s22+$0x1610]  }
0x164: {  	v24 =	vld [tilespmem:s22+$0x7610]  }
0x165: {  	v25 =	vld [tilespmem:s22+$0x1620]  }
0x166: {  	v26 =	vld [tilespmem:s22+$0x7620]  }
0x167: {  	v30 =	vld [tilespmem:s22+$0x1630]  }
0x168: {  	v31 =	vld [tilespmem:s22+$0x7630]  }
0x169: {  	v32 =	vld [tilespmem:s22+$0x1240]  }
0x16a: {  	v33 =	vld [tilespmem:s22+$0x7240]  }
0x16b: {  	v34 =	vld [tilespmem:s22+$0x1250]  }
0x16c: {  	v35 =	vld [tilespmem:s22+$0x7250]  }
0x16d: {  	v36 =	vld [tilespmem:s22+$0x1260]  }
0x16e: {  	v37 =	vld [tilespmem:s22+$0x7260]  }
0x16f: {  	v38 =	vld [tilespmem:s22+$0x1270]  }
0x170: {  	v39 =	vld [tilespmem:s22+$0x7270]  }
0x171: {  	v40 =	vld [tilespmem:s22+$0x1200]  }
0x172: {  	v41 =	vld [tilespmem:s22+$0x7200]  }
0x173: {  	v42 =	vld [tilespmem:s22+$0x1210]  }
0x174: {  	v43 =	vld [tilespmem:s22+$0x7210]  }
0x175: {  	v44 =	vld [tilespmem:s22+$0x1220]  }
0x176: {  	v45 =	vld [tilespmem:s22+$0x7220]  }
0x177: {  	v46 =	vld [tilespmem:s22+$0x1230]  }
0x178: {  	v47 =	vld [tilespmem:s22+$0x7230]  }
0x179: {  	v48 =	vld [tilespmem:s22+$0xE40]  }
0x17a: {  	v49 =	vld [tilespmem:s22+$0x6E40]  }
0x17b: {  	v50 =	vld [tilespmem:s22+$0xE50]  }
0x17c: {  	v7 =	vmul.f32 v59, v59;
	v10 =	vmul.f32 v63, v63;
	v51 =	vld [tilespmem:s22+$0x6E50]  }
0x17d: {  	v6 =	vmul.f32 v58, v58;
	v55 =	vadd.f32 $0.0e+00, v59;
	v56 =	vadd.f32 $0.0e+00, v63;
	v52 =	vld [tilespmem:s22+$0xE60]  }
0x17e: {  	v53 =	vadd.f32 $0.0e+00, v58;
	v58 =	vadd.f32 $0.0e+00, v8;
	v59 =	vmul.f32 v13, v13;
	v54 =	vld [tilespmem:s22+$0x6E60]  }
0x17f: {  	v8 =	vmul.f32 v8, v8;
	v63 =	vmul.f32 v11, v11;
	v11 =	vadd.f32 v11, v56;
	v57 =	vld [tilespmem:s22+$0xE70]  }
0x180: {  	v13 =	vadd.f32 v13, v53;
	v53 =	vmul.f32 v12, v12;
	v12 =	vadd.f32 v12, v55;
	v60 =	vld [tilespmem:s22+$0x6E70]  }
0x181: {  	v6 =	vadd.f32 v59, v6;
	v10 =	vadd.f32 v63, v10;
	v62 =	vmul.f32 v9, v9;
	v61 =	vld [tilespmem:s22+$0xE00]  }
0x182: {  	v7 =	vadd.f32 v53, v7;
	v9 =	vadd.f32 v9, v58;
	v63 =	vmul.f32 v0, v0;
	v59 =	vld [tilespmem:s22+$0x6E00]  }
0x183: {  	v8 =	vadd.f32 v62, v8;
	v0 =	vadd.f32 v0, v13;
	v13 =	vmul.f32 v5, v5;
	v56 =	vld [tilespmem:s22+$0xE10]  }
0x184: {  	v62 =	vadd.f32 v5, v12;
	v5 =	vmul.f32 v3, v3;
	v3 =	vadd.f32 v3, v11;
	v58 =	vld [tilespmem:s22+$0x6E10]  }
0x185: {  	v53 =	vld [tilespmem:s22+$0xE20];
	v55 =	vadd.f32 v63, v6;
	v6 =	vadd.f32 v13, v7;
	v7 =	vmul.f32 v4, v4  }
0x186: {  	v9 =	vadd.f32 v4, v9;
	v11 =	vld [tilespmem:s22+$0xE30];
	v5 =	vadd.f32 v5, v10  }
0x187: {  	v63 =	vld [tilespmem:s22+$0x6E20];
	v7 =	vadd.f32 v7, v8;
	v14 =	vadd.f32 v1, v14  }
0x188: {  	v10 =	vld [tilespmem:s22+$0x6E30];
	v2 =	vadd.f32 v15, v2;
	v4 =	vadd.f32 v17, v16  }
0x189: {  	v8 =	vld [tilespmem:s22+$0xA40];
	v12 =	vadd.f32 v24, v22;
	v16 =	vadd.f32 v33, v32  }
0x18a: {  	v1 =	vld [tilespmem:s22+$0x6A40];
	v13 =	vadd.f32 v31, v30;
	v15 =	vadd.f32 v35, v34;
	[tilespmem:$0x1FEE0] =	vst v2  }
0x18b: {  	v17 =	vadd.f32 v37, v36;
	v30 =	vld [tilespmem:s22+$0xA70];
	v22 =	vadd.f32 v49, v48;
	[tilespmem:$0x1FF10] =	vst v4  }
0x18c: {  	v31 =	vld [tilespmem:s22+$0x6A70];
	v48 =	vadd.f32 v47, v46;
	v24 =	vadd.f32 v63, v53;
	[tilespmem:$0x1FF60] =	vst v12  }
0x18d: {  	v34 =	vld [tilespmem:s22+$0xA00];
	v4 =	vadd.f32 v21, v20;
	v12 =	vadd.f32 v26, v25;
	[tilespmem:$0x1FFA0] =	vst v15  }
0x18e: {  	v36 =	vld [tilespmem:s22+$0x6A00];
	[tilespmem:$0x1FFB0] =	vst v17;
	v17 =	vadd.f32 v41, v40;
	v15 =	vadd.f32 v39, v38  }
0x18f: {  	v46 =	vld [tilespmem:s22+$0xA30];
	[tilespmem:$0x1FF90] =	vst v13;
	v21 =	vadd.f32 v51, v50;
	v20 =	vadd.f32 v54, v52  }
0x190: {  	v63 =	vmul.f32 v27, v27;
	v2 =	vld [tilespmem:s22+$0xA50];
	v26 =	vadd.f32 v59, v61;
	v25 =	vadd.f32 v58, v56;
	[tilespmem:$0x1FF20] =	vst v4  }
0x191: {  	v13 =	vld [tilespmem:s22+$0x6A60];
	v39 =	vadd.f32 v23, v0;
	v4 =	vadd.f32 v19, v18;
	[tilespmem:$0x1FF70] =	vst v12  }
0x192: {  	v61 =	vmul.f32 v29, v29;
	v41 =	vadd.f32 v29, v62;
	v37 =	vadd.f32 v63, v7;
	v12 =	vld [tilespmem:s22+$0xA60];
	[tilespmem:$0x1FFC0] =	vst v15  }
0x193: {  	p0 =	sne.s32 s9, $0xF;
	v62 =	vmul.f32 v28, v28;
	v15 =	vadd.f32 v43, v42;
	v18 =	vadd.f32 v45, v44;
	[tilespmem:$0x1FF40] =	vst v4;
	v4 =	vld [tilespmem:s22+$0x6A50]  }
.Ltmp8:
0x194: {  	v47 =	vld [tilespmem:s22+$0x6A30];
	v19 =	vadd.f32 v60, v57;
	v60 =	vmul.f32 v23, v23;
	v23 =	vadd.f32 v10, v11;
	(pc) =	sbr.rel @p0 .LBB2_7-.Ltmp8, $4  }
0x195: {  	v38 =	vld [tilespmem:s22+$0xA10];
	v33 =	vadd.f32 v61, v6;
	v43 =	vadd.f32 v28, v3  }
0x196: {  	v40 =	vld [tilespmem:s22+$0x6A10];
	v35 =	vadd.f32 v62, v5;
	v44 =	vadd.f32 v27, v9  }
0x197: {  	v42 =	vld [tilespmem:s22+$0xA20];
	v29 =	vadd.f32 v1, v8;
	v32 =	vadd.f32 v60, v55  }
0x198: {  	s25 =	smov.u32 s9;
	s9 =	sadd.s32 $0x1, s9;
	v45 =	vld [tilespmem:s22+$0x6A20];
	v27 =	vadd.f32 v13, v12;
	v13 =	vmov v14;
	v28 =	vadd.f32 v4, v2  }
0x199: {  	_ = 	snop  }
0x19a: {  	v0 =	vadd.f32 v36, v34;
	v1 =	vadd.f32 v31, v30  }
0x19b: {  	v5 =	vadd.f32 v47, v46;
	v8 =	vmul.f32 v13, v13;
	v30 =	vmul.f32 v29, v29  }
0x19c: {  	v58 =	vmul.f32 v23, v23;
	v2 =	vadd.f32 v40, v38;
	v4 =	vadd.f32 v0, v39  }
0x19d: {  	v9 =	vmul.f32 v0, v0;
	v11 =	vadd.f32 v5, v44;
	v3 =	vadd.f32 v45, v42  }
0x19e: {  	v14 =	vmovc v13;
	v13 =	vmul.f32 v5, v5;
	v6 =	vadd.f32 v2, v41;
	v4 =	vadd.f32 v29, v4  }
0x19f: {  	v10 =	vmul.f32 v2, v2;
	v11 =	vadd.f32 v1, v11;
	v9 =	vadd.f32 v9, v32  }
0x1a0: {  	v31 =	vmul.f32 v28, v28;
	v13 =	vadd.f32 v13, v37;
	v7 =	vadd.f32 v3, v43  }
0x1a1: {  	v56 =	vmul.f32 v1, v1;
	v6 =	vadd.f32 v28, v6;
	v10 =	vadd.f32 v10, v33  }
0x1a2: {  	v12 =	vmul.f32 v3, v3;
	v4 =	vadd.f32 v26, v4;
	v11 =	vadd.f32 v23, v11  }
0x1a3: {  	v55 =	vmul.f32 v27, v27;
	v9 =	vadd.f32 v30, v9;
	v13 =	vadd.f32 v56, v13  }
0x1a4: {  	v30 =	vmul.f32 v26, v26;
	v7 =	vadd.f32 v27, v7;
	v12 =	vadd.f32 v12, v35  }
0x1a5: {  	v59 =	vmovc v17;
	v6 =	vadd.f32 v25, v6;
	v10 =	vadd.f32 v31, v10;
	v31 =	vmul.f32 v25, v25  }
0x1a6: {  	[tilespmem:s22+$0xA00] =	vst v0;
	v4 =	vadd.f32 v22, v4;
	v9 =	vadd.f32 v30, v9;
	v30 =	vmul.f32 v22, v22  }
0x1a7: {  	v63 =	vld [tilespmem:$0x1FFA0];
	[tilespmem:s22+$0xA10] =	vst v2;
	v6 =	vadd.f32 v21, v6;
	v10 =	vadd.f32 v31, v10;
	v31 =	vmul.f32 v21, v21  }
0x1a8: {  	v61 =	vmovc v15;
	v4 =	vadd.f32 v17, v4;
	v9 =	vadd.f32 v30, v9;
	v30 =	vmul.f32 v17, v17;
	v17 =	vld [tilespmem:$0x1FFC0]  }
0x1a9: {  	v6 =	vadd.f32 v15, v6;
	v10 =	vadd.f32 v31, v10;
	v31 =	vmul.f32 v15, v15;
	v15 =	vld [tilespmem:$0x1FFB0];
	[tilespmem:s22+$0xA20] =	vst v3  }
0x1aa: {  	v62 =	vmul.f32 v19, v19;
	v11 =	vadd.f32 v19, v11;
	v13 =	vadd.f32 v58, v13;
	[tilespmem:s22+$0xA30] =	vst v5  }
0x1ab: {  	v57 =	vmul.f32 v24, v24;
	v7 =	vadd.f32 v24, v7;
	v12 =	vadd.f32 v55, v12;
	[tilespmem:s22+$0xA40] =	vst v29  }
0x1ac: {  	v11 =	vadd.f32 v48, v11;
	v13 =	vadd.f32 v62, v13;
	v29 =	vld [tilespmem:$0x1FF20]  }
0x1ad: {  	v60 =	vmul.f32 v20, v20;
	v12 =	vadd.f32 v57, v12;
	v3 =	vadd.f32 v30, v9;
	v30 =	vld [tilespmem:$0x1FF60];
	[tilespmem:s22+$0xA50] =	vst v28  }
0x1ae: {  	v7 =	vadd.f32 v20, v7;
	v0 =	vadd.f32 v16, v4;
	v28 =	vld [tilespmem:$0x1FF70]  }
0x1af: {  	v4 =	vmul.f32 v18, v18;
	v12 =	vadd.f32 v60, v12;
	v9 =	vadd.f32 v31, v10;
	v31 =	vld [tilespmem:$0x1FF90];
	[tilespmem:s22+$0xA60] =	vst v27  }
0x1b0: {  	v7 =	vadd.f32 v18, v7;
	v6 =	vadd.f32 v63, v6;
	v10 =	vmul.f32 v16, v16;
	[tilespmem:s22+$0xA70] =	vst v1  }
0x1b1: {  	[tilespmem:s22+$0xE00] =	vst v26;
	v11 =	vadd.f32 v17, v11;
	v4 =	vadd.f32 v4, v12  }
0x1b2: {  	v26 =	vld [tilespmem:$0x1FEE0];
	[tilespmem:s22+$0xE10] =	vst v25;
	v3 =	vadd.f32 v10, v3;
	v2 =	vadd.f32 v15, v7;
	v7 =	vmul.f32 v48, v48  }
0x1b3: {  	v25 =	vld [tilespmem:$0x1FF10];
	v12 =	vmul.f32 v15, v15;
	v0 =	vadd.f32 v29, v0;
	v6 =	vadd.f32 v30, v6  }
0x1b4: {  	v5 =	vadd.f32 v7, v13;
	v2 =	vadd.f32 v28, v2;
	v13 =	vmul.f32 v17, v17  }
0x1b5: {  	v7 =	vmul.f32 v63, v63;
	v11 =	vadd.f32 v31, v11;
	v1 =	vadd.f32 v12, v4  }
0x1b6: {  	v10 =	vmul.f32 v28, v28;
	v12 =	vmul.f32 v31, v31;
	v4 =	vadd.f32 v13, v5;
	v13 =	vld [tilespmem:$0x1FF40]  }
0x1b7: {  	v0 =	vadd.f32 v14, v0;
	v7 =	vadd.f32 v7, v9;
	v9 =	vmul.f32 v29, v29  }
0x1b8: {  	v6 =	vadd.f32 v26, v6;
	v5 =	vmul.f32 v30, v30;
	v2 =	vadd.f32 v25, v2  }
0x1b9: {  	[tilespmem:s22+$0xE20] =	vst v24;
	v1 =	vadd.f32 v10, v1;
	v3 =	vadd.f32 v9, v3  }
0x1ba: {  	[tilespmem:s22+$0xE30] =	vst v23;
	v5 =	vadd.f32 v5, v7;
	v7 =	vmul.f32 v26, v26;
	v4 =	vadd.f32 v12, v4  }
0x1bb: {  	[tilespmem:s22+$0xE40] =	vst v22;
	v9 =	vmul.f32 v25, v25;
	v3 =	vadd.f32 v8, v3;
	v10 =	vmul.f32 v13, v13  }
0x1bc: {  	[tilespmem:s22+$0xE50] =	vst v21;
	v5 =	vadd.f32 v7, v5;
	v11 =	vadd.f32 v13, v11  }
0x1bd: {  	[tilespmem:s22+$0xE60] =	vst v20;
	v1 =	vadd.f32 v9, v1;
	v4 =	vadd.f32 v10, v4  }
0x1be: {  	[tilespmem:s22+$0xE70] =	vst v19;
	v0 =	vadd.f32 v6, v0;
	v2 =	vadd.f32 v11, v2  }
0x1bf: {  	[tilespmem:s22+$0x1200] =	vst v59;
	v3 =	vadd.f32 v5, v3;
	v1 =	vadd.f32 v4, v1  }
0x1c0: {  	[tilespmem:s22+$0x1210] =	vst v61;
	v0 =	vadd.f32 v2, v0  }
0x1c1: {  	[tilespmem:s22+$0x1220] =	vst v18;
	v1 =	vadd.f32 v1, v3  }
0x1c2: {  	[tilespmem:s22+$0x1230] =	vst v48;
	(xrf2) =	vadd.scan.msk.f32 $0xffff, v0  }
0x1c3: {  	[tilespmem:s22+$0x1240] =	vst v16;
	(xrf2) =	vadd.scan.msk.f32 $0xffff, v1  }
0x1c4: {  	[tilespmem:s22+$0x1250] =	vst v63  }
0x1c5: {  	[tilespmem:s22+$0x1260] =	vst v15  }
0x1c6: {  	[tilespmem:s22+$0x1270] =	vst v17  }
0x1c7: {  	[tilespmem:s22+$0x1600] =	vst v29  }
0x1c8: {  	[tilespmem:s22+$0x1610] =	vst v30  }
0x1c9: {  	[tilespmem:s22+$0x1620] =	vst v28  }
0x1ca: {  	[tilespmem:s22+$0x1630] =	vst v31;
	v0 =	vmov s25  }
0x1cb: {  	[tilespmem:s22+$0x1640] =	vst v14  }
0x1cc: {  	[tilespmem:s22+$0x1650] =	vst v26;
	v1, _, _ =	vpop (xrf2)  }
0x1cd: {  	[tilespmem:s22+$0x1660] =	vst v25;
	v1 =	vbroadcast v1, $0xF;
	v2, _, _ =	vpop (xrf2)  }
0x1ce: {  	[tilespmem:s22+$0x1670] =	vst v13;
	v2 =	vbroadcast v2, $0xF  }
0x1cf: {  	[tilespmem:v0+s30+$0x0] =	vst.idx.msk $0x1, v1  }
0x1d0: {  	[tilespmem:v0+s31+$0x0] =	vst.idx.msk $0x1, v2  }
0x1d1: {  	v0 =	vld [tilespmem:$0x12200];
	_ =	sdelay $0x1  }
0x1d2: {  	v1 =	vld [tilespmem:$0x12280];
	_ =	sdelay $0x2  }
0x1d3: {  	v0 =	vmul.f32 $1.302083370e-03, v0;
	_ =	sdelay $0x1  }
0x1d4: {  	v1 =	vmul.f32 $1.302083370e-03, v1;
	v2 =	vmul.f32 v0, v0;
	_ =	sdelay $0x1  }
0x1d5: {  	v1 =	vsub.f32 v1, v2;
	_ =	sdelay $0x1  }
0x1d6: {  	v1 =	vadd.f32 $9.999999740e-06, v1;
	_ =	sdelay $0x1  }
0x1d7: {  	v2 =	vshra.s32 v1, $0x1;
	v1 =	vmul.f32 $5.000000000e-01, v1  }
0x1d8: {  	v2 =	vsub.s32 $0x5F3759DF, v2  }
0x1d9: {  	v3 =	vmul.f32 v2, v1;
	_ =	sdelay $0x1  }
0x1da: {  	v3 =	vmul.f32 v2, v3;
	_ =	sdelay $0x1  }
0x1db: {  	v3 =	vsub.f32 $1.500000000e+00, v3;
	_ =	sdelay $0x1  }
0x1dc: {  	v2 =	vmul.f32 v2, v3;
	_ =	sdelay $0x1  }
0x1dd: {  	v3 =	vmul.f32 v2, v1;
	_ =	sdelay $0x1  }
0x1de: {  	v3 =	vmul.f32 v3, v2;
	_ =	sdelay $0x1  }
0x1df: {  	v3 =	vsub.f32 $1.500000000e+00, v3;
	_ =	sdelay $0x1  }
0x1e0: {  	v2 =	vmul.f32 v3, v2;
	_ =	sdelay $0x1  }
0x1e1: {  	v1 =	vmul.f32 v2, v1;
	_ =	sdelay $0x1  }
0x1e2: {  	v1 =	vmul.f32 v1, v2;
	_ =	sdelay $0x1  }
0x1e3: {  	v1 =	vsub.f32 $1.500000000e+00, v1;
	_ =	sdelay $0x1  }
0x1e4: {  	v1 =	vmul.f32 v1, v2;
	_ =	sdelay $0x1  }
0x1e5: {  	v0 =	vmul.f32 v1, v0  }
0x1e6: {  	v32 =	vbroadcast v1, $0x0;
	v30 =	vbroadcast v1, $0x1  }
0x1e7: {  	v29 =	vbroadcast v1, $0x2;
	v27 =	vbroadcast v1, $0x3  }
0x1e8: {  	v26 =	vbroadcast v1, $0x4;
	v25 =	vbroadcast v1, $0x5  }
0x1e9: {  	v22 =	vbroadcast v1, $0x6;
	v19 =	vbroadcast v1, $0x7  }
0x1ea: {  	v15 =	vbroadcast v1, $0x8;
	v13 =	vbroadcast v1, $0x9  }
0x1eb: {  	v11 =	vbroadcast v1, $0xA;
	v9 =	vbroadcast v1, $0xB  }
0x1ec: {  	v7 =	vbroadcast v1, $0xC;
	v5 =	vbroadcast v1, $0xD  }
0x1ed: {  	v3 =	vbroadcast v1, $0xE;
	v17 =	vbroadcast v1, $0xF  }
0x1ee: {  	v34 =	vbroadcast v0, $0x0;
	v33 =	vbroadcast v0, $0x1  }
0x1ef: {  	v31 =	vbroadcast v0, $0x2;
	v28 =	vbroadcast v0, $0x3  }
0x1f0: {  	p0 =	sne.s32 s21, $0x0;
	v24 =	vbroadcast v0, $0x4;
	v23 =	vbroadcast v0, $0x5  }
.Ltmp9:
0x1f1: {  	v21 =	vbroadcast v0, $0x6;
	v20 =	vbroadcast v0, $0x7;
	(pc) =	sbr.rel @p0 .LBB2_12-.Ltmp9, $4  }
0x1f2: {  	v16 =	vbroadcast v0, $0x8;
	v14 =	vbroadcast v0, $0x9  }
0x1f3: {  	s3 =	simm.s32 $0x0;
	v12 =	vbroadcast v0, $0xA;
	v10 =	vbroadcast v0, $0xB  }
0x1f4: {  	s9 =	sand.u32 $0x70, s3;
	s15 =	sand.u32 $0x1C00, s3;
	v8 =	vbroadcast v0, $0xC;
	v6 =	vbroadcast v0, $0xD  }
0x1f5: {  	s10 =	simm.s32 $0x12300;
	s4 =	simm.s32 $0x12600;
	s9 =	sor.u32 s9, s15;
	v4 =	vbroadcast v0, $0xE;
	v18 =	vbroadcast v0, $0xF  }
0x1f6: {  	v0 =	vld [tilespmem:s9+$0x200]  }
0x1f7: {  	v1 =	vld [tilespmem:s9+$0x280]  }
0x1f8: {  	v2 =	vld [tilespmem:s9+$0x300]  }
0x1f9: {  	v37 =	vld [tilespmem:s9+$0x380]  }
0x1fa: {  	v38 =	vld [tilespmem:s9+$0x400]  }
0x1fb: {  	v39 =	vld [tilespmem:s9+$0x480]  }
0x1fc: {  	v35 =	vld [tilespmem:s10+$0x0]  }
0x1fd: {  	v40 =	vld [tilespmem:s9+$0x500];
	v0 =	vmul.f32 v0, v32  }
0x1fe: {  	v36 =	vld [tilespmem:s4+$0x0];
	v1 =	vmul.f32 v1, v30  }
0x1ff: {  	v2 =	vmul.f32 v2, v29;
	v0 =	vsub.f32 v0, v34  }
0x200: {  	v37 =	vmul.f32 v37, v27;
	v38 =	vmul.f32 v38, v26;
	v1 =	vsub.f32 v1, v33  }
0x201: {  	v39 =	vmul.f32 v39, v25;
	v2 =	vsub.f32 v2, v31;
	v0 =	vmul.f32 v0, v35  }
0x202: {  	v40 =	vmul.f32 v40, v22;
	v37 =	vsub.f32 v37, v28;
	v1 =	vmul.f32 v1, v35  }
0x203: {  	v38 =	vsub.f32 v38, v24;
	v2 =	vmul.f32 v2, v35;
	v0 =	vadd.f32 v0, v36  }
0x204: {  	v39 =	vsub.f32 v39, v23;
	v37 =	vmul.f32 v37, v35;
	v1 =	vadd.f32 v1, v36  }
0x205: {  	v48 =	vsub.f32 v40, v21;
	[tilespmem:s9+$0xC200] =	vst v0;
	v0 =	vadd.f32 v2, v36;
	v2 =	vmul.f32 v38, v35  }
0x206: {  	v49 =	vmul.f32 v39, v35;
	[tilespmem:s9+$0xC280] =	vst v1;
	v1 =	vadd.f32 v37, v36  }
0x207: {  	[tilespmem:s9+$0xC300] =	vst v0;
	v0 =	vadd.f32 v2, v36;
	v2 =	vmul.f32 v48, v35  }
0x208: {  	[tilespmem:s9+$0xC380] =	vst v1;
	v1 =	vadd.f32 v49, v36  }
0x209: {  	[tilespmem:s9+$0xC400] =	vst v0;
	v0 =	vadd.f32 v2, v36  }
0x20a: {  	s4 =	simm.s32 $0x10;
	s10 =	simm.s32 $0x80;
	s3 =	sor.u32 s3, s3;
	[tilespmem:s9+$0xC480] =	vst v1  }
0x20b: {  	s15 =	sand.u32 $0x70, s4;
	s21 =	sand.u32 $0x1C00, s10;
	s3 =	sor.u32 $0x380, s3;
	[tilespmem:s9+$0xC500] =	vst v0  }
0x20c: {  	s21 =	sor.u32 s15, s21;
	v0 =	vld [tilespmem:s3+$0x200]  }
0x20d: {  	v50 =	vld [tilespmem:s21+$0x300]  }
0x20e: {  	v1 =	vld [tilespmem:s21+$0x200]  }
0x20f: {  	v51 =	vld [tilespmem:s21+$0x380]  }
0x210: {  	v41 =	vld [tilespmem:s21+$0x400]  }
0x211: {  	s25 =	simm.s32 $0x12310;
	v2 =	vld [tilespmem:s21+$0x280];
	v0 =	vmul.f32 v0, v19  }
0x212: {  	v37 =	vld [tilespmem:s25+$0x0]  }
0x213: {  	s23 =	simm.s32 $0x12610;
	v43 =	vld [tilespmem:s21+$0x500];
	v1 =	vmul.f32 v1, v32;
	v0 =	vsub.f32 v0, v20  }
0x214: {  	v38 =	vld [tilespmem:s23+$0x0]  }
0x215: {  	v42 =	vld [tilespmem:s21+$0x480];
	v39 =	vmul.f32 v50, v29;
	v1 =	vsub.f32 v1, v34;
	v0 =	vmul.f32 v0, v35  }
0x216: {  	v41 =	vmul.f32 v41, v26;
	v2 =	vmul.f32 v2, v30  }
0x217: {  	v39 =	vsub.f32 v39, v31;
	v1 =	vmul.f32 v1, v37;
	v0 =	vadd.f32 v0, v36  }
0x218: {  	v40 =	vmul.f32 v51, v27;
	v43 =	vmul.f32 v43, v22;
	v2 =	vsub.f32 v2, v33  }
0x219: {  	v41 =	vsub.f32 v41, v24;
	v39 =	vmul.f32 v39, v37;
	v1 =	vadd.f32 v1, v38;
	[tilespmem:s3+$0xC200] =	vst v0  }
0x21a: {  	v42 =	vmul.f32 v42, v25;
	v40 =	vsub.f32 v40, v28;
	v2 =	vmul.f32 v2, v37;
	v53 =	vld [tilespmem:s9+$0x1D80]  }
0x21b: {  	v55 =	vsub.f32 v43, v21;
	v54 =	vmul.f32 v41, v37;
	[tilespmem:s21+$0xC200] =	vst v1;
	v1 =	vadd.f32 v39, v38;
	v56 =	vld [tilespmem:s9+$0x1A00]  }
0x21c: {  	v52 =	vsub.f32 v42, v23;
	v0 =	vadd.f32 v2, v38;
	v2 =	vmul.f32 v40, v37;
	v57 =	vld [tilespmem:s9+$0x1A80]  }
0x21d: {  	v58 =	vmul.f32 v55, v37;
	[tilespmem:s21+$0xC300] =	vst v1;
	v1 =	vadd.f32 v54, v38;
	v59 =	vld [tilespmem:s9+$0x1B00]  }
0x21e: {  	v60 =	vld [tilespmem:s9+$0x1C00];
	[tilespmem:s21+$0xC280] =	vst v0;
	v0 =	vadd.f32 v2, v38;
	v2 =	vmul.f32 v52, v37  }
0x21f: {  	s24 =	simm.s32 $0x20;
	s25 =	simm.s32 $0x100;
	[tilespmem:s21+$0xC400] =	vst v1;
	v1 =	vadd.f32 v58, v38;
	v61 =	vld [tilespmem:s9+$0x1C80]  }
0x220: {  	s16 =	sand.u32 $0x70, s24;
	s22 =	sand.u32 $0x1C00, s25;
	[tilespmem:s21+$0xC380] =	vst v0;
	v0 =	vadd.f32 v2, v38;
	v2 =	vld [tilespmem:s9+$0x1B80]  }
0x221: {  	s22 =	sor.u32 s16, s22;
	s16 =	sor.u32 s10, s4;
	[tilespmem:s21+$0xC500] =	vst v1;
	v42 =	vmul.f32 v53, v17  }
0x222: {  	v45 =	vld [tilespmem:s22+$0x200];
	s15 =	sor.u32 $0x380, s16;
	[tilespmem:s21+$0xC480] =	vst v0;
	v0 =	vmul.f32 v56, v15;
	v1 =	vmul.f32 v57, v13  }
0x223: {  	v41 =	vmul.f32 v59, v11;
	v39 =	vmul.f32 v60, v7;
	v63 =	vld [tilespmem:s15+$0x200];
	v62 =	vsub.f32 v42, v18  }
0x224: {  	v46 =	vld [tilespmem:s22+$0x280];
	v43 =	vmul.f32 v61, v5;
	v0 =	vsub.f32 v0, v16;
	v1 =	vsub.f32 v1, v14  }
0x225: {  	v48 =	vld [tilespmem:s22+$0x300];
	v41 =	vsub.f32 v41, v12;
	v2 =	vmul.f32 v2, v9;
	v40 =	vmul.f32 v62, v35  }
0x226: {  	v49 =	vld [tilespmem:s22+$0x380];
	v54 =	vsub.f32 v39, v8;
	v42 =	vsub.f32 v43, v6;
	v0 =	vmul.f32 v0, v35  }
0x227: {  	v52 =	vld [tilespmem:s22+$0x400];
	v1 =	vmul.f32 v1, v35;
	v2 =	vsub.f32 v2, v10;
	v40 =	vadd.f32 v40, v36  }
0x228: {  	s4 =	simm.s32 $0x12320;
	v53 =	vld [tilespmem:s22+$0x480];
	v44 =	vmul.f32 v41, v35;
	v51 =	vmul.f32 v63, v19;
	v50 =	vadd.f32 v0, v36  }
0x229: {  	s10 =	simm.s32 $0x100;
	s3 =	simm.s32 $0x30;
	v39 =	vld [tilespmem:s4+$0x0];
	v47 =	vadd.f32 v1, v36;
	v41 =	vmul.f32 v2, v35;
	[tilespmem:s9+$0xDD80] =	vst v40;
	v40 =	vmul.f32 v54, v35  }
.LBB2_10:
0x22a: {  	p0 =	seq.s32 s3, $0x2F0;
	v0 =	vmul.f32 v45, v32;
	v1 =	vld [tilespmem:s22+$0x500];
	v2 =	vsub.f32 v51, v20;
	s23 =	sadd.s32 $0x10, s23;
	v42 =	vmul.f32 v42, v35  }
0x22b: {  	v45 =	vmul.f32 v46, v30;
	v46 =	vmul.f32 v48, v29;
	v44 =	vadd.f32 v44, v36;
	v43 =	vld [tilespmem:s23+$0x0];
	[tilespmem:s9+$0xDA00] =	vst v50  }
0x22c: {  	v48 =	vmul.f32 v49, v27;
	v0 =	vsub.f32 v0, v34;
	v2 =	vmul.f32 v2, v37;
	[tilespmem:s9+$0xDA80] =	vst v47;
	v47 =	vld [tilespmem:s9+$0x1D00]  }
0x22d: {  	v45 =	vsub.f32 v45, v33;
	v49 =	vmul.f32 v52, v26;
	v50 =	vmul.f32 v53, v25;
	[tilespmem:s9+$0xDB00] =	vst v44  }
0x22e: {  	v44 =	vsub.f32 v46, v31;
	v0 =	vmul.f32 v0, v39;
	v2 =	vadd.f32 v2, v38  }
0x22f: {  	v46 =	vsub.f32 v48, v28;
	v45 =	vmul.f32 v45, v39;
	v1 =	vmul.f32 v1, v22  }
0x230: {  	v48 =	vsub.f32 v49, v24;
	v44 =	vmul.f32 v44, v39;
	v0 =	vadd.f32 v0, v43;
	[tilespmem:s15+$0xC200] =	vst v2  }
0x231: {  	v2 =	vadd.f32 v45, v43;
	v45 =	vmul.f32 v46, v39;
	v46 =	vsub.f32 v50, v23;
	v49 =	vld [tilespmem:s21+$0x1D80]  }
0x232: {  	v1 =	vsub.f32 v1, v21;
	[tilespmem:s22+$0xC200] =	vst v0;
	v0 =	vadd.f32 v44, v43;
	v44 =	vmul.f32 v48, v39;
	v48 =	vld [tilespmem:s21+$0x1A00]  }
0x233: {  	v47 =	vmul.f32 v47, v3;
	[tilespmem:s22+$0xC280] =	vst v2;
	v2 =	vadd.f32 v45, v43;
	v45 =	vmul.f32 v46, v39;
	v46 =	vld [tilespmem:s21+$0x1A80]  }
0x234: {  	v41 =	vadd.f32 v41, v36;
	v1 =	vmul.f32 v1, v39;
	[tilespmem:s22+$0xC300] =	vst v0;
	v0 =	vadd.f32 v44, v43;
	v44 =	vld [tilespmem:s21+$0x1B00]  }
0x235: {  	s25 =	sadd.s32 $0x80, s25;
	[tilespmem:s22+$0xC380] =	vst v2;
	v2 =	vadd.f32 v45, v43;
	v50 =	vld [tilespmem:s21+$0x1B80];
	v45 =	vsub.f32 v47, v4  }
0x236: {  	s16 =	sand.u32 $0x1C00, s25;
	v40 =	vadd.f32 v40, v36;
	s15 =	sand.u32 $0x70, s3;
	[tilespmem:s22+$0xC400] =	vst v0;
	v0 =	vadd.f32 v1, v43;
	v1 =	vld [tilespmem:s21+$0x1C00];
	v47 =	vmul.f32 v49, v17  }
0x237: {  	v42 =	vadd.f32 v42, v36;
	s16 =	sor.u32 s15, s16;
	s15 =	sor.u32 s10, s24;
	s10 =	smov.u32 s25;
	[tilespmem:s22+$0xC480] =	vst v2;
	v2 =	vmul.f32 v48, v15;
	v51 =	vld [tilespmem:s21+$0x1C80];
	v48 =	vmul.f32 v45, v35  }
0x238: {  	s24 =	smov.u32 s3;
	s15 =	sor.u32 $0x380, s15;
	v35 =	vmovc v37;
	v37 =	vmov v39;
	v45 =	vld [tilespmem:s16+$0x200];
	[tilespmem:s22+$0xC500] =	vst v0;
	v0 =	vmul.f32 v46, v13;
	v47 =	vsub.f32 v47, v18  }
0x239: {  	v39 =	vld [tilespmem:s15+$0x200];
	v2 =	vsub.f32 v2, v16;
	v44 =	vmul.f32 v44, v11;
	[tilespmem:s9+$0xDB80] =	vst v41;
	v36 =	vadd.f32 v48, v36  }
0x23a: {  	v46 =	vld [tilespmem:s16+$0x280];
	v0 =	vsub.f32 v0, v14;
	v41 =	vmul.f32 v50, v9;
	v47 =	vmul.f32 v47, v35;
	[tilespmem:s9+$0xDC00] =	vst v40  }
.Ltmp10:
0x23b: {  	v48 =	vld [tilespmem:s16+$0x300];
	v2 =	vmul.f32 v2, v35;
	v40 =	vsub.f32 v44, v12;
	v1 =	vmul.f32 v1, v7;
	[tilespmem:s9+$0xDC80] =	vst v42;
	(pc) =	sbr.rel @!p0 .LBB2_10-.Ltmp10, $4  }
0x23c: {  	v49 =	vld [tilespmem:s16+$0x380];
	v41 =	vsub.f32 v41, v10;
	v42 =	vmul.f32 v51, v5;
	v47 =	vadd.f32 v47, v38;
	[tilespmem:s9+$0xDD00] =	vst v36;
	s9 =	smov.u32 s21;
	s21 =	smov.u32 s22;
	s22 =	smov.u32 s16  }
0x23d: {  	v0 =	vmul.f32 v0, v35;
	v52 =	vld [tilespmem:s22+$0x400];
	v44 =	vmul.f32 v40, v35;
	v1 =	vsub.f32 v1, v8;
	v36 =	vmovc v38  }
0x23e: {  	s4 =	sadd.s32 $0x10, s4;
	v53 =	vld [tilespmem:s22+$0x480];
	v51 =	vmul.f32 v39, v19;
	v41 =	vmul.f32 v41, v35;
	v42 =	vsub.f32 v42, v6;
	[tilespmem:s9+$0xDD80] =	vst v47  }
0x23f: {  	s3 =	sadd.s32 $0x10, s3;
	v38 =	vmovc v43;
	v50 =	vadd.f32 v2, v36;
	v47 =	vadd.f32 v0, v36;
	v39 =	vld [tilespmem:s4+$0x0];
	v40 =	vmul.f32 v1, v35  }
0x240: {  	v0 =	vmul.f32 v45, v32;
	v1 =	vld [tilespmem:s22+$0x500];
	s3 =	sadd.s32 $0x10, s23  }
0x241: {  	v2 =	vmul.f32 v46, v30;
	v29 =	vmul.f32 v48, v29;
	v32 =	vld [tilespmem:s3+$0x0]  }
0x242: {  	v27 =	vmul.f32 v49, v27;
	v0 =	vsub.f32 v0, v34  }
0x243: {  	v2 =	vsub.f32 v2, v33;
	v26 =	vmul.f32 v52, v26;
	v29 =	vsub.f32 v29, v31  }
0x244: {  	v25 =	vmul.f32 v53, v25;
	v0 =	vmul.f32 v0, v39  }
0x245: {  	v27 =	vsub.f32 v27, v28;
	v2 =	vmul.f32 v2, v39;
	v61 =	vmul.f32 v29, v39  }
0x246: {  	v24 =	vsub.f32 v26, v24;
	v1 =	vmul.f32 v1, v22;
	v0 =	vadd.f32 v0, v32  }
0x247: {  	v62 =	vmul.f32 v27, v39;
	v23 =	vsub.f32 v25, v23;
	v2 =	vadd.f32 v2, v32  }
0x248: {  	v63 =	vadd.f32 v61, v32;
	v25 =	vmul.f32 v24, v39;
	v1 =	vsub.f32 v1, v21;
	[tilespmem:s22+$0xC200] =	vst v0  }
0x249: {  	v27 =	vadd.f32 v62, v32;
	v28 =	vmul.f32 v23, v39;
	[tilespmem:s22+$0xC280] =	vst v2  }
0x24a: {  	[tilespmem:s22+$0xC300] =	vst v63;
	v29 =	vadd.f32 v25, v32;
	v1 =	vmul.f32 v1, v39  }
0x24b: {  	[tilespmem:s22+$0xC380] =	vst v27;
	v30 =	vadd.f32 v28, v32  }
0x24c: {  	[tilespmem:s22+$0xC400] =	vst v29;
	v31 =	vadd.f32 v1, v32  }
0x24d: {  	s25 =	sor.u32 s10, s24;
	[tilespmem:s22+$0xC480] =	vst v30  }
0x24e: {  	s3 =	sor.u32 $0x380, s25;
	v33 =	vsub.f32 v51, v20;
	[tilespmem:s22+$0xC500] =	vst v31  }
0x24f: {  	v0 =	vld [tilespmem:s3+$0x200]  }
0x250: {  	v1 =	vmul.f32 v33, v37;
	_ =	sdelay $0x1  }
0x251: {  	v1 =	vadd.f32 v1, v38  }
0x252: {  	v45 =	vld [tilespmem:s9+$0x1D00]  }
0x253: {  	[tilespmem:s15+$0xC200] =	vst v1;
	v0 =	vmul.f32 v0, v19  }
0x254: {  	v1 =	vld [tilespmem:s21+$0x1D80]  }
0x255: {  	v34 =	vld [tilespmem:s21+$0x1A00];
	v0 =	vsub.f32 v0, v20  }
0x256: {  	v43 =	vld [tilespmem:s21+$0x1A80]  }
0x257: {  	v56 =	vmul.f32 v45, v3;
	v52 =	vld [tilespmem:s21+$0x1C00];
	v0 =	vmul.f32 v0, v39  }
0x258: {  	v46 =	vld [tilespmem:s21+$0x1B00]  }
0x259: {  	[tilespmem:s9+$0xDA80] =	vst v47;
	v60 =	vsub.f32 v56, v4;
	v47 =	vld [tilespmem:s21+$0x1B80];
	v0 =	vadd.f32 v0, v32  }
0x25a: {  	v58 =	vadd.f32 v41, v36;
	v41 =	vmul.f32 v42, v35;
	v53 =	vld [tilespmem:s21+$0x1C80]  }
0x25b: {  	v55 =	vadd.f32 v44, v36;
	v42 =	vmul.f32 v60, v35;
	v62 =	vld [tilespmem:s21+$0x1D00];
	v1 =	vmul.f32 v1, v17;
	[tilespmem:s3+$0xC200] =	vst v0  }
0x25c: {  	v44 =	vadd.f32 v41, v36;
	v19 =	vmul.f32 v43, v13;
	v31 =	vmul.f32 v52, v7;
	v49 =	vld [tilespmem:s22+$0x1D80]  }
0x25d: {  	[tilespmem:s9+$0xDA00] =	vst v50;
	v2 =	vmul.f32 v34, v15;
	v61 =	vmul.f32 v46, v11;
	v1 =	vsub.f32 v1, v18;
	v50 =	vld [tilespmem:s22+$0x1A00]  }
0x25e: {  	v29 =	vmul.f32 v47, v9;
	v19 =	vsub.f32 v19, v14;
	v22 =	vsub.f32 v31, v8;
	v51 =	vld [tilespmem:s22+$0x1A80]  }
0x25f: {  	v34 =	vmul.f32 v53, v5;
	v48 =	vsub.f32 v2, v16;
	v1 =	vmul.f32 v1, v37;
	v28 =	vld [tilespmem:s22+$0x1B00]  }
0x260: {  	v63 =	vadd.f32 v40, v36;
	v19 =	vmul.f32 v19, v37;
	v45 =	vmul.f32 v22, v37;
	v30 =	vld [tilespmem:s22+$0x1B80]  }
0x261: {  	[tilespmem:s9+$0xDB00] =	vst v55;
	v46 =	vadd.f32 v42, v36;
	v0 =	vmul.f32 v48, v37;
	v1 =	vadd.f32 v1, v38;
	v33 =	vld [tilespmem:s22+$0x1C00]  }
0x262: {  	[tilespmem:s9+$0xDB80] =	vst v58;
	v54 =	vadd.f32 v19, v38;
	v48 =	vmul.f32 v62, v3;
	v52 =	vadd.f32 v45, v38  }
0x263: {  	[tilespmem:s9+$0xDC80] =	vst v44;
	v0 =	vadd.f32 v0, v38;
	v2 =	vmul.f32 v49, v17;
	v57 =	vmul.f32 v50, v15  }
0x264: {  	[tilespmem:s9+$0xDC00] =	vst v63;
	v59 =	vmul.f32 v51, v13;
	v17 =	vsub.f32 v34, v6;
	v50 =	vmul.f32 v28, v11  }
0x265: {  	[tilespmem:s9+$0xDD00] =	vst v46;
	v51 =	vsub.f32 v48, v4;
	v53 =	vmul.f32 v30, v9;
	v2 =	vsub.f32 v2, v18  }
0x266: {  	[tilespmem:s21+$0xDA00] =	vst v0;
	v56 =	vmul.f32 v33, v7;
	v0 =	vsub.f32 v57, v16;
	v47 =	vmul.f32 v17, v37  }
0x267: {  	v40 =	vld [tilespmem:s22+$0x1C80];
	[tilespmem:s21+$0xDD80] =	vst v1;
	v1 =	vsub.f32 v59, v14;
	v18 =	vsub.f32 v61, v12;
	v2 =	vmul.f32 v2, v39  }
0x268: {  	[tilespmem:s21+$0xDA80] =	vst v54;
	v49 =	vld [tilespmem:s22+$0x1D00];
	v14 =	vsub.f32 v29, v10;
	v0 =	vmul.f32 v0, v39;
	v54 =	vadd.f32 v47, v38  }
0x269: {  	[tilespmem:s21+$0xDC00] =	vst v52;
	v55 =	vsub.f32 v50, v12;
	v1 =	vmul.f32 v1, v39;
	v2 =	vadd.f32 v2, v32  }
0x26a: {  	v9 =	vsub.f32 v53, v10;
	v43 =	vmul.f32 v18, v37;
	v0 =	vadd.f32 v0, v32;
	[tilespmem:s21+$0xDC80] =	vst v54  }
0x26b: {  	v7 =	vsub.f32 v56, v8;
	v14 =	vmul.f32 v14, v37;
	v1 =	vadd.f32 v1, v32;
	[tilespmem:s22+$0xDD80] =	vst v2  }
0x26c: {  	v57 =	vmul.f32 v40, v5;
	v59 =	vmul.f32 v9, v39;
	v13 =	vadd.f32 v43, v38;
	[tilespmem:s22+$0xDA00] =	vst v0  }
0x26d: {  	v60 =	vmul.f32 v7, v39;
	v58 =	vmul.f32 v49, v3;
	v14 =	vadd.f32 v14, v38;
	[tilespmem:s22+$0xDA80] =	vst v1  }
0x26e: {  	v5 =	vsub.f32 v57, v6;
	v62 =	vadd.f32 v59, v32;
	[tilespmem:s21+$0xDB00] =	vst v13;
	v0 =	vmul.f32 v51, v37  }
0x26f: {  	v3 =	vsub.f32 v58, v4;
	[tilespmem:s21+$0xDB80] =	vst v14;
	v2 =	vmul.f32 v55, v39;
	v1 =	vadd.f32 v60, v32  }
0x270: {  	s3 =	sshll.u32 s20, $0x4;
	v61 =	vmul.f32 v5, v39;
	[tilespmem:s22+$0xDB80] =	vst v62;
	v0 =	vadd.f32 v0, v38  }
0x271: {  	s4 =	sor.u32 s8, s3;
	v63 =	vmul.f32 v3, v39;
	v2 =	vadd.f32 v2, v32;
	[tilespmem:s22+$0xDC00] =	vst v1  }
0x272: {  	s4 =	sshrl.u32 s4, $0x3;
	[tilespmem:s21+$0xDD00] =	vst v0;
	v0 =	vadd.f32 v61, v32  }
0x273: {  	s4 =	smul.u32 $0x300, s4;
	[tilespmem:s22+$0xDB00] =	vst v2;
	v2 =	vadd.f32 v63, v32  }
0x274: {  	[tilespmem:s22+$0xDC80] =	vst v0  }
0x275: {  	p0 =	sgt.u32 s20, $0xD;
	s4 =	sadd.s32 s6, s4;
	[tilespmem:s22+$0xDD00] =	vst v2  }
0x276: {  	[hbm4b:s4+s7] =	stream.linear.scatter [tilespmem:s0], [sflag:$0x5], $0x3000, $0x38;
	[tilespmem:$0x12900] =	vst v63  }
0x277: {  	v0 =	vld @!p0 [tilespmem:s3+$0x20];
	_ =	sdelay $0x4  }
0x278: {  	v1 =	vshrl.u32 @!p0 v0, $0x3  }
0x279: {  	v1 =	vmul.u32 @!p0 $0x30, v1  }
0x27a: {  	v2 =	vlaneseq.u32 @!p0;
	v0 =	vand.u32 @!p0 $0x7, v0  }
0x27b: {  	v3 =	vshrl.u32 @!p0 v2, $0x3;
	v0 =	vor.u32 @!p0 v0, v1;
	v1 =	vand.u32 @!p0 $0x7, v2  }
0x27c: {  	v3 =	vmul.u32 @!p0 $0x8, v3;
	v4 =	vperm.xlane @!p0 v0, v1;
	_ =	sdelay $0x1  }
0x27d: {  	v4 =	vadd.s32 @!p0 v3, v4;
	_ =	sdelay $0x2  }
0x27e: {  	v2 =	vor.u32 @!p0 $0x8, v2  }
0x27f: {  	vm1 =	vmmov @!p0 $0xffff;
	s9 =	simm.s32 @!p0 $0x200;
	s4 =	simm.s32 @!p0 $0x0;
	v0 =	vperm.xlane @!p0 v0, v2  }
0x280: {  	[tilespmem:s9], [sflag:$0x1] =	stream.indirect_vreg.gather @!p0 [hbm4b:s1+s4], $0x80, v4, vm1, $0xb8;
	[tilespmem:$0x12900] =	vst v63  }
0x281: {  	v0 =	vadd.s32 @!p0 v3, v0;
	s9 =	simm.s32 @!p0 $0xA00  }
0x282: {  	[tilespmem:s9], [sflag:$0x1] =	stream.indirect_vreg.gather @!p0 [hbm4b:s11+s4], $0x80, v4, vm1, $0xb8;
	[tilespmem:$0x12900] =	vst v63  }
0x283: {  	s9 =	simm.s32 @!p0 $0x1200  }
0x284: {  	[tilespmem:s9], [sflag:$0x1] =	stream.indirect_vreg.gather @!p0 [hbm4b:s12+s4], $0x80, v4, vm1, $0xb8;
	[tilespmem:$0x12900] =	vst v63  }
0x285: {  	s9 =	simm.s32 @!p0 $0x1A00  }
0x286: {  	[tilespmem:s9], [sflag:$0x1] =	stream.indirect_vreg.gather @!p0 [hbm4b:s1+s4], $0x80, v0, vm1, $0xb8;
	[tilespmem:$0x12900] =	vst v63  }
0x287: {  	s9 =	simm.s32 @!p0 $0x2200  }
0x288: {  	[tilespmem:s9], [sflag:$0x1] =	stream.indirect_vreg.gather @!p0 [hbm4b:s11+s4], $0x80, v0, vm1, $0xb8;
	[tilespmem:$0x12900] =	vst v63  }
0x289: {  	s9 =	simm.s32 @!p0 $0x2A00  }
0x28a: {  	[tilespmem:s9], [sflag:$0x1] =	stream.indirect_vreg.gather @!p0 [hbm4b:s12+s4], $0x80, v0, vm1, $0xb8;
	[tilespmem:$0x12900] =	vst v63  }
0x28b: {  	v0 =	vld @!p0 [tilespmem:s3+$0x120];
	_ =	sdelay $0x4  }
0x28c: {  	v4 =	vshrl.u32 @!p0 v0, $0x3  }
0x28d: {  	v4 =	vmul.u32 @!p0 $0x30, v4  }
0x28e: {  	v0 =	vand.u32 @!p0 $0x7, v0  }
0x28f: {  	v0 =	vor.u32 @!p0 v0, v4  }
0x290: {  	v1 =	vperm.xlane @!p0 v0, v1;
	_ =	sdelay $0x1  }
0x291: {  	v1 =	vadd.s32 @!p0 v3, v1;
	_ =	sdelay $0x3  }
0x292: {  	s3 =	simm.s32 @!p0 $0x6200;
	v0 =	vperm.xlane @!p0 v0, v2  }
0x293: {  	[tilespmem:s3], [sflag:$0x3] =	stream.indirect_vreg.gather @!p0 [hbm4b:s2+s4], $0x80, v1, vm1, $0xb8;
	[tilespmem:$0x12900] =	vst v63  }
0x294: {  	v0 =	vadd.s32 @!p0 v3, v0;
	s3 =	simm.s32 @!p0 $0x6A00  }
0x295: {  	[tilespmem:s3], [sflag:$0x3] =	stream.indirect_vreg.gather @!p0 [hbm4b:s13+s4], $0x80, v1, vm1, $0xb8;
	[tilespmem:$0x12900] =	vst v63  }
0x296: {  	s3 =	simm.s32 @!p0 $0x7200  }
0x297: {  	[tilespmem:s3], [sflag:$0x3] =	stream.indirect_vreg.gather @!p0 [hbm4b:s14+s4], $0x80, v1, vm1, $0xb8;
	[tilespmem:$0x12900] =	vst v63  }
0x298: {  	s3 =	simm.s32 @!p0 $0x7A00  }
0x299: {  	[tilespmem:s3], [sflag:$0x3] =	stream.indirect_vreg.gather @!p0 [hbm4b:s2+s4], $0x80, v0, vm1, $0xb8;
	[tilespmem:$0x12900] =	vst v63  }
.Ltmp11:
0x29a: {  	_ = 	snop;
	(pc) =	sbr.rel .LBB2_15-.Ltmp11, $4  }
0x29b: {  	s3 =	simm.s32 @!p0 $0x8200  }
0x29c: {  	[tilespmem:s3], [sflag:$0x3] =	stream.indirect_vreg.gather @!p0 [hbm4b:s13+s4], $0x80, v0, vm1, $0xb8;
	[tilespmem:$0x12900] =	vst v63  }
0x29d: {  	s3 =	simm.s32 @!p0 $0x8A00  }
0x29e: {  	[tilespmem:s3], [sflag:$0x3] =	stream.indirect_vreg.gather @!p0 [hbm4b:s14+s4], $0x80, v0, vm1, $0xb8;
	[tilespmem:$0x12900] =	vst v63  }
.LBB2_12:
0x29f: {  	v0 =	vld [tilespmem:s9+$0x3200]  }
0x2a0: {  	v1 =	vld [tilespmem:s9+$0x3280]  }
0x2a1: {  	v2 =	vld [tilespmem:s9+$0x3300]  }
0x2a2: {  	v37 =	vld [tilespmem:s9+$0x3380]  }
0x2a3: {  	v38 =	vld [tilespmem:s9+$0x3400]  }
0x2a4: {  	v39 =	vld [tilespmem:s9+$0x3480]  }
0x2a5: {  	v35 =	vld [tilespmem:s10+$0x0]  }
0x2a6: {  	v40 =	vld [tilespmem:s9+$0x3500];
	v0 =	vmul.f32 v0, v32  }
0x2a7: {  	v36 =	vld [tilespmem:s4+$0x0];
	v1 =	vmul.f32 v1, v30  }
0x2a8: {  	v2 =	vmul.f32 v2, v29;
	v0 =	vsub.f32 v0, v34  }
0x2a9: {  	v37 =	vmul.f32 v37, v27;
	v38 =	vmul.f32 v38, v26;
	v1 =	vsub.f32 v1, v33  }
0x2aa: {  	v39 =	vmul.f32 v39, v25;
	v2 =	vsub.f32 v2, v31;
	v0 =	vmul.f32 v0, v35  }
0x2ab: {  	v40 =	vmul.f32 v40, v22;
	v37 =	vsub.f32 v37, v28;
	v1 =	vmul.f32 v1, v35  }
0x2ac: {  	v38 =	vsub.f32 v38, v24;
	v2 =	vmul.f32 v2, v35;
	v0 =	vadd.f32 v0, v36  }
0x2ad: {  	v39 =	vsub.f32 v39, v23;
	v37 =	vmul.f32 v37, v35;
	v1 =	vadd.f32 v1, v36  }
0x2ae: {  	v48 =	vsub.f32 v40, v21;
	[tilespmem:s9+$0xF200] =	vst v0;
	v0 =	vadd.f32 v2, v36;
	v2 =	vmul.f32 v38, v35  }
0x2af: {  	v49 =	vmul.f32 v39, v35;
	[tilespmem:s9+$0xF280] =	vst v1;
	v1 =	vadd.f32 v37, v36  }
0x2b0: {  	[tilespmem:s9+$0xF300] =	vst v0;
	v0 =	vadd.f32 v2, v36;
	v2 =	vmul.f32 v48, v35  }
0x2b1: {  	[tilespmem:s9+$0xF380] =	vst v1;
	v1 =	vadd.f32 v49, v36  }
0x2b2: {  	[tilespmem:s9+$0xF400] =	vst v0;
	v0 =	vadd.f32 v2, v36  }
0x2b3: {  	s4 =	simm.s32 $0x10;
	s10 =	simm.s32 $0x80;
	s3 =	sor.u32 s3, s3;
	[tilespmem:s9+$0xF480] =	vst v1  }
0x2b4: {  	s15 =	sand.u32 $0x70, s4;
	s16 =	sand.u32 $0x1C00, s10;
	s3 =	sor.u32 $0x380, s3;
	[tilespmem:s9+$0xF500] =	vst v0  }
0x2b5: {  	s21 =	sor.u32 s15, s16;
	v0 =	vld [tilespmem:s3+$0x3200]  }
0x2b6: {  	v50 =	vld [tilespmem:s21+$0x3300]  }
0x2b7: {  	v1 =	vld [tilespmem:s21+$0x3200]  }
0x2b8: {  	v51 =	vld [tilespmem:s21+$0x3380]  }
0x2b9: {  	v41 =	vld [tilespmem:s21+$0x3400]  }
0x2ba: {  	s25 =	simm.s32 $0x12310;
	v2 =	vld [tilespmem:s21+$0x3280];
	v0 =	vmul.f32 v0, v19  }
0x2bb: {  	v37 =	vld [tilespmem:s25+$0x0]  }
0x2bc: {  	s23 =	simm.s32 $0x12610;
	v43 =	vld [tilespmem:s21+$0x3500];
	v1 =	vmul.f32 v1, v32;
	v0 =	vsub.f32 v0, v20  }
0x2bd: {  	v38 =	vld [tilespmem:s23+$0x0]  }
0x2be: {  	v42 =	vld [tilespmem:s21+$0x3480];
	v39 =	vmul.f32 v50, v29;
	v1 =	vsub.f32 v1, v34;
	v0 =	vmul.f32 v0, v35  }
0x2bf: {  	v41 =	vmul.f32 v41, v26;
	v2 =	vmul.f32 v2, v30  }
0x2c0: {  	v39 =	vsub.f32 v39, v31;
	v1 =	vmul.f32 v1, v37;
	v0 =	vadd.f32 v0, v36  }
0x2c1: {  	v40 =	vmul.f32 v51, v27;
	v43 =	vmul.f32 v43, v22;
	v2 =	vsub.f32 v2, v33  }
0x2c2: {  	v41 =	vsub.f32 v41, v24;
	v39 =	vmul.f32 v39, v37;
	v1 =	vadd.f32 v1, v38;
	[tilespmem:s3+$0xF200] =	vst v0  }
0x2c3: {  	v42 =	vmul.f32 v42, v25;
	v40 =	vsub.f32 v40, v28;
	v2 =	vmul.f32 v2, v37;
	v53 =	vld [tilespmem:s9+$0x4D80]  }
0x2c4: {  	v55 =	vsub.f32 v43, v21;
	v54 =	vmul.f32 v41, v37;
	[tilespmem:s21+$0xF200] =	vst v1;
	v1 =	vadd.f32 v39, v38;
	v56 =	vld [tilespmem:s9+$0x4A00]  }
0x2c5: {  	v52 =	vsub.f32 v42, v23;
	v0 =	vadd.f32 v2, v38;
	v2 =	vmul.f32 v40, v37;
	v57 =	vld [tilespmem:s9+$0x4A80]  }
0x2c6: {  	v58 =	vmul.f32 v55, v37;
	[tilespmem:s21+$0xF300] =	vst v1;
	v1 =	vadd.f32 v54, v38;
	v59 =	vld [tilespmem:s9+$0x4B00]  }
0x2c7: {  	v60 =	vld [tilespmem:s9+$0x4C00];
	[tilespmem:s21+$0xF280] =	vst v0;
	v0 =	vadd.f32 v2, v38;
	v2 =	vmul.f32 v52, v37  }
0x2c8: {  	s24 =	simm.s32 $0x20;
	s25 =	simm.s32 $0x100;
	[tilespmem:s21+$0xF400] =	vst v1;
	v1 =	vadd.f32 v58, v38;
	v61 =	vld [tilespmem:s9+$0x4C80]  }
0x2c9: {  	s16 =	sand.u32 $0x70, s24;
	s22 =	sand.u32 $0x1C00, s25;
	[tilespmem:s21+$0xF380] =	vst v0;
	v0 =	vadd.f32 v2, v38;
	v2 =	vld [tilespmem:s9+$0x4B80]  }
0x2ca: {  	s22 =	sor.u32 s16, s22;
	s16 =	sor.u32 s10, s4;
	[tilespmem:s21+$0xF500] =	vst v1;
	v42 =	vmul.f32 v53, v17  }
0x2cb: {  	v45 =	vld [tilespmem:s22+$0x3200];
	s15 =	sor.u32 $0x380, s16;
	[tilespmem:s21+$0xF480] =	vst v0;
	v0 =	vmul.f32 v56, v15;
	v1 =	vmul.f32 v57, v13  }
0x2cc: {  	v41 =	vmul.f32 v59, v11;
	v39 =	vmul.f32 v60, v7;
	v63 =	vld [tilespmem:s15+$0x3200];
	v62 =	vsub.f32 v42, v18  }
0x2cd: {  	v46 =	vld [tilespmem:s22+$0x3280];
	v43 =	vmul.f32 v61, v5;
	v0 =	vsub.f32 v0, v16;
	v1 =	vsub.f32 v1, v14  }
0x2ce: {  	v48 =	vld [tilespmem:s22+$0x3300];
	v41 =	vsub.f32 v41, v12;
	v2 =	vmul.f32 v2, v9;
	v40 =	vmul.f32 v62, v35  }
0x2cf: {  	v49 =	vld [tilespmem:s22+$0x3380];
	v54 =	vsub.f32 v39, v8;
	v42 =	vsub.f32 v43, v6;
	v0 =	vmul.f32 v0, v35  }
0x2d0: {  	v52 =	vld [tilespmem:s22+$0x3400];
	v1 =	vmul.f32 v1, v35;
	v2 =	vsub.f32 v2, v10;
	v40 =	vadd.f32 v40, v36  }
0x2d1: {  	s4 =	simm.s32 $0x12320;
	v53 =	vld [tilespmem:s22+$0x3480];
	v44 =	vmul.f32 v41, v35;
	v51 =	vmul.f32 v63, v19;
	v50 =	vadd.f32 v0, v36  }
0x2d2: {  	s10 =	simm.s32 $0x100;
	s3 =	simm.s32 $0x30;
	v39 =	vld [tilespmem:s4+$0x0];
	v47 =	vadd.f32 v1, v36;
	v41 =	vmul.f32 v2, v35;
	[tilespmem:s9+$0x10D80] =	vst v40;
	v40 =	vmul.f32 v54, v35  }
.LBB2_13:
0x2d3: {  	p0 =	sne.s32 s3, $0x2F0;
	v0 =	vmul.f32 v45, v32;
	v1 =	vld [tilespmem:s22+$0x3500];
	v2 =	vsub.f32 v51, v20;
	s23 =	sadd.s32 $0x10, s23;
	v42 =	vmul.f32 v42, v35  }
0x2d4: {  	v45 =	vmul.f32 v46, v30;
	v46 =	vmul.f32 v48, v29;
	v44 =	vadd.f32 v44, v36;
	v43 =	vld [tilespmem:s23+$0x0];
	[tilespmem:s9+$0x10A00] =	vst v50  }
0x2d5: {  	v48 =	vmul.f32 v49, v27;
	v0 =	vsub.f32 v0, v34;
	v2 =	vmul.f32 v2, v37;
	[tilespmem:s9+$0x10A80] =	vst v47;
	v47 =	vld [tilespmem:s9+$0x4D00]  }
0x2d6: {  	v45 =	vsub.f32 v45, v33;
	v49 =	vmul.f32 v52, v26;
	v50 =	vmul.f32 v53, v25;
	[tilespmem:s9+$0x10B00] =	vst v44  }
0x2d7: {  	v44 =	vsub.f32 v46, v31;
	v0 =	vmul.f32 v0, v39;
	v2 =	vadd.f32 v2, v38  }
0x2d8: {  	v46 =	vsub.f32 v48, v28;
	v45 =	vmul.f32 v45, v39;
	v1 =	vmul.f32 v1, v22  }
0x2d9: {  	v48 =	vsub.f32 v49, v24;
	v44 =	vmul.f32 v44, v39;
	v0 =	vadd.f32 v0, v43;
	[tilespmem:s15+$0xF200] =	vst v2  }
0x2da: {  	v2 =	vadd.f32 v45, v43;
	v45 =	vmul.f32 v46, v39;
	v46 =	vsub.f32 v50, v23;
	v49 =	vld [tilespmem:s21+$0x4D80]  }
0x2db: {  	v1 =	vsub.f32 v1, v21;
	[tilespmem:s22+$0xF200] =	vst v0;
	v0 =	vadd.f32 v44, v43;
	v44 =	vmul.f32 v48, v39;
	v48 =	vld [tilespmem:s21+$0x4A00]  }
0x2dc: {  	v47 =	vmul.f32 v47, v3;
	[tilespmem:s22+$0xF280] =	vst v2;
	v2 =	vadd.f32 v45, v43;
	v45 =	vmul.f32 v46, v39;
	v46 =	vld [tilespmem:s21+$0x4A80]  }
0x2dd: {  	v41 =	vadd.f32 v41, v36;
	v1 =	vmul.f32 v1, v39;
	[tilespmem:s22+$0xF300] =	vst v0;
	v0 =	vadd.f32 v44, v43;
	v44 =	vld [tilespmem:s21+$0x4B00]  }
0x2de: {  	s25 =	sadd.s32 $0x80, s25;
	[tilespmem:s22+$0xF380] =	vst v2;
	v2 =	vadd.f32 v45, v43;
	v50 =	vld [tilespmem:s21+$0x4B80];
	v45 =	vsub.f32 v47, v4  }
0x2df: {  	s16 =	sand.u32 $0x1C00, s25;
	v40 =	vadd.f32 v40, v36;
	s15 =	sand.u32 $0x70, s3;
	[tilespmem:s22+$0xF400] =	vst v0;
	v0 =	vadd.f32 v1, v43;
	v1 =	vld [tilespmem:s21+$0x4C00];
	v47 =	vmul.f32 v49, v17  }
0x2e0: {  	v42 =	vadd.f32 v42, v36;
	s16 =	sor.u32 s15, s16;
	s15 =	sor.u32 s10, s24;
	s10 =	smov.u32 s25;
	[tilespmem:s22+$0xF480] =	vst v2;
	v2 =	vmul.f32 v48, v15;
	v51 =	vld [tilespmem:s21+$0x4C80];
	v48 =	vmul.f32 v45, v35  }
0x2e1: {  	s24 =	smov.u32 s3;
	s15 =	sor.u32 $0x380, s15;
	v35 =	vmovc v37;
	v37 =	vmov v39;
	v45 =	vld [tilespmem:s16+$0x3200];
	[tilespmem:s22+$0xF500] =	vst v0;
	v0 =	vmul.f32 v46, v13;
	v47 =	vsub.f32 v47, v18  }
0x2e2: {  	v39 =	vld [tilespmem:s15+$0x3200];
	v2 =	vsub.f32 v2, v16;
	v44 =	vmul.f32 v44, v11;
	[tilespmem:s9+$0x10B80] =	vst v41;
	v36 =	vadd.f32 v48, v36  }
0x2e3: {  	v46 =	vld [tilespmem:s16+$0x3280];
	v0 =	vsub.f32 v0, v14;
	v41 =	vmul.f32 v50, v9;
	v47 =	vmul.f32 v47, v35;
	[tilespmem:s9+$0x10C00] =	vst v40  }
.Ltmp12:
0x2e4: {  	v48 =	vld [tilespmem:s16+$0x3300];
	v2 =	vmul.f32 v2, v35;
	v40 =	vsub.f32 v44, v12;
	v1 =	vmul.f32 v1, v7;
	[tilespmem:s9+$0x10C80] =	vst v42;
	(pc) =	sbr.rel @p0 .LBB2_13-.Ltmp12, $4  }
0x2e5: {  	v49 =	vld [tilespmem:s16+$0x3380];
	v41 =	vsub.f32 v41, v10;
	v42 =	vmul.f32 v51, v5;
	v47 =	vadd.f32 v47, v38;
	[tilespmem:s9+$0x10D00] =	vst v36;
	s9 =	smov.u32 s21;
	s21 =	smov.u32 s22;
	s22 =	smov.u32 s16  }
0x2e6: {  	v0 =	vmul.f32 v0, v35;
	v52 =	vld [tilespmem:s22+$0x3400];
	v44 =	vmul.f32 v40, v35;
	v1 =	vsub.f32 v1, v8;
	v36 =	vmovc v38  }
0x2e7: {  	s4 =	sadd.s32 $0x10, s4;
	v53 =	vld [tilespmem:s22+$0x3480];
	v51 =	vmul.f32 v39, v19;
	v41 =	vmul.f32 v41, v35;
	v42 =	vsub.f32 v42, v6;
	[tilespmem:s9+$0x10D80] =	vst v47  }
0x2e8: {  	s3 =	sadd.s32 $0x10, s3;
	v38 =	vmovc v43;
	v50 =	vadd.f32 v2, v36;
	v47 =	vadd.f32 v0, v36;
	v39 =	vld [tilespmem:s4+$0x0];
	v40 =	vmul.f32 v1, v35  }
0x2e9: {  	v0 =	vmul.f32 v45, v32;
	v1 =	vld [tilespmem:s22+$0x3500];
	s3 =	sadd.s32 $0x10, s23  }
0x2ea: {  	v2 =	vmul.f32 v46, v30;
	v29 =	vmul.f32 v48, v29;
	v32 =	vld [tilespmem:s3+$0x0]  }
0x2eb: {  	v27 =	vmul.f32 v49, v27;
	v0 =	vsub.f32 v0, v34  }
0x2ec: {  	v2 =	vsub.f32 v2, v33;
	v26 =	vmul.f32 v52, v26;
	v29 =	vsub.f32 v29, v31  }
0x2ed: {  	v25 =	vmul.f32 v53, v25;
	v0 =	vmul.f32 v0, v39  }
0x2ee: {  	v27 =	vsub.f32 v27, v28;
	v2 =	vmul.f32 v2, v39;
	v61 =	vmul.f32 v29, v39  }
0x2ef: {  	v24 =	vsub.f32 v26, v24;
	v1 =	vmul.f32 v1, v22;
	v0 =	vadd.f32 v0, v32  }
0x2f0: {  	v62 =	vmul.f32 v27, v39;
	v23 =	vsub.f32 v25, v23;
	v2 =	vadd.f32 v2, v32  }
0x2f1: {  	v63 =	vadd.f32 v61, v32;
	v25 =	vmul.f32 v24, v39;
	v1 =	vsub.f32 v1, v21;
	[tilespmem:s22+$0xF200] =	vst v0  }
0x2f2: {  	v27 =	vadd.f32 v62, v32;
	v28 =	vmul.f32 v23, v39;
	[tilespmem:s22+$0xF280] =	vst v2  }
0x2f3: {  	[tilespmem:s22+$0xF300] =	vst v63;
	v29 =	vadd.f32 v25, v32;
	v1 =	vmul.f32 v1, v39  }
0x2f4: {  	[tilespmem:s22+$0xF380] =	vst v27;
	v30 =	vadd.f32 v28, v32  }
0x2f5: {  	[tilespmem:s22+$0xF400] =	vst v29;
	v31 =	vadd.f32 v1, v32  }
0x2f6: {  	s25 =	sor.u32 s10, s24;
	[tilespmem:s22+$0xF480] =	vst v30  }
0x2f7: {  	s3 =	sor.u32 $0x380, s25;
	v33 =	vsub.f32 v51, v20;
	[tilespmem:s22+$0xF500] =	vst v31  }
0x2f8: {  	v0 =	vld [tilespmem:s3+$0x3200]  }
0x2f9: {  	v1 =	vmul.f32 v33, v37;
	_ =	sdelay $0x1  }
0x2fa: {  	v1 =	vadd.f32 v1, v38  }
0x2fb: {  	v45 =	vld [tilespmem:s9+$0x4D00]  }
0x2fc: {  	[tilespmem:s15+$0xF200] =	vst v1;
	v0 =	vmul.f32 v0, v19  }
0x2fd: {  	v1 =	vld [tilespmem:s21+$0x4D80]  }
0x2fe: {  	v34 =	vld [tilespmem:s21+$0x4A00];
	v0 =	vsub.f32 v0, v20  }
0x2ff: {  	v43 =	vld [tilespmem:s21+$0x4A80]  }
0x300: {  	v56 =	vmul.f32 v45, v3;
	v52 =	vld [tilespmem:s21+$0x4C00];
	v0 =	vmul.f32 v0, v39  }
0x301: {  	v46 =	vld [tilespmem:s21+$0x4B00]  }
0x302: {  	[tilespmem:s9+$0x10A80] =	vst v47;
	v60 =	vsub.f32 v56, v4;
	v47 =	vld [tilespmem:s21+$0x4B80];
	v0 =	vadd.f32 v0, v32  }
0x303: {  	v58 =	vadd.f32 v41, v36;
	v41 =	vmul.f32 v42, v35;
	v53 =	vld [tilespmem:s21+$0x4C80]  }
0x304: {  	v55 =	vadd.f32 v44, v36;
	v42 =	vmul.f32 v60, v35;
	v62 =	vld [tilespmem:s21+$0x4D00];
	v1 =	vmul.f32 v1, v17;
	[tilespmem:s3+$0xF200] =	vst v0  }
0x305: {  	v44 =	vadd.f32 v41, v36;
	v19 =	vmul.f32 v43, v13;
	v31 =	vmul.f32 v52, v7;
	v49 =	vld [tilespmem:s22+$0x4D80]  }
0x306: {  	[tilespmem:s9+$0x10A00] =	vst v50;
	v2 =	vmul.f32 v34, v15;
	v61 =	vmul.f32 v46, v11;
	v1 =	vsub.f32 v1, v18;
	v50 =	vld [tilespmem:s22+$0x4A00]  }
0x307: {  	v29 =	vmul.f32 v47, v9;
	v19 =	vsub.f32 v19, v14;
	v22 =	vsub.f32 v31, v8;
	v51 =	vld [tilespmem:s22+$0x4A80]  }
0x308: {  	v34 =	vmul.f32 v53, v5;
	v48 =	vsub.f32 v2, v16;
	v1 =	vmul.f32 v1, v37;
	v28 =	vld [tilespmem:s22+$0x4B00]  }
0x309: {  	v63 =	vadd.f32 v40, v36;
	v19 =	vmul.f32 v19, v37;
	v45 =	vmul.f32 v22, v37;
	v30 =	vld [tilespmem:s22+$0x4B80]  }
0x30a: {  	[tilespmem:s9+$0x10B00] =	vst v55;
	v46 =	vadd.f32 v42, v36;
	v0 =	vmul.f32 v48, v37;
	v1 =	vadd.f32 v1, v38;
	v33 =	vld [tilespmem:s22+$0x4C00]  }
0x30b: {  	[tilespmem:s9+$0x10B80] =	vst v58;
	v54 =	vadd.f32 v19, v38;
	v48 =	vmul.f32 v62, v3;
	v52 =	vadd.f32 v45, v38  }
0x30c: {  	[tilespmem:s9+$0x10C80] =	vst v44;
	v0 =	vadd.f32 v0, v38;
	v2 =	vmul.f32 v49, v17;
	v57 =	vmul.f32 v50, v15  }
0x30d: {  	[tilespmem:s9+$0x10C00] =	vst v63;
	v59 =	vmul.f32 v51, v13;
	v17 =	vsub.f32 v34, v6;
	v50 =	vmul.f32 v28, v11  }
0x30e: {  	[tilespmem:s9+$0x10D00] =	vst v46;
	v51 =	vsub.f32 v48, v4;
	v53 =	vmul.f32 v30, v9;
	v2 =	vsub.f32 v2, v18  }
0x30f: {  	[tilespmem:s21+$0x10A00] =	vst v0;
	v56 =	vmul.f32 v33, v7;
	v0 =	vsub.f32 v57, v16;
	v47 =	vmul.f32 v17, v37  }
0x310: {  	v40 =	vld [tilespmem:s22+$0x4C80];
	[tilespmem:s21+$0x10D80] =	vst v1;
	v1 =	vsub.f32 v59, v14;
	v18 =	vsub.f32 v61, v12;
	v2 =	vmul.f32 v2, v39  }
0x311: {  	[tilespmem:s21+$0x10A80] =	vst v54;
	v49 =	vld [tilespmem:s22+$0x4D00];
	v14 =	vsub.f32 v29, v10;
	v0 =	vmul.f32 v0, v39;
	v54 =	vadd.f32 v47, v38  }
0x312: {  	[tilespmem:s21+$0x10C00] =	vst v52;
	v55 =	vsub.f32 v50, v12;
	v1 =	vmul.f32 v1, v39;
	v2 =	vadd.f32 v2, v32  }
0x313: {  	v9 =	vsub.f32 v53, v10;
	v43 =	vmul.f32 v18, v37;
	v0 =	vadd.f32 v0, v32;
	[tilespmem:s21+$0x10C80] =	vst v54  }
0x314: {  	v7 =	vsub.f32 v56, v8;
	v14 =	vmul.f32 v14, v37;
	v1 =	vadd.f32 v1, v32;
	[tilespmem:s22+$0x10D80] =	vst v2  }
0x315: {  	v57 =	vmul.f32 v40, v5;
	v59 =	vmul.f32 v9, v39;
	v13 =	vadd.f32 v43, v38;
	[tilespmem:s22+$0x10A00] =	vst v0  }
0x316: {  	v60 =	vmul.f32 v7, v39;
	v58 =	vmul.f32 v49, v3;
	v14 =	vadd.f32 v14, v38;
	[tilespmem:s22+$0x10A80] =	vst v1  }
0x317: {  	v5 =	vsub.f32 v57, v6;
	v62 =	vadd.f32 v59, v32;
	[tilespmem:s21+$0x10B00] =	vst v13;
	v0 =	vmul.f32 v51, v37  }
0x318: {  	v3 =	vsub.f32 v58, v4;
	[tilespmem:s21+$0x10B80] =	vst v14;
	v2 =	vmul.f32 v55, v39;
	v1 =	vadd.f32 v60, v32  }
0x319: {  	s3 =	sshll.u32 s20, $0x4;
	v61 =	vmul.f32 v5, v39;
	[tilespmem:s22+$0x10B80] =	vst v62;
	v0 =	vadd.f32 v0, v38  }
0x31a: {  	s4 =	sor.u32 s8, s3;
	v63 =	vmul.f32 v3, v39;
	v2 =	vadd.f32 v2, v32;
	[tilespmem:s22+$0x10C00] =	vst v1  }
0x31b: {  	s4 =	sshrl.u32 s4, $0x3;
	[tilespmem:s21+$0x10D00] =	vst v0;
	v0 =	vadd.f32 v61, v32  }
0x31c: {  	s4 =	smul.u32 $0x300, s4;
	[tilespmem:s22+$0x10B00] =	vst v2;
	v2 =	vadd.f32 v63, v32  }
0x31d: {  	[tilespmem:s22+$0x10C80] =	vst v0  }
0x31e: {  	p0 =	slt.u32 s20, $0xE;
	s4 =	sadd.s32 s6, s4;
	[tilespmem:s22+$0x10D00] =	vst v2  }
0x31f: {  	[hbm4b:s4+s7] =	stream.linear.scatter [tilespmem:s5], [sflag:$0x6], $0x3000, $0x38;
	[tilespmem:$0x12900] =	vst v63  }
0x320: {  	v0 =	vld @p0 [tilespmem:s3+$0x20];
	_ =	sdelay $0x4  }
0x321: {  	v1 =	vshrl.u32 @p0 v0, $0x3  }
0x322: {  	v1 =	vmul.u32 @p0 $0x30, v1  }
0x323: {  	v2 =	vlaneseq.u32 @p0;
	v0 =	vand.u32 @p0 $0x7, v0  }
0x324: {  	v3 =	vshrl.u32 @p0 v2, $0x3;
	v0 =	vor.u32 @p0 v0, v1;
	v1 =	vand.u32 @p0 $0x7, v2  }
0x325: {  	v3 =	vmul.u32 @p0 $0x8, v3;
	v4 =	vperm.xlane @p0 v0, v1;
	_ =	sdelay $0x1  }
0x326: {  	v4 =	vadd.s32 @p0 v3, v4;
	_ =	sdelay $0x2  }
0x327: {  	v2 =	vor.u32 @p0 $0x8, v2  }
0x328: {  	vm1 =	vmmov @p0 $0xffff;
	s9 =	simm.s32 @p0 $0x3200;
	s4 =	simm.s32 @p0 $0x0;
	v0 =	vperm.xlane @p0 v0, v2  }
0x329: {  	[tilespmem:s9], [sflag:$0x2] =	stream.indirect_vreg.gather @p0 [hbm4b:s1+s4], $0x80, v4, vm1, $0xb8;
	[tilespmem:$0x12900] =	vst v63  }
0x32a: {  	v0 =	vadd.s32 @p0 v3, v0;
	s9 =	simm.s32 @p0 $0x3A00  }
0x32b: {  	[tilespmem:s9], [sflag:$0x2] =	stream.indirect_vreg.gather @p0 [hbm4b:s11+s4], $0x80, v4, vm1, $0xb8;
	[tilespmem:$0x12900] =	vst v63  }
0x32c: {  	s9 =	simm.s32 @p0 $0x4200  }
0x32d: {  	[tilespmem:s9], [sflag:$0x2] =	stream.indirect_vreg.gather @p0 [hbm4b:s12+s4], $0x80, v4, vm1, $0xb8;
	[tilespmem:$0x12900] =	vst v63  }
0x32e: {  	s9 =	simm.s32 @p0 $0x4A00  }
0x32f: {  	[tilespmem:s9], [sflag:$0x2] =	stream.indirect_vreg.gather @p0 [hbm4b:s1+s4], $0x80, v0, vm1, $0xb8;
	[tilespmem:$0x12900] =	vst v63  }
0x330: {  	s9 =	simm.s32 @p0 $0x5200  }
0x331: {  	[tilespmem:s9], [sflag:$0x2] =	stream.indirect_vreg.gather @p0 [hbm4b:s11+s4], $0x80, v0, vm1, $0xb8;
	[tilespmem:$0x12900] =	vst v63  }
0x332: {  	s9 =	simm.s32 @p0 $0x5A00  }
0x333: {  	[tilespmem:s9], [sflag:$0x2] =	stream.indirect_vreg.gather @p0 [hbm4b:s12+s4], $0x80, v0, vm1, $0xb8;
	[tilespmem:$0x12900] =	vst v63  }
0x334: {  	v0 =	vld @p0 [tilespmem:s3+$0x120];
	_ =	sdelay $0x4  }
0x335: {  	v4 =	vshrl.u32 @p0 v0, $0x3  }
0x336: {  	v4 =	vmul.u32 @p0 $0x30, v4  }
0x337: {  	v0 =	vand.u32 @p0 $0x7, v0  }
0x338: {  	v0 =	vor.u32 @p0 v0, v4  }
0x339: {  	v1 =	vperm.xlane @p0 v0, v1;
	_ =	sdelay $0x1  }
0x33a: {  	v1 =	vadd.s32 @p0 v3, v1;
	_ =	sdelay $0x3  }
0x33b: {  	s3 =	simm.s32 @p0 $0x9200;
	v0 =	vperm.xlane @p0 v0, v2  }
0x33c: {  	[tilespmem:s3], [sflag:$0x4] =	stream.indirect_vreg.gather @p0 [hbm4b:s2+s4], $0x80, v1, vm1, $0xb8;
	[tilespmem:$0x12900] =	vst v63  }
0x33d: {  	v0 =	vadd.s32 @p0 v3, v0;
	s3 =	simm.s32 @p0 $0x9A00  }
0x33e: {  	[tilespmem:s3], [sflag:$0x4] =	stream.indirect_vreg.gather @p0 [hbm4b:s13+s4], $0x80, v1, vm1, $0xb8;
	[tilespmem:$0x12900] =	vst v63  }
0x33f: {  	s3 =	simm.s32 @p0 $0xA200  }
0x340: {  	[tilespmem:s3], [sflag:$0x4] =	stream.indirect_vreg.gather @p0 [hbm4b:s14+s4], $0x80, v1, vm1, $0xb8;
	[tilespmem:$0x12900] =	vst v63  }
0x341: {  	s3 =	simm.s32 @p0 $0xAA00  }
0x342: {  	[tilespmem:s3], [sflag:$0x4] =	stream.indirect_vreg.gather @p0 [hbm4b:s2+s4], $0x80, v0, vm1, $0xb8;
	[tilespmem:$0x12900] =	vst v63  }
.Ltmp13:
0x343: {  	_ = 	snop;
	(pc) =	sbr.rel .LBB2_15-.Ltmp13, $4  }
0x344: {  	s3 =	simm.s32 @p0 $0xB200  }
0x345: {  	[tilespmem:s3], [sflag:$0x4] =	stream.indirect_vreg.gather @p0 [hbm4b:s13+s4], $0x80, v0, vm1, $0xb8;
	[tilespmem:$0x12900] =	vst v63  }
0x346: {  	s3 =	simm.s32 @p0 $0xBA00  }
0x347: {  	[tilespmem:s3], [sflag:$0x4] =	stream.indirect_vreg.gather @p0 [hbm4b:s14+s4], $0x80, v0, vm1, $0xb8;
	[tilespmem:$0x12900] =	vst v63  }
.LBB2_17:
0x348: {  	_ =	sfence.sel $0x180000  }
0x349: {  	[bflag:$0x0] =	sbarrier.arrive $0xFFFF  }
0x34a: {  	_ =	strace $0x90000047  }
0x34b: {  	s0 =	stileid.u32;
	[bflag:$0x2] =	sbarrier.arrive $0xFFFF  }
0x34c: {  	p0 =	sne.s32 s0, $0x0;
	s0 =	rddreg [dreg:$0x7]  }
0x34d: {  	s0 =	sadd.s32 @!p0 $0x100000, s0  }
0x34e: {  	[sflag:s0] =	ssyncadd.tile.s32 @!p0 $0x1;
	_ =	shalt  }
.Lfunc_end2:
_tile_overlayer_lowered:
.L_overlay_start_2:
0x34f: {  	(tag) =	ssettag $0x2  }
0x350: {  	s0 =	rddreg [dreg:$0x0];
	s2 =	stileid.u32  }
0x351: {  	s1 =	rddreg [dreg:$0x1];
	p0 =	sne.s32 s2, $0x0  }
0x352: {  	s3 =	rddreg [dreg:$0x2];
	[bflag:$0x3] =	sbarrier.arrive $0xFFFF;
	s2 =	simm.s32 @!p0 $0x1C08  }
0x353: {  	[timem:s3], [sflag:s2] =	dma.local @!p0 [hbm:s0], s1  }
0x354: {  	s0 =	simm.s32 @!p0 $0x8  }
0x355: {  	_ =	swait.ge @!p0 [sflag:s0], s1  }
0x356: {  	s1 =	ssub.s32 @!p0 $0x0, s1;
	[sflag:s0] =	ssyncset.done @!p0 $0x0  }
0x357: {  	[sflag:s0] =	ssyncadd.s32 @!p0 s1  }
0x358: {  	[bflag:$0x3] =	sbarrier.arrive $0xFFFF  }
0x359: {  	_ =	shalt  }

</sc_bundles>
